<compile_context>
chip_gen: v7x
topology: tpu7x:2x2x1
jax: 0.10.2.dev20260603
libtpu: 0.0.44.dev20260713+nightly
codegen_flags: <defaults>
</compile_context>

<pallas_src>
import functools

import jax
import jax.numpy as jnp
from jax import lax
from jax.experimental import pallas as pl
from jax.experimental.pallas import tpu as pltpu
from jax.experimental.pallas import tpu_sc as plsc

N = 10000
D = 128
HD = D // 2
E = 320000

NC = 2
NS = 16
NW = NC * NS

CHUNK = 128
E_PAD = 327680
NCHUNKS = E_PAD // CHUNK
CPT_DEG = NCHUNKS // NW
CPT = NCHUNKS // NS
N_PAD = 10240
RPT = N_PAD // NS
DEG_W = 16
NBUF = 6
LAG = 3

_R = 2048
_G = N_PAD // _R


def _sc_mesh():
    return plsc.VectorSubcoreMesh(core_axis_name="c", subcore_axis_name="s")


_SC_PARAMS = pltpu.CompilerParams(use_tc_tiling_on_sc=False)


def _sc_deg(dst2d):
    @functools.partial(
        pl.kernel,
        mesh=_sc_mesh(),
        out_type=jax.ShapeDtypeStruct((NC, N_PAD, DEG_W), jnp.float32),
        scratch_types=[
            pltpu.VMEM((CPT_DEG, CHUNK), jnp.int32),
            pltpu.VMEM((CHUNK, DEG_W), jnp.float32),
            pltpu.VMEM((CHUNK, DEG_W), jnp.float32),
            pltpu.VMEM_SHARED((N_PAD, DEG_W), jnp.float32),
            pltpu.SemaphoreType.DMA,
        ],
        compiler_params=_SC_PARAMS,
    )
    def k(dst_hbm, out_hbm, idxb, onesb, zerob, acc, sem):
        c = lax.axis_index("c")
        s = lax.axis_index("s")
        w = c * NS + s

        def fill(i, carry):
            onesb[i, :] = jnp.full((DEG_W,), 1.0, jnp.float32)
            zerob[i, :] = jnp.zeros((DEG_W,), jnp.float32)
            return carry

        lax.fori_loop(0, CHUNK, fill, 0)
        for kk in range(RPT // CHUNK):
            pltpu.sync_copy(zerob, acc.at[pl.ds(s * RPT + kk * CHUNK, CHUNK)])
        pltpu.sync_copy(dst_hbm.at[pl.ds(w * CPT_DEG, CPT_DEG)], idxb)
        plsc.subcore_barrier()

        def fire(g, carry):
            pltpu.async_copy(onesb, acc.at[idxb.at[g]], sem, add=True)
            return carry

        lax.fori_loop(0, CPT_DEG, fire, 0)

        def drain(g, carry):
            pltpu.make_async_copy(onesb, acc.at[idxb.at[g]], sem).wait()
            return carry

        lax.fori_loop(0, CPT_DEG, drain, 0)
        plsc.subcore_barrier()
        pltpu.sync_copy(acc.at[pl.ds(s * RPT, RPT)],
                        out_hbm.at[c, pl.ds(s * RPT, RPT)])

    return k(dst2d)


def _sc_agg(hs_flat, src3d, dst2d):

    @functools.partial(
        pl.kernel,
        mesh=_sc_mesh(),
        out_type=jax.ShapeDtypeStruct((NC, N_PAD, HD), jnp.float32),
        scratch_types=[
            pltpu.VMEM((CPT, CHUNK), jnp.int32),
            pltpu.VMEM((CPT, CHUNK), jnp.int32),
            pltpu.VMEM((NBUF, CHUNK, HD), jnp.float32),
            pltpu.VMEM_SHARED((N_PAD, HD), jnp.float32),
            [pltpu.SemaphoreType.DMA] * NBUF,
        ],
        compiler_params=_SC_PARAMS,
    )
    def k(hs_hbm, src_hbm, dst_hbm, out_hbm, srcb, dstb, rows, acc, sems):
        c = lax.axis_index("c")
        s = lax.axis_index("s")

        def zrow(i, carry):
            for j in range(HD // 16):
                rows[0, i, pl.ds(j * 16, 16)] = jnp.zeros((16,), jnp.float32)
            return carry

        lax.fori_loop(0, CHUNK, zrow, 0)
        for kk in range(RPT // CHUNK):
            pltpu.sync_copy(rows.at[0],
                            acc.at[pl.ds(s * RPT + kk * CHUNK, CHUNK)])
        pltpu.sync_copy(src_hbm.at[c, pl.ds(s * CPT, CPT)], srcb)
        pltpu.sync_copy(dst_hbm.at[pl.ds(s * CPT, CPT)], dstb)
        plsc.subcore_barrier()

        def fire_g(ch, b):
            pltpu.async_copy(hs_hbm.at[srcb.at[ch]], rows.at[b], sems[b])

        def wait_g(ch, b):
            pltpu.make_async_copy(
                hs_hbm.at[srcb.at[ch]], rows.at[b], sems[b]).wait()

        def fire_s(ch, b):
            pltpu.async_copy(rows.at[b], acc.at[dstb.at[ch]], sems[b],
                             add=True)

        def wait_s(ch, b):
            pltpu.make_async_copy(rows.at[b], acc.at[dstb.at[ch]],
                                  sems[b]).wait()

        for ch in range(LAG):
            fire_g(ch, ch % NBUF)
        for ch in range(LAG):
            fire_g(ch + LAG, (ch + LAG) % NBUF)
            wait_g(ch, ch % NBUF)
            fire_s(ch, ch % NBUF)

        def main(r, carry):
            for j in range(NBUF):
                ch = LAG + r * NBUF + j
                bj = (j + LAG) % NBUF
                wait_s(ch - LAG, j)
                fire_g(ch + LAG, j)
                wait_g(ch, bj)
                fire_s(ch, bj)
            return carry

        n_main = (CPT - 2 * LAG) // NBUF
        lax.fori_loop(0, n_main, main, 0)
        for ch in range(LAG + n_main * NBUF, CPT):
            wait_s(ch - LAG, (ch - LAG) % NBUF)
            if ch + LAG < CPT:
                fire_g(ch + LAG, (ch + LAG) % NBUF)
            wait_g(ch, ch % NBUF)
            fire_s(ch, ch % NBUF)
        for ch in range(CPT - LAG, CPT):
            wait_s(ch, ch % NBUF)
        plsc.subcore_barrier()
        pltpu.sync_copy(acc.at[pl.ds(s * RPT, RPT)],
                        out_hbm.at[c, pl.ds(s * RPT, RPT)])

    return k(hs_flat, src3d, dst2d)


def _tc1(degp, x_p, W1):
    def body(degp_ref, x_ref, w_ref, hs_ref, dis_ref):
        r = pl.program_id(0)
        d16 = degp_ref[0] + degp_ref[1]
        deg = jnp.sum(d16, axis=1, keepdims=True) * (1.0 / DEG_W) + 1.0
        dis = lax.rsqrt(deg)
        h = jnp.dot(x_ref[...], w_ref[...],
                    preferred_element_type=jnp.float32) * dis
        row = lax.broadcasted_iota(jnp.int32, (_R, 1), 0) + r * _R
        h = jnp.where(row < N, h, 0.0)
        hs_ref[0, :, :] = h[:, :HD]
        hs_ref[1, :, :] = h[:, HD:]
        dis_ref[...] = dis

    return pl.pallas_call(
        body,
        grid=(_G,),
        in_specs=[
            pl.BlockSpec((NC, _R, DEG_W), lambda r: (0, r, 0)),
            pl.BlockSpec((_R, D), lambda r: (r, 0)),
            pl.BlockSpec((D, D), lambda r: (0, 0)),
        ],
        out_specs=[
            pl.BlockSpec((NC, _R, HD), lambda r: (0, r, 0)),
            pl.BlockSpec((_R, 1), lambda r: (r, 0)),
        ],
        out_shape=[
            jax.ShapeDtypeStruct((NC, N_PAD, HD), jnp.float32),
            jax.ShapeDtypeStruct((N_PAD, 1), jnp.float32),
        ],
    )(degp, x_p, W1)


def _tc2(p, hs1, dis, b1, W2):
    def body(p_ref, hs1_ref, dis_ref, b1_ref, w_ref, hs2_ref):
        r = pl.program_id(0)
        dis_v = dis_ref[...]
        row = lax.broadcasted_iota(jnp.int32, (_R, 1), 0) + r * _R
        keep = row < N
        t_lo = dis_v * (p_ref[0] + hs1_ref[0]) + b1_ref[:, :HD]
        t_hi = dis_v * (p_ref[1] + hs1_ref[1]) + b1_ref[:, HD:]
        t_lo = jnp.where(keep, jnp.maximum(t_lo, 0.0), 0.0)
        t_hi = jnp.where(keep, jnp.maximum(t_hi, 0.0), 0.0)
        h2 = (jnp.dot(t_lo, w_ref[:HD, :], preferred_element_type=jnp.float32)
              + jnp.dot(t_hi, w_ref[HD:, :],
                        preferred_element_type=jnp.float32)) * dis_v
        hs2_ref[0, :, :] = h2[:, :HD]
        hs2_ref[1, :, :] = h2[:, HD:]

    return pl.pallas_call(
        body,
        grid=(_G,),
        in_specs=[
            pl.BlockSpec((NC, _R, HD), lambda r: (0, r, 0)),
            pl.BlockSpec((NC, _R, HD), lambda r: (0, r, 0)),
            pl.BlockSpec((_R, 1), lambda r: (r, 0)),
            pl.BlockSpec((1, D), lambda r: (0, 0)),
            pl.BlockSpec((D, D), lambda r: (0, 0)),
        ],
        out_specs=pl.BlockSpec((NC, _R, HD), lambda r: (0, r, 0)),
        out_shape=jax.ShapeDtypeStruct((NC, N_PAD, HD), jnp.float32),
    )(p, hs1, dis, b1, W2)


def _tc3(q, hs2, dis, b2):
    def body(q_ref, hs2_ref, dis_ref, b2_ref, out_ref):
        dis_v = dis_ref[...]
        out_ref[:, :HD] = dis_v * (q_ref[0] + hs2_ref[0]) + b2_ref[:, :HD]
        out_ref[:, HD:] = dis_v * (q_ref[1] + hs2_ref[1]) + b2_ref[:, HD:]

    return pl.pallas_call(
        body,
        grid=(_G,),
        in_specs=[
            pl.BlockSpec((NC, _R, HD), lambda r: (0, r, 0)),
            pl.BlockSpec((NC, _R, HD), lambda r: (0, r, 0)),
            pl.BlockSpec((_R, 1), lambda r: (r, 0)),
            pl.BlockSpec((1, D), lambda r: (0, 0)),
        ],
        out_specs=pl.BlockSpec((_R, D), lambda r: (r, 0)),
        out_shape=jax.ShapeDtypeStruct((N, D), jnp.float32),
    )(q, hs2, dis, b2)


def kernel(x, edge_index, W1, b1, W2, b2):
    src = edge_index[0]
    dst = edge_index[1]
    pad = jnp.full((E_PAD - E,), N, jnp.int32)
    src2d = jnp.concatenate([src, pad]).reshape(NCHUNKS, CHUNK)
    dst2d = jnp.concatenate([dst, pad]).reshape(NCHUNKS, CHUNK)
    src3d = jnp.stack([src2d, src2d + N_PAD])

    degp = _sc_deg(dst2d)
    hs1, dis = _tc1(degp, x, W1)
    p = _sc_agg(hs1.reshape(NC * N_PAD, HD), src3d, dst2d)
    hs2 = _tc2(p, hs1, dis, b1.reshape(1, D), W2)
    q = _sc_agg(hs2.reshape(NC * N_PAD, HD), src3d, dst2d)
    return _tc3(q, hs2, dis, b2.reshape(1, D))

# --- scband reference (transcript-rebuilt; emitter-appended) ---
"""Pipeline reference for scband-gcn-2353642078259 (READ-ONLY COPY).

The authoritative reference and input builder live on the scoring server;
editing this copy changes nothing except your own understanding.
"""

import jax, jax.numpy as jnp
import numpy as np

N = 10000
E = 320000
D_IN = 128
D_HID = 128
D_OUT = 128


def setup_inputs(seed: int = 0) -> dict:
    key = jax.random.key(seed)
    k1, k2, k3, k4, k5, k6 = jax.random.split(key, 6)
    x = jax.random.normal(k1, (N, D_IN), dtype=jnp.float32)
    edge_index = jax.random.randint(k2, (2, E), 0, N, dtype=jnp.int32)
    s1 = 1.0 / np.sqrt(D_IN)
    s2 = 1.0 / np.sqrt(D_HID)
    W1 = jax.random.uniform(k3, (D_IN, D_HID), dtype=jnp.float32, minval=-s1, maxval=s1)
    b1 = jnp.zeros((D_HID,), dtype=jnp.float32)
    W2 = jax.random.uniform(k4, (D_HID, D_OUT), dtype=jnp.float32, minval=-s2, maxval=s2)
    b2 = jnp.zeros((D_OUT,), dtype=jnp.float32)
    return {"x": x, "edge_index": edge_index, "W1": W1, "b1": b1, "W2": W2, "b2": b2}


def _gcn_conv(x, edge_index, W, b):
    # PyG-style GCNConv: add self-loops, symmetric normalization, scatter-add aggregation
    src = edge_index[0]
    dst = edge_index[1]
    loop = jnp.arange(N, dtype=src.dtype)
    src = jnp.concatenate([src, loop])
    dst = jnp.concatenate([dst, loop])
    deg = jnp.zeros((N,), dtype=jnp.float32).at[dst].add(1.0)
    deg_inv_sqrt = jnp.where(deg > 0, jax.lax.rsqrt(jnp.maximum(deg, 1e-12)), 0.0)
    norm = deg_inv_sqrt[src] * deg_inv_sqrt[dst]
    h = x @ W
    msg = h[src] * norm[:, None]
    out = jnp.zeros((N, h.shape[1]), dtype=jnp.float32).at[dst].add(msg)
    return out + b


def reference(x, edge_index, W1, b1, W2, b2):
    h = _gcn_conv(x, edge_index, W1, b1)
    h = jax.nn.relu(h)
    # dropout(p=0.2) is identity in eval mode (training=False)
    out = _gcn_conv(h, edge_index, W2, b2)
    return out

if __name__ == "__main__":
    import jax
    _d = setup_inputs()
    print(jax.jit(kernel)(*tuple(_d.values())))

</pallas_src>

<mosaic_0001>
#map = affine_map<(d0, d1) -> (0, 0)>
#map1 = affine_map<(d0, d1) -> (0, 0, 0)>
module attributes {stable_mosaic.version = 14 : i64} {
  func.func @k(%arg0: i32, %arg1: i32, %arg2: memref<20480x64xf32, #tpu.memory_space<hbm>>, %arg3: memref<2x2560x128xi32, #tpu.memory_space<hbm>>, %arg4: memref<2560x128xi32, #tpu.memory_space<hbm>>, %arg5: memref<2x10240x64xf32, #tpu.memory_space<hbm>>, %arg6: memref<160x128xi32, #tpu.memory_space<vmem>>, %arg7: memref<160x128xi32, #tpu.memory_space<vmem>>, %arg8: memref<6x128x64xf32, #tpu.memory_space<vmem>>, %arg9: memref<10240x64xf32, #tpu.memory_space<vmem_shared>>, %arg10: memref<!tpu.dma_semaphore, #tpu.memory_space<semaphore_mem>>, %arg11: memref<!tpu.dma_semaphore, #tpu.memory_space<semaphore_mem>>, %arg12: memref<!tpu.dma_semaphore, #tpu.memory_space<semaphore_mem>>, %arg13: memref<!tpu.dma_semaphore, #tpu.memory_space<semaphore_mem>>, %arg14: memref<!tpu.dma_semaphore, #tpu.memory_space<semaphore_mem>>, %arg15: memref<!tpu.dma_semaphore, #tpu.memory_space<semaphore_mem>>) attributes {dimension_semantics = [#tpu.dimension_semantics<core_parallel>, #tpu.dimension_semantics<subcore_parallel>], iteration_bounds = array<i64: 2, 16>, scalar_prefetch = 0 : i64, scratch_operands = 10 : i64, tpu.core_type = #tpu.core_type<sc_vector_subcore>, window_params = [{transform_indices = #map}, {transform_indices = #map1}, {transform_indices = #map}, {transform_indices = #map1}]} {
    %scan3A = arith.constant 0 : i32
    %scan3A_0 = arith.constant 0 : i32
    %scan3A_1 = arith.constant 128 : i32
    %scan3A_2 = arith.addi %scan3A_0, %scan3A_1 : i32
    %scan3A_3 = arith.constant 1 : i32
    scf.for %scan3A_520 = %scan3A_0 to %scan3A_2 step %scan3A_3  : i32 {
      %broadcast_in_dim3A = arith.constant 0.000000e+00 : f32
      %broadcast_in_dim3A_521 = vector.broadcast %broadcast_in_dim3A : f32 to vector<16xf32>
      %swap3A = arith.constant 0 : i32
      %swap3A_522 = arith.index_cast %swap3A : i32 to index
      %swap3A_523 = arith.index_cast %scan3A_520 : i32 to index
      %swap3A_524 = arith.constant 0 : index
      %swap3A_525 = tpu.vector_load %arg8[%swap3A_522, %swap3A_523, %swap3A_524] {strides = array<i32>} : memref<6x128x64xf32, #tpu.memory_space<vmem>>, vector<1x1x16xf32>,
      %swap3A_526 = vector.shape_cast %swap3A_525 : vector<1x1x16xf32> to vector<16xf32>
      %swap3A_527 = vector.shape_cast %broadcast_in_dim3A_521 : vector<16xf32> to vector<1x1x16xf32>
      tpu.vector_store %arg8[%swap3A_522, %swap3A_523, %swap3A_524], %swap3A_527 {strides = array<i32>} : memref<6x128x64xf32, #tpu.memory_space<vmem>>, vector<1x1x16xf32>,
      %broadcast_in_dim3A_528 = arith.constant 0.000000e+00 : f32
      %broadcast_in_dim3A_529 = vector.broadcast %broadcast_in_dim3A_528 : f32 to vector<16xf32>
      %swap3A_530 = arith.constant 0 : i32
      %swap3A_531 = arith.index_cast %swap3A_530 : i32 to index
      %swap3A_532 = arith.index_cast %scan3A_520 : i32 to index
      %swap3A_533 = arith.constant 16 : index
      %swap3A_534 = tpu.vector_load %arg8[%swap3A_531, %swap3A_532, %swap3A_533] {strides = array<i32>} : memref<6x128x64xf32, #tpu.memory_space<vmem>>, vector<1x1x16xf32>,
      %swap3A_535 = vector.shape_cast %swap3A_534 : vector<1x1x16xf32> to vector<16xf32>
      %swap3A_536 = vector.shape_cast %broadcast_in_dim3A_529 : vector<16xf32> to vector<1x1x16xf32>
      tpu.vector_store %arg8[%swap3A_531, %swap3A_532, %swap3A_533], %swap3A_536 {strides = array<i32>} : memref<6x128x64xf32, #tpu.memory_space<vmem>>, vector<1x1x16xf32>,
      %broadcast_in_dim3A_537 = arith.constant 0.000000e+00 : f32
      %broadcast_in_dim3A_538 = vector.broadcast %broadcast_in_dim3A_537 : f32 to vector<16xf32>
      %swap3A_539 = arith.constant 0 : i32
      %swap3A_540 = arith.index_cast %swap3A_539 : i32 to index
      %swap3A_541 = arith.index_cast %scan3A_520 : i32 to index
      %swap3A_542 = arith.constant 32 : index
      %swap3A_543 = tpu.vector_load %arg8[%swap3A_540, %swap3A_541, %swap3A_542] {strides = array<i32>} : memref<6x128x64xf32, #tpu.memory_space<vmem>>, vector<1x1x16xf32>,
      %swap3A_544 = vector.shape_cast %swap3A_543 : vector<1x1x16xf32> to vector<16xf32>
      %swap3A_545 = vector.shape_cast %broadcast_in_dim3A_538 : vector<16xf32> to vector<1x1x16xf32>
      tpu.vector_store %arg8[%swap3A_540, %swap3A_541, %swap3A_542], %swap3A_545 {strides = array<i32>} : memref<6x128x64xf32, #tpu.memory_space<vmem>>, vector<1x1x16xf32>,
      %broadcast_in_dim3A_546 = arith.constant 0.000000e+00 : f32
      %broadcast_in_dim3A_547 = vector.broadcast %broadcast_in_dim3A_546 : f32 to vector<16xf32>
      %swap3A_548 = arith.constant 0 : i32
      %swap3A_549 = arith.index_cast %swap3A_548 : i32 to index
      %swap3A_550 = arith.index_cast %scan3A_520 : i32 to index
      %swap3A_551 = arith.constant 48 : index
      %swap3A_552 = tpu.vector_load %arg8[%swap3A_549, %swap3A_550, %swap3A_551] {strides = array<i32>} : memref<6x128x64xf32, #tpu.memory_space<vmem>>, vector<1x1x16xf32>,
      %swap3A_553 = vector.shape_cast %swap3A_552 : vector<1x1x16xf32> to vector<16xf32>
      %swap3A_554 = vector.shape_cast %broadcast_in_dim3A_547 : vector<16xf32> to vector<1x1x16xf32>
      tpu.vector_store %arg8[%swap3A_549, %swap3A_550, %swap3A_551], %swap3A_554 {strides = array<i32>} : memref<6x128x64xf32, #tpu.memory_space<vmem>>, vector<1x1x16xf32>,
    }
    %scan3A_4 = arith.constant 128 : i32
    %mul3A = arith.constant 640 : i32
    %mul3A_5 = arith.muli %arg1, %mul3A : i32
    %add3A = arith.constant 0 : i32
    %add3A_6 = arith.addi %mul3A_5, %add3A : i32
    %run_scoped3A = arith.constant 0 : i32
    "tpu.region"() ({
      %run_scoped3A_520 = tpu.sem_alloc : memref<!tpu.dma_semaphore, #tpu.memory_space<semaphore_mem>>
      %dma_start3A_521 = arith.constant 0 : i32
      %dma_start3A_522 = arith.constant 0 : i32
      %dma_start3A_523 = tpu.memref_slice %arg8[%run_scoped3A, %dma_start3A_521, %dma_start3A_522] : memref<6x128x64xf32, #tpu.memory_space<vmem>> -> memref<1x128x64xf32, #tpu.memory_space<vmem>>
      %dma_start3A_524 = tpu.memref_squeeze %dma_start3A_523 : memref<1x128x64xf32, #tpu.memory_space<vmem>> -> memref<128x64xf32, #tpu.memory_space<vmem>>
      %dma_start3A_525 = arith.constant 0 : i32
      %dma_start3A_526 = tpu.memref_slice %arg9[%add3A_6, %dma_start3A_525] : memref<10240x64xf32, #tpu.memory_space<vmem_shared>> -> memref<128x64xf32, #tpu.memory_space<vmem_shared>>
      %dma_start3A_527 = arith.constant 0 : i32
      %dma_start3A_528 = tpu.memref_slice %arg9[%add3A_6, %dma_start3A_527] : memref<10240x64xf32, #tpu.memory_space<vmem_shared>> -> memref<128x64xf32, #tpu.memory_space<vmem_shared>>
      %dma_start3A_529 = arith.constant 0 : i32
      %dma_start3A_530 = arith.constant 0 : i32
      %dma_start3A_531 = tpu.memref_slice %arg8[%run_scoped3A, %dma_start3A_529, %dma_start3A_530] : memref<6x128x64xf32, #tpu.memory_space<vmem>> -> memref<1x128x64xf32, #tpu.memory_space<vmem>>
      %dma_start3A_532 = tpu.memref_squeeze %dma_start3A_531 : memref<1x128x64xf32, #tpu.memory_space<vmem>> -> memref<128x64xf32, #tpu.memory_space<vmem>>
      tpu.enqueue_dma source(%dma_start3A_532 : memref<128x64xf32, #tpu.memory_space<vmem>>) target(%dma_start3A_528 : memref<128x64xf32, #tpu.memory_space<vmem_shared>>) target_semaphore(%run_scoped3A_520 : memref<!tpu.dma_semaphore, #tpu.memory_space<semaphore_mem>>)
      %dma_wait3A_533 = arith.constant 0 : i32
      %dma_wait3A_534 = arith.constant 0 : i32
      %dma_wait3A_535 = tpu.memref_slice %arg8[%run_scoped3A, %dma_wait3A_533, %dma_wait3A_534] : memref<6x128x64xf32, #tpu.memory_space<vmem>> -> memref<1x128x64xf32, #tpu.memory_space<vmem>>
      %dma_wait3A_536 = tpu.memref_squeeze %dma_wait3A_535 : memref<1x128x64xf32, #tpu.memory_space<vmem>> -> memref<128x64xf32, #tpu.memory_space<vmem>>
      %dma_wait3A_537 = arith.constant 0 : i32
      %dma_wait3A_538 = tpu.memref_slice %arg9[%add3A_6, %dma_wait3A_537] : memref<10240x64xf32, #tpu.memory_space<vmem_shared>> -> memref<128x64xf32, #tpu.memory_space<vmem_shared>>
      %dma_wait3A_539 = arith.constant 0 : i32
      %dma_wait3A_540 = tpu.memref_slice %arg9[%add3A_6, %dma_wait3A_539] : memref<10240x64xf32, #tpu.memory_space<vmem_shared>> -> memref<128x64xf32, #tpu.memory_space<vmem_shared>>
      %dma_wait3A_541 = arith.constant 0 : i32
      %dma_wait3A_542 = arith.constant 0 : i32
      %dma_wait3A_543 = tpu.memref_slice %arg8[%run_scoped3A, %dma_wait3A_541, %dma_wait3A_542] : memref<6x128x64xf32, #tpu.memory_space<vmem>> -> memref<1x128x64xf32, #tpu.memory_space<vmem>>
      %dma_wait3A_544 = tpu.memref_squeeze %dma_wait3A_543 : memref<1x128x64xf32, #tpu.memory_space<vmem>> -> memref<128x64xf32, #tpu.memory_space<vmem>>
      tpu.wait_dma2 semaphore(%run_scoped3A_520 : memref<!tpu.dma_semaphore, #tpu.memory_space<semaphore_mem>>) src(%dma_wait3A_544 : memref<128x64xf32, #tpu.memory_space<vmem>>) dst(%dma_wait3A_540 : memref<128x64xf32, #tpu.memory_space<vmem_shared>>)
      tpu.yield
    }) : () -> ()
    %mul3A_7 = arith.constant 640 : i32
    %mul3A_8 = arith.muli %arg1, %mul3A_7 : i32
    %add3A_9 = arith.constant 128 : i32
    %add3A_10 = arith.addi %mul3A_8, %add3A_9 : i32
    %run_scoped3A_11 = arith.constant 0 : i32
    "tpu.region"() ({
      %run_scoped3A_520 = tpu.sem_alloc : memref<!tpu.dma_semaphore, #tpu.memory_space<semaphore_mem>>
      %dma_start3A_521 = arith.constant 0 : i32
      %dma_start3A_522 = arith.constant 0 : i32
      %dma_start3A_523 = tpu.memref_slice %arg8[%run_scoped3A_11, %dma_start3A_521, %dma_start3A_522] : memref<6x128x64xf32, #tpu.memory_space<vmem>> -> memref<1x128x64xf32, #tpu.memory_space<vmem>>
      %dma_start3A_524 = tpu.memref_squeeze %dma_start3A_523 : memref<1x128x64xf32, #tpu.memory_space<vmem>> -> memref<128x64xf32, #tpu.memory_space<vmem>>
      %dma_start3A_525 = arith.constant 0 : i32
      %dma_start3A_526 = tpu.memref_slice %arg9[%add3A_10, %dma_start3A_525] : memref<10240x64xf32, #tpu.memory_space<vmem_shared>> -> memref<128x64xf32, #tpu.memory_space<vmem_shared>>
      %dma_start3A_527 = arith.constant 0 : i32
      %dma_start3A_528 = tpu.memref_slice %arg9[%add3A_10, %dma_start3A_527] : memref<10240x64xf32, #tpu.memory_space<vmem_shared>> -> memref<128x64xf32, #tpu.memory_space<vmem_shared>>
      %dma_start3A_529 = arith.constant 0 : i32
      %dma_start3A_530 = arith.constant 0 : i32
      %dma_start3A_531 = tpu.memref_slice %arg8[%run_scoped3A_11, %dma_start3A_529, %dma_start3A_530] : memref<6x128x64xf32, #tpu.memory_space<vmem>> -> memref<1x128x64xf32, #tpu.memory_space<vmem>>
      %dma_start3A_532 = tpu.memref_squeeze %dma_start3A_531 : memref<1x128x64xf32, #tpu.memory_space<vmem>> -> memref<128x64xf32, #tpu.memory_space<vmem>>
      tpu.enqueue_dma source(%dma_start3A_532 : memref<128x64xf32, #tpu.memory_space<vmem>>) target(%dma_start3A_528 : memref<128x64xf32, #tpu.memory_space<vmem_shared>>) target_semaphore(%run_scoped3A_520 : memref<!tpu.dma_semaphore, #tpu.memory_space<semaphore_mem>>)
      %dma_wait3A_533 = arith.constant 0 : i32
      %dma_wait3A_534 = arith.constant 0 : i32
      %dma_wait3A_535 = tpu.memref_slice %arg8[%run_scoped3A_11, %dma_wait3A_533, %dma_wait3A_534] : memref<6x128x64xf32, #tpu.memory_space<vmem>> -> memref<1x128x64xf32, #tpu.memory_space<vmem>>
      %dma_wait3A_536 = tpu.memref_squeeze %dma_wait3A_535 : memref<1x128x64xf32, #tpu.memory_space<vmem>> -> memref<128x64xf32, #tpu.memory_space<vmem>>
      %dma_wait3A_537 = arith.constant 0 : i32
      %dma_wait3A_538 = tpu.memref_slice %arg9[%add3A_10, %dma_wait3A_537] : memref<10240x64xf32, #tpu.memory_space<vmem_shared>> -> memref<128x64xf32, #tpu.memory_space<vmem_shared>>
      %dma_wait3A_539 = arith.constant 0 : i32
      %dma_wait3A_540 = tpu.memref_slice %arg9[%add3A_10, %dma_wait3A_539] : memref<10240x64xf32, #tpu.memory_space<vmem_shared>> -> memref<128x64xf32, #tpu.memory_space<vmem_shared>>
      %dma_wait3A_541 = arith.constant 0 : i32
      %dma_wait3A_542 = arith.constant 0 : i32
      %dma_wait3A_543 = tpu.memref_slice %arg8[%run_scoped3A_11, %dma_wait3A_541, %dma_wait3A_542] : memref<6x128x64xf32, #tpu.memory_space<vmem>> -> memref<1x128x64xf32, #tpu.memory_space<vmem>>
      %dma_wait3A_544 = tpu.memref_squeeze %dma_wait3A_543 : memref<1x128x64xf32, #tpu.memory_space<vmem>> -> memref<128x64xf32, #tpu.memory_space<vmem>>
      tpu.wait_dma2 semaphore(%run_scoped3A_520 : memref<!tpu.dma_semaphore, #tpu.memory_space<semaphore_mem>>) src(%dma_wait3A_544 : memref<128x64xf32, #tpu.memory_space<vmem>>) dst(%dma_wait3A_540 : memref<128x64xf32, #tpu.memory_space<vmem_shared>>)
      tpu.yield
    }) : () -> ()
    %mul3A_12 = arith.constant 640 : i32
    %mul3A_13 = arith.muli %arg1, %mul3A_12 : i32
    %add3A_14 = arith.constant 256 : i32
    %add3A_15 = arith.addi %mul3A_13, %add3A_14 : i32
    %run_scoped3A_16 = arith.constant 0 : i32
    "tpu.region"() ({
      %run_scoped3A_520 = tpu.sem_alloc : memref<!tpu.dma_semaphore, #tpu.memory_space<semaphore_mem>>
      %dma_start3A_521 = arith.constant 0 : i32
      %dma_start3A_522 = arith.constant 0 : i32
      %dma_start3A_523 = tpu.memref_slice %arg8[%run_scoped3A_16, %dma_start3A_521, %dma_start3A_522] : memref<6x128x64xf32, #tpu.memory_space<vmem>> -> memref<1x128x64xf32, #tpu.memory_space<vmem>>
      %dma_start3A_524 = tpu.memref_squeeze %dma_start3A_523 : memref<1x128x64xf32, #tpu.memory_space<vmem>> -> memref<128x64xf32, #tpu.memory_space<vmem>>
      %dma_start3A_525 = arith.constant 0 : i32
      %dma_start3A_526 = tpu.memref_slice %arg9[%add3A_15, %dma_start3A_525] : memref<10240x64xf32, #tpu.memory_space<vmem_shared>> -> memref<128x64xf32, #tpu.memory_space<vmem_shared>>
      %dma_start3A_527 = arith.constant 0 : i32
      %dma_start3A_528 = tpu.memref_slice %arg9[%add3A_15, %dma_start3A_527] : memref<10240x64xf32, #tpu.memory_space<vmem_shared>> -> memref<128x64xf32, #tpu.memory_space<vmem_shared>>
      %dma_start3A_529 = arith.constant 0 : i32
      %dma_start3A_530 = arith.constant 0 : i32
      %dma_start3A_531 = tpu.memref_slice %arg8[%run_scoped3A_16, %dma_start3A_529, %dma_start3A_530] : memref<6x128x64xf32, #tpu.memory_space<vmem>> -> memref<1x128x64xf32, #tpu.memory_space<vmem>>
      %dma_start3A_532 = tpu.memref_squeeze %dma_start3A_531 : memref<1x128x64xf32, #tpu.memory_space<vmem>> -> memref<128x64xf32, #tpu.memory_space<vmem>>
      tpu.enqueue_dma source(%dma_start3A_532 : memref<128x64xf32, #tpu.memory_space<vmem>>) target(%dma_start3A_528 : memref<128x64xf32, #tpu.memory_space<vmem_shared>>) target_semaphore(%run_scoped3A_520 : memref<!tpu.dma_semaphore, #tpu.memory_space<semaphore_mem>>)
      %dma_wait3A_533 = arith.constant 0 : i32
      %dma_wait3A_534 = arith.constant 0 : i32
      %dma_wait3A_535 = tpu.memref_slice %arg8[%run_scoped3A_16, %dma_wait3A_533, %dma_wait3A_534] : memref<6x128x64xf32, #tpu.memory_space<vmem>> -> memref<1x128x64xf32, #tpu.memory_space<vmem>>
      %dma_wait3A_536 = tpu.memref_squeeze %dma_wait3A_535 : memref<1x128x64xf32, #tpu.memory_space<vmem>> -> memref<128x64xf32, #tpu.memory_space<vmem>>
      %dma_wait3A_537 = arith.constant 0 : i32
      %dma_wait3A_538 = tpu.memref_slice %arg9[%add3A_15, %dma_wait3A_537] : memref<10240x64xf32, #tpu.memory_space<vmem_shared>> -> memref<128x64xf32, #tpu.memory_space<vmem_shared>>
      %dma_wait3A_539 = arith.constant 0 : i32
      %dma_wait3A_540 = tpu.memref_slice %arg9[%add3A_15, %dma_wait3A_539] : memref<10240x64xf32, #tpu.memory_space<vmem_shared>> -> memref<128x64xf32, #tpu.memory_space<vmem_shared>>
      %dma_wait3A_541 = arith.constant 0 : i32
      %dma_wait3A_542 = arith.constant 0 : i32
      %dma_wait3A_543 = tpu.memref_slice %arg8[%run_scoped3A_16, %dma_wait3A_541, %dma_wait3A_542] : memref<6x128x64xf32, #tpu.memory_space<vmem>> -> memref<1x128x64xf32, #tpu.memory_space<vmem>>
      %dma_wait3A_544 = tpu.memref_squeeze %dma_wait3A_543 : memref<1x128x64xf32, #tpu.memory_space<vmem>> -> memref<128x64xf32, #tpu.memory_space<vmem>>
      tpu.wait_dma2 semaphore(%run_scoped3A_520 : memref<!tpu.dma_semaphore, #tpu.memory_space<semaphore_mem>>) src(%dma_wait3A_544 : memref<128x64xf32, #tpu.memory_space<vmem>>) dst(%dma_wait3A_540 : memref<128x64xf32, #tpu.memory_space<vmem_shared>>)
      tpu.yield
    }) : () -> ()
    %mul3A_17 = arith.constant 640 : i32
    %mul3A_18 = arith.muli %arg1, %mul3A_17 : i32
    %add3A_19 = arith.constant 384 : i32
    %add3A_20 = arith.addi %mul3A_18, %add3A_19 : i32
    %run_scoped3A_21 = arith.constant 0 : i32
    "tpu.region"() ({
      %run_scoped3A_520 = tpu.sem_alloc : memref<!tpu.dma_semaphore, #tpu.memory_space<semaphore_mem>>
      %dma_start3A_521 = arith.constant 0 : i32
      %dma_start3A_522 = arith.constant 0 : i32
      %dma_start3A_523 = tpu.memref_slice %arg8[%run_scoped3A_21, %dma_start3A_521, %dma_start3A_522] : memref<6x128x64xf32, #tpu.memory_space<vmem>> -> memref<1x128x64xf32, #tpu.memory_space<vmem>>
      %dma_start3A_524 = tpu.memref_squeeze %dma_start3A_523 : memref<1x128x64xf32, #tpu.memory_space<vmem>> -> memref<128x64xf32, #tpu.memory_space<vmem>>
      %dma_start3A_525 = arith.constant 0 : i32
      %dma_start3A_526 = tpu.memref_slice %arg9[%add3A_20, %dma_start3A_525] : memref<10240x64xf32, #tpu.memory_space<vmem_shared>> -> memref<128x64xf32, #tpu.memory_space<vmem_shared>>
      %dma_start3A_527 = arith.constant 0 : i32
      %dma_start3A_528 = tpu.memref_slice %arg9[%add3A_20, %dma_start3A_527] : memref<10240x64xf32, #tpu.memory_space<vmem_shared>> -> memref<128x64xf32, #tpu.memory_space<vmem_shared>>
      %dma_start3A_529 = arith.constant 0 : i32
      %dma_start3A_530 = arith.constant 0 : i32
      %dma_start3A_531 = tpu.memref_slice %arg8[%run_scoped3A_21, %dma_start3A_529, %dma_start3A_530] : memref<6x128x64xf32, #tpu.memory_space<vmem>> -> memref<1x128x64xf32, #tpu.memory_space<vmem>>
      %dma_start3A_532 = tpu.memref_squeeze %dma_start3A_531 : memref<1x128x64xf32, #tpu.memory_space<vmem>> -> memref<128x64xf32, #tpu.memory_space<vmem>>
      tpu.enqueue_dma source(%dma_start3A_532 : memref<128x64xf32, #tpu.memory_space<vmem>>) target(%dma_start3A_528 : memref<128x64xf32, #tpu.memory_space<vmem_shared>>) target_semaphore(%run_scoped3A_520 : memref<!tpu.dma_semaphore, #tpu.memory_space<semaphore_mem>>)
      %dma_wait3A_533 = arith.constant 0 : i32
      %dma_wait3A_534 = arith.constant 0 : i32
      %dma_wait3A_535 = tpu.memref_slice %arg8[%run_scoped3A_21, %dma_wait3A_533, %dma_wait3A_534] : memref<6x128x64xf32, #tpu.memory_space<vmem>> -> memref<1x128x64xf32, #tpu.memory_space<vmem>>
      %dma_wait3A_536 = tpu.memref_squeeze %dma_wait3A_535 : memref<1x128x64xf32, #tpu.memory_space<vmem>> -> memref<128x64xf32, #tpu.memory_space<vmem>>
      %dma_wait3A_537 = arith.constant 0 : i32
      %dma_wait3A_538 = tpu.memref_slice %arg9[%add3A_20, %dma_wait3A_537] : memref<10240x64xf32, #tpu.memory_space<vmem_shared>> -> memref<128x64xf32, #tpu.memory_space<vmem_shared>>
      %dma_wait3A_539 = arith.constant 0 : i32
      %dma_wait3A_540 = tpu.memref_slice %arg9[%add3A_20, %dma_wait3A_539] : memref<10240x64xf32, #tpu.memory_space<vmem_shared>> -> memref<128x64xf32, #tpu.memory_space<vmem_shared>>
      %dma_wait3A_541 = arith.constant 0 : i32
      %dma_wait3A_542 = arith.constant 0 : i32
      %dma_wait3A_543 = tpu.memref_slice %arg8[%run_scoped3A_21, %dma_wait3A_541, %dma_wait3A_542] : memref<6x128x64xf32, #tpu.memory_space<vmem>> -> memref<1x128x64xf32, #tpu.memory_space<vmem>>
      %dma_wait3A_544 = tpu.memref_squeeze %dma_wait3A_543 : memref<1x128x64xf32, #tpu.memory_space<vmem>> -> memref<128x64xf32, #tpu.memory_space<vmem>>
      tpu.wait_dma2 semaphore(%run_scoped3A_520 : memref<!tpu.dma_semaphore, #tpu.memory_space<semaphore_mem>>) src(%dma_wait3A_544 : memref<128x64xf32, #tpu.memory_space<vmem>>) dst(%dma_wait3A_540 : memref<128x64xf32, #tpu.memory_space<vmem_shared>>)
      tpu.yield
    }) : () -> ()
    %mul3A_22 = arith.constant 640 : i32
    %mul3A_23 = arith.muli %arg1, %mul3A_22 : i32
    %add3A_24 = arith.constant 512 : i32
    %add3A_25 = arith.addi %mul3A_23, %add3A_24 : i32
    %run_scoped3A_26 = arith.constant 0 : i32
    "tpu.region"() ({
      %run_scoped3A_520 = tpu.sem_alloc : memref<!tpu.dma_semaphore, #tpu.memory_space<semaphore_mem>>
      %dma_start3A_521 = arith.constant 0 : i32
      %dma_start3A_522 = arith.constant 0 : i32
      %dma_start3A_523 = tpu.memref_slice %arg8[%run_scoped3A_26, %dma_start3A_521, %dma_start3A_522] : memref<6x128x64xf32, #tpu.memory_space<vmem>> -> memref<1x128x64xf32, #tpu.memory_space<vmem>>
      %dma_start3A_524 = tpu.memref_squeeze %dma_start3A_523 : memref<1x128x64xf32, #tpu.memory_space<vmem>> -> memref<128x64xf32, #tpu.memory_space<vmem>>
      %dma_start3A_525 = arith.constant 0 : i32
      %dma_start3A_526 = tpu.memref_slice %arg9[%add3A_25, %dma_start3A_525] : memref<10240x64xf32, #tpu.memory_space<vmem_shared>> -> memref<128x64xf32, #tpu.memory_space<vmem_shared>>
      %dma_start3A_527 = arith.constant 0 : i32
      %dma_start3A_528 = tpu.memref_slice %arg9[%add3A_25, %dma_start3A_527] : memref<10240x64xf32, #tpu.memory_space<vmem_shared>> -> memref<128x64xf32, #tpu.memory_space<vmem_shared>>
      %dma_start3A_529 = arith.constant 0 : i32
      %dma_start3A_530 = arith.constant 0 : i32
      %dma_start3A_531 = tpu.memref_slice %arg8[%run_scoped3A_26, %dma_start3A_529, %dma_start3A_530] : memref<6x128x64xf32, #tpu.memory_space<vmem>> -> memref<1x128x64xf32, #tpu.memory_space<vmem>>
      %dma_start3A_532 = tpu.memref_squeeze %dma_start3A_531 : memref<1x128x64xf32, #tpu.memory_space<vmem>> -> memref<128x64xf32, #tpu.memory_space<vmem>>
      tpu.enqueue_dma source(%dma_start3A_532 : memref<128x64xf32, #tpu.memory_space<vmem>>) target(%dma_start3A_528 : memref<128x64xf32, #tpu.memory_space<vmem_shared>>) target_semaphore(%run_scoped3A_520 : memref<!tpu.dma_semaphore, #tpu.memory_space<semaphore_mem>>)
      %dma_wait3A_533 = arith.constant 0 : i32
      %dma_wait3A_534 = arith.constant 0 : i32
      %dma_wait3A_535 = tpu.memref_slice %arg8[%run_scoped3A_26, %dma_wait3A_533, %dma_wait3A_534] : memref<6x128x64xf32, #tpu.memory_space<vmem>> -> memref<1x128x64xf32, #tpu.memory_space<vmem>>
      %dma_wait3A_536 = tpu.memref_squeeze %dma_wait3A_535 : memref<1x128x64xf32, #tpu.memory_space<vmem>> -> memref<128x64xf32, #tpu.memory_space<vmem>>
      %dma_wait3A_537 = arith.constant 0 : i32
      %dma_wait3A_538 = tpu.memref_slice %arg9[%add3A_25, %dma_wait3A_537] : memref<10240x64xf32, #tpu.memory_space<vmem_shared>> -> memref<128x64xf32, #tpu.memory_space<vmem_shared>>
      %dma_wait3A_539 = arith.constant 0 : i32
      %dma_wait3A_540 = tpu.memref_slice %arg9[%add3A_25, %dma_wait3A_539] : memref<10240x64xf32, #tpu.memory_space<vmem_shared>> -> memref<128x64xf32, #tpu.memory_space<vmem_shared>>
      %dma_wait3A_541 = arith.constant 0 : i32
      %dma_wait3A_542 = arith.constant 0 : i32
      %dma_wait3A_543 = tpu.memref_slice %arg8[%run_scoped3A_26, %dma_wait3A_541, %dma_wait3A_542] : memref<6x128x64xf32, #tpu.memory_space<vmem>> -> memref<1x128x64xf32, #tpu.memory_space<vmem>>
      %dma_wait3A_544 = tpu.memref_squeeze %dma_wait3A_543 : memref<1x128x64xf32, #tpu.memory_space<vmem>> -> memref<128x64xf32, #tpu.memory_space<vmem>>
      tpu.wait_dma2 semaphore(%run_scoped3A_520 : memref<!tpu.dma_semaphore, #tpu.memory_space<semaphore_mem>>) src(%dma_wait3A_544 : memref<128x64xf32, #tpu.memory_space<vmem>>) dst(%dma_wait3A_540 : memref<128x64xf32, #tpu.memory_space<vmem_shared>>)
      tpu.yield
    }) : () -> ()
    %mul3A_27 = arith.constant 160 : i32
    %mul3A_28 = arith.muli %arg1, %mul3A_27 : i32
    "tpu.region"() ({
      %run_scoped3A_520 = tpu.sem_alloc : memref<!tpu.dma_semaphore, #tpu.memory_space<semaphore_mem>>
      %dma_start3A_521 = arith.constant 0 : i32
      %dma_start3A_522 = tpu.memref_slice %arg3[%arg0, %mul3A_28, %dma_start3A_521] : memref<2x2560x128xi32, #tpu.memory_space<hbm>> -> memref<1x160x128xi32, #tpu.memory_space<hbm>>
      %dma_start3A_523 = tpu.memref_squeeze %dma_start3A_522 : memref<1x160x128xi32, #tpu.memory_space<hbm>> -> memref<160x128xi32, #tpu.memory_space<hbm>>
      %dma_start3A_524 = arith.constant 0 : i32
      %dma_start3A_525 = tpu.memref_slice %arg3[%arg0, %mul3A_28, %dma_start3A_524] : memref<2x2560x128xi32, #tpu.memory_space<hbm>> -> memref<1x160x128xi32, #tpu.memory_space<hbm>>
      %dma_start3A_526 = tpu.memref_squeeze %dma_start3A_525 : memref<1x160x128xi32, #tpu.memory_space<hbm>> -> memref<160x128xi32, #tpu.memory_space<hbm>>
      tpu.enqueue_dma source(%dma_start3A_526 : memref<160x128xi32, #tpu.memory_space<hbm>>) target(%arg6 : memref<160x128xi32, #tpu.memory_space<vmem>>) target_semaphore(%run_scoped3A_520 : memref<!tpu.dma_semaphore, #tpu.memory_space<semaphore_mem>>)
      %dma_wait3A_527 = arith.constant 0 : i32
      %dma_wait3A_528 = tpu.memref_slice %arg3[%arg0, %mul3A_28, %dma_wait3A_527] : memref<2x2560x128xi32, #tpu.memory_space<hbm>> -> memref<1x160x128xi32, #tpu.memory_space<hbm>>
      %dma_wait3A_529 = tpu.memref_squeeze %dma_wait3A_528 : memref<1x160x128xi32, #tpu.memory_space<hbm>> -> memref<160x128xi32, #tpu.memory_space<hbm>>
      %dma_wait3A_530 = arith.constant 0 : i32
      %dma_wait3A_531 = tpu.memref_slice %arg3[%arg0, %mul3A_28, %dma_wait3A_530] : memref<2x2560x128xi32, #tpu.memory_space<hbm>> -> memref<1x160x128xi32, #tpu.memory_space<hbm>>
      %dma_wait3A_532 = tpu.memref_squeeze %dma_wait3A_531 : memref<1x160x128xi32, #tpu.memory_space<hbm>> -> memref<160x128xi32, #tpu.memory_space<hbm>>
      tpu.wait_dma2 semaphore(%run_scoped3A_520 : memref<!tpu.dma_semaphore, #tpu.memory_space<semaphore_mem>>) src(%dma_wait3A_532 : memref<160x128xi32, #tpu.memory_space<hbm>>) dst(%arg6 : memref<160x128xi32, #tpu.memory_space<vmem>>)
      tpu.yield
    }) : () -> ()
    %mul3A_29 = arith.constant 160 : i32
    %mul3A_30 = arith.muli %arg1, %mul3A_29 : i32
    "tpu.region"() ({
      %run_scoped3A_520 = tpu.sem_alloc : memref<!tpu.dma_semaphore, #tpu.memory_space<semaphore_mem>>
      %dma_start3A_521 = arith.constant 0 : i32
      %dma_start3A_522 = tpu.memref_slice %arg4[%mul3A_30, %dma_start3A_521] : memref<2560x128xi32, #tpu.memory_space<hbm>> -> memref<160x128xi32, #tpu.memory_space<hbm>>
      %dma_start3A_523 = arith.constant 0 : i32
      %dma_start3A_524 = tpu.memref_slice %arg4[%mul3A_30, %dma_start3A_523] : memref<2560x128xi32, #tpu.memory_space<hbm>> -> memref<160x128xi32, #tpu.memory_space<hbm>>
      tpu.enqueue_dma source(%dma_start3A_524 : memref<160x128xi32, #tpu.memory_space<hbm>>) target(%arg7 : memref<160x128xi32, #tpu.memory_space<vmem>>) target_semaphore(%run_scoped3A_520 : memref<!tpu.dma_semaphore, #tpu.memory_space<semaphore_mem>>)
      %dma_wait3A_525 = arith.constant 0 : i32
      %dma_wait3A_526 = tpu.memref_slice %arg4[%mul3A_30, %dma_wait3A_525] : memref<2560x128xi32, #tpu.memory_space<hbm>> -> memref<160x128xi32, #tpu.memory_space<hbm>>
      %dma_wait3A_527 = arith.constant 0 : i32
      %dma_wait3A_528 = tpu.memref_slice %arg4[%mul3A_30, %dma_wait3A_527] : memref<2560x128xi32, #tpu.memory_space<hbm>> -> memref<160x128xi32, #tpu.memory_space<hbm>>
      tpu.wait_dma2 semaphore(%run_scoped3A_520 : memref<!tpu.dma_semaphore, #tpu.memory_space<semaphore_mem>>) src(%dma_wait3A_528 : memref<160x128xi32, #tpu.memory_space<hbm>>) dst(%arg7 : memref<160x128xi32, #tpu.memory_space<vmem>>)
      tpu.yield
    }) : () -> ()
    %barrier3A = arith.constant 0 : index
    tpu.barrier barrier_id(%barrier3A)
    %dma_start3A = arith.constant 0 : i32
    %dma_start3A_31 = arith.constant 0 : i32
    %dma_start3A_32 = arith.constant 0 : i32
    %dma_start3A_33 = arith.constant 0 : i32
    %dma_start3A_34 = tpu.memref_slice %arg8[%dma_start3A_31, %dma_start3A_32, %dma_start3A_33] : memref<6x128x64xf32, #tpu.memory_space<vmem>> -> memref<1x128x64xf32, #tpu.memory_space<vmem>>
    %dma_start3A_35 = tpu.memref_squeeze %dma_start3A_34 : memref<1x128x64xf32, #tpu.memory_space<vmem>> -> memref<128x64xf32, #tpu.memory_space<vmem>>
    %dma_start3A_36 = arith.constant 0 : i32
    %dma_start3A_37 = tpu.memref_slice %arg6[%dma_start3A, %dma_start3A_36] : memref<160x128xi32, #tpu.memory_space<vmem>> -> memref<1x128xi32, #tpu.memory_space<vmem>>
    %dma_start3A_38 = tpu.memref_squeeze %dma_start3A_37 : memref<1x128xi32, #tpu.memory_space<vmem>> -> memref<128xi32, #tpu.memory_space<vmem>>
    %dma_start3A_39 = arith.constant 0 : i32
    %dma_start3A_40 = arith.constant 0 : i32
    %dma_start3A_41 = tpu.memref_slice %arg2[%dma_start3A_39, %dma_start3A_40] : memref<20480x64xf32, #tpu.memory_space<hbm>> -> memref<20480x64xf32, #tpu.memory_space<hbm>>
    tpu.enqueue_indirect_dma source(%dma_start3A_41 : memref<20480x64xf32, #tpu.memory_space<hbm>>) target(%dma_start3A_35 : memref<128x64xf32, #tpu.memory_space<vmem>>) offsets(%dma_start3A_38 : memref<128xi32, #tpu.memory_space<vmem>>) semaphore(%arg10 : memref<!tpu.dma_semaphore, #tpu.memory_space<semaphore_mem>>)
    %dma_start3A_42 = arith.constant 1 : i32
    %dma_start3A_43 = arith.constant 1 : i32
    %dma_start3A_44 = arith.constant 0 : i32
    %dma_start3A_45 = arith.constant 0 : i32
    %dma_start3A_46 = tpu.memref_slice %arg8[%dma_start3A_43, %dma_start3A_44, %dma_start3A_45] : memref<6x128x64xf32, #tpu.memory_space<vmem>> -> memref<1x128x64xf32, #tpu.memory_space<vmem>>
    %dma_start3A_47 = tpu.memref_squeeze %dma_start3A_46 : memref<1x128x64xf32, #tpu.memory_space<vmem>> -> memref<128x64xf32, #tpu.memory_space<vmem>>
    %dma_start3A_48 = arith.constant 0 : i32
    %dma_start3A_49 = tpu.memref_slice %arg6[%dma_start3A_42, %dma_start3A_48] : memref<160x128xi32, #tpu.memory_space<vmem>> -> memref<1x128xi32, #tpu.memory_space<vmem>>
    %dma_start3A_50 = tpu.memref_squeeze %dma_start3A_49 : memref<1x128xi32, #tpu.memory_space<vmem>> -> memref<128xi32, #tpu.memory_space<vmem>>
    %dma_start3A_51 = arith.constant 0 : i32
    %dma_start3A_52 = arith.constant 0 : i32
    %dma_start3A_53 = tpu.memref_slice %arg2[%dma_start3A_51, %dma_start3A_52] : memref<20480x64xf32, #tpu.memory_space<hbm>> -> memref<20480x64xf32, #tpu.memory_space<hbm>>
    tpu.enqueue_indirect_dma source(%dma_start3A_53 : memref<20480x64xf32, #tpu.memory_space<hbm>>) target(%dma_start3A_47 : memref<128x64xf32, #tpu.memory_space<vmem>>) offsets(%dma_start3A_50 : memref<128xi32, #tpu.memory_space<vmem>>) semaphore(%arg11 : memref<!tpu.dma_semaphore, #tpu.memory_space<semaphore_mem>>)
    %dma_start3A_54 = arith.constant 2 : i32
    %dma_start3A_55 = arith.constant 2 : i32
    %dma_start3A_56 = arith.constant 0 : i32
    %dma_start3A_57 = arith.constant 0 : i32
    %dma_start3A_58 = tpu.memref_slice %arg8[%dma_start3A_55, %dma_start3A_56, %dma_start3A_57] : memref<6x128x64xf32, #tpu.memory_space<vmem>> -> memref<1x128x64xf32, #tpu.memory_space<vmem>>
    %dma_start3A_59 = tpu.memref_squeeze %dma_start3A_58 : memref<1x128x64xf32, #tpu.memory_space<vmem>> -> memref<128x64xf32, #tpu.memory_space<vmem>>
    %dma_start3A_60 = arith.constant 0 : i32
    %dma_start3A_61 = tpu.memref_slice %arg6[%dma_start3A_54, %dma_start3A_60] : memref<160x128xi32, #tpu.memory_space<vmem>> -> memref<1x128xi32, #tpu.memory_space<vmem>>
    %dma_start3A_62 = tpu.memref_squeeze %dma_start3A_61 : memref<1x128xi32, #tpu.memory_space<vmem>> -> memref<128xi32, #tpu.memory_space<vmem>>
    %dma_start3A_63 = arith.constant 0 : i32
    %dma_start3A_64 = arith.constant 0 : i32
    %dma_start3A_65 = tpu.memref_slice %arg2[%dma_start3A_63, %dma_start3A_64] : memref<20480x64xf32, #tpu.memory_space<hbm>> -> memref<20480x64xf32, #tpu.memory_space<hbm>>
    tpu.enqueue_indirect_dma source(%dma_start3A_65 : memref<20480x64xf32, #tpu.memory_space<hbm>>) target(%dma_start3A_59 : memref<128x64xf32, #tpu.memory_space<vmem>>) offsets(%dma_start3A_62 : memref<128xi32, #tpu.memory_space<vmem>>) semaphore(%arg12 : memref<!tpu.dma_semaphore, #tpu.memory_space<semaphore_mem>>)
    %dma_start3A_66 = arith.constant 3 : i32
    %dma_start3A_67 = arith.constant 3 : i32
    %dma_start3A_68 = arith.constant 0 : i32
    %dma_start3A_69 = arith.constant 0 : i32
    %dma_start3A_70 = tpu.memref_slice %arg8[%dma_start3A_67, %dma_start3A_68, %dma_start3A_69] : memref<6x128x64xf32, #tpu.memory_space<vmem>> -> memref<1x128x64xf32, #tpu.memory_space<vmem>>
    %dma_start3A_71 = tpu.memref_squeeze %dma_start3A_70 : memref<1x128x64xf32, #tpu.memory_space<vmem>> -> memref<128x64xf32, #tpu.memory_space<vmem>>
    %dma_start3A_72 = arith.constant 0 : i32
    %dma_start3A_73 = tpu.memref_slice %arg6[%dma_start3A_66, %dma_start3A_72] : memref<160x128xi32, #tpu.memory_space<vmem>> -> memref<1x128xi32, #tpu.memory_space<vmem>>
    %dma_start3A_74 = tpu.memref_squeeze %dma_start3A_73 : memref<1x128xi32, #tpu.memory_space<vmem>> -> memref<128xi32, #tpu.memory_space<vmem>>
    %dma_start3A_75 = arith.constant 0 : i32
    %dma_start3A_76 = arith.constant 0 : i32
    %dma_start3A_77 = tpu.memref_slice %arg2[%dma_start3A_75, %dma_start3A_76] : memref<20480x64xf32, #tpu.memory_space<hbm>> -> memref<20480x64xf32, #tpu.memory_space<hbm>>
    tpu.enqueue_indirect_dma source(%dma_start3A_77 : memref<20480x64xf32, #tpu.memory_space<hbm>>) target(%dma_start3A_71 : memref<128x64xf32, #tpu.memory_space<vmem>>) offsets(%dma_start3A_74 : memref<128xi32, #tpu.memory_space<vmem>>) semaphore(%arg13 : memref<!tpu.dma_semaphore, #tpu.memory_space<semaphore_mem>>)
    %dma_wait3A = arith.constant 0 : i32
    %dma_wait3A_78 = arith.constant 0 : i32
    %dma_wait3A_79 = arith.constant 0 : i32
    %dma_wait3A_80 = arith.constant 0 : i32
    %dma_wait3A_81 = tpu.memref_slice %arg8[%dma_wait3A_78, %dma_wait3A_79, %dma_wait3A_80] : memref<6x128x64xf32, #tpu.memory_space<vmem>> -> memref<1x128x64xf32, #tpu.memory_space<vmem>>
    %dma_wait3A_82 = tpu.memref_squeeze %dma_wait3A_81 : memref<1x128x64xf32, #tpu.memory_space<vmem>> -> memref<128x64xf32, #tpu.memory_space<vmem>>
    %dma_wait3A_83 = arith.constant 0 : i32
    %dma_wait3A_84 = tpu.memref_slice %arg6[%dma_wait3A, %dma_wait3A_83] : memref<160x128xi32, #tpu.memory_space<vmem>> -> memref<1x128xi32, #tpu.memory_space<vmem>>
    %dma_wait3A_85 = tpu.memref_squeeze %dma_wait3A_84 : memref<1x128xi32, #tpu.memory_space<vmem>> -> memref<128xi32, #tpu.memory_space<vmem>>
    %dma_wait3A_86 = arith.constant 0 : i32
    %dma_wait3A_87 = arith.constant 0 : i32
    %dma_wait3A_88 = tpu.memref_slice %arg2[%dma_wait3A_86, %dma_wait3A_87] : memref<20480x64xf32, #tpu.memory_space<hbm>> -> memref<20480x64xf32, #tpu.memory_space<hbm>>
    tpu.wait_indirect_dma semaphore(%arg10 : memref<!tpu.dma_semaphore, #tpu.memory_space<semaphore_mem>>) src(%dma_wait3A_88 : memref<20480x64xf32, #tpu.memory_space<hbm>>) dst(%dma_wait3A_82 : memref<128x64xf32, #tpu.memory_space<vmem>>)
    %dma_start3A_89 = arith.constant 0 : i32
    %dma_start3A_90 = arith.constant 0 : i32
    %dma_start3A_91 = arith.constant 0 : i32
    %dma_start3A_92 = arith.constant 0 : i32
    %dma_start3A_93 = tpu.memref_slice %arg8[%dma_start3A_89, %dma_start3A_91, %dma_start3A_92] : memref<6x128x64xf32, #tpu.memory_space<vmem>> -> memref<1x128x64xf32, #tpu.memory_space<vmem>>
    %dma_start3A_94 = tpu.memref_squeeze %dma_start3A_93 : memref<1x128x64xf32, #tpu.memory_space<vmem>> -> memref<128x64xf32, #tpu.memory_space<vmem>>
    %dma_start3A_95 = arith.constant 0 : i32
    %dma_start3A_96 = tpu.memref_slice %arg7[%dma_start3A_90, %dma_start3A_95] : memref<160x128xi32, #tpu.memory_space<vmem>> -> memref<1x128xi32, #tpu.memory_space<vmem>>
    %dma_start3A_97 = tpu.memref_squeeze %dma_start3A_96 : memref<1x128xi32, #tpu.memory_space<vmem>> -> memref<128xi32, #tpu.memory_space<vmem>>
    %dma_start3A_98 = arith.constant 0 : i32
    %dma_start3A_99 = arith.constant 0 : i32
    %dma_start3A_100 = tpu.memref_slice %arg9[%dma_start3A_98, %dma_start3A_99] : memref<10240x64xf32, #tpu.memory_space<vmem_shared>> -> memref<10240x64xf32, #tpu.memory_space<vmem_shared>>
    tpu.enqueue_indirect_dma source(%dma_start3A_94 : memref<128x64xf32, #tpu.memory_space<vmem>>) target(%dma_start3A_100 : memref<10240x64xf32, #tpu.memory_space<vmem_shared>>) offsets(%dma_start3A_97 : memref<128xi32, #tpu.memory_space<vmem>>) semaphore(%arg10 : memref<!tpu.dma_semaphore, #tpu.memory_space<semaphore_mem>>) {add = true}
    %dma_start3A_101 = arith.constant 4 : i32
    %dma_start3A_102 = arith.constant 4 : i32
    %dma_start3A_103 = arith.constant 0 : i32
    %dma_start3A_104 = arith.constant 0 : i32
    %dma_start3A_105 = tpu.memref_slice %arg8[%dma_start3A_102, %dma_start3A_103, %dma_start3A_104] : memref<6x128x64xf32, #tpu.memory_space<vmem>> -> memref<1x128x64xf32, #tpu.memory_space<vmem>>
    %dma_start3A_106 = tpu.memref_squeeze %dma_start3A_105 : memref<1x128x64xf32, #tpu.memory_space<vmem>> -> memref<128x64xf32, #tpu.memory_space<vmem>>
    %dma_start3A_107 = arith.constant 0 : i32
    %dma_start3A_108 = tpu.memref_slice %arg6[%dma_start3A_101, %dma_start3A_107] : memref<160x128xi32, #tpu.memory_space<vmem>> -> memref<1x128xi32, #tpu.memory_space<vmem>>
    %dma_start3A_109 = tpu.memref_squeeze %dma_start3A_108 : memref<1x128xi32, #tpu.memory_space<vmem>> -> memref<128xi32, #tpu.memory_space<vmem>>
    %dma_start3A_110 = arith.constant 0 : i32
    %dma_start3A_111 = arith.constant 0 : i32
    %dma_start3A_112 = tpu.memref_slice %arg2[%dma_start3A_110, %dma_start3A_111] : memref<20480x64xf32, #tpu.memory_space<hbm>> -> memref<20480x64xf32, #tpu.memory_space<hbm>>
    tpu.enqueue_indirect_dma source(%dma_start3A_112 : memref<20480x64xf32, #tpu.memory_space<hbm>>) target(%dma_start3A_106 : memref<128x64xf32, #tpu.memory_space<vmem>>) offsets(%dma_start3A_109 : memref<128xi32, #tpu.memory_space<vmem>>) semaphore(%arg14 : memref<!tpu.dma_semaphore, #tpu.memory_space<semaphore_mem>>)
    %dma_wait3A_113 = arith.constant 1 : i32
    %dma_wait3A_114 = arith.constant 1 : i32
    %dma_wait3A_115 = arith.constant 0 : i32
    %dma_wait3A_116 = arith.constant 0 : i32
    %dma_wait3A_117 = tpu.memref_slice %arg8[%dma_wait3A_114, %dma_wait3A_115, %dma_wait3A_116] : memref<6x128x64xf32, #tpu.memory_space<vmem>> -> memref<1x128x64xf32, #tpu.memory_space<vmem>>
    %dma_wait3A_118 = tpu.memref_squeeze %dma_wait3A_117 : memref<1x128x64xf32, #tpu.memory_space<vmem>> -> memref<128x64xf32, #tpu.memory_space<vmem>>
    %dma_wait3A_119 = arith.constant 0 : i32
    %dma_wait3A_120 = tpu.memref_slice %arg6[%dma_wait3A_113, %dma_wait3A_119] : memref<160x128xi32, #tpu.memory_space<vmem>> -> memref<1x128xi32, #tpu.memory_space<vmem>>
    %dma_wait3A_121 = tpu.memref_squeeze %dma_wait3A_120 : memref<1x128xi32, #tpu.memory_space<vmem>> -> memref<128xi32, #tpu.memory_space<vmem>>
    %dma_wait3A_122 = arith.constant 0 : i32
    %dma_wait3A_123 = arith.constant 0 : i32
    %dma_wait3A_124 = tpu.memref_slice %arg2[%dma_wait3A_122, %dma_wait3A_123] : memref<20480x64xf32, #tpu.memory_space<hbm>> -> memref<20480x64xf32, #tpu.memory_space<hbm>>
    tpu.wait_indirect_dma semaphore(%arg11 : memref<!tpu.dma_semaphore, #tpu.memory_space<semaphore_mem>>) src(%dma_wait3A_124 : memref<20480x64xf32, #tpu.memory_space<hbm>>) dst(%dma_wait3A_118 : memref<128x64xf32, #tpu.memory_space<vmem>>)
    %dma_start3A_125 = arith.constant 1 : i32
    %dma_start3A_126 = arith.constant 1 : i32
    %dma_start3A_127 = arith.constant 0 : i32
    %dma_start3A_128 = arith.constant 0 : i32
    %dma_start3A_129 = tpu.memref_slice %arg8[%dma_start3A_125, %dma_start3A_127, %dma_start3A_128] : memref<6x128x64xf32, #tpu.memory_space<vmem>> -> memref<1x128x64xf32, #tpu.memory_space<vmem>>
    %dma_start3A_130 = tpu.memref_squeeze %dma_start3A_129 : memref<1x128x64xf32, #tpu.memory_space<vmem>> -> memref<128x64xf32, #tpu.memory_space<vmem>>
    %dma_start3A_131 = arith.constant 0 : i32
    %dma_start3A_132 = tpu.memref_slice %arg7[%dma_start3A_126, %dma_start3A_131] : memref<160x128xi32, #tpu.memory_space<vmem>> -> memref<1x128xi32, #tpu.memory_space<vmem>>
    %dma_start3A_133 = tpu.memref_squeeze %dma_start3A_132 : memref<1x128xi32, #tpu.memory_space<vmem>> -> memref<128xi32, #tpu.memory_space<vmem>>
    %dma_start3A_134 = arith.constant 0 : i32
    %dma_start3A_135 = arith.constant 0 : i32
    %dma_start3A_136 = tpu.memref_slice %arg9[%dma_start3A_134, %dma_start3A_135] : memref<10240x64xf32, #tpu.memory_space<vmem_shared>> -> memref<10240x64xf32, #tpu.memory_space<vmem_shared>>
    tpu.enqueue_indirect_dma source(%dma_start3A_130 : memref<128x64xf32, #tpu.memory_space<vmem>>) target(%dma_start3A_136 : memref<10240x64xf32, #tpu.memory_space<vmem_shared>>) offsets(%dma_start3A_133 : memref<128xi32, #tpu.memory_space<vmem>>) semaphore(%arg11 : memref<!tpu.dma_semaphore, #tpu.memory_space<semaphore_mem>>) {add = true}
    %dma_start3A_137 = arith.constant 5 : i32
    %dma_start3A_138 = arith.constant 5 : i32
    %dma_start3A_139 = arith.constant 0 : i32
    %dma_start3A_140 = arith.constant 0 : i32
    %dma_start3A_141 = tpu.memref_slice %arg8[%dma_start3A_138, %dma_start3A_139, %dma_start3A_140] : memref<6x128x64xf32, #tpu.memory_space<vmem>> -> memref<1x128x64xf32, #tpu.memory_space<vmem>>
    %dma_start3A_142 = tpu.memref_squeeze %dma_start3A_141 : memref<1x128x64xf32, #tpu.memory_space<vmem>> -> memref<128x64xf32, #tpu.memory_space<vmem>>
    %dma_start3A_143 = arith.constant 0 : i32
    %dma_start3A_144 = tpu.memref_slice %arg6[%dma_start3A_137, %dma_start3A_143] : memref<160x128xi32, #tpu.memory_space<vmem>> -> memref<1x128xi32, #tpu.memory_space<vmem>>
    %dma_start3A_145 = tpu.memref_squeeze %dma_start3A_144 : memref<1x128xi32, #tpu.memory_space<vmem>> -> memref<128xi32, #tpu.memory_space<vmem>>
    %dma_start3A_146 = arith.constant 0 : i32
    %dma_start3A_147 = arith.constant 0 : i32
    %dma_start3A_148 = tpu.memref_slice %arg2[%dma_start3A_146, %dma_start3A_147] : memref<20480x64xf32, #tpu.memory_space<hbm>> -> memref<20480x64xf32, #tpu.memory_space<hbm>>
    tpu.enqueue_indirect_dma source(%dma_start3A_148 : memref<20480x64xf32, #tpu.memory_space<hbm>>) target(%dma_start3A_142 : memref<128x64xf32, #tpu.memory_space<vmem>>) offsets(%dma_start3A_145 : memref<128xi32, #tpu.memory_space<vmem>>) semaphore(%arg15 : memref<!tpu.dma_semaphore, #tpu.memory_space<semaphore_mem>>)
    %dma_wait3A_149 = arith.constant 2 : i32
    %dma_wait3A_150 = arith.constant 2 : i32
    %dma_wait3A_151 = arith.constant 0 : i32
    %dma_wait3A_152 = arith.constant 0 : i32
    %dma_wait3A_153 = tpu.memref_slice %arg8[%dma_wait3A_150, %dma_wait3A_151, %dma_wait3A_152] : memref<6x128x64xf32, #tpu.memory_space<vmem>> -> memref<1x128x64xf32, #tpu.memory_space<vmem>>
    %dma_wait3A_154 = tpu.memref_squeeze %dma_wait3A_153 : memref<1x128x64xf32, #tpu.memory_space<vmem>> -> memref<128x64xf32, #tpu.memory_space<vmem>>
    %dma_wait3A_155 = arith.constant 0 : i32
    %dma_wait3A_156 = tpu.memref_slice %arg6[%dma_wait3A_149, %dma_wait3A_155] : memref<160x128xi32, #tpu.memory_space<vmem>> -> memref<1x128xi32, #tpu.memory_space<vmem>>
    %dma_wait3A_157 = tpu.memref_squeeze %dma_wait3A_156 : memref<1x128xi32, #tpu.memory_space<vmem>> -> memref<128xi32, #tpu.memory_space<vmem>>
    %dma_wait3A_158 = arith.constant 0 : i32
    %dma_wait3A_159 = arith.constant 0 : i32
    %dma_wait3A_160 = tpu.memref_slice %arg2[%dma_wait3A_158, %dma_wait3A_159] : memref<20480x64xf32, #tpu.memory_space<hbm>> -> memref<20480x64xf32, #tpu.memory_space<hbm>>
    tpu.wait_indirect_dma semaphore(%arg12 : memref<!tpu.dma_semaphore, #tpu.memory_space<semaphore_mem>>) src(%dma_wait3A_160 : memref<20480x64xf32, #tpu.memory_space<hbm>>) dst(%dma_wait3A_154 : memref<128x64xf32, #tpu.memory_space<vmem>>)
    %dma_start3A_161 = arith.constant 2 : i32
    %dma_start3A_162 = arith.constant 2 : i32
    %dma_start3A_163 = arith.constant 0 : i32
    %dma_start3A_164 = arith.constant 0 : i32
    %dma_start3A_165 = tpu.memref_slice %arg8[%dma_start3A_161, %dma_start3A_163, %dma_start3A_164] : memref<6x128x64xf32, #tpu.memory_space<vmem>> -> memref<1x128x64xf32, #tpu.memory_space<vmem>>
    %dma_start3A_166 = tpu.memref_squeeze %dma_start3A_165 : memref<1x128x64xf32, #tpu.memory_space<vmem>> -> memref<128x64xf32, #tpu.memory_space<vmem>>
    %dma_start3A_167 = arith.constant 0 : i32
    %dma_start3A_168 = tpu.memref_slice %arg7[%dma_start3A_162, %dma_start3A_167] : memref<160x128xi32, #tpu.memory_space<vmem>> -> memref<1x128xi32, #tpu.memory_space<vmem>>
    %dma_start3A_169 = tpu.memref_squeeze %dma_start3A_168 : memref<1x128xi32, #tpu.memory_space<vmem>> -> memref<128xi32, #tpu.memory_space<vmem>>
    %dma_start3A_170 = arith.constant 0 : i32
    %dma_start3A_171 = arith.constant 0 : i32
    %dma_start3A_172 = tpu.memref_slice %arg9[%dma_start3A_170, %dma_start3A_171] : memref<10240x64xf32, #tpu.memory_space<vmem_shared>> -> memref<10240x64xf32, #tpu.memory_space<vmem_shared>>
    tpu.enqueue_indirect_dma source(%dma_start3A_166 : memref<128x64xf32, #tpu.memory_space<vmem>>) target(%dma_start3A_172 : memref<10240x64xf32, #tpu.memory_space<vmem_shared>>) offsets(%dma_start3A_169 : memref<128xi32, #tpu.memory_space<vmem>>) semaphore(%arg12 : memref<!tpu.dma_semaphore, #tpu.memory_space<semaphore_mem>>) {add = true}
    %scan3A_173 = arith.constant 0 : i32
    %scan3A_174 = arith.constant 0 : i32
    %scan3A_175 = arith.constant 25 : i32
    %scan3A_176 = arith.addi %scan3A_174, %scan3A_175 : i32
    %scan3A_177 = arith.constant 1 : i32
    scf.for %scan3A_520 = %scan3A_174 to %scan3A_176 step %scan3A_177  : i32 {
      %mul3A_521 = arith.constant 6 : i32
      %mul3A_522 = arith.muli %scan3A_520, %mul3A_521 : i32
      %add3A_523 = arith.constant 3 : i32
      %add3A_524 = arith.addi %add3A_523, %mul3A_522 : i32
      %add3A_525 = arith.constant 0 : i32
      %add3A_526 = arith.addi %add3A_524, %add3A_525 : i32
      %sub3A = arith.constant 3 : i32
      %sub3A_527 = arith.subi %add3A_526, %sub3A : i32
      %dma_wait3A_528 = arith.constant 0 : i32
      %dma_wait3A_529 = arith.constant 0 : i32
      %dma_wait3A_530 = arith.constant 0 : i32
      %dma_wait3A_531 = tpu.memref_slice %arg8[%dma_wait3A_528, %dma_wait3A_529, %dma_wait3A_530] : memref<6x128x64xf32, #tpu.memory_space<vmem>> -> memref<1x128x64xf32, #tpu.memory_space<vmem>>
      %dma_wait3A_532 = tpu.memref_squeeze %dma_wait3A_531 : memref<1x128x64xf32, #tpu.memory_space<vmem>> -> memref<128x64xf32, #tpu.memory_space<vmem>>
      %dma_wait3A_533 = arith.constant 0 : i32
      %dma_wait3A_534 = tpu.memref_slice %arg7[%sub3A_527, %dma_wait3A_533] : memref<160x128xi32, #tpu.memory_space<vmem>> -> memref<1x128xi32, #tpu.memory_space<vmem>>
      %dma_wait3A_535 = tpu.memref_squeeze %dma_wait3A_534 : memref<1x128xi32, #tpu.memory_space<vmem>> -> memref<128xi32, #tpu.memory_space<vmem>>
      %dma_wait3A_536 = arith.constant 0 : i32
      %dma_wait3A_537 = arith.constant 0 : i32
      %dma_wait3A_538 = tpu.memref_slice %arg9[%dma_wait3A_536, %dma_wait3A_537] : memref<10240x64xf32, #tpu.memory_space<vmem_shared>> -> memref<10240x64xf32, #tpu.memory_space<vmem_shared>>
      tpu.wait_indirect_dma semaphore(%arg10 : memref<!tpu.dma_semaphore, #tpu.memory_space<semaphore_mem>>) src(%dma_wait3A_532 : memref<128x64xf32, #tpu.memory_space<vmem>>) dst(%dma_wait3A_538 : memref<10240x64xf32, #tpu.memory_space<vmem_shared>>)
      %add3A_539 = arith.constant 3 : i32
      %add3A_540 = arith.addi %add3A_526, %add3A_539 : i32
      %dma_start3A_541 = arith.constant 0 : i32
      %dma_start3A_542 = arith.constant 0 : i32
      %dma_start3A_543 = arith.constant 0 : i32
      %dma_start3A_544 = tpu.memref_slice %arg8[%dma_start3A_541, %dma_start3A_542, %dma_start3A_543] : memref<6x128x64xf32, #tpu.memory_space<vmem>> -> memref<1x128x64xf32, #tpu.memory_space<vmem>>
      %dma_start3A_545 = tpu.memref_squeeze %dma_start3A_544 : memref<1x128x64xf32, #tpu.memory_space<vmem>> -> memref<128x64xf32, #tpu.memory_space<vmem>>
      %dma_start3A_546 = arith.constant 0 : i32
      %dma_start3A_547 = tpu.memref_slice %arg6[%add3A_540, %dma_start3A_546] : memref<160x128xi32, #tpu.memory_space<vmem>> -> memref<1x128xi32, #tpu.memory_space<vmem>>
      %dma_start3A_548 = tpu.memref_squeeze %dma_start3A_547 : memref<1x128xi32, #tpu.memory_space<vmem>> -> memref<128xi32, #tpu.memory_space<vmem>>
      %dma_start3A_549 = arith.constant 0 : i32
      %dma_start3A_550 = arith.constant 0 : i32
      %dma_start3A_551 = tpu.memref_slice %arg2[%dma_start3A_549, %dma_start3A_550] : memref<20480x64xf32, #tpu.memory_space<hbm>> -> memref<20480x64xf32, #tpu.memory_space<hbm>>
      tpu.enqueue_indirect_dma source(%dma_start3A_551 : memref<20480x64xf32, #tpu.memory_space<hbm>>) target(%dma_start3A_545 : memref<128x64xf32, #tpu.memory_space<vmem>>) offsets(%dma_start3A_548 : memref<128xi32, #tpu.memory_space<vmem>>) semaphore(%arg10 : memref<!tpu.dma_semaphore, #tpu.memory_space<semaphore_mem>>)
      %dma_wait3A_552 = arith.constant 3 : i32
      %dma_wait3A_553 = arith.constant 0 : i32
      %dma_wait3A_554 = arith.constant 0 : i32
      %dma_wait3A_555 = tpu.memref_slice %arg8[%dma_wait3A_552, %dma_wait3A_553, %dma_wait3A_554] : memref<6x128x64xf32, #tpu.memory_space<vmem>> -> memref<1x128x64xf32, #tpu.memory_space<vmem>>
      %dma_wait3A_556 = tpu.memref_squeeze %dma_wait3A_555 : memref<1x128x64xf32, #tpu.memory_space<vmem>> -> memref<128x64xf32, #tpu.memory_space<vmem>>
      %dma_wait3A_557 = arith.constant 0 : i32
      %dma_wait3A_558 = tpu.memref_slice %arg6[%add3A_526, %dma_wait3A_557] : memref<160x128xi32, #tpu.memory_space<vmem>> -> memref<1x128xi32, #tpu.memory_space<vmem>>
      %dma_wait3A_559 = tpu.memref_squeeze %dma_wait3A_558 : memref<1x128xi32, #tpu.memory_space<vmem>> -> memref<128xi32, #tpu.memory_space<vmem>>
      %dma_wait3A_560 = arith.constant 0 : i32
      %dma_wait3A_561 = arith.constant 0 : i32
      %dma_wait3A_562 = tpu.memref_slice %arg2[%dma_wait3A_560, %dma_wait3A_561] : memref<20480x64xf32, #tpu.memory_space<hbm>> -> memref<20480x64xf32, #tpu.memory_space<hbm>>
      tpu.wait_indirect_dma semaphore(%arg13 : memref<!tpu.dma_semaphore, #tpu.memory_space<semaphore_mem>>) src(%dma_wait3A_562 : memref<20480x64xf32, #tpu.memory_space<hbm>>) dst(%dma_wait3A_556 : memref<128x64xf32, #tpu.memory_space<vmem>>)
      %dma_start3A_563 = arith.constant 3 : i32
      %dma_start3A_564 = arith.constant 0 : i32
      %dma_start3A_565 = arith.constant 0 : i32
      %dma_start3A_566 = tpu.memref_slice %arg8[%dma_start3A_563, %dma_start3A_564, %dma_start3A_565] : memref<6x128x64xf32, #tpu.memory_space<vmem>> -> memref<1x128x64xf32, #tpu.memory_space<vmem>>
      %dma_start3A_567 = tpu.memref_squeeze %dma_start3A_566 : memref<1x128x64xf32, #tpu.memory_space<vmem>> -> memref<128x64xf32, #tpu.memory_space<vmem>>
      %dma_start3A_568 = arith.constant 0 : i32
      %dma_start3A_569 = tpu.memref_slice %arg7[%add3A_526, %dma_start3A_568] : memref<160x128xi32, #tpu.memory_space<vmem>> -> memref<1x128xi32, #tpu.memory_space<vmem>>
      %dma_start3A_570 = tpu.memref_squeeze %dma_start3A_569 : memref<1x128xi32, #tpu.memory_space<vmem>> -> memref<128xi32, #tpu.memory_space<vmem>>
      %dma_start3A_571 = arith.constant 0 : i32
      %dma_start3A_572 = arith.constant 0 : i32
      %dma_start3A_573 = tpu.memref_slice %arg9[%dma_start3A_571, %dma_start3A_572] : memref<10240x64xf32, #tpu.memory_space<vmem_shared>> -> memref<10240x64xf32, #tpu.memory_space<vmem_shared>>
      tpu.enqueue_indirect_dma source(%dma_start3A_567 : memref<128x64xf32, #tpu.memory_space<vmem>>) target(%dma_start3A_573 : memref<10240x64xf32, #tpu.memory_space<vmem_shared>>) offsets(%dma_start3A_570 : memref<128xi32, #tpu.memory_space<vmem>>) semaphore(%arg13 : memref<!tpu.dma_semaphore, #tpu.memory_space<semaphore_mem>>) {add = true}
      %mul3A_574 = arith.constant 6 : i32
      %mul3A_575 = arith.muli %scan3A_520, %mul3A_574 : i32
      %add3A_576 = arith.constant 3 : i32
      %add3A_577 = arith.addi %add3A_576, %mul3A_575 : i32
      %add3A_578 = arith.constant 1 : i32
      %add3A_579 = arith.addi %add3A_577, %add3A_578 : i32
      %sub3A_580 = arith.constant 3 : i32
      %sub3A_581 = arith.subi %add3A_579, %sub3A_580 : i32
      %dma_wait3A_582 = arith.constant 1 : i32
      %dma_wait3A_583 = arith.constant 0 : i32
      %dma_wait3A_584 = arith.constant 0 : i32
      %dma_wait3A_585 = tpu.memref_slice %arg8[%dma_wait3A_582, %dma_wait3A_583, %dma_wait3A_584] : memref<6x128x64xf32, #tpu.memory_space<vmem>> -> memref<1x128x64xf32, #tpu.memory_space<vmem>>
      %dma_wait3A_586 = tpu.memref_squeeze %dma_wait3A_585 : memref<1x128x64xf32, #tpu.memory_space<vmem>> -> memref<128x64xf32, #tpu.memory_space<vmem>>
      %dma_wait3A_587 = arith.constant 0 : i32
      %dma_wait3A_588 = tpu.memref_slice %arg7[%sub3A_581, %dma_wait3A_587] : memref<160x128xi32, #tpu.memory_space<vmem>> -> memref<1x128xi32, #tpu.memory_space<vmem>>
      %dma_wait3A_589 = tpu.memref_squeeze %dma_wait3A_588 : memref<1x128xi32, #tpu.memory_space<vmem>> -> memref<128xi32, #tpu.memory_space<vmem>>
      %dma_wait3A_590 = arith.constant 0 : i32
      %dma_wait3A_591 = arith.constant 0 : i32
      %dma_wait3A_592 = tpu.memref_slice %arg9[%dma_wait3A_590, %dma_wait3A_591] : memref<10240x64xf32, #tpu.memory_space<vmem_shared>> -> memref<10240x64xf32, #tpu.memory_space<vmem_shared>>
      tpu.wait_indirect_dma semaphore(%arg11 : memref<!tpu.dma_semaphore, #tpu.memory_space<semaphore_mem>>) src(%dma_wait3A_586 : memref<128x64xf32, #tpu.memory_space<vmem>>) dst(%dma_wait3A_592 : memref<10240x64xf32, #tpu.memory_space<vmem_shared>>)
      %add3A_593 = arith.constant 3 : i32
      %add3A_594 = arith.addi %add3A_579, %add3A_593 : i32
      %dma_start3A_595 = arith.constant 1 : i32
      %dma_start3A_596 = arith.constant 0 : i32
      %dma_start3A_597 = arith.constant 0 : i32
      %dma_start3A_598 = tpu.memref_slice %arg8[%dma_start3A_595, %dma_start3A_596, %dma_start3A_597] : memref<6x128x64xf32, #tpu.memory_space<vmem>> -> memref<1x128x64xf32, #tpu.memory_space<vmem>>
      %dma_start3A_599 = tpu.memref_squeeze %dma_start3A_598 : memref<1x128x64xf32, #tpu.memory_space<vmem>> -> memref<128x64xf32, #tpu.memory_space<vmem>>
      %dma_start3A_600 = arith.constant 0 : i32
      %dma_start3A_601 = tpu.memref_slice %arg6[%add3A_594, %dma_start3A_600] : memref<160x128xi32, #tpu.memory_space<vmem>> -> memref<1x128xi32, #tpu.memory_space<vmem>>
      %dma_start3A_602 = tpu.memref_squeeze %dma_start3A_601 : memref<1x128xi32, #tpu.memory_space<vmem>> -> memref<128xi32, #tpu.memory_space<vmem>>
      %dma_start3A_603 = arith.constant 0 : i32
      %dma_start3A_604 = arith.constant 0 : i32
      %dma_start3A_605 = tpu.memref_slice %arg2[%dma_start3A_603, %dma_start3A_604] : memref<20480x64xf32, #tpu.memory_space<hbm>> -> memref<20480x64xf32, #tpu.memory_space<hbm>>
      tpu.enqueue_indirect_dma source(%dma_start3A_605 : memref<20480x64xf32, #tpu.memory_space<hbm>>) target(%dma_start3A_599 : memref<128x64xf32, #tpu.memory_space<vmem>>) offsets(%dma_start3A_602 : memref<128xi32, #tpu.memory_space<vmem>>) semaphore(%arg11 : memref<!tpu.dma_semaphore, #tpu.memory_space<semaphore_mem>>)
      %dma_wait3A_606 = arith.constant 4 : i32
      %dma_wait3A_607 = arith.constant 0 : i32
      %dma_wait3A_608 = arith.constant 0 : i32
      %dma_wait3A_609 = tpu.memref_slice %arg8[%dma_wait3A_606, %dma_wait3A_607, %dma_wait3A_608] : memref<6x128x64xf32, #tpu.memory_space<vmem>> -> memref<1x128x64xf32, #tpu.memory_space<vmem>>
      %dma_wait3A_610 = tpu.memref_squeeze %dma_wait3A_609 : memref<1x128x64xf32, #tpu.memory_space<vmem>> -> memref<128x64xf32, #tpu.memory_space<vmem>>
      %dma_wait3A_611 = arith.constant 0 : i32
      %dma_wait3A_612 = tpu.memref_slice %arg6[%add3A_579, %dma_wait3A_611] : memref<160x128xi32, #tpu.memory_space<vmem>> -> memref<1x128xi32, #tpu.memory_space<vmem>>
      %dma_wait3A_613 = tpu.memref_squeeze %dma_wait3A_612 : memref<1x128xi32, #tpu.memory_space<vmem>> -> memref<128xi32, #tpu.memory_space<vmem>>
      %dma_wait3A_614 = arith.constant 0 : i32
      %dma_wait3A_615 = arith.constant 0 : i32
      %dma_wait3A_616 = tpu.memref_slice %arg2[%dma_wait3A_614, %dma_wait3A_615] : memref<20480x64xf32, #tpu.memory_space<hbm>> -> memref<20480x64xf32, #tpu.memory_space<hbm>>
      tpu.wait_indirect_dma semaphore(%arg14 : memref<!tpu.dma_semaphore, #tpu.memory_space<semaphore_mem>>) src(%dma_wait3A_616 : memref<20480x64xf32, #tpu.memory_space<hbm>>) dst(%dma_wait3A_610 : memref<128x64xf32, #tpu.memory_space<vmem>>)
      %dma_start3A_617 = arith.constant 4 : i32
      %dma_start3A_618 = arith.constant 0 : i32
      %dma_start3A_619 = arith.constant 0 : i32
      %dma_start3A_620 = tpu.memref_slice %arg8[%dma_start3A_617, %dma_start3A_618, %dma_start3A_619] : memref<6x128x64xf32, #tpu.memory_space<vmem>> -> memref<1x128x64xf32, #tpu.memory_space<vmem>>
      %dma_start3A_621 = tpu.memref_squeeze %dma_start3A_620 : memref<1x128x64xf32, #tpu.memory_space<vmem>> -> memref<128x64xf32, #tpu.memory_space<vmem>>
      %dma_start3A_622 = arith.constant 0 : i32
      %dma_start3A_623 = tpu.memref_slice %arg7[%add3A_579, %dma_start3A_622] : memref<160x128xi32, #tpu.memory_space<vmem>> -> memref<1x128xi32, #tpu.memory_space<vmem>>
      %dma_start3A_624 = tpu.memref_squeeze %dma_start3A_623 : memref<1x128xi32, #tpu.memory_space<vmem>> -> memref<128xi32, #tpu.memory_space<vmem>>
      %dma_start3A_625 = arith.constant 0 : i32
      %dma_start3A_626 = arith.constant 0 : i32
      %dma_start3A_627 = tpu.memref_slice %arg9[%dma_start3A_625, %dma_start3A_626] : memref<10240x64xf32, #tpu.memory_space<vmem_shared>> -> memref<10240x64xf32, #tpu.memory_space<vmem_shared>>
      tpu.enqueue_indirect_dma source(%dma_start3A_621 : memref<128x64xf32, #tpu.memory_space<vmem>>) target(%dma_start3A_627 : memref<10240x64xf32, #tpu.memory_space<vmem_shared>>) offsets(%dma_start3A_624 : memref<128xi32, #tpu.memory_space<vmem>>) semaphore(%arg14 : memref<!tpu.dma_semaphore, #tpu.memory_space<semaphore_mem>>) {add = true}
      %mul3A_628 = arith.constant 6 : i32
      %mul3A_629 = arith.muli %scan3A_520, %mul3A_628 : i32
      %add3A_630 = arith.constant 3 : i32
      %add3A_631 = arith.addi %add3A_630, %mul3A_629 : i32
      %add3A_632 = arith.constant 2 : i32
      %add3A_633 = arith.addi %add3A_631, %add3A_632 : i32
      %sub3A_634 = arith.constant 3 : i32
      %sub3A_635 = arith.subi %add3A_633, %sub3A_634 : i32
      %dma_wait3A_636 = arith.constant 2 : i32
      %dma_wait3A_637 = arith.constant 0 : i32
      %dma_wait3A_638 = arith.constant 0 : i32
      %dma_wait3A_639 = tpu.memref_slice %arg8[%dma_wait3A_636, %dma_wait3A_637, %dma_wait3A_638] : memref<6x128x64xf32, #tpu.memory_space<vmem>> -> memref<1x128x64xf32, #tpu.memory_space<vmem>>
      %dma_wait3A_640 = tpu.memref_squeeze %dma_wait3A_639 : memref<1x128x64xf32, #tpu.memory_space<vmem>> -> memref<128x64xf32, #tpu.memory_space<vmem>>
      %dma_wait3A_641 = arith.constant 0 : i32
      %dma_wait3A_642 = tpu.memref_slice %arg7[%sub3A_635, %dma_wait3A_641] : memref<160x128xi32, #tpu.memory_space<vmem>> -> memref<1x128xi32, #tpu.memory_space<vmem>>
      %dma_wait3A_643 = tpu.memref_squeeze %dma_wait3A_642 : memref<1x128xi32, #tpu.memory_space<vmem>> -> memref<128xi32, #tpu.memory_space<vmem>>
      %dma_wait3A_644 = arith.constant 0 : i32
      %dma_wait3A_645 = arith.constant 0 : i32
      %dma_wait3A_646 = tpu.memref_slice %arg9[%dma_wait3A_644, %dma_wait3A_645] : memref<10240x64xf32, #tpu.memory_space<vmem_shared>> -> memref<10240x64xf32, #tpu.memory_space<vmem_shared>>
      tpu.wait_indirect_dma semaphore(%arg12 : memref<!tpu.dma_semaphore, #tpu.memory_space<semaphore_mem>>) src(%dma_wait3A_640 : memref<128x64xf32, #tpu.memory_space<vmem>>) dst(%dma_wait3A_646 : memref<10240x64xf32, #tpu.memory_space<vmem_shared>>)
      %add3A_647 = arith.constant 3 : i32
      %add3A_648 = arith.addi %add3A_633, %add3A_647 : i32
      %dma_start3A_649 = arith.constant 2 : i32
      %dma_start3A_650 = arith.constant 0 : i32
      %dma_start3A_651 = arith.constant 0 : i32
      %dma_start3A_652 = tpu.memref_slice %arg8[%dma_start3A_649, %dma_start3A_650, %dma_start3A_651] : memref<6x128x64xf32, #tpu.memory_space<vmem>> -> memref<1x128x64xf32, #tpu.memory_space<vmem>>
      %dma_start3A_653 = tpu.memref_squeeze %dma_start3A_652 : memref<1x128x64xf32, #tpu.memory_space<vmem>> -> memref<128x64xf32, #tpu.memory_space<vmem>>
      %dma_start3A_654 = arith.constant 0 : i32
      %dma_start3A_655 = tpu.memref_slice %arg6[%add3A_648, %dma_start3A_654] : memref<160x128xi32, #tpu.memory_space<vmem>> -> memref<1x128xi32, #tpu.memory_space<vmem>>
      %dma_start3A_656 = tpu.memref_squeeze %dma_start3A_655 : memref<1x128xi32, #tpu.memory_space<vmem>> -> memref<128xi32, #tpu.memory_space<vmem>>
      %dma_start3A_657 = arith.constant 0 : i32
      %dma_start3A_658 = arith.constant 0 : i32
      %dma_start3A_659 = tpu.memref_slice %arg2[%dma_start3A_657, %dma_start3A_658] : memref<20480x64xf32, #tpu.memory_space<hbm>> -> memref<20480x64xf32, #tpu.memory_space<hbm>>
      tpu.enqueue_indirect_dma source(%dma_start3A_659 : memref<20480x64xf32, #tpu.memory_space<hbm>>) target(%dma_start3A_653 : memref<128x64xf32, #tpu.memory_space<vmem>>) offsets(%dma_start3A_656 : memref<128xi32, #tpu.memory_space<vmem>>) semaphore(%arg12 : memref<!tpu.dma_semaphore, #tpu.memory_space<semaphore_mem>>)
      %dma_wait3A_660 = arith.constant 5 : i32
      %dma_wait3A_661 = arith.constant 0 : i32
      %dma_wait3A_662 = arith.constant 0 : i32
      %dma_wait3A_663 = tpu.memref_slice %arg8[%dma_wait3A_660, %dma_wait3A_661, %dma_wait3A_662] : memref<6x128x64xf32, #tpu.memory_space<vmem>> -> memref<1x128x64xf32, #tpu.memory_space<vmem>>
      %dma_wait3A_664 = tpu.memref_squeeze %dma_wait3A_663 : memref<1x128x64xf32, #tpu.memory_space<vmem>> -> memref<128x64xf32, #tpu.memory_space<vmem>>
      %dma_wait3A_665 = arith.constant 0 : i32
      %dma_wait3A_666 = tpu.memref_slice %arg6[%add3A_633, %dma_wait3A_665] : memref<160x128xi32, #tpu.memory_space<vmem>> -> memref<1x128xi32, #tpu.memory_space<vmem>>
      %dma_wait3A_667 = tpu.memref_squeeze %dma_wait3A_666 : memref<1x128xi32, #tpu.memory_space<vmem>> -> memref<128xi32, #tpu.memory_space<vmem>>
      %dma_wait3A_668 = arith.constant 0 : i32
      %dma_wait3A_669 = arith.constant 0 : i32
      %dma_wait3A_670 = tpu.memref_slice %arg2[%dma_wait3A_668, %dma_wait3A_669] : memref<20480x64xf32, #tpu.memory_space<hbm>> -> memref<20480x64xf32, #tpu.memory_space<hbm>>
      tpu.wait_indirect_dma semaphore(%arg15 : memref<!tpu.dma_semaphore, #tpu.memory_space<semaphore_mem>>) src(%dma_wait3A_670 : memref<20480x64xf32, #tpu.memory_space<hbm>>) dst(%dma_wait3A_664 : memref<128x64xf32, #tpu.memory_space<vmem>>)
      %dma_start3A_671 = arith.constant 5 : i32
      %dma_start3A_672 = arith.constant 0 : i32
      %dma_start3A_673 = arith.constant 0 : i32
      %dma_start3A_674 = tpu.memref_slice %arg8[%dma_start3A_671, %dma_start3A_672, %dma_start3A_673] : memref<6x128x64xf32, #tpu.memory_space<vmem>> -> memref<1x128x64xf32, #tpu.memory_space<vmem>>
      %dma_start3A_675 = tpu.memref_squeeze %dma_start3A_674 : memref<1x128x64xf32, #tpu.memory_space<vmem>> -> memref<128x64xf32, #tpu.memory_space<vmem>>
      %dma_start3A_676 = arith.constant 0 : i32
      %dma_start3A_677 = tpu.memref_slice %arg7[%add3A_633, %dma_start3A_676] : memref<160x128xi32, #tpu.memory_space<vmem>> -> memref<1x128xi32, #tpu.memory_space<vmem>>
      %dma_start3A_678 = tpu.memref_squeeze %dma_start3A_677 : memref<1x128xi32, #tpu.memory_space<vmem>> -> memref<128xi32, #tpu.memory_space<vmem>>
      %dma_start3A_679 = arith.constant 0 : i32
      %dma_start3A_680 = arith.constant 0 : i32
      %dma_start3A_681 = tpu.memref_slice %arg9[%dma_start3A_679, %dma_start3A_680] : memref<10240x64xf32, #tpu.memory_space<vmem_shared>> -> memref<10240x64xf32, #tpu.memory_space<vmem_shared>>
      tpu.enqueue_indirect_dma source(%dma_start3A_675 : memref<128x64xf32, #tpu.memory_space<vmem>>) target(%dma_start3A_681 : memref<10240x64xf32, #tpu.memory_space<vmem_shared>>) offsets(%dma_start3A_678 : memref<128xi32, #tpu.memory_space<vmem>>) semaphore(%arg15 : memref<!tpu.dma_semaphore, #tpu.memory_space<semaphore_mem>>) {add = true}
      %mul3A_682 = arith.constant 6 : i32
      %mul3A_683 = arith.muli %scan3A_520, %mul3A_682 : i32
      %add3A_684 = arith.constant 3 : i32
      %add3A_685 = arith.addi %add3A_684, %mul3A_683 : i32
      %add3A_686 = arith.constant 3 : i32
      %add3A_687 = arith.addi %add3A_685, %add3A_686 : i32
      %sub3A_688 = arith.constant 3 : i32
      %sub3A_689 = arith.subi %add3A_687, %sub3A_688 : i32
      %dma_wait3A_690 = arith.constant 3 : i32
      %dma_wait3A_691 = arith.constant 0 : i32
      %dma_wait3A_692 = arith.constant 0 : i32
      %dma_wait3A_693 = tpu.memref_slice %arg8[%dma_wait3A_690, %dma_wait3A_691, %dma_wait3A_692] : memref<6x128x64xf32, #tpu.memory_space<vmem>> -> memref<1x128x64xf32, #tpu.memory_space<vmem>>
      %dma_wait3A_694 = tpu.memref_squeeze %dma_wait3A_693 : memref<1x128x64xf32, #tpu.memory_space<vmem>> -> memref<128x64xf32, #tpu.memory_space<vmem>>
      %dma_wait3A_695 = arith.constant 0 : i32
      %dma_wait3A_696 = tpu.memref_slice %arg7[%sub3A_689, %dma_wait3A_695] : memref<160x128xi32, #tpu.memory_space<vmem>> -> memref<1x128xi32, #tpu.memory_space<vmem>>
      %dma_wait3A_697 = tpu.memref_squeeze %dma_wait3A_696 : memref<1x128xi32, #tpu.memory_space<vmem>> -> memref<128xi32, #tpu.memory_space<vmem>>
      %dma_wait3A_698 = arith.constant 0 : i32
      %dma_wait3A_699 = arith.constant 0 : i32
      %dma_wait3A_700 = tpu.memref_slice %arg9[%dma_wait3A_698, %dma_wait3A_699] : memref<10240x64xf32, #tpu.memory_space<vmem_shared>> -> memref<10240x64xf32, #tpu.memory_space<vmem_shared>>
      tpu.wait_indirect_dma semaphore(%arg13 : memref<!tpu.dma_semaphore, #tpu.memory_space<semaphore_mem>>) src(%dma_wait3A_694 : memref<128x64xf32, #tpu.memory_space<vmem>>) dst(%dma_wait3A_700 : memref<10240x64xf32, #tpu.memory_space<vmem_shared>>)
      %add3A_701 = arith.constant 3 : i32
      %add3A_702 = arith.addi %add3A_687, %add3A_701 : i32
      %dma_start3A_703 = arith.constant 3 : i32
      %dma_start3A_704 = arith.constant 0 : i32
      %dma_start3A_705 = arith.constant 0 : i32
      %dma_start3A_706 = tpu.memref_slice %arg8[%dma_start3A_703, %dma_start3A_704, %dma_start3A_705] : memref<6x128x64xf32, #tpu.memory_space<vmem>> -> memref<1x128x64xf32, #tpu.memory_space<vmem>>
      %dma_start3A_707 = tpu.memref_squeeze %dma_start3A_706 : memref<1x128x64xf32, #tpu.memory_space<vmem>> -> memref<128x64xf32, #tpu.memory_space<vmem>>
      %dma_start3A_708 = arith.constant 0 : i32
      %dma_start3A_709 = tpu.memref_slice %arg6[%add3A_702, %dma_start3A_708] : memref<160x128xi32, #tpu.memory_space<vmem>> -> memref<1x128xi32, #tpu.memory_space<vmem>>
      %dma_start3A_710 = tpu.memref_squeeze %dma_start3A_709 : memref<1x128xi32, #tpu.memory_space<vmem>> -> memref<128xi32, #tpu.memory_space<vmem>>
      %dma_start3A_711 = arith.constant 0 : i32
      %dma_start3A_712 = arith.constant 0 : i32
      %dma_start3A_713 = tpu.memref_slice %arg2[%dma_start3A_711, %dma_start3A_712] : memref<20480x64xf32, #tpu.memory_space<hbm>> -> memref<20480x64xf32, #tpu.memory_space<hbm>>
      tpu.enqueue_indirect_dma source(%dma_start3A_713 : memref<20480x64xf32, #tpu.memory_space<hbm>>) target(%dma_start3A_707 : memref<128x64xf32, #tpu.memory_space<vmem>>) offsets(%dma_start3A_710 : memref<128xi32, #tpu.memory_space<vmem>>) semaphore(%arg13 : memref<!tpu.dma_semaphore, #tpu.memory_space<semaphore_mem>>)
      %dma_wait3A_714 = arith.constant 0 : i32
      %dma_wait3A_715 = arith.constant 0 : i32
      %dma_wait3A_716 = arith.constant 0 : i32
      %dma_wait3A_717 = tpu.memref_slice %arg8[%dma_wait3A_714, %dma_wait3A_715, %dma_wait3A_716] : memref<6x128x64xf32, #tpu.memory_space<vmem>> -> memref<1x128x64xf32, #tpu.memory_space<vmem>>
      %dma_wait3A_718 = tpu.memref_squeeze %dma_wait3A_717 : memref<1x128x64xf32, #tpu.memory_space<vmem>> -> memref<128x64xf32, #tpu.memory_space<vmem>>
      %dma_wait3A_719 = arith.constant 0 : i32
      %dma_wait3A_720 = tpu.memref_slice %arg6[%add3A_687, %dma_wait3A_719] : memref<160x128xi32, #tpu.memory_space<vmem>> -> memref<1x128xi32, #tpu.memory_space<vmem>>
      %dma_wait3A_721 = tpu.memref_squeeze %dma_wait3A_720 : memref<1x128xi32, #tpu.memory_space<vmem>> -> memref<128xi32, #tpu.memory_space<vmem>>
      %dma_wait3A_722 = arith.constant 0 : i32
      %dma_wait3A_723 = arith.constant 0 : i32
      %dma_wait3A_724 = tpu.memref_slice %arg2[%dma_wait3A_722, %dma_wait3A_723] : memref<20480x64xf32, #tpu.memory_space<hbm>> -> memref<20480x64xf32, #tpu.memory_space<hbm>>
      tpu.wait_indirect_dma semaphore(%arg10 : memref<!tpu.dma_semaphore, #tpu.memory_space<semaphore_mem>>) src(%dma_wait3A_724 : memref<20480x64xf32, #tpu.memory_space<hbm>>) dst(%dma_wait3A_718 : memref<128x64xf32, #tpu.memory_space<vmem>>)
      %dma_start3A_725 = arith.constant 0 : i32
      %dma_start3A_726 = arith.constant 0 : i32
      %dma_start3A_727 = arith.constant 0 : i32
      %dma_start3A_728 = tpu.memref_slice %arg8[%dma_start3A_725, %dma_start3A_726, %dma_start3A_727] : memref<6x128x64xf32, #tpu.memory_space<vmem>> -> memref<1x128x64xf32, #tpu.memory_space<vmem>>
      %dma_start3A_729 = tpu.memref_squeeze %dma_start3A_728 : memref<1x128x64xf32, #tpu.memory_space<vmem>> -> memref<128x64xf32, #tpu.memory_space<vmem>>
      %dma_start3A_730 = arith.constant 0 : i32
      %dma_start3A_731 = tpu.memref_slice %arg7[%add3A_687, %dma_start3A_730] : memref<160x128xi32, #tpu.memory_space<vmem>> -> memref<1x128xi32, #tpu.memory_space<vmem>>
      %dma_start3A_732 = tpu.memref_squeeze %dma_start3A_731 : memref<1x128xi32, #tpu.memory_space<vmem>> -> memref<128xi32, #tpu.memory_space<vmem>>
      %dma_start3A_733 = arith.constant 0 : i32
      %dma_start3A_734 = arith.constant 0 : i32
      %dma_start3A_735 = tpu.memref_slice %arg9[%dma_start3A_733, %dma_start3A_734] : memref<10240x64xf32, #tpu.memory_space<vmem_shared>> -> memref<10240x64xf32, #tpu.memory_space<vmem_shared>>
      tpu.enqueue_indirect_dma source(%dma_start3A_729 : memref<128x64xf32, #tpu.memory_space<vmem>>) target(%dma_start3A_735 : memref<10240x64xf32, #tpu.memory_space<vmem_shared>>) offsets(%dma_start3A_732 : memref<128xi32, #tpu.memory_space<vmem>>) semaphore(%arg10 : memref<!tpu.dma_semaphore, #tpu.memory_space<semaphore_mem>>) {add = true}
      %mul3A_736 = arith.constant 6 : i32
      %mul3A_737 = arith.muli %scan3A_520, %mul3A_736 : i32
      %add3A_738 = arith.constant 3 : i32
      %add3A_739 = arith.addi %add3A_738, %mul3A_737 : i32
      %add3A_740 = arith.constant 4 : i32
      %add3A_741 = arith.addi %add3A_739, %add3A_740 : i32
      %sub3A_742 = arith.constant 3 : i32
      %sub3A_743 = arith.subi %add3A_741, %sub3A_742 : i32
      %dma_wait3A_744 = arith.constant 4 : i32
      %dma_wait3A_745 = arith.constant 0 : i32
      %dma_wait3A_746 = arith.constant 0 : i32
      %dma_wait3A_747 = tpu.memref_slice %arg8[%dma_wait3A_744, %dma_wait3A_745, %dma_wait3A_746] : memref<6x128x64xf32, #tpu.memory_space<vmem>> -> memref<1x128x64xf32, #tpu.memory_space<vmem>>
      %dma_wait3A_748 = tpu.memref_squeeze %dma_wait3A_747 : memref<1x128x64xf32, #tpu.memory_space<vmem>> -> memref<128x64xf32, #tpu.memory_space<vmem>>
      %dma_wait3A_749 = arith.constant 0 : i32
      %dma_wait3A_750 = tpu.memref_slice %arg7[%sub3A_743, %dma_wait3A_749] : memref<160x128xi32, #tpu.memory_space<vmem>> -> memref<1x128xi32, #tpu.memory_space<vmem>>
      %dma_wait3A_751 = tpu.memref_squeeze %dma_wait3A_750 : memref<1x128xi32, #tpu.memory_space<vmem>> -> memref<128xi32, #tpu.memory_space<vmem>>
      %dma_wait3A_752 = arith.constant 0 : i32
      %dma_wait3A_753 = arith.constant 0 : i32
      %dma_wait3A_754 = tpu.memref_slice %arg9[%dma_wait3A_752, %dma_wait3A_753] : memref<10240x64xf32, #tpu.memory_space<vmem_shared>> -> memref<10240x64xf32, #tpu.memory_space<vmem_shared>>
      tpu.wait_indirect_dma semaphore(%arg14 : memref<!tpu.dma_semaphore, #tpu.memory_space<semaphore_mem>>) src(%dma_wait3A_748 : memref<128x64xf32, #tpu.memory_space<vmem>>) dst(%dma_wait3A_754 : memref<10240x64xf32, #tpu.memory_space<vmem_shared>>)
      %add3A_755 = arith.constant 3 : i32
      %add3A_756 = arith.addi %add3A_741, %add3A_755 : i32
      %dma_start3A_757 = arith.constant 4 : i32
      %dma_start3A_758 = arith.constant 0 : i32
      %dma_start3A_759 = arith.constant 0 : i32
      %dma_start3A_760 = tpu.memref_slice %arg8[%dma_start3A_757, %dma_start3A_758, %dma_start3A_759] : memref<6x128x64xf32, #tpu.memory_space<vmem>> -> memref<1x128x64xf32, #tpu.memory_space<vmem>>
      %dma_start3A_761 = tpu.memref_squeeze %dma_start3A_760 : memref<1x128x64xf32, #tpu.memory_space<vmem>> -> memref<128x64xf32, #tpu.memory_space<vmem>>
      %dma_start3A_762 = arith.constant 0 : i32
      %dma_start3A_763 = tpu.memref_slice %arg6[%add3A_756, %dma_start3A_762] : memref<160x128xi32, #tpu.memory_space<vmem>> -> memref<1x128xi32, #tpu.memory_space<vmem>>
      %dma_start3A_764 = tpu.memref_squeeze %dma_start3A_763 : memref<1x128xi32, #tpu.memory_space<vmem>> -> memref<128xi32, #tpu.memory_space<vmem>>
      %dma_start3A_765 = arith.constant 0 : i32
      %dma_start3A_766 = arith.constant 0 : i32
      %dma_start3A_767 = tpu.memref_slice %arg2[%dma_start3A_765, %dma_start3A_766] : memref<20480x64xf32, #tpu.memory_space<hbm>> -> memref<20480x64xf32, #tpu.memory_space<hbm>>
      tpu.enqueue_indirect_dma source(%dma_start3A_767 : memref<20480x64xf32, #tpu.memory_space<hbm>>) target(%dma_start3A_761 : memref<128x64xf32, #tpu.memory_space<vmem>>) offsets(%dma_start3A_764 : memref<128xi32, #tpu.memory_space<vmem>>) semaphore(%arg14 : memref<!tpu.dma_semaphore, #tpu.memory_space<semaphore_mem>>)
      %dma_wait3A_768 = arith.constant 1 : i32
      %dma_wait3A_769 = arith.constant 0 : i32
      %dma_wait3A_770 = arith.constant 0 : i32
      %dma_wait3A_771 = tpu.memref_slice %arg8[%dma_wait3A_768, %dma_wait3A_769, %dma_wait3A_770] : memref<6x128x64xf32, #tpu.memory_space<vmem>> -> memref<1x128x64xf32, #tpu.memory_space<vmem>>
      %dma_wait3A_772 = tpu.memref_squeeze %dma_wait3A_771 : memref<1x128x64xf32, #tpu.memory_space<vmem>> -> memref<128x64xf32, #tpu.memory_space<vmem>>
      %dma_wait3A_773 = arith.constant 0 : i32
      %dma_wait3A_774 = tpu.memref_slice %arg6[%add3A_741, %dma_wait3A_773] : memref<160x128xi32, #tpu.memory_space<vmem>> -> memref<1x128xi32, #tpu.memory_space<vmem>>
      %dma_wait3A_775 = tpu.memref_squeeze %dma_wait3A_774 : memref<1x128xi32, #tpu.memory_space<vmem>> -> memref<128xi32, #tpu.memory_space<vmem>>
      %dma_wait3A_776 = arith.constant 0 : i32
      %dma_wait3A_777 = arith.constant 0 : i32
      %dma_wait3A_778 = tpu.memref_slice %arg2[%dma_wait3A_776, %dma_wait3A_777] : memref<20480x64xf32, #tpu.memory_space<hbm>> -> memref<20480x64xf32, #tpu.memory_space<hbm>>
      tpu.wait_indirect_dma semaphore(%arg11 : memref<!tpu.dma_semaphore, #tpu.memory_space<semaphore_mem>>) src(%dma_wait3A_778 : memref<20480x64xf32, #tpu.memory_space<hbm>>) dst(%dma_wait3A_772 : memref<128x64xf32, #tpu.memory_space<vmem>>)
      %dma_start3A_779 = arith.constant 1 : i32
      %dma_start3A_780 = arith.constant 0 : i32
      %dma_start3A_781 = arith.constant 0 : i32
      %dma_start3A_782 = tpu.memref_slice %arg8[%dma_start3A_779, %dma_start3A_780, %dma_start3A_781] : memref<6x128x64xf32, #tpu.memory_space<vmem>> -> memref<1x128x64xf32, #tpu.memory_space<vmem>>
      %dma_start3A_783 = tpu.memref_squeeze %dma_start3A_782 : memref<1x128x64xf32, #tpu.memory_space<vmem>> -> memref<128x64xf32, #tpu.memory_space<vmem>>
      %dma_start3A_784 = arith.constant 0 : i32
      %dma_start3A_785 = tpu.memref_slice %arg7[%add3A_741, %dma_start3A_784] : memref<160x128xi32, #tpu.memory_space<vmem>> -> memref<1x128xi32, #tpu.memory_space<vmem>>
      %dma_start3A_786 = tpu.memref_squeeze %dma_start3A_785 : memref<1x128xi32, #tpu.memory_space<vmem>> -> memref<128xi32, #tpu.memory_space<vmem>>
      %dma_start3A_787 = arith.constant 0 : i32
      %dma_start3A_788 = arith.constant 0 : i32
      %dma_start3A_789 = tpu.memref_slice %arg9[%dma_start3A_787, %dma_start3A_788] : memref<10240x64xf32, #tpu.memory_space<vmem_shared>> -> memref<10240x64xf32, #tpu.memory_space<vmem_shared>>
      tpu.enqueue_indirect_dma source(%dma_start3A_783 : memref<128x64xf32, #tpu.memory_space<vmem>>) target(%dma_start3A_789 : memref<10240x64xf32, #tpu.memory_space<vmem_shared>>) offsets(%dma_start3A_786 : memref<128xi32, #tpu.memory_space<vmem>>) semaphore(%arg11 : memref<!tpu.dma_semaphore, #tpu.memory_space<semaphore_mem>>) {add = true}
      %mul3A_790 = arith.constant 6 : i32
      %mul3A_791 = arith.muli %scan3A_520, %mul3A_790 : i32
      %add3A_792 = arith.constant 3 : i32
      %add3A_793 = arith.addi %add3A_792, %mul3A_791 : i32
      %add3A_794 = arith.constant 5 : i32
      %add3A_795 = arith.addi %add3A_793, %add3A_794 : i32
      %sub3A_796 = arith.constant 3 : i32
      %sub3A_797 = arith.subi %add3A_795, %sub3A_796 : i32
      %dma_wait3A_798 = arith.constant 5 : i32
      %dma_wait3A_799 = arith.constant 0 : i32
      %dma_wait3A_800 = arith.constant 0 : i32
      %dma_wait3A_801 = tpu.memref_slice %arg8[%dma_wait3A_798, %dma_wait3A_799, %dma_wait3A_800] : memref<6x128x64xf32, #tpu.memory_space<vmem>> -> memref<1x128x64xf32, #tpu.memory_space<vmem>>
      %dma_wait3A_802 = tpu.memref_squeeze %dma_wait3A_801 : memref<1x128x64xf32, #tpu.memory_space<vmem>> -> memref<128x64xf32, #tpu.memory_space<vmem>>
      %dma_wait3A_803 = arith.constant 0 : i32
      %dma_wait3A_804 = tpu.memref_slice %arg7[%sub3A_797, %dma_wait3A_803] : memref<160x128xi32, #tpu.memory_space<vmem>> -> memref<1x128xi32, #tpu.memory_space<vmem>>
      %dma_wait3A_805 = tpu.memref_squeeze %dma_wait3A_804 : memref<1x128xi32, #tpu.memory_space<vmem>> -> memref<128xi32, #tpu.memory_space<vmem>>
      %dma_wait3A_806 = arith.constant 0 : i32
      %dma_wait3A_807 = arith.constant 0 : i32
      %dma_wait3A_808 = tpu.memref_slice %arg9[%dma_wait3A_806, %dma_wait3A_807] : memref<10240x64xf32, #tpu.memory_space<vmem_shared>> -> memref<10240x64xf32, #tpu.memory_space<vmem_shared>>
      tpu.wait_indirect_dma semaphore(%arg15 : memref<!tpu.dma_semaphore, #tpu.memory_space<semaphore_mem>>) src(%dma_wait3A_802 : memref<128x64xf32, #tpu.memory_space<vmem>>) dst(%dma_wait3A_808 : memref<10240x64xf32, #tpu.memory_space<vmem_shared>>)
      %add3A_809 = arith.constant 3 : i32
      %add3A_810 = arith.addi %add3A_795, %add3A_809 : i32
      %dma_start3A_811 = arith.constant 5 : i32
      %dma_start3A_812 = arith.constant 0 : i32
      %dma_start3A_813 = arith.constant 0 : i32
      %dma_start3A_814 = tpu.memref_slice %arg8[%dma_start3A_811, %dma_start3A_812, %dma_start3A_813] : memref<6x128x64xf32, #tpu.memory_space<vmem>> -> memref<1x128x64xf32, #tpu.memory_space<vmem>>
      %dma_start3A_815 = tpu.memref_squeeze %dma_start3A_814 : memref<1x128x64xf32, #tpu.memory_space<vmem>> -> memref<128x64xf32, #tpu.memory_space<vmem>>
      %dma_start3A_816 = arith.constant 0 : i32
      %dma_start3A_817 = tpu.memref_slice %arg6[%add3A_810, %dma_start3A_816] : memref<160x128xi32, #tpu.memory_space<vmem>> -> memref<1x128xi32, #tpu.memory_space<vmem>>
      %dma_start3A_818 = tpu.memref_squeeze %dma_start3A_817 : memref<1x128xi32, #tpu.memory_space<vmem>> -> memref<128xi32, #tpu.memory_space<vmem>>
      %dma_start3A_819 = arith.constant 0 : i32
      %dma_start3A_820 = arith.constant 0 : i32
      %dma_start3A_821 = tpu.memref_slice %arg2[%dma_start3A_819, %dma_start3A_820] : memref<20480x64xf32, #tpu.memory_space<hbm>> -> memref<20480x64xf32, #tpu.memory_space<hbm>>
      tpu.enqueue_indirect_dma source(%dma_start3A_821 : memref<20480x64xf32, #tpu.memory_space<hbm>>) target(%dma_start3A_815 : memref<128x64xf32, #tpu.memory_space<vmem>>) offsets(%dma_start3A_818 : memref<128xi32, #tpu.memory_space<vmem>>) semaphore(%arg15 : memref<!tpu.dma_semaphore, #tpu.memory_space<semaphore_mem>>)
      %dma_wait3A_822 = arith.constant 2 : i32
      %dma_wait3A_823 = arith.constant 0 : i32
      %dma_wait3A_824 = arith.constant 0 : i32
      %dma_wait3A_825 = tpu.memref_slice %arg8[%dma_wait3A_822, %dma_wait3A_823, %dma_wait3A_824] : memref<6x128x64xf32, #tpu.memory_space<vmem>> -> memref<1x128x64xf32, #tpu.memory_space<vmem>>
      %dma_wait3A_826 = tpu.memref_squeeze %dma_wait3A_825 : memref<1x128x64xf32, #tpu.memory_space<vmem>> -> memref<128x64xf32, #tpu.memory_space<vmem>>
      %dma_wait3A_827 = arith.constant 0 : i32
      %dma_wait3A_828 = tpu.memref_slice %arg6[%add3A_795, %dma_wait3A_827] : memref<160x128xi32, #tpu.memory_space<vmem>> -> memref<1x128xi32, #tpu.memory_space<vmem>>
      %dma_wait3A_829 = tpu.memref_squeeze %dma_wait3A_828 : memref<1x128xi32, #tpu.memory_space<vmem>> -> memref<128xi32, #tpu.memory_space<vmem>>
      %dma_wait3A_830 = arith.constant 0 : i32
      %dma_wait3A_831 = arith.constant 0 : i32
      %dma_wait3A_832 = tpu.memref_slice %arg2[%dma_wait3A_830, %dma_wait3A_831] : memref<20480x64xf32, #tpu.memory_space<hbm>> -> memref<20480x64xf32, #tpu.memory_space<hbm>>
      tpu.wait_indirect_dma semaphore(%arg12 : memref<!tpu.dma_semaphore, #tpu.memory_space<semaphore_mem>>) src(%dma_wait3A_832 : memref<20480x64xf32, #tpu.memory_space<hbm>>) dst(%dma_wait3A_826 : memref<128x64xf32, #tpu.memory_space<vmem>>)
      %dma_start3A_833 = arith.constant 2 : i32
      %dma_start3A_834 = arith.constant 0 : i32
      %dma_start3A_835 = arith.constant 0 : i32
      %dma_start3A_836 = tpu.memref_slice %arg8[%dma_start3A_833, %dma_start3A_834, %dma_start3A_835] : memref<6x128x64xf32, #tpu.memory_space<vmem>> -> memref<1x128x64xf32, #tpu.memory_space<vmem>>
      %dma_start3A_837 = tpu.memref_squeeze %dma_start3A_836 : memref<1x128x64xf32, #tpu.memory_space<vmem>> -> memref<128x64xf32, #tpu.memory_space<vmem>>
      %dma_start3A_838 = arith.constant 0 : i32
      %dma_start3A_839 = tpu.memref_slice %arg7[%add3A_795, %dma_start3A_838] : memref<160x128xi32, #tpu.memory_space<vmem>> -> memref<1x128xi32, #tpu.memory_space<vmem>>
      %dma_start3A_840 = tpu.memref_squeeze %dma_start3A_839 : memref<1x128xi32, #tpu.memory_space<vmem>> -> memref<128xi32, #tpu.memory_space<vmem>>
      %dma_start3A_841 = arith.constant 0 : i32
      %dma_start3A_842 = arith.constant 0 : i32
      %dma_start3A_843 = tpu.memref_slice %arg9[%dma_start3A_841, %dma_start3A_842] : memref<10240x64xf32, #tpu.memory_space<vmem_shared>> -> memref<10240x64xf32, #tpu.memory_space<vmem_shared>>
      tpu.enqueue_indirect_dma source(%dma_start3A_837 : memref<128x64xf32, #tpu.memory_space<vmem>>) target(%dma_start3A_843 : memref<10240x64xf32, #tpu.memory_space<vmem_shared>>) offsets(%dma_start3A_840 : memref<128xi32, #tpu.memory_space<vmem>>) semaphore(%arg12 : memref<!tpu.dma_semaphore, #tpu.memory_space<semaphore_mem>>) {add = true}
    }
    %scan3A_178 = arith.constant 25 : i32
    %dma_wait3A_179 = arith.constant 0 : i32
    %dma_wait3A_180 = arith.constant 150 : i32
    %dma_wait3A_181 = arith.constant 0 : i32
    %dma_wait3A_182 = arith.constant 0 : i32
    %dma_wait3A_183 = tpu.memref_slice %arg8[%dma_wait3A_179, %dma_wait3A_181, %dma_wait3A_182] : memref<6x128x64xf32, #tpu.memory_space<vmem>> -> memref<1x128x64xf32, #tpu.memory_space<vmem>>
    %dma_wait3A_184 = tpu.memref_squeeze %dma_wait3A_183 : memref<1x128x64xf32, #tpu.memory_space<vmem>> -> memref<128x64xf32, #tpu.memory_space<vmem>>
    %dma_wait3A_185 = arith.constant 0 : i32
    %dma_wait3A_186 = tpu.memref_slice %arg7[%dma_wait3A_180, %dma_wait3A_185] : memref<160x128xi32, #tpu.memory_space<vmem>> -> memref<1x128xi32, #tpu.memory_space<vmem>>
    %dma_wait3A_187 = tpu.memref_squeeze %dma_wait3A_186 : memref<1x128xi32, #tpu.memory_space<vmem>> -> memref<128xi32, #tpu.memory_space<vmem>>
    %dma_wait3A_188 = arith.constant 0 : i32
    %dma_wait3A_189 = arith.constant 0 : i32
    %dma_wait3A_190 = tpu.memref_slice %arg9[%dma_wait3A_188, %dma_wait3A_189] : memref<10240x64xf32, #tpu.memory_space<vmem_shared>> -> memref<10240x64xf32, #tpu.memory_space<vmem_shared>>
    tpu.wait_indirect_dma semaphore(%arg10 : memref<!tpu.dma_semaphore, #tpu.memory_space<semaphore_mem>>) src(%dma_wait3A_184 : memref<128x64xf32, #tpu.memory_space<vmem>>) dst(%dma_wait3A_190 : memref<10240x64xf32, #tpu.memory_space<vmem_shared>>)
    %dma_start3A_191 = arith.constant 156 : i32
    %dma_start3A_192 = arith.constant 0 : i32
    %dma_start3A_193 = arith.constant 0 : i32
    %dma_start3A_194 = arith.constant 0 : i32
    %dma_start3A_195 = tpu.memref_slice %arg8[%dma_start3A_192, %dma_start3A_193, %dma_start3A_194] : memref<6x128x64xf32, #tpu.memory_space<vmem>> -> memref<1x128x64xf32, #tpu.memory_space<vmem>>
    %dma_start3A_196 = tpu.memref_squeeze %dma_start3A_195 : memref<1x128x64xf32, #tpu.memory_space<vmem>> -> memref<128x64xf32, #tpu.memory_space<vmem>>
    %dma_start3A_197 = arith.constant 0 : i32
    %dma_start3A_198 = tpu.memref_slice %arg6[%dma_start3A_191, %dma_start3A_197] : memref<160x128xi32, #tpu.memory_space<vmem>> -> memref<1x128xi32, #tpu.memory_space<vmem>>
    %dma_start3A_199 = tpu.memref_squeeze %dma_start3A_198 : memref<1x128xi32, #tpu.memory_space<vmem>> -> memref<128xi32, #tpu.memory_space<vmem>>
    %dma_start3A_200 = arith.constant 0 : i32
    %dma_start3A_201 = arith.constant 0 : i32
    %dma_start3A_202 = tpu.memref_slice %arg2[%dma_start3A_200, %dma_start3A_201] : memref<20480x64xf32, #tpu.memory_space<hbm>> -> memref<20480x64xf32, #tpu.memory_space<hbm>>
    tpu.enqueue_indirect_dma source(%dma_start3A_202 : memref<20480x64xf32, #tpu.memory_space<hbm>>) target(%dma_start3A_196 : memref<128x64xf32, #tpu.memory_space<vmem>>) offsets(%dma_start3A_199 : memref<128xi32, #tpu.memory_space<vmem>>) semaphore(%arg10 : memref<!tpu.dma_semaphore, #tpu.memory_space<semaphore_mem>>)
    %dma_wait3A_203 = arith.constant 153 : i32
    %dma_wait3A_204 = arith.constant 3 : i32
    %dma_wait3A_205 = arith.constant 0 : i32
    %dma_wait3A_206 = arith.constant 0 : i32
    %dma_wait3A_207 = tpu.memref_slice %arg8[%dma_wait3A_204, %dma_wait3A_205, %dma_wait3A_206] : memref<6x128x64xf32, #tpu.memory_space<vmem>> -> memref<1x128x64xf32, #tpu.memory_space<vmem>>
    %dma_wait3A_208 = tpu.memref_squeeze %dma_wait3A_207 : memref<1x128x64xf32, #tpu.memory_space<vmem>> -> memref<128x64xf32, #tpu.memory_space<vmem>>
    %dma_wait3A_209 = arith.constant 0 : i32
    %dma_wait3A_210 = tpu.memref_slice %arg6[%dma_wait3A_203, %dma_wait3A_209] : memref<160x128xi32, #tpu.memory_space<vmem>> -> memref<1x128xi32, #tpu.memory_space<vmem>>
    %dma_wait3A_211 = tpu.memref_squeeze %dma_wait3A_210 : memref<1x128xi32, #tpu.memory_space<vmem>> -> memref<128xi32, #tpu.memory_space<vmem>>
    %dma_wait3A_212 = arith.constant 0 : i32
    %dma_wait3A_213 = arith.constant 0 : i32
    %dma_wait3A_214 = tpu.memref_slice %arg2[%dma_wait3A_212, %dma_wait3A_213] : memref<20480x64xf32, #tpu.memory_space<hbm>> -> memref<20480x64xf32, #tpu.memory_space<hbm>>
    tpu.wait_indirect_dma semaphore(%arg13 : memref<!tpu.dma_semaphore, #tpu.memory_space<semaphore_mem>>) src(%dma_wait3A_214 : memref<20480x64xf32, #tpu.memory_space<hbm>>) dst(%dma_wait3A_208 : memref<128x64xf32, #tpu.memory_space<vmem>>)
    %dma_start3A_215 = arith.constant 3 : i32
    %dma_start3A_216 = arith.constant 153 : i32
    %dma_start3A_217 = arith.constant 0 : i32
    %dma_start3A_218 = arith.constant 0 : i32
    %dma_start3A_219 = tpu.memref_slice %arg8[%dma_start3A_215, %dma_start3A_217, %dma_start3A_218] : memref<6x128x64xf32, #tpu.memory_space<vmem>> -> memref<1x128x64xf32, #tpu.memory_space<vmem>>
    %dma_start3A_220 = tpu.memref_squeeze %dma_start3A_219 : memref<1x128x64xf32, #tpu.memory_space<vmem>> -> memref<128x64xf32, #tpu.memory_space<vmem>>
    %dma_start3A_221 = arith.constant 0 : i32
    %dma_start3A_222 = tpu.memref_slice %arg7[%dma_start3A_216, %dma_start3A_221] : memref<160x128xi32, #tpu.memory_space<vmem>> -> memref<1x128xi32, #tpu.memory_space<vmem>>
    %dma_start3A_223 = tpu.memref_squeeze %dma_start3A_222 : memref<1x128xi32, #tpu.memory_space<vmem>> -> memref<128xi32, #tpu.memory_space<vmem>>
    %dma_start3A_224 = arith.constant 0 : i32
    %dma_start3A_225 = arith.constant 0 : i32
    %dma_start3A_226 = tpu.memref_slice %arg9[%dma_start3A_224, %dma_start3A_225] : memref<10240x64xf32, #tpu.memory_space<vmem_shared>> -> memref<10240x64xf32, #tpu.memory_space<vmem_shared>>
    tpu.enqueue_indirect_dma source(%dma_start3A_220 : memref<128x64xf32, #tpu.memory_space<vmem>>) target(%dma_start3A_226 : memref<10240x64xf32, #tpu.memory_space<vmem_shared>>) offsets(%dma_start3A_223 : memref<128xi32, #tpu.memory_space<vmem>>) semaphore(%arg13 : memref<!tpu.dma_semaphore, #tpu.memory_space<semaphore_mem>>) {add = true}
    %dma_wait3A_227 = arith.constant 1 : i32
    %dma_wait3A_228 = arith.constant 151 : i32
    %dma_wait3A_229 = arith.constant 0 : i32
    %dma_wait3A_230 = arith.constant 0 : i32
    %dma_wait3A_231 = tpu.memref_slice %arg8[%dma_wait3A_227, %dma_wait3A_229, %dma_wait3A_230] : memref<6x128x64xf32, #tpu.memory_space<vmem>> -> memref<1x128x64xf32, #tpu.memory_space<vmem>>
    %dma_wait3A_232 = tpu.memref_squeeze %dma_wait3A_231 : memref<1x128x64xf32, #tpu.memory_space<vmem>> -> memref<128x64xf32, #tpu.memory_space<vmem>>
    %dma_wait3A_233 = arith.constant 0 : i32
    %dma_wait3A_234 = tpu.memref_slice %arg7[%dma_wait3A_228, %dma_wait3A_233] : memref<160x128xi32, #tpu.memory_space<vmem>> -> memref<1x128xi32, #tpu.memory_space<vmem>>
    %dma_wait3A_235 = tpu.memref_squeeze %dma_wait3A_234 : memref<1x128xi32, #tpu.memory_space<vmem>> -> memref<128xi32, #tpu.memory_space<vmem>>
    %dma_wait3A_236 = arith.constant 0 : i32
    %dma_wait3A_237 = arith.constant 0 : i32
    %dma_wait3A_238 = tpu.memref_slice %arg9[%dma_wait3A_236, %dma_wait3A_237] : memref<10240x64xf32, #tpu.memory_space<vmem_shared>> -> memref<10240x64xf32, #tpu.memory_space<vmem_shared>>
    tpu.wait_indirect_dma semaphore(%arg11 : memref<!tpu.dma_semaphore, #tpu.memory_space<semaphore_mem>>) src(%dma_wait3A_232 : memref<128x64xf32, #tpu.memory_space<vmem>>) dst(%dma_wait3A_238 : memref<10240x64xf32, #tpu.memory_space<vmem_shared>>)
    %dma_start3A_239 = arith.constant 157 : i32
    %dma_start3A_240 = arith.constant 1 : i32
    %dma_start3A_241 = arith.constant 0 : i32
    %dma_start3A_242 = arith.constant 0 : i32
    %dma_start3A_243 = tpu.memref_slice %arg8[%dma_start3A_240, %dma_start3A_241, %dma_start3A_242] : memref<6x128x64xf32, #tpu.memory_space<vmem>> -> memref<1x128x64xf32, #tpu.memory_space<vmem>>
    %dma_start3A_244 = tpu.memref_squeeze %dma_start3A_243 : memref<1x128x64xf32, #tpu.memory_space<vmem>> -> memref<128x64xf32, #tpu.memory_space<vmem>>
    %dma_start3A_245 = arith.constant 0 : i32
    %dma_start3A_246 = tpu.memref_slice %arg6[%dma_start3A_239, %dma_start3A_245] : memref<160x128xi32, #tpu.memory_space<vmem>> -> memref<1x128xi32, #tpu.memory_space<vmem>>
    %dma_start3A_247 = tpu.memref_squeeze %dma_start3A_246 : memref<1x128xi32, #tpu.memory_space<vmem>> -> memref<128xi32, #tpu.memory_space<vmem>>
    %dma_start3A_248 = arith.constant 0 : i32
    %dma_start3A_249 = arith.constant 0 : i32
    %dma_start3A_250 = tpu.memref_slice %arg2[%dma_start3A_248, %dma_start3A_249] : memref<20480x64xf32, #tpu.memory_space<hbm>> -> memref<20480x64xf32, #tpu.memory_space<hbm>>
    tpu.enqueue_indirect_dma source(%dma_start3A_250 : memref<20480x64xf32, #tpu.memory_space<hbm>>) target(%dma_start3A_244 : memref<128x64xf32, #tpu.memory_space<vmem>>) offsets(%dma_start3A_247 : memref<128xi32, #tpu.memory_space<vmem>>) semaphore(%arg11 : memref<!tpu.dma_semaphore, #tpu.memory_space<semaphore_mem>>)
    %dma_wait3A_251 = arith.constant 154 : i32
    %dma_wait3A_252 = arith.constant 4 : i32
    %dma_wait3A_253 = arith.constant 0 : i32
    %dma_wait3A_254 = arith.constant 0 : i32
    %dma_wait3A_255 = tpu.memref_slice %arg8[%dma_wait3A_252, %dma_wait3A_253, %dma_wait3A_254] : memref<6x128x64xf32, #tpu.memory_space<vmem>> -> memref<1x128x64xf32, #tpu.memory_space<vmem>>
    %dma_wait3A_256 = tpu.memref_squeeze %dma_wait3A_255 : memref<1x128x64xf32, #tpu.memory_space<vmem>> -> memref<128x64xf32, #tpu.memory_space<vmem>>
    %dma_wait3A_257 = arith.constant 0 : i32
    %dma_wait3A_258 = tpu.memref_slice %arg6[%dma_wait3A_251, %dma_wait3A_257] : memref<160x128xi32, #tpu.memory_space<vmem>> -> memref<1x128xi32, #tpu.memory_space<vmem>>
    %dma_wait3A_259 = tpu.memref_squeeze %dma_wait3A_258 : memref<1x128xi32, #tpu.memory_space<vmem>> -> memref<128xi32, #tpu.memory_space<vmem>>
    %dma_wait3A_260 = arith.constant 0 : i32
    %dma_wait3A_261 = arith.constant 0 : i32
    %dma_wait3A_262 = tpu.memref_slice %arg2[%dma_wait3A_260, %dma_wait3A_261] : memref<20480x64xf32, #tpu.memory_space<hbm>> -> memref<20480x64xf32, #tpu.memory_space<hbm>>
    tpu.wait_indirect_dma semaphore(%arg14 : memref<!tpu.dma_semaphore, #tpu.memory_space<semaphore_mem>>) src(%dma_wait3A_262 : memref<20480x64xf32, #tpu.memory_space<hbm>>) dst(%dma_wait3A_256 : memref<128x64xf32, #tpu.memory_space<vmem>>)
    %dma_start3A_263 = arith.constant 4 : i32
    %dma_start3A_264 = arith.constant 154 : i32
    %dma_start3A_265 = arith.constant 0 : i32
    %dma_start3A_266 = arith.constant 0 : i32
    %dma_start3A_267 = tpu.memref_slice %arg8[%dma_start3A_263, %dma_start3A_265, %dma_start3A_266] : memref<6x128x64xf32, #tpu.memory_space<vmem>> -> memref<1x128x64xf32, #tpu.memory_space<vmem>>
    %dma_start3A_268 = tpu.memref_squeeze %dma_start3A_267 : memref<1x128x64xf32, #tpu.memory_space<vmem>> -> memref<128x64xf32, #tpu.memory_space<vmem>>
    %dma_start3A_269 = arith.constant 0 : i32
    %dma_start3A_270 = tpu.memref_slice %arg7[%dma_start3A_264, %dma_start3A_269] : memref<160x128xi32, #tpu.memory_space<vmem>> -> memref<1x128xi32, #tpu.memory_space<vmem>>
    %dma_start3A_271 = tpu.memref_squeeze %dma_start3A_270 : memref<1x128xi32, #tpu.memory_space<vmem>> -> memref<128xi32, #tpu.memory_space<vmem>>
    %dma_start3A_272 = arith.constant 0 : i32
    %dma_start3A_273 = arith.constant 0 : i32
    %dma_start3A_274 = tpu.memref_slice %arg9[%dma_start3A_272, %dma_start3A_273] : memref<10240x64xf32, #tpu.memory_space<vmem_shared>> -> memref<10240x64xf32, #tpu.memory_space<vmem_shared>>
    tpu.enqueue_indirect_dma source(%dma_start3A_268 : memref<128x64xf32, #tpu.memory_space<vmem>>) target(%dma_start3A_274 : memref<10240x64xf32, #tpu.memory_space<vmem_shared>>) offsets(%dma_start3A_271 : memref<128xi32, #tpu.memory_space<vmem>>) semaphore(%arg14 : memref<!tpu.dma_semaphore, #tpu.memory_space<semaphore_mem>>) {add = true}
    %dma_wait3A_275 = arith.constant 2 : i32
    %dma_wait3A_276 = arith.constant 152 : i32
    %dma_wait3A_277 = arith.constant 0 : i32
    %dma_wait3A_278 = arith.constant 0 : i32
    %dma_wait3A_279 = tpu.memref_slice %arg8[%dma_wait3A_275, %dma_wait3A_277, %dma_wait3A_278] : memref<6x128x64xf32, #tpu.memory_space<vmem>> -> memref<1x128x64xf32, #tpu.memory_space<vmem>>
    %dma_wait3A_280 = tpu.memref_squeeze %dma_wait3A_279 : memref<1x128x64xf32, #tpu.memory_space<vmem>> -> memref<128x64xf32, #tpu.memory_space<vmem>>
    %dma_wait3A_281 = arith.constant 0 : i32
    %dma_wait3A_282 = tpu.memref_slice %arg7[%dma_wait3A_276, %dma_wait3A_281] : memref<160x128xi32, #tpu.memory_space<vmem>> -> memref<1x128xi32, #tpu.memory_space<vmem>>
    %dma_wait3A_283 = tpu.memref_squeeze %dma_wait3A_282 : memref<1x128xi32, #tpu.memory_space<vmem>> -> memref<128xi32, #tpu.memory_space<vmem>>
    %dma_wait3A_284 = arith.constant 0 : i32
    %dma_wait3A_285 = arith.constant 0 : i32
    %dma_wait3A_286 = tpu.memref_slice %arg9[%dma_wait3A_284, %dma_wait3A_285] : memref<10240x64xf32, #tpu.memory_space<vmem_shared>> -> memref<10240x64xf32, #tpu.memory_space<vmem_shared>>
    tpu.wait_indirect_dma semaphore(%arg12 : memref<!tpu.dma_semaphore, #tpu.memory_space<semaphore_mem>>) src(%dma_wait3A_280 : memref<128x64xf32, #tpu.memory_space<vmem>>) dst(%dma_wait3A_286 : memref<10240x64xf32, #tpu.memory_space<vmem_shared>>)
    %dma_start3A_287 = arith.constant 158 : i32
    %dma_start3A_288 = arith.constant 2 : i32
    %dma_start3A_289 = arith.constant 0 : i32
    %dma_start3A_290 = arith.constant 0 : i32
    %dma_start3A_291 = tpu.memref_slice %arg8[%dma_start3A_288, %dma_start3A_289, %dma_start3A_290] : memref<6x128x64xf32, #tpu.memory_space<vmem>> -> memref<1x128x64xf32, #tpu.memory_space<vmem>>
    %dma_start3A_292 = tpu.memref_squeeze %dma_start3A_291 : memref<1x128x64xf32, #tpu.memory_space<vmem>> -> memref<128x64xf32, #tpu.memory_space<vmem>>
    %dma_start3A_293 = arith.constant 0 : i32
    %dma_start3A_294 = tpu.memref_slice %arg6[%dma_start3A_287, %dma_start3A_293] : memref<160x128xi32, #tpu.memory_space<vmem>> -> memref<1x128xi32, #tpu.memory_space<vmem>>
    %dma_start3A_295 = tpu.memref_squeeze %dma_start3A_294 : memref<1x128xi32, #tpu.memory_space<vmem>> -> memref<128xi32, #tpu.memory_space<vmem>>
    %dma_start3A_296 = arith.constant 0 : i32
    %dma_start3A_297 = arith.constant 0 : i32
    %dma_start3A_298 = tpu.memref_slice %arg2[%dma_start3A_296, %dma_start3A_297] : memref<20480x64xf32, #tpu.memory_space<hbm>> -> memref<20480x64xf32, #tpu.memory_space<hbm>>
    tpu.enqueue_indirect_dma source(%dma_start3A_298 : memref<20480x64xf32, #tpu.memory_space<hbm>>) target(%dma_start3A_292 : memref<128x64xf32, #tpu.memory_space<vmem>>) offsets(%dma_start3A_295 : memref<128xi32, #tpu.memory_space<vmem>>) semaphore(%arg12 : memref<!tpu.dma_semaphore, #tpu.memory_space<semaphore_mem>>)
    %dma_wait3A_299 = arith.constant 155 : i32
    %dma_wait3A_300 = arith.constant 5 : i32
    %dma_wait3A_301 = arith.constant 0 : i32
    %dma_wait3A_302 = arith.constant 0 : i32
    %dma_wait3A_303 = tpu.memref_slice %arg8[%dma_wait3A_300, %dma_wait3A_301, %dma_wait3A_302] : memref<6x128x64xf32, #tpu.memory_space<vmem>> -> memref<1x128x64xf32, #tpu.memory_space<vmem>>
    %dma_wait3A_304 = tpu.memref_squeeze %dma_wait3A_303 : memref<1x128x64xf32, #tpu.memory_space<vmem>> -> memref<128x64xf32, #tpu.memory_space<vmem>>
    %dma_wait3A_305 = arith.constant 0 : i32
    %dma_wait3A_306 = tpu.memref_slice %arg6[%dma_wait3A_299, %dma_wait3A_305] : memref<160x128xi32, #tpu.memory_space<vmem>> -> memref<1x128xi32, #tpu.memory_space<vmem>>
    %dma_wait3A_307 = tpu.memref_squeeze %dma_wait3A_306 : memref<1x128xi32, #tpu.memory_space<vmem>> -> memref<128xi32, #tpu.memory_space<vmem>>
    %dma_wait3A_308 = arith.constant 0 : i32
    %dma_wait3A_309 = arith.constant 0 : i32
    %dma_wait3A_310 = tpu.memref_slice %arg2[%dma_wait3A_308, %dma_wait3A_309] : memref<20480x64xf32, #tpu.memory_space<hbm>> -> memref<20480x64xf32, #tpu.memory_space<hbm>>
    tpu.wait_indirect_dma semaphore(%arg15 : memref<!tpu.dma_semaphore, #tpu.memory_space<semaphore_mem>>) src(%dma_wait3A_310 : memref<20480x64xf32, #tpu.memory_space<hbm>>) dst(%dma_wait3A_304 : memref<128x64xf32, #tpu.memory_space<vmem>>)
    %dma_start3A_311 = arith.constant 5 : i32
    %dma_start3A_312 = arith.constant 155 : i32
    %dma_start3A_313 = arith.constant 0 : i32
    %dma_start3A_314 = arith.constant 0 : i32
    %dma_start3A_315 = tpu.memref_slice %arg8[%dma_start3A_311, %dma_start3A_313, %dma_start3A_314] : memref<6x128x64xf32, #tpu.memory_space<vmem>> -> memref<1x128x64xf32, #tpu.memory_space<vmem>>
    %dma_start3A_316 = tpu.memref_squeeze %dma_start3A_315 : memref<1x128x64xf32, #tpu.memory_space<vmem>> -> memref<128x64xf32, #tpu.memory_space<vmem>>
    %dma_start3A_317 = arith.constant 0 : i32
    %dma_start3A_318 = tpu.memref_slice %arg7[%dma_start3A_312, %dma_start3A_317] : memref<160x128xi32, #tpu.memory_space<vmem>> -> memref<1x128xi32, #tpu.memory_space<vmem>>
    %dma_start3A_319 = tpu.memref_squeeze %dma_start3A_318 : memref<1x128xi32, #tpu.memory_space<vmem>> -> memref<128xi32, #tpu.memory_space<vmem>>
    %dma_start3A_320 = arith.constant 0 : i32
    %dma_start3A_321 = arith.constant 0 : i32
    %dma_start3A_322 = tpu.memref_slice %arg9[%dma_start3A_320, %dma_start3A_321] : memref<10240x64xf32, #tpu.memory_space<vmem_shared>> -> memref<10240x64xf32, #tpu.memory_space<vmem_shared>>
    tpu.enqueue_indirect_dma source(%dma_start3A_316 : memref<128x64xf32, #tpu.memory_space<vmem>>) target(%dma_start3A_322 : memref<10240x64xf32, #tpu.memory_space<vmem_shared>>) offsets(%dma_start3A_319 : memref<128xi32, #tpu.memory_space<vmem>>) semaphore(%arg15 : memref<!tpu.dma_semaphore, #tpu.memory_space<semaphore_mem>>) {add = true}
    %dma_wait3A_323 = arith.constant 3 : i32
    %dma_wait3A_324 = arith.constant 153 : i32
    %dma_wait3A_325 = arith.constant 0 : i32
    %dma_wait3A_326 = arith.constant 0 : i32
    %dma_wait3A_327 = tpu.memref_slice %arg8[%dma_wait3A_323, %dma_wait3A_325, %dma_wait3A_326] : memref<6x128x64xf32, #tpu.memory_space<vmem>> -> memref<1x128x64xf32, #tpu.memory_space<vmem>>
    %dma_wait3A_328 = tpu.memref_squeeze %dma_wait3A_327 : memref<1x128x64xf32, #tpu.memory_space<vmem>> -> memref<128x64xf32, #tpu.memory_space<vmem>>
    %dma_wait3A_329 = arith.constant 0 : i32
    %dma_wait3A_330 = tpu.memref_slice %arg7[%dma_wait3A_324, %dma_wait3A_329] : memref<160x128xi32, #tpu.memory_space<vmem>> -> memref<1x128xi32, #tpu.memory_space<vmem>>
    %dma_wait3A_331 = tpu.memref_squeeze %dma_wait3A_330 : memref<1x128xi32, #tpu.memory_space<vmem>> -> memref<128xi32, #tpu.memory_space<vmem>>
    %dma_wait3A_332 = arith.constant 0 : i32
    %dma_wait3A_333 = arith.constant 0 : i32
    %dma_wait3A_334 = tpu.memref_slice %arg9[%dma_wait3A_332, %dma_wait3A_333] : memref<10240x64xf32, #tpu.memory_space<vmem_shared>> -> memref<10240x64xf32, #tpu.memory_space<vmem_shared>>
    tpu.wait_indirect_dma semaphore(%arg13 : memref<!tpu.dma_semaphore, #tpu.memory_space<semaphore_mem>>) src(%dma_wait3A_328 : memref<128x64xf32, #tpu.memory_space<vmem>>) dst(%dma_wait3A_334 : memref<10240x64xf32, #tpu.memory_space<vmem_shared>>)
    %dma_start3A_335 = arith.constant 159 : i32
    %dma_start3A_336 = arith.constant 3 : i32
    %dma_start3A_337 = arith.constant 0 : i32
    %dma_start3A_338 = arith.constant 0 : i32
    %dma_start3A_339 = tpu.memref_slice %arg8[%dma_start3A_336, %dma_start3A_337, %dma_start3A_338] : memref<6x128x64xf32, #tpu.memory_space<vmem>> -> memref<1x128x64xf32, #tpu.memory_space<vmem>>
    %dma_start3A_340 = tpu.memref_squeeze %dma_start3A_339 : memref<1x128x64xf32, #tpu.memory_space<vmem>> -> memref<128x64xf32, #tpu.memory_space<vmem>>
    %dma_start3A_341 = arith.constant 0 : i32
    %dma_start3A_342 = tpu.memref_slice %arg6[%dma_start3A_335, %dma_start3A_341] : memref<160x128xi32, #tpu.memory_space<vmem>> -> memref<1x128xi32, #tpu.memory_space<vmem>>
    %dma_start3A_343 = tpu.memref_squeeze %dma_start3A_342 : memref<1x128xi32, #tpu.memory_space<vmem>> -> memref<128xi32, #tpu.memory_space<vmem>>
    %dma_start3A_344 = arith.constant 0 : i32
    %dma_start3A_345 = arith.constant 0 : i32
    %dma_start3A_346 = tpu.memref_slice %arg2[%dma_start3A_344, %dma_start3A_345] : memref<20480x64xf32, #tpu.memory_space<hbm>> -> memref<20480x64xf32, #tpu.memory_space<hbm>>
    tpu.enqueue_indirect_dma source(%dma_start3A_346 : memref<20480x64xf32, #tpu.memory_space<hbm>>) target(%dma_start3A_340 : memref<128x64xf32, #tpu.memory_space<vmem>>) offsets(%dma_start3A_343 : memref<128xi32, #tpu.memory_space<vmem>>) semaphore(%arg13 : memref<!tpu.dma_semaphore, #tpu.memory_space<semaphore_mem>>)
    %dma_wait3A_347 = arith.constant 156 : i32
    %dma_wait3A_348 = arith.constant 0 : i32
    %dma_wait3A_349 = arith.constant 0 : i32
    %dma_wait3A_350 = arith.constant 0 : i32
    %dma_wait3A_351 = tpu.memref_slice %arg8[%dma_wait3A_348, %dma_wait3A_349, %dma_wait3A_350] : memref<6x128x64xf32, #tpu.memory_space<vmem>> -> memref<1x128x64xf32, #tpu.memory_space<vmem>>
    %dma_wait3A_352 = tpu.memref_squeeze %dma_wait3A_351 : memref<1x128x64xf32, #tpu.memory_space<vmem>> -> memref<128x64xf32, #tpu.memory_space<vmem>>
    %dma_wait3A_353 = arith.constant 0 : i32
    %dma_wait3A_354 = tpu.memref_slice %arg6[%dma_wait3A_347, %dma_wait3A_353] : memref<160x128xi32, #tpu.memory_space<vmem>> -> memref<1x128xi32, #tpu.memory_space<vmem>>
    %dma_wait3A_355 = tpu.memref_squeeze %dma_wait3A_354 : memref<1x128xi32, #tpu.memory_space<vmem>> -> memref<128xi32, #tpu.memory_space<vmem>>
    %dma_wait3A_356 = arith.constant 0 : i32
    %dma_wait3A_357 = arith.constant 0 : i32
    %dma_wait3A_358 = tpu.memref_slice %arg2[%dma_wait3A_356, %dma_wait3A_357] : memref<20480x64xf32, #tpu.memory_space<hbm>> -> memref<20480x64xf32, #tpu.memory_space<hbm>>
    tpu.wait_indirect_dma semaphore(%arg10 : memref<!tpu.dma_semaphore, #tpu.memory_space<semaphore_mem>>) src(%dma_wait3A_358 : memref<20480x64xf32, #tpu.memory_space<hbm>>) dst(%dma_wait3A_352 : memref<128x64xf32, #tpu.memory_space<vmem>>)
    %dma_start3A_359 = arith.constant 0 : i32
    %dma_start3A_360 = arith.constant 156 : i32
    %dma_start3A_361 = arith.constant 0 : i32
    %dma_start3A_362 = arith.constant 0 : i32
    %dma_start3A_363 = tpu.memref_slice %arg8[%dma_start3A_359, %dma_start3A_361, %dma_start3A_362] : memref<6x128x64xf32, #tpu.memory_space<vmem>> -> memref<1x128x64xf32, #tpu.memory_space<vmem>>
    %dma_start3A_364 = tpu.memref_squeeze %dma_start3A_363 : memref<1x128x64xf32, #tpu.memory_space<vmem>> -> memref<128x64xf32, #tpu.memory_space<vmem>>
    %dma_start3A_365 = arith.constant 0 : i32
    %dma_start3A_366 = tpu.memref_slice %arg7[%dma_start3A_360, %dma_start3A_365] : memref<160x128xi32, #tpu.memory_space<vmem>> -> memref<1x128xi32, #tpu.memory_space<vmem>>
    %dma_start3A_367 = tpu.memref_squeeze %dma_start3A_366 : memref<1x128xi32, #tpu.memory_space<vmem>> -> memref<128xi32, #tpu.memory_space<vmem>>
    %dma_start3A_368 = arith.constant 0 : i32
    %dma_start3A_369 = arith.constant 0 : i32
    %dma_start3A_370 = tpu.memref_slice %arg9[%dma_start3A_368, %dma_start3A_369] : memref<10240x64xf32, #tpu.memory_space<vmem_shared>> -> memref<10240x64xf32, #tpu.memory_space<vmem_shared>>
    tpu.enqueue_indirect_dma source(%dma_start3A_364 : memref<128x64xf32, #tpu.memory_space<vmem>>) target(%dma_start3A_370 : memref<10240x64xf32, #tpu.memory_space<vmem_shared>>) offsets(%dma_start3A_367 : memref<128xi32, #tpu.memory_space<vmem>>) semaphore(%arg10 : memref<!tpu.dma_semaphore, #tpu.memory_space<semaphore_mem>>) {add = true}
    %dma_wait3A_371 = arith.constant 4 : i32
    %dma_wait3A_372 = arith.constant 154 : i32
    %dma_wait3A_373 = arith.constant 0 : i32
    %dma_wait3A_374 = arith.constant 0 : i32
    %dma_wait3A_375 = tpu.memref_slice %arg8[%dma_wait3A_371, %dma_wait3A_373, %dma_wait3A_374] : memref<6x128x64xf32, #tpu.memory_space<vmem>> -> memref<1x128x64xf32, #tpu.memory_space<vmem>>
    %dma_wait3A_376 = tpu.memref_squeeze %dma_wait3A_375 : memref<1x128x64xf32, #tpu.memory_space<vmem>> -> memref<128x64xf32, #tpu.memory_space<vmem>>
    %dma_wait3A_377 = arith.constant 0 : i32
    %dma_wait3A_378 = tpu.memref_slice %arg7[%dma_wait3A_372, %dma_wait3A_377] : memref<160x128xi32, #tpu.memory_space<vmem>> -> memref<1x128xi32, #tpu.memory_space<vmem>>
    %dma_wait3A_379 = tpu.memref_squeeze %dma_wait3A_378 : memref<1x128xi32, #tpu.memory_space<vmem>> -> memref<128xi32, #tpu.memory_space<vmem>>
    %dma_wait3A_380 = arith.constant 0 : i32
    %dma_wait3A_381 = arith.constant 0 : i32
    %dma_wait3A_382 = tpu.memref_slice %arg9[%dma_wait3A_380, %dma_wait3A_381] : memref<10240x64xf32, #tpu.memory_space<vmem_shared>> -> memref<10240x64xf32, #tpu.memory_space<vmem_shared>>
    tpu.wait_indirect_dma semaphore(%arg14 : memref<!tpu.dma_semaphore, #tpu.memory_space<semaphore_mem>>) src(%dma_wait3A_376 : memref<128x64xf32, #tpu.memory_space<vmem>>) dst(%dma_wait3A_382 : memref<10240x64xf32, #tpu.memory_space<vmem_shared>>)
    %dma_wait3A_383 = arith.constant 157 : i32
    %dma_wait3A_384 = arith.constant 1 : i32
    %dma_wait3A_385 = arith.constant 0 : i32
    %dma_wait3A_386 = arith.constant 0 : i32
    %dma_wait3A_387 = tpu.memref_slice %arg8[%dma_wait3A_384, %dma_wait3A_385, %dma_wait3A_386] : memref<6x128x64xf32, #tpu.memory_space<vmem>> -> memref<1x128x64xf32, #tpu.memory_space<vmem>>
    %dma_wait3A_388 = tpu.memref_squeeze %dma_wait3A_387 : memref<1x128x64xf32, #tpu.memory_space<vmem>> -> memref<128x64xf32, #tpu.memory_space<vmem>>
    %dma_wait3A_389 = arith.constant 0 : i32
    %dma_wait3A_390 = tpu.memref_slice %arg6[%dma_wait3A_383, %dma_wait3A_389] : memref<160x128xi32, #tpu.memory_space<vmem>> -> memref<1x128xi32, #tpu.memory_space<vmem>>
    %dma_wait3A_391 = tpu.memref_squeeze %dma_wait3A_390 : memref<1x128xi32, #tpu.memory_space<vmem>> -> memref<128xi32, #tpu.memory_space<vmem>>
    %dma_wait3A_392 = arith.constant 0 : i32
    %dma_wait3A_393 = arith.constant 0 : i32
    %dma_wait3A_394 = tpu.memref_slice %arg2[%dma_wait3A_392, %dma_wait3A_393] : memref<20480x64xf32, #tpu.memory_space<hbm>> -> memref<20480x64xf32, #tpu.memory_space<hbm>>
    tpu.wait_indirect_dma semaphore(%arg11 : memref<!tpu.dma_semaphore, #tpu.memory_space<semaphore_mem>>) src(%dma_wait3A_394 : memref<20480x64xf32, #tpu.memory_space<hbm>>) dst(%dma_wait3A_388 : memref<128x64xf32, #tpu.memory_space<vmem>>)
    %dma_start3A_395 = arith.constant 1 : i32
    %dma_start3A_396 = arith.constant 157 : i32
    %dma_start3A_397 = arith.constant 0 : i32
    %dma_start3A_398 = arith.constant 0 : i32
    %dma_start3A_399 = tpu.memref_slice %arg8[%dma_start3A_395, %dma_start3A_397, %dma_start3A_398] : memref<6x128x64xf32, #tpu.memory_space<vmem>> -> memref<1x128x64xf32, #tpu.memory_space<vmem>>
    %dma_start3A_400 = tpu.memref_squeeze %dma_start3A_399 : memref<1x128x64xf32, #tpu.memory_space<vmem>> -> memref<128x64xf32, #tpu.memory_space<vmem>>
    %dma_start3A_401 = arith.constant 0 : i32
    %dma_start3A_402 = tpu.memref_slice %arg7[%dma_start3A_396, %dma_start3A_401] : memref<160x128xi32, #tpu.memory_space<vmem>> -> memref<1x128xi32, #tpu.memory_space<vmem>>
    %dma_start3A_403 = tpu.memref_squeeze %dma_start3A_402 : memref<1x128xi32, #tpu.memory_space<vmem>> -> memref<128xi32, #tpu.memory_space<vmem>>
    %dma_start3A_404 = arith.constant 0 : i32
    %dma_start3A_405 = arith.constant 0 : i32
    %dma_start3A_406 = tpu.memref_slice %arg9[%dma_start3A_404, %dma_start3A_405] : memref<10240x64xf32, #tpu.memory_space<vmem_shared>> -> memref<10240x64xf32, #tpu.memory_space<vmem_shared>>
    tpu.enqueue_indirect_dma source(%dma_start3A_400 : memref<128x64xf32, #tpu.memory_space<vmem>>) target(%dma_start3A_406 : memref<10240x64xf32, #tpu.memory_space<vmem_shared>>) offsets(%dma_start3A_403 : memref<128xi32, #tpu.memory_space<vmem>>) semaphore(%arg11 : memref<!tpu.dma_semaphore, #tpu.memory_space<semaphore_mem>>) {add = true}
    %dma_wait3A_407 = arith.constant 5 : i32
    %dma_wait3A_408 = arith.constant 155 : i32
    %dma_wait3A_409 = arith.constant 0 : i32
    %dma_wait3A_410 = arith.constant 0 : i32
    %dma_wait3A_411 = tpu.memref_slice %arg8[%dma_wait3A_407, %dma_wait3A_409, %dma_wait3A_410] : memref<6x128x64xf32, #tpu.memory_space<vmem>> -> memref<1x128x64xf32, #tpu.memory_space<vmem>>
    %dma_wait3A_412 = tpu.memref_squeeze %dma_wait3A_411 : memref<1x128x64xf32, #tpu.memory_space<vmem>> -> memref<128x64xf32, #tpu.memory_space<vmem>>
    %dma_wait3A_413 = arith.constant 0 : i32
    %dma_wait3A_414 = tpu.memref_slice %arg7[%dma_wait3A_408, %dma_wait3A_413] : memref<160x128xi32, #tpu.memory_space<vmem>> -> memref<1x128xi32, #tpu.memory_space<vmem>>
    %dma_wait3A_415 = tpu.memref_squeeze %dma_wait3A_414 : memref<1x128xi32, #tpu.memory_space<vmem>> -> memref<128xi32, #tpu.memory_space<vmem>>
    %dma_wait3A_416 = arith.constant 0 : i32
    %dma_wait3A_417 = arith.constant 0 : i32
    %dma_wait3A_418 = tpu.memref_slice %arg9[%dma_wait3A_416, %dma_wait3A_417] : memref<10240x64xf32, #tpu.memory_space<vmem_shared>> -> memref<10240x64xf32, #tpu.memory_space<vmem_shared>>
    tpu.wait_indirect_dma semaphore(%arg15 : memref<!tpu.dma_semaphore, #tpu.memory_space<semaphore_mem>>) src(%dma_wait3A_412 : memref<128x64xf32, #tpu.memory_space<vmem>>) dst(%dma_wait3A_418 : memref<10240x64xf32, #tpu.memory_space<vmem_shared>>)
    %dma_wait3A_419 = arith.constant 158 : i32
    %dma_wait3A_420 = arith.constant 2 : i32
    %dma_wait3A_421 = arith.constant 0 : i32
    %dma_wait3A_422 = arith.constant 0 : i32
    %dma_wait3A_423 = tpu.memref_slice %arg8[%dma_wait3A_420, %dma_wait3A_421, %dma_wait3A_422] : memref<6x128x64xf32, #tpu.memory_space<vmem>> -> memref<1x128x64xf32, #tpu.memory_space<vmem>>
    %dma_wait3A_424 = tpu.memref_squeeze %dma_wait3A_423 : memref<1x128x64xf32, #tpu.memory_space<vmem>> -> memref<128x64xf32, #tpu.memory_space<vmem>>
    %dma_wait3A_425 = arith.constant 0 : i32
    %dma_wait3A_426 = tpu.memref_slice %arg6[%dma_wait3A_419, %dma_wait3A_425] : memref<160x128xi32, #tpu.memory_space<vmem>> -> memref<1x128xi32, #tpu.memory_space<vmem>>
    %dma_wait3A_427 = tpu.memref_squeeze %dma_wait3A_426 : memref<1x128xi32, #tpu.memory_space<vmem>> -> memref<128xi32, #tpu.memory_space<vmem>>
    %dma_wait3A_428 = arith.constant 0 : i32
    %dma_wait3A_429 = arith.constant 0 : i32
    %dma_wait3A_430 = tpu.memref_slice %arg2[%dma_wait3A_428, %dma_wait3A_429] : memref<20480x64xf32, #tpu.memory_space<hbm>> -> memref<20480x64xf32, #tpu.memory_space<hbm>>
    tpu.wait_indirect_dma semaphore(%arg12 : memref<!tpu.dma_semaphore, #tpu.memory_space<semaphore_mem>>) src(%dma_wait3A_430 : memref<20480x64xf32, #tpu.memory_space<hbm>>) dst(%dma_wait3A_424 : memref<128x64xf32, #tpu.memory_space<vmem>>)
    %dma_start3A_431 = arith.constant 2 : i32
    %dma_start3A_432 = arith.constant 158 : i32
    %dma_start3A_433 = arith.constant 0 : i32
    %dma_start3A_434 = arith.constant 0 : i32
    %dma_start3A_435 = tpu.memref_slice %arg8[%dma_start3A_431, %dma_start3A_433, %dma_start3A_434] : memref<6x128x64xf32, #tpu.memory_space<vmem>> -> memref<1x128x64xf32, #tpu.memory_space<vmem>>
    %dma_start3A_436 = tpu.memref_squeeze %dma_start3A_435 : memref<1x128x64xf32, #tpu.memory_space<vmem>> -> memref<128x64xf32, #tpu.memory_space<vmem>>
    %dma_start3A_437 = arith.constant 0 : i32
    %dma_start3A_438 = tpu.memref_slice %arg7[%dma_start3A_432, %dma_start3A_437] : memref<160x128xi32, #tpu.memory_space<vmem>> -> memref<1x128xi32, #tpu.memory_space<vmem>>
    %dma_start3A_439 = tpu.memref_squeeze %dma_start3A_438 : memref<1x128xi32, #tpu.memory_space<vmem>> -> memref<128xi32, #tpu.memory_space<vmem>>
    %dma_start3A_440 = arith.constant 0 : i32
    %dma_start3A_441 = arith.constant 0 : i32
    %dma_start3A_442 = tpu.memref_slice %arg9[%dma_start3A_440, %dma_start3A_441] : memref<10240x64xf32, #tpu.memory_space<vmem_shared>> -> memref<10240x64xf32, #tpu.memory_space<vmem_shared>>
    tpu.enqueue_indirect_dma source(%dma_start3A_436 : memref<128x64xf32, #tpu.memory_space<vmem>>) target(%dma_start3A_442 : memref<10240x64xf32, #tpu.memory_space<vmem_shared>>) offsets(%dma_start3A_439 : memref<128xi32, #tpu.memory_space<vmem>>) semaphore(%arg12 : memref<!tpu.dma_semaphore, #tpu.memory_space<semaphore_mem>>) {add = true}
    %dma_wait3A_443 = arith.constant 0 : i32
    %dma_wait3A_444 = arith.constant 156 : i32
    %dma_wait3A_445 = arith.constant 0 : i32
    %dma_wait3A_446 = arith.constant 0 : i32
    %dma_wait3A_447 = tpu.memref_slice %arg8[%dma_wait3A_443, %dma_wait3A_445, %dma_wait3A_446] : memref<6x128x64xf32, #tpu.memory_space<vmem>> -> memref<1x128x64xf32, #tpu.memory_space<vmem>>
    %dma_wait3A_448 = tpu.memref_squeeze %dma_wait3A_447 : memref<1x128x64xf32, #tpu.memory_space<vmem>> -> memref<128x64xf32, #tpu.memory_space<vmem>>
    %dma_wait3A_449 = arith.constant 0 : i32
    %dma_wait3A_450 = tpu.memref_slice %arg7[%dma_wait3A_444, %dma_wait3A_449] : memref<160x128xi32, #tpu.memory_space<vmem>> -> memref<1x128xi32, #tpu.memory_space<vmem>>
    %dma_wait3A_451 = tpu.memref_squeeze %dma_wait3A_450 : memref<1x128xi32, #tpu.memory_space<vmem>> -> memref<128xi32, #tpu.memory_space<vmem>>
    %dma_wait3A_452 = arith.constant 0 : i32
    %dma_wait3A_453 = arith.constant 0 : i32
    %dma_wait3A_454 = tpu.memref_slice %arg9[%dma_wait3A_452, %dma_wait3A_453] : memref<10240x64xf32, #tpu.memory_space<vmem_shared>> -> memref<10240x64xf32, #tpu.memory_space<vmem_shared>>
    tpu.wait_indirect_dma semaphore(%arg10 : memref<!tpu.dma_semaphore, #tpu.memory_space<semaphore_mem>>) src(%dma_wait3A_448 : memref<128x64xf32, #tpu.memory_space<vmem>>) dst(%dma_wait3A_454 : memref<10240x64xf32, #tpu.memory_space<vmem_shared>>)
    %dma_wait3A_455 = arith.constant 159 : i32
    %dma_wait3A_456 = arith.constant 3 : i32
    %dma_wait3A_457 = arith.constant 0 : i32
    %dma_wait3A_458 = arith.constant 0 : i32
    %dma_wait3A_459 = tpu.memref_slice %arg8[%dma_wait3A_456, %dma_wait3A_457, %dma_wait3A_458] : memref<6x128x64xf32, #tpu.memory_space<vmem>> -> memref<1x128x64xf32, #tpu.memory_space<vmem>>
    %dma_wait3A_460 = tpu.memref_squeeze %dma_wait3A_459 : memref<1x128x64xf32, #tpu.memory_space<vmem>> -> memref<128x64xf32, #tpu.memory_space<vmem>>
    %dma_wait3A_461 = arith.constant 0 : i32
    %dma_wait3A_462 = tpu.memref_slice %arg6[%dma_wait3A_455, %dma_wait3A_461] : memref<160x128xi32, #tpu.memory_space<vmem>> -> memref<1x128xi32, #tpu.memory_space<vmem>>
    %dma_wait3A_463 = tpu.memref_squeeze %dma_wait3A_462 : memref<1x128xi32, #tpu.memory_space<vmem>> -> memref<128xi32, #tpu.memory_space<vmem>>
    %dma_wait3A_464 = arith.constant 0 : i32
    %dma_wait3A_465 = arith.constant 0 : i32
    %dma_wait3A_466 = tpu.memref_slice %arg2[%dma_wait3A_464, %dma_wait3A_465] : memref<20480x64xf32, #tpu.memory_space<hbm>> -> memref<20480x64xf32, #tpu.memory_space<hbm>>
    tpu.wait_indirect_dma semaphore(%arg13 : memref<!tpu.dma_semaphore, #tpu.memory_space<semaphore_mem>>) src(%dma_wait3A_466 : memref<20480x64xf32, #tpu.memory_space<hbm>>) dst(%dma_wait3A_460 : memref<128x64xf32, #tpu.memory_space<vmem>>)
    %dma_start3A_467 = arith.constant 3 : i32
    %dma_start3A_468 = arith.constant 159 : i32
    %dma_start3A_469 = arith.constant 0 : i32
    %dma_start3A_470 = arith.constant 0 : i32
    %dma_start3A_471 = tpu.memref_slice %arg8[%dma_start3A_467, %dma_start3A_469, %dma_start3A_470] : memref<6x128x64xf32, #tpu.memory_space<vmem>> -> memref<1x128x64xf32, #tpu.memory_space<vmem>>
    %dma_start3A_472 = tpu.memref_squeeze %dma_start3A_471 : memref<1x128x64xf32, #tpu.memory_space<vmem>> -> memref<128x64xf32, #tpu.memory_space<vmem>>
    %dma_start3A_473 = arith.constant 0 : i32
    %dma_start3A_474 = tpu.memref_slice %arg7[%dma_start3A_468, %dma_start3A_473] : memref<160x128xi32, #tpu.memory_space<vmem>> -> memref<1x128xi32, #tpu.memory_space<vmem>>
    %dma_start3A_475 = tpu.memref_squeeze %dma_start3A_474 : memref<1x128xi32, #tpu.memory_space<vmem>> -> memref<128xi32, #tpu.memory_space<vmem>>
    %dma_start3A_476 = arith.constant 0 : i32
    %dma_start3A_477 = arith.constant 0 : i32
    %dma_start3A_478 = tpu.memref_slice %arg9[%dma_start3A_476, %dma_start3A_477] : memref<10240x64xf32, #tpu.memory_space<vmem_shared>> -> memref<10240x64xf32, #tpu.memory_space<vmem_shared>>
    tpu.enqueue_indirect_dma source(%dma_start3A_472 : memref<128x64xf32, #tpu.memory_space<vmem>>) target(%dma_start3A_478 : memref<10240x64xf32, #tpu.memory_space<vmem_shared>>) offsets(%dma_start3A_475 : memref<128xi32, #tpu.memory_space<vmem>>) semaphore(%arg13 : memref<!tpu.dma_semaphore, #tpu.memory_space<semaphore_mem>>) {add = true}
    %dma_wait3A_479 = arith.constant 1 : i32
    %dma_wait3A_480 = arith.constant 157 : i32
    %dma_wait3A_481 = arith.constant 0 : i32
    %dma_wait3A_482 = arith.constant 0 : i32
    %dma_wait3A_483 = tpu.memref_slice %arg8[%dma_wait3A_479, %dma_wait3A_481, %dma_wait3A_482] : memref<6x128x64xf32, #tpu.memory_space<vmem>> -> memref<1x128x64xf32, #tpu.memory_space<vmem>>
    %dma_wait3A_484 = tpu.memref_squeeze %dma_wait3A_483 : memref<1x128x64xf32, #tpu.memory_space<vmem>> -> memref<128x64xf32, #tpu.memory_space<vmem>>
    %dma_wait3A_485 = arith.constant 0 : i32
    %dma_wait3A_486 = tpu.memref_slice %arg7[%dma_wait3A_480, %dma_wait3A_485] : memref<160x128xi32, #tpu.memory_space<vmem>> -> memref<1x128xi32, #tpu.memory_space<vmem>>
    %dma_wait3A_487 = tpu.memref_squeeze %dma_wait3A_486 : memref<1x128xi32, #tpu.memory_space<vmem>> -> memref<128xi32, #tpu.memory_space<vmem>>
    %dma_wait3A_488 = arith.constant 0 : i32
    %dma_wait3A_489 = arith.constant 0 : i32
    %dma_wait3A_490 = tpu.memref_slice %arg9[%dma_wait3A_488, %dma_wait3A_489] : memref<10240x64xf32, #tpu.memory_space<vmem_shared>> -> memref<10240x64xf32, #tpu.memory_space<vmem_shared>>
    tpu.wait_indirect_dma semaphore(%arg11 : memref<!tpu.dma_semaphore, #tpu.memory_space<semaphore_mem>>) src(%dma_wait3A_484 : memref<128x64xf32, #tpu.memory_space<vmem>>) dst(%dma_wait3A_490 : memref<10240x64xf32, #tpu.memory_space<vmem_shared>>)
    %dma_wait3A_491 = arith.constant 2 : i32
    %dma_wait3A_492 = arith.constant 158 : i32
    %dma_wait3A_493 = arith.constant 0 : i32
    %dma_wait3A_494 = arith.constant 0 : i32
    %dma_wait3A_495 = tpu.memref_slice %arg8[%dma_wait3A_491, %dma_wait3A_493, %dma_wait3A_494] : memref<6x128x64xf32, #tpu.memory_space<vmem>> -> memref<1x128x64xf32, #tpu.memory_space<vmem>>
    %dma_wait3A_496 = tpu.memref_squeeze %dma_wait3A_495 : memref<1x128x64xf32, #tpu.memory_space<vmem>> -> memref<128x64xf32, #tpu.memory_space<vmem>>
    %dma_wait3A_497 = arith.constant 0 : i32
    %dma_wait3A_498 = tpu.memref_slice %arg7[%dma_wait3A_492, %dma_wait3A_497] : memref<160x128xi32, #tpu.memory_space<vmem>> -> memref<1x128xi32, #tpu.memory_space<vmem>>
    %dma_wait3A_499 = tpu.memref_squeeze %dma_wait3A_498 : memref<1x128xi32, #tpu.memory_space<vmem>> -> memref<128xi32, #tpu.memory_space<vmem>>
    %dma_wait3A_500 = arith.constant 0 : i32
    %dma_wait3A_501 = arith.constant 0 : i32
    %dma_wait3A_502 = tpu.memref_slice %arg9[%dma_wait3A_500, %dma_wait3A_501] : memref<10240x64xf32, #tpu.memory_space<vmem_shared>> -> memref<10240x64xf32, #tpu.memory_space<vmem_shared>>
    tpu.wait_indirect_dma semaphore(%arg12 : memref<!tpu.dma_semaphore, #tpu.memory_space<semaphore_mem>>) src(%dma_wait3A_496 : memref<128x64xf32, #tpu.memory_space<vmem>>) dst(%dma_wait3A_502 : memref<10240x64xf32, #tpu.memory_space<vmem_shared>>)
    %dma_wait3A_503 = arith.constant 3 : i32
    %dma_wait3A_504 = arith.constant 159 : i32
    %dma_wait3A_505 = arith.constant 0 : i32
    %dma_wait3A_506 = arith.constant 0 : i32
    %dma_wait3A_507 = tpu.memref_slice %arg8[%dma_wait3A_503, %dma_wait3A_505, %dma_wait3A_506] : memref<6x128x64xf32, #tpu.memory_space<vmem>> -> memref<1x128x64xf32, #tpu.memory_space<vmem>>
    %dma_wait3A_508 = tpu.memref_squeeze %dma_wait3A_507 : memref<1x128x64xf32, #tpu.memory_space<vmem>> -> memref<128x64xf32, #tpu.memory_space<vmem>>
    %dma_wait3A_509 = arith.constant 0 : i32
    %dma_wait3A_510 = tpu.memref_slice %arg7[%dma_wait3A_504, %dma_wait3A_509] : memref<160x128xi32, #tpu.memory_space<vmem>> -> memref<1x128xi32, #tpu.memory_space<vmem>>
    %dma_wait3A_511 = tpu.memref_squeeze %dma_wait3A_510 : memref<1x128xi32, #tpu.memory_space<vmem>> -> memref<128xi32, #tpu.memory_space<vmem>>
    %dma_wait3A_512 = arith.constant 0 : i32
    %dma_wait3A_513 = arith.constant 0 : i32
    %dma_wait3A_514 = tpu.memref_slice %arg9[%dma_wait3A_512, %dma_wait3A_513] : memref<10240x64xf32, #tpu.memory_space<vmem_shared>> -> memref<10240x64xf32, #tpu.memory_space<vmem_shared>>
    tpu.wait_indirect_dma semaphore(%arg13 : memref<!tpu.dma_semaphore, #tpu.memory_space<semaphore_mem>>) src(%dma_wait3A_508 : memref<128x64xf32, #tpu.memory_space<vmem>>) dst(%dma_wait3A_514 : memref<10240x64xf32, #tpu.memory_space<vmem_shared>>)
    %barrier3A_515 = arith.constant 0 : index
    tpu.barrier barrier_id(%barrier3A_515)
    %mul3A_516 = arith.constant 640 : i32
    %mul3A_517 = arith.muli %arg1, %mul3A_516 : i32
    %mul3A_518 = arith.constant 640 : i32
    %mul3A_519 = arith.muli %arg1, %mul3A_518 : i32
    "tpu.region"() ({
      %run_scoped3A_520 = tpu.sem_alloc : memref<!tpu.dma_semaphore, #tpu.memory_space<semaphore_mem>>
      %dma_start3A_521 = arith.constant 0 : i32
      %dma_start3A_522 = tpu.memref_slice %arg5[%arg0, %mul3A_519, %dma_start3A_521] : memref<2x10240x64xf32, #tpu.memory_space<hbm>> -> memref<1x640x64xf32, #tpu.memory_space<hbm>>
      %dma_start3A_523 = tpu.memref_squeeze %dma_start3A_522 : memref<1x640x64xf32, #tpu.memory_space<hbm>> -> memref<640x64xf32, #tpu.memory_space<hbm>>
      %dma_start3A_524 = arith.constant 0 : i32
      %dma_start3A_525 = tpu.memref_slice %arg9[%mul3A_517, %dma_start3A_524] : memref<10240x64xf32, #tpu.memory_space<vmem_shared>> -> memref<640x64xf32, #tpu.memory_space<vmem_shared>>
      tpu.enqueue_dma source(%dma_start3A_525 : memref<640x64xf32, #tpu.memory_space<vmem_shared>>) target(%dma_start3A_523 : memref<640x64xf32, #tpu.memory_space<hbm>>) target_semaphore(%run_scoped3A_520 : memref<!tpu.dma_semaphore, #tpu.memory_space<semaphore_mem>>)
      %dma_wait3A_526 = arith.constant 0 : i32
      %dma_wait3A_527 = tpu.memref_slice %arg5[%arg0, %mul3A_519, %dma_wait3A_526] : memref<2x10240x64xf32, #tpu.memory_space<hbm>> -> memref<1x640x64xf32, #tpu.memory_space<hbm>>
      %dma_wait3A_528 = tpu.memref_squeeze %dma_wait3A_527 : memref<1x640x64xf32, #tpu.memory_space<hbm>> -> memref<640x64xf32, #tpu.memory_space<hbm>>
      %dma_wait3A_529 = arith.constant 0 : i32
      %dma_wait3A_530 = tpu.memref_slice %arg9[%mul3A_517, %dma_wait3A_529] : memref<10240x64xf32, #tpu.memory_space<vmem_shared>> -> memref<640x64xf32, #tpu.memory_space<vmem_shared>>
      tpu.wait_dma2 semaphore(%run_scoped3A_520 : memref<!tpu.dma_semaphore, #tpu.memory_space<semaphore_mem>>) src(%dma_wait3A_530 : memref<640x64xf32, #tpu.memory_space<vmem_shared>>) dst(%dma_wait3A_528 : memref<640x64xf32, #tpu.memory_space<hbm>>)
      tpu.yield
    }) : () -> ()
    return
  }
}

#map = affine_map<(d0, d1) -> (0, 0)>
#map1 = affine_map<(d0, d1) -> (0, 0, 0)>
module attributes {stable_mosaic.version = 14 : i64} {
  func.func @k(%arg0: i32, %arg1: i32, %arg2: memref<2560x128xi32, #tpu.memory_space<hbm>>, %arg3: memref<2x10240x16xf32, #tpu.memory_space<hbm>>, %arg4: memref<80x128xi32, #tpu.memory_space<vmem>>, %arg5: memref<128x16xf32, #tpu.memory_space<vmem>>, %arg6: memref<128x16xf32, #tpu.memory_space<vmem>>, %arg7: memref<10240x16xf32, #tpu.memory_space<vmem_shared>>, %arg8: memref<!tpu.dma_semaphore, #tpu.memory_space<semaphore_mem>>) attributes {dimension_semantics = [#tpu.dimension_semantics<core_parallel>, #tpu.dimension_semantics<subcore_parallel>], iteration_bounds = array<i64: 2, 16>, scalar_prefetch = 0 : i64, scratch_operands = 5 : i64, tpu.core_type = #tpu.core_type<sc_vector_subcore>, window_params = [{transform_indices = #map}, {transform_indices = #map1}]} {
    %mul3A = arith.constant 16 : i32
    %mul3A_0 = arith.muli %arg0, %mul3A : i32
    %add3A = arith.addi %mul3A_0, %arg1 : i32
    %scan3A = arith.constant 0 : i32
    %scan3A_1 = arith.constant 0 : i32
    %scan3A_2 = arith.constant 128 : i32
    %scan3A_3 = arith.addi %scan3A_1, %scan3A_2 : i32
    %scan3A_4 = arith.constant 1 : i32
    scf.for %scan3A_45 = %scan3A_1 to %scan3A_3 step %scan3A_4  : i32 {
      %broadcast_in_dim3A = arith.constant 1.000000e+00 : f32
      %broadcast_in_dim3A_46 = vector.broadcast %broadcast_in_dim3A : f32 to vector<16xf32>
      %swap3A = arith.index_cast %scan3A_45 : i32 to index
      %swap3A_47 = arith.constant 0 : index
      %swap3A_48 = tpu.vector_load %arg5[%swap3A, %swap3A_47] {strides = array<i32>} : memref<128x16xf32, #tpu.memory_space<vmem>>, vector<1x16xf32>,
      %swap3A_49 = vector.shape_cast %swap3A_48 : vector<1x16xf32> to vector<16xf32>
      %swap3A_50 = vector.shape_cast %broadcast_in_dim3A_46 : vector<16xf32> to vector<1x16xf32>
      tpu.vector_store %arg5[%swap3A, %swap3A_47], %swap3A_50 {strides = array<i32>} : memref<128x16xf32, #tpu.memory_space<vmem>>, vector<1x16xf32>,
      %broadcast_in_dim3A_51 = arith.constant 0.000000e+00 : f32
      %broadcast_in_dim3A_52 = vector.broadcast %broadcast_in_dim3A_51 : f32 to vector<16xf32>
      %swap3A_53 = arith.index_cast %scan3A_45 : i32 to index
      %swap3A_54 = arith.constant 0 : index
      %swap3A_55 = tpu.vector_load %arg6[%swap3A_53, %swap3A_54] {strides = array<i32>} : memref<128x16xf32, #tpu.memory_space<vmem>>, vector<1x16xf32>,
      %swap3A_56 = vector.shape_cast %swap3A_55 : vector<1x16xf32> to vector<16xf32>
      %swap3A_57 = vector.shape_cast %broadcast_in_dim3A_52 : vector<16xf32> to vector<1x16xf32>
      tpu.vector_store %arg6[%swap3A_53, %swap3A_54], %swap3A_57 {strides = array<i32>} : memref<128x16xf32, #tpu.memory_space<vmem>>, vector<1x16xf32>,
    }
    %scan3A_5 = arith.constant 128 : i32
    %mul3A_6 = arith.constant 640 : i32
    %mul3A_7 = arith.muli %arg1, %mul3A_6 : i32
    %add3A_8 = arith.constant 0 : i32
    %add3A_9 = arith.addi %mul3A_7, %add3A_8 : i32
    "tpu.region"() ({
      %run_scoped3A = tpu.sem_alloc : memref<!tpu.dma_semaphore, #tpu.memory_space<semaphore_mem>>
      %dma_start3A = arith.constant 0 : i32
      %dma_start3A_45 = tpu.memref_slice %arg7[%add3A_9, %dma_start3A] : memref<10240x16xf32, #tpu.memory_space<vmem_shared>> -> memref<128x16xf32, #tpu.memory_space<vmem_shared>>
      %dma_start3A_46 = arith.constant 0 : i32
      %dma_start3A_47 = tpu.memref_slice %arg7[%add3A_9, %dma_start3A_46] : memref<10240x16xf32, #tpu.memory_space<vmem_shared>> -> memref<128x16xf32, #tpu.memory_space<vmem_shared>>
      tpu.enqueue_dma source(%arg6 : memref<128x16xf32, #tpu.memory_space<vmem>>) target(%dma_start3A_47 : memref<128x16xf32, #tpu.memory_space<vmem_shared>>) target_semaphore(%run_scoped3A : memref<!tpu.dma_semaphore, #tpu.memory_space<semaphore_mem>>)
      %dma_wait3A = arith.constant 0 : i32
      %dma_wait3A_48 = tpu.memref_slice %arg7[%add3A_9, %dma_wait3A] : memref<10240x16xf32, #tpu.memory_space<vmem_shared>> -> memref<128x16xf32, #tpu.memory_space<vmem_shared>>
      %dma_wait3A_49 = arith.constant 0 : i32
      %dma_wait3A_50 = tpu.memref_slice %arg7[%add3A_9, %dma_wait3A_49] : memref<10240x16xf32, #tpu.memory_space<vmem_shared>> -> memref<128x16xf32, #tpu.memory_space<vmem_shared>>
      tpu.wait_dma2 semaphore(%run_scoped3A : memref<!tpu.dma_semaphore, #tpu.memory_space<semaphore_mem>>) src(%arg6 : memref<128x16xf32, #tpu.memory_space<vmem>>) dst(%dma_wait3A_50 : memref<128x16xf32, #tpu.memory_space<vmem_shared>>)
      tpu.yield
    }) : () -> ()
    %mul3A_10 = arith.constant 640 : i32
    %mul3A_11 = arith.muli %arg1, %mul3A_10 : i32
    %add3A_12 = arith.constant 128 : i32
    %add3A_13 = arith.addi %mul3A_11, %add3A_12 : i32
    "tpu.region"() ({
      %run_scoped3A = tpu.sem_alloc : memref<!tpu.dma_semaphore, #tpu.memory_space<semaphore_mem>>
      %dma_start3A = arith.constant 0 : i32
      %dma_start3A_45 = tpu.memref_slice %arg7[%add3A_13, %dma_start3A] : memref<10240x16xf32, #tpu.memory_space<vmem_shared>> -> memref<128x16xf32, #tpu.memory_space<vmem_shared>>
      %dma_start3A_46 = arith.constant 0 : i32
      %dma_start3A_47 = tpu.memref_slice %arg7[%add3A_13, %dma_start3A_46] : memref<10240x16xf32, #tpu.memory_space<vmem_shared>> -> memref<128x16xf32, #tpu.memory_space<vmem_shared>>
      tpu.enqueue_dma source(%arg6 : memref<128x16xf32, #tpu.memory_space<vmem>>) target(%dma_start3A_47 : memref<128x16xf32, #tpu.memory_space<vmem_shared>>) target_semaphore(%run_scoped3A : memref<!tpu.dma_semaphore, #tpu.memory_space<semaphore_mem>>)
      %dma_wait3A = arith.constant 0 : i32
      %dma_wait3A_48 = tpu.memref_slice %arg7[%add3A_13, %dma_wait3A] : memref<10240x16xf32, #tpu.memory_space<vmem_shared>> -> memref<128x16xf32, #tpu.memory_space<vmem_shared>>
      %dma_wait3A_49 = arith.constant 0 : i32
      %dma_wait3A_50 = tpu.memref_slice %arg7[%add3A_13, %dma_wait3A_49] : memref<10240x16xf32, #tpu.memory_space<vmem_shared>> -> memref<128x16xf32, #tpu.memory_space<vmem_shared>>
      tpu.wait_dma2 semaphore(%run_scoped3A : memref<!tpu.dma_semaphore, #tpu.memory_space<semaphore_mem>>) src(%arg6 : memref<128x16xf32, #tpu.memory_space<vmem>>) dst(%dma_wait3A_50 : memref<128x16xf32, #tpu.memory_space<vmem_shared>>)
      tpu.yield
    }) : () -> ()
    %mul3A_14 = arith.constant 640 : i32
    %mul3A_15 = arith.muli %arg1, %mul3A_14 : i32
    %add3A_16 = arith.constant 256 : i32
    %add3A_17 = arith.addi %mul3A_15, %add3A_16 : i32
    "tpu.region"() ({
      %run_scoped3A = tpu.sem_alloc : memref<!tpu.dma_semaphore, #tpu.memory_space<semaphore_mem>>
      %dma_start3A = arith.constant 0 : i32
      %dma_start3A_45 = tpu.memref_slice %arg7[%add3A_17, %dma_start3A] : memref<10240x16xf32, #tpu.memory_space<vmem_shared>> -> memref<128x16xf32, #tpu.memory_space<vmem_shared>>
      %dma_start3A_46 = arith.constant 0 : i32
      %dma_start3A_47 = tpu.memref_slice %arg7[%add3A_17, %dma_start3A_46] : memref<10240x16xf32, #tpu.memory_space<vmem_shared>> -> memref<128x16xf32, #tpu.memory_space<vmem_shared>>
      tpu.enqueue_dma source(%arg6 : memref<128x16xf32, #tpu.memory_space<vmem>>) target(%dma_start3A_47 : memref<128x16xf32, #tpu.memory_space<vmem_shared>>) target_semaphore(%run_scoped3A : memref<!tpu.dma_semaphore, #tpu.memory_space<semaphore_mem>>)
      %dma_wait3A = arith.constant 0 : i32
      %dma_wait3A_48 = tpu.memref_slice %arg7[%add3A_17, %dma_wait3A] : memref<10240x16xf32, #tpu.memory_space<vmem_shared>> -> memref<128x16xf32, #tpu.memory_space<vmem_shared>>
      %dma_wait3A_49 = arith.constant 0 : i32
      %dma_wait3A_50 = tpu.memref_slice %arg7[%add3A_17, %dma_wait3A_49] : memref<10240x16xf32, #tpu.memory_space<vmem_shared>> -> memref<128x16xf32, #tpu.memory_space<vmem_shared>>
      tpu.wait_dma2 semaphore(%run_scoped3A : memref<!tpu.dma_semaphore, #tpu.memory_space<semaphore_mem>>) src(%arg6 : memref<128x16xf32, #tpu.memory_space<vmem>>) dst(%dma_wait3A_50 : memref<128x16xf32, #tpu.memory_space<vmem_shared>>)
      tpu.yield
    }) : () -> ()
    %mul3A_18 = arith.constant 640 : i32
    %mul3A_19 = arith.muli %arg1, %mul3A_18 : i32
    %add3A_20 = arith.constant 384 : i32
    %add3A_21 = arith.addi %mul3A_19, %add3A_20 : i32
    "tpu.region"() ({
      %run_scoped3A = tpu.sem_alloc : memref<!tpu.dma_semaphore, #tpu.memory_space<semaphore_mem>>
      %dma_start3A = arith.constant 0 : i32
      %dma_start3A_45 = tpu.memref_slice %arg7[%add3A_21, %dma_start3A] : memref<10240x16xf32, #tpu.memory_space<vmem_shared>> -> memref<128x16xf32, #tpu.memory_space<vmem_shared>>
      %dma_start3A_46 = arith.constant 0 : i32
      %dma_start3A_47 = tpu.memref_slice %arg7[%add3A_21, %dma_start3A_46] : memref<10240x16xf32, #tpu.memory_space<vmem_shared>> -> memref<128x16xf32, #tpu.memory_space<vmem_shared>>
      tpu.enqueue_dma source(%arg6 : memref<128x16xf32, #tpu.memory_space<vmem>>) target(%dma_start3A_47 : memref<128x16xf32, #tpu.memory_space<vmem_shared>>) target_semaphore(%run_scoped3A : memref<!tpu.dma_semaphore, #tpu.memory_space<semaphore_mem>>)
      %dma_wait3A = arith.constant 0 : i32
      %dma_wait3A_48 = tpu.memref_slice %arg7[%add3A_21, %dma_wait3A] : memref<10240x16xf32, #tpu.memory_space<vmem_shared>> -> memref<128x16xf32, #tpu.memory_space<vmem_shared>>
      %dma_wait3A_49 = arith.constant 0 : i32
      %dma_wait3A_50 = tpu.memref_slice %arg7[%add3A_21, %dma_wait3A_49] : memref<10240x16xf32, #tpu.memory_space<vmem_shared>> -> memref<128x16xf32, #tpu.memory_space<vmem_shared>>
      tpu.wait_dma2 semaphore(%run_scoped3A : memref<!tpu.dma_semaphore, #tpu.memory_space<semaphore_mem>>) src(%arg6 : memref<128x16xf32, #tpu.memory_space<vmem>>) dst(%dma_wait3A_50 : memref<128x16xf32, #tpu.memory_space<vmem_shared>>)
      tpu.yield
    }) : () -> ()
    %mul3A_22 = arith.constant 640 : i32
    %mul3A_23 = arith.muli %arg1, %mul3A_22 : i32
    %add3A_24 = arith.constant 512 : i32
    %add3A_25 = arith.addi %mul3A_23, %add3A_24 : i32
    "tpu.region"() ({
      %run_scoped3A = tpu.sem_alloc : memref<!tpu.dma_semaphore, #tpu.memory_space<semaphore_mem>>
      %dma_start3A = arith.constant 0 : i32
      %dma_start3A_45 = tpu.memref_slice %arg7[%add3A_25, %dma_start3A] : memref<10240x16xf32, #tpu.memory_space<vmem_shared>> -> memref<128x16xf32, #tpu.memory_space<vmem_shared>>
      %dma_start3A_46 = arith.constant 0 : i32
      %dma_start3A_47 = tpu.memref_slice %arg7[%add3A_25, %dma_start3A_46] : memref<10240x16xf32, #tpu.memory_space<vmem_shared>> -> memref<128x16xf32, #tpu.memory_space<vmem_shared>>
      tpu.enqueue_dma source(%arg6 : memref<128x16xf32, #tpu.memory_space<vmem>>) target(%dma_start3A_47 : memref<128x16xf32, #tpu.memory_space<vmem_shared>>) target_semaphore(%run_scoped3A : memref<!tpu.dma_semaphore, #tpu.memory_space<semaphore_mem>>)
      %dma_wait3A = arith.constant 0 : i32
      %dma_wait3A_48 = tpu.memref_slice %arg7[%add3A_25, %dma_wait3A] : memref<10240x16xf32, #tpu.memory_space<vmem_shared>> -> memref<128x16xf32, #tpu.memory_space<vmem_shared>>
      %dma_wait3A_49 = arith.constant 0 : i32
      %dma_wait3A_50 = tpu.memref_slice %arg7[%add3A_25, %dma_wait3A_49] : memref<10240x16xf32, #tpu.memory_space<vmem_shared>> -> memref<128x16xf32, #tpu.memory_space<vmem_shared>>
      tpu.wait_dma2 semaphore(%run_scoped3A : memref<!tpu.dma_semaphore, #tpu.memory_space<semaphore_mem>>) src(%arg6 : memref<128x16xf32, #tpu.memory_space<vmem>>) dst(%dma_wait3A_50 : memref<128x16xf32, #tpu.memory_space<vmem_shared>>)
      tpu.yield
    }) : () -> ()
    %mul3A_26 = arith.constant 80 : i32
    %mul3A_27 = arith.muli %add3A, %mul3A_26 : i32
    "tpu.region"() ({
      %run_scoped3A = tpu.sem_alloc : memref<!tpu.dma_semaphore, #tpu.memory_space<semaphore_mem>>
      %dma_start3A = arith.constant 0 : i32
      %dma_start3A_45 = tpu.memref_slice %arg2[%mul3A_27, %dma_start3A] : memref<2560x128xi32, #tpu.memory_space<hbm>> -> memref<80x128xi32, #tpu.memory_space<hbm>>
      %dma_start3A_46 = arith.constant 0 : i32
      %dma_start3A_47 = tpu.memref_slice %arg2[%mul3A_27, %dma_start3A_46] : memref<2560x128xi32, #tpu.memory_space<hbm>> -> memref<80x128xi32, #tpu.memory_space<hbm>>
      tpu.enqueue_dma source(%dma_start3A_47 : memref<80x128xi32, #tpu.memory_space<hbm>>) target(%arg4 : memref<80x128xi32, #tpu.memory_space<vmem>>) target_semaphore(%run_scoped3A : memref<!tpu.dma_semaphore, #tpu.memory_space<semaphore_mem>>)
      %dma_wait3A = arith.constant 0 : i32
      %dma_wait3A_48 = tpu.memref_slice %arg2[%mul3A_27, %dma_wait3A] : memref<2560x128xi32, #tpu.memory_space<hbm>> -> memref<80x128xi32, #tpu.memory_space<hbm>>
      %dma_wait3A_49 = arith.constant 0 : i32
      %dma_wait3A_50 = tpu.memref_slice %arg2[%mul3A_27, %dma_wait3A_49] : memref<2560x128xi32, #tpu.memory_space<hbm>> -> memref<80x128xi32, #tpu.memory_space<hbm>>
      tpu.wait_dma2 semaphore(%run_scoped3A : memref<!tpu.dma_semaphore, #tpu.memory_space<semaphore_mem>>) src(%dma_wait3A_50 : memref<80x128xi32, #tpu.memory_space<hbm>>) dst(%arg4 : memref<80x128xi32, #tpu.memory_space<vmem>>)
      tpu.yield
    }) : () -> ()
    %barrier3A = arith.constant 0 : index
    tpu.barrier barrier_id(%barrier3A)
    %scan3A_28 = arith.constant 0 : i32
    %scan3A_29 = arith.constant 0 : i32
    %scan3A_30 = arith.constant 80 : i32
    %scan3A_31 = arith.addi %scan3A_29, %scan3A_30 : i32
    %scan3A_32 = arith.constant 1 : i32
    scf.for %scan3A_45 = %scan3A_29 to %scan3A_31 step %scan3A_32  : i32 {
      %dma_start3A = arith.constant 0 : i32
      %dma_start3A_46 = tpu.memref_slice %arg4[%scan3A_45, %dma_start3A] : memref<80x128xi32, #tpu.memory_space<vmem>> -> memref<1x128xi32, #tpu.memory_space<vmem>>
      %dma_start3A_47 = tpu.memref_squeeze %dma_start3A_46 : memref<1x128xi32, #tpu.memory_space<vmem>> -> memref<128xi32, #tpu.memory_space<vmem>>
      %dma_start3A_48 = arith.constant 0 : i32
      %dma_start3A_49 = arith.constant 0 : i32
      %dma_start3A_50 = tpu.memref_slice %arg7[%dma_start3A_48, %dma_start3A_49] : memref<10240x16xf32, #tpu.memory_space<vmem_shared>> -> memref<10240x16xf32, #tpu.memory_space<vmem_shared>>
      tpu.enqueue_indirect_dma source(%arg5 : memref<128x16xf32, #tpu.memory_space<vmem>>) target(%dma_start3A_50 : memref<10240x16xf32, #tpu.memory_space<vmem_shared>>) offsets(%dma_start3A_47 : memref<128xi32, #tpu.memory_space<vmem>>) semaphore(%arg8 : memref<!tpu.dma_semaphore, #tpu.memory_space<semaphore_mem>>) {add = true}
    }
    %scan3A_33 = arith.constant 80 : i32
    %scan3A_34 = arith.constant 0 : i32
    %scan3A_35 = arith.constant 0 : i32
    %scan3A_36 = arith.constant 80 : i32
    %scan3A_37 = arith.addi %scan3A_35, %scan3A_36 : i32
    %scan3A_38 = arith.constant 1 : i32
    scf.for %scan3A_45 = %scan3A_35 to %scan3A_37 step %scan3A_38  : i32 {
      %dma_wait3A = arith.constant 0 : i32
      %dma_wait3A_46 = tpu.memref_slice %arg4[%scan3A_45, %dma_wait3A] : memref<80x128xi32, #tpu.memory_space<vmem>> -> memref<1x128xi32, #tpu.memory_space<vmem>>
      %dma_wait3A_47 = tpu.memref_squeeze %dma_wait3A_46 : memref<1x128xi32, #tpu.memory_space<vmem>> -> memref<128xi32, #tpu.memory_space<vmem>>
      %dma_wait3A_48 = arith.constant 0 : i32
      %dma_wait3A_49 = arith.constant 0 : i32
      %dma_wait3A_50 = tpu.memref_slice %arg7[%dma_wait3A_48, %dma_wait3A_49] : memref<10240x16xf32, #tpu.memory_space<vmem_shared>> -> memref<10240x16xf32, #tpu.memory_space<vmem_shared>>
      tpu.wait_indirect_dma semaphore(%arg8 : memref<!tpu.dma_semaphore, #tpu.memory_space<semaphore_mem>>) src(%arg5 : memref<128x16xf32, #tpu.memory_space<vmem>>) dst(%dma_wait3A_50 : memref<10240x16xf32, #tpu.memory_space<vmem_shared>>)
    }
    %scan3A_39 = arith.constant 80 : i32
    %barrier3A_40 = arith.constant 0 : index
    tpu.barrier barrier_id(%barrier3A_40)
    %mul3A_41 = arith.constant 640 : i32
    %mul3A_42 = arith.muli %arg1, %mul3A_41 : i32
    %mul3A_43 = arith.constant 640 : i32
    %mul3A_44 = arith.muli %arg1, %mul3A_43 : i32
    "tpu.region"() ({
      %run_scoped3A = tpu.sem_alloc : memref<!tpu.dma_semaphore, #tpu.memory_space<semaphore_mem>>
      %dma_start3A = arith.constant 0 : i32
      %dma_start3A_45 = tpu.memref_slice %arg3[%arg0, %mul3A_44, %dma_start3A] : memref<2x10240x16xf32, #tpu.memory_space<hbm>> -> memref<1x640x16xf32, #tpu.memory_space<hbm>>
      %dma_start3A_46 = tpu.memref_squeeze %dma_start3A_45 : memref<1x640x16xf32, #tpu.memory_space<hbm>> -> memref<640x16xf32, #tpu.memory_space<hbm>>
      %dma_start3A_47 = arith.constant 0 : i32
      %dma_start3A_48 = tpu.memref_slice %arg7[%mul3A_42, %dma_start3A_47] : memref<10240x16xf32, #tpu.memory_space<vmem_shared>> -> memref<640x16xf32, #tpu.memory_space<vmem_shared>>
      tpu.enqueue_dma source(%dma_start3A_48 : memref<640x16xf32, #tpu.memory_space<vmem_shared>>) target(%dma_start3A_46 : memref<640x16xf32, #tpu.memory_space<hbm>>) target_semaphore(%run_scoped3A : memref<!tpu.dma_semaphore, #tpu.memory_space<semaphore_mem>>)
      %dma_wait3A = arith.constant 0 : i32
      %dma_wait3A_49 = tpu.memref_slice %arg3[%arg0, %mul3A_44, %dma_wait3A] : memref<2x10240x16xf32, #tpu.memory_space<hbm>> -> memref<1x640x16xf32, #tpu.memory_space<hbm>>
      %dma_wait3A_50 = tpu.memref_squeeze %dma_wait3A_49 : memref<1x640x16xf32, #tpu.memory_space<hbm>> -> memref<640x16xf32, #tpu.memory_space<hbm>>
      %dma_wait3A_51 = arith.constant 0 : i32
      %dma_wait3A_52 = tpu.memref_slice %arg7[%mul3A_42, %dma_wait3A_51] : memref<10240x16xf32, #tpu.memory_space<vmem_shared>> -> memref<640x16xf32, #tpu.memory_space<vmem_shared>>
      tpu.wait_dma2 semaphore(%run_scoped3A : memref<!tpu.dma_semaphore, #tpu.memory_space<semaphore_mem>>) src(%dma_wait3A_52 : memref<640x16xf32, #tpu.memory_space<vmem_shared>>) dst(%dma_wait3A_50 : memref<640x16xf32, #tpu.memory_space<hbm>>)
      tpu.yield
    }) : () -> ()
    return
  }
}

#map = affine_map<(d0, d1) -> (0, 0)>
#map1 = affine_map<(d0, d1) -> (0, 0, 0)>
module attributes {stable_mosaic.version = 14 : i64} {
  func.func @k(%arg0: i32, %arg1: i32, %arg2: memref<20480x64xf32, #tpu.memory_space<hbm>>, %arg3: memref<2x2560x128xi32, #tpu.memory_space<hbm>>, %arg4: memref<2560x128xi32, #tpu.memory_space<hbm>>, %arg5: memref<2x10240x64xf32, #tpu.memory_space<hbm>>, %arg6: memref<160x128xi32, #tpu.memory_space<vmem>>, %arg7: memref<160x128xi32, #tpu.memory_space<vmem>>, %arg8: memref<6x128x64xf32, #tpu.memory_space<vmem>>, %arg9: memref<10240x64xf32, #tpu.memory_space<vmem_shared>>, %arg10: memref<!tpu.dma_semaphore, #tpu.memory_space<semaphore_mem>>, %arg11: memref<!tpu.dma_semaphore, #tpu.memory_space<semaphore_mem>>, %arg12: memref<!tpu.dma_semaphore, #tpu.memory_space<semaphore_mem>>, %arg13: memref<!tpu.dma_semaphore, #tpu.memory_space<semaphore_mem>>, %arg14: memref<!tpu.dma_semaphore, #tpu.memory_space<semaphore_mem>>, %arg15: memref<!tpu.dma_semaphore, #tpu.memory_space<semaphore_mem>>) attributes {dimension_semantics = [#tpu.dimension_semantics<core_parallel>, #tpu.dimension_semantics<subcore_parallel>], iteration_bounds = array<i64: 2, 16>, scalar_prefetch = 0 : i64, scratch_operands = 10 : i64, tpu.core_type = #tpu.core_type<sc_vector_subcore>, window_params = [{transform_indices = #map}, {transform_indices = #map1}, {transform_indices = #map}, {transform_indices = #map1}]} {
    %scan3A = arith.constant 0 : i32
    %scan3A_0 = arith.constant 0 : i32
    %scan3A_1 = arith.constant 128 : i32
    %scan3A_2 = arith.addi %scan3A_0, %scan3A_1 : i32
    %scan3A_3 = arith.constant 1 : i32
    scf.for %scan3A_520 = %scan3A_0 to %scan3A_2 step %scan3A_3  : i32 {
      %broadcast_in_dim3A = arith.constant 0.000000e+00 : f32
      %broadcast_in_dim3A_521 = vector.broadcast %broadcast_in_dim3A : f32 to vector<16xf32>
      %swap3A = arith.constant 0 : i32
      %swap3A_522 = arith.index_cast %swap3A : i32 to index
      %swap3A_523 = arith.index_cast %scan3A_520 : i32 to index
      %swap3A_524 = arith.constant 0 : index
      %swap3A_525 = tpu.vector_load %arg8[%swap3A_522, %swap3A_523, %swap3A_524] {strides = array<i32>} : memref<6x128x64xf32, #tpu.memory_space<vmem>>, vector<1x1x16xf32>,
      %swap3A_526 = vector.shape_cast %swap3A_525 : vector<1x1x16xf32> to vector<16xf32>
      %swap3A_527 = vector.shape_cast %broadcast_in_dim3A_521 : vector<16xf32> to vector<1x1x16xf32>
      tpu.vector_store %arg8[%swap3A_522, %swap3A_523, %swap3A_524], %swap3A_527 {strides = array<i32>} : memref<6x128x64xf32, #tpu.memory_space<vmem>>, vector<1x1x16xf32>,
      %broadcast_in_dim3A_528 = arith.constant 0.000000e+00 : f32
      %broadcast_in_dim3A_529 = vector.broadcast %broadcast_in_dim3A_528 : f32 to vector<16xf32>
      %swap3A_530 = arith.constant 0 : i32
      %swap3A_531 = arith.index_cast %swap3A_530 : i32 to index
      %swap3A_532 = arith.index_cast %scan3A_520 : i32 to index
      %swap3A_533 = arith.constant 16 : index
      %swap3A_534 = tpu.vector_load %arg8[%swap3A_531, %swap3A_532, %swap3A_533] {strides = array<i32>} : memref<6x128x64xf32, #tpu.memory_space<vmem>>, vector<1x1x16xf32>,
      %swap3A_535 = vector.shape_cast %swap3A_534 : vector<1x1x16xf32> to vector<16xf32>
      %swap3A_536 = vector.shape_cast %broadcast_in_dim3A_529 : vector<16xf32> to vector<1x1x16xf32>
      tpu.vector_store %arg8[%swap3A_531, %swap3A_532, %swap3A_533], %swap3A_536 {strides = array<i32>} : memref<6x128x64xf32, #tpu.memory_space<vmem>>, vector<1x1x16xf32>,
      %broadcast_in_dim3A_537 = arith.constant 0.000000e+00 : f32
      %broadcast_in_dim3A_538 = vector.broadcast %broadcast_in_dim3A_537 : f32 to vector<16xf32>
      %swap3A_539 = arith.constant 0 : i32
      %swap3A_540 = arith.index_cast %swap3A_539 : i32 to index
      %swap3A_541 = arith.index_cast %scan3A_520 : i32 to index
      %swap3A_542 = arith.constant 32 : index
      %swap3A_543 = tpu.vector_load %arg8[%swap3A_540, %swap3A_541, %swap3A_542] {strides = array<i32>} : memref<6x128x64xf32, #tpu.memory_space<vmem>>, vector<1x1x16xf32>,
      %swap3A_544 = vector.shape_cast %swap3A_543 : vector<1x1x16xf32> to vector<16xf32>
      %swap3A_545 = vector.shape_cast %broadcast_in_dim3A_538 : vector<16xf32> to vector<1x1x16xf32>
      tpu.vector_store %arg8[%swap3A_540, %swap3A_541, %swap3A_542], %swap3A_545 {strides = array<i32>} : memref<6x128x64xf32, #tpu.memory_space<vmem>>, vector<1x1x16xf32>,
      %broadcast_in_dim3A_546 = arith.constant 0.000000e+00 : f32
      %broadcast_in_dim3A_547 = vector.broadcast %broadcast_in_dim3A_546 : f32 to vector<16xf32>
      %swap3A_548 = arith.constant 0 : i32
      %swap3A_549 = arith.index_cast %swap3A_548 : i32 to index
      %swap3A_550 = arith.index_cast %scan3A_520 : i32 to index
      %swap3A_551 = arith.constant 48 : index
      %swap3A_552 = tpu.vector_load %arg8[%swap3A_549, %swap3A_550, %swap3A_551] {strides = array<i32>} : memref<6x128x64xf32, #tpu.memory_space<vmem>>, vector<1x1x16xf32>,
      %swap3A_553 = vector.shape_cast %swap3A_552 : vector<1x1x16xf32> to vector<16xf32>
      %swap3A_554 = vector.shape_cast %broadcast_in_dim3A_547 : vector<16xf32> to vector<1x1x16xf32>
      tpu.vector_store %arg8[%swap3A_549, %swap3A_550, %swap3A_551], %swap3A_554 {strides = array<i32>} : memref<6x128x64xf32, #tpu.memory_space<vmem>>, vector<1x1x16xf32>,
    }
    %scan3A_4 = arith.constant 128 : i32
    %mul3A = arith.constant 640 : i32
    %mul3A_5 = arith.muli %arg1, %mul3A : i32
    %add3A = arith.constant 0 : i32
    %add3A_6 = arith.addi %mul3A_5, %add3A : i32
    %run_scoped3A = arith.constant 0 : i32
    "tpu.region"() ({
      %run_scoped3A_520 = tpu.sem_alloc : memref<!tpu.dma_semaphore, #tpu.memory_space<semaphore_mem>>
      %dma_start3A_521 = arith.constant 0 : i32
      %dma_start3A_522 = arith.constant 0 : i32
      %dma_start3A_523 = tpu.memref_slice %arg8[%run_scoped3A, %dma_start3A_521, %dma_start3A_522] : memref<6x128x64xf32, #tpu.memory_space<vmem>> -> memref<1x128x64xf32, #tpu.memory_space<vmem>>
      %dma_start3A_524 = tpu.memref_squeeze %dma_start3A_523 : memref<1x128x64xf32, #tpu.memory_space<vmem>> -> memref<128x64xf32, #tpu.memory_space<vmem>>
      %dma_start3A_525 = arith.constant 0 : i32
      %dma_start3A_526 = tpu.memref_slice %arg9[%add3A_6, %dma_start3A_525] : memref<10240x64xf32, #tpu.memory_space<vmem_shared>> -> memref<128x64xf32, #tpu.memory_space<vmem_shared>>
      %dma_start3A_527 = arith.constant 0 : i32
      %dma_start3A_528 = tpu.memref_slice %arg9[%add3A_6, %dma_start3A_527] : memref<10240x64xf32, #tpu.memory_space<vmem_shared>> -> memref<128x64xf32, #tpu.memory_space<vmem_shared>>
      %dma_start3A_529 = arith.constant 0 : i32
      %dma_start3A_530 = arith.constant 0 : i32
      %dma_start3A_531 = tpu.memref_slice %arg8[%run_scoped3A, %dma_start3A_529, %dma_start3A_530] : memref<6x128x64xf32, #tpu.memory_space<vmem>> -> memref<1x128x64xf32, #tpu.memory_space<vmem>>
      %dma_start3A_532 = tpu.memref_squeeze %dma_start3A_531 : memref<1x128x64xf32, #tpu.memory_space<vmem>> -> memref<128x64xf32, #tpu.memory_space<vmem>>
      tpu.enqueue_dma source(%dma_start3A_532 : memref<128x64xf32, #tpu.memory_space<vmem>>) target(%dma_start3A_528 : memref<128x64xf32, #tpu.memory_space<vmem_shared>>) target_semaphore(%run_scoped3A_520 : memref<!tpu.dma_semaphore, #tpu.memory_space<semaphore_mem>>)
      %dma_wait3A_533 = arith.constant 0 : i32
      %dma_wait3A_534 = arith.constant 0 : i32
      %dma_wait3A_535 = tpu.memref_slice %arg8[%run_scoped3A, %dma_wait3A_533, %dma_wait3A_534] : memref<6x128x64xf32, #tpu.memory_space<vmem>> -> memref<1x128x64xf32, #tpu.memory_space<vmem>>
      %dma_wait3A_536 = tpu.memref_squeeze %dma_wait3A_535 : memref<1x128x64xf32, #tpu.memory_space<vmem>> -> memref<128x64xf32, #tpu.memory_space<vmem>>
      %dma_wait3A_537 = arith.constant 0 : i32
      %dma_wait3A_538 = tpu.memref_slice %arg9[%add3A_6, %dma_wait3A_537] : memref<10240x64xf32, #tpu.memory_space<vmem_shared>> -> memref<128x64xf32, #tpu.memory_space<vmem_shared>>
      %dma_wait3A_539 = arith.constant 0 : i32
      %dma_wait3A_540 = tpu.memref_slice %arg9[%add3A_6, %dma_wait3A_539] : memref<10240x64xf32, #tpu.memory_space<vmem_shared>> -> memref<128x64xf32, #tpu.memory_space<vmem_shared>>
      %dma_wait3A_541 = arith.constant 0 : i32
      %dma_wait3A_542 = arith.constant 0 : i32
      %dma_wait3A_543 = tpu.memref_slice %arg8[%run_scoped3A, %dma_wait3A_541, %dma_wait3A_542] : memref<6x128x64xf32, #tpu.memory_space<vmem>> -> memref<1x128x64xf32, #tpu.memory_space<vmem>>
      %dma_wait3A_544 = tpu.memref_squeeze %dma_wait3A_543 : memref<1x128x64xf32, #tpu.memory_space<vmem>> -> memref<128x64xf32, #tpu.memory_space<vmem>>
      tpu.wait_dma2 semaphore(%run_scoped3A_520 : memref<!tpu.dma_semaphore, #tpu.memory_space<semaphore_mem>>) src(%dma_wait3A_544 : memref<128x64xf32, #tpu.memory_space<vmem>>) dst(%dma_wait3A_540 : memref<128x64xf32, #tpu.memory_space<vmem_shared>>)
      tpu.yield
    }) : () -> ()
    %mul3A_7 = arith.constant 640 : i32
    %mul3A_8 = arith.muli %arg1, %mul3A_7 : i32
    %add3A_9 = arith.constant 128 : i32
    %add3A_10 = arith.addi %mul3A_8, %add3A_9 : i32
    %run_scoped3A_11 = arith.constant 0 : i32
    "tpu.region"() ({
      %run_scoped3A_520 = tpu.sem_alloc : memref<!tpu.dma_semaphore, #tpu.memory_space<semaphore_mem>>
      %dma_start3A_521 = arith.constant 0 : i32
      %dma_start3A_522 = arith.constant 0 : i32
      %dma_start3A_523 = tpu.memref_slice %arg8[%run_scoped3A_11, %dma_start3A_521, %dma_start3A_522] : memref<6x128x64xf32, #tpu.memory_space<vmem>> -> memref<1x128x64xf32, #tpu.memory_space<vmem>>
      %dma_start3A_524 = tpu.memref_squeeze %dma_start3A_523 : memref<1x128x64xf32, #tpu.memory_space<vmem>> -> memref<128x64xf32, #tpu.memory_space<vmem>>
      %dma_start3A_525 = arith.constant 0 : i32
      %dma_start3A_526 = tpu.memref_slice %arg9[%add3A_10, %dma_start3A_525] : memref<10240x64xf32, #tpu.memory_space<vmem_shared>> -> memref<128x64xf32, #tpu.memory_space<vmem_shared>>
      %dma_start3A_527 = arith.constant 0 : i32
      %dma_start3A_528 = tpu.memref_slice %arg9[%add3A_10, %dma_start3A_527] : memref<10240x64xf32, #tpu.memory_space<vmem_shared>> -> memref<128x64xf32, #tpu.memory_space<vmem_shared>>
      %dma_start3A_529 = arith.constant 0 : i32
      %dma_start3A_530 = arith.constant 0 : i32
      %dma_start3A_531 = tpu.memref_slice %arg8[%run_scoped3A_11, %dma_start3A_529, %dma_start3A_530] : memref<6x128x64xf32, #tpu.memory_space<vmem>> -> memref<1x128x64xf32, #tpu.memory_space<vmem>>
      %dma_start3A_532 = tpu.memref_squeeze %dma_start3A_531 : memref<1x128x64xf32, #tpu.memory_space<vmem>> -> memref<128x64xf32, #tpu.memory_space<vmem>>
      tpu.enqueue_dma source(%dma_start3A_532 : memref<128x64xf32, #tpu.memory_space<vmem>>) target(%dma_start3A_528 : memref<128x64xf32, #tpu.memory_space<vmem_shared>>) target_semaphore(%run_scoped3A_520 : memref<!tpu.dma_semaphore, #tpu.memory_space<semaphore_mem>>)
      %dma_wait3A_533 = arith.constant 0 : i32
      %dma_wait3A_534 = arith.constant 0 : i32
      %dma_wait3A_535 = tpu.memref_slice %arg8[%run_scoped3A_11, %dma_wait3A_533, %dma_wait3A_534] : memref<6x128x64xf32, #tpu.memory_space<vmem>> -> memref<1x128x64xf32, #tpu.memory_space<vmem>>
      %dma_wait3A_536 = tpu.memref_squeeze %dma_wait3A_535 : memref<1x128x64xf32, #tpu.memory_space<vmem>> -> memref<128x64xf32, #tpu.memory_space<vmem>>
      %dma_wait3A_537 = arith.constant 0 : i32
      %dma_wait3A_538 = tpu.memref_slice %arg9[%add3A_10, %dma_wait3A_537] : memref<10240x64xf32, #tpu.memory_space<vmem_shared>> -> memref<128x64xf32, #tpu.memory_space<vmem_shared>>
      %dma_wait3A_539 = arith.constant 0 : i32
      %dma_wait3A_540 = tpu.memref_slice %arg9[%add3A_10, %dma_wait3A_539] : memref<10240x64xf32, #tpu.memory_space<vmem_shared>> -> memref<128x64xf32, #tpu.memory_space<vmem_shared>>
      %dma_wait3A_541 = arith.constant 0 : i32
      %dma_wait3A_542 = arith.constant 0 : i32
      %dma_wait3A_543 = tpu.memref_slice %arg8[%run_scoped3A_11, %dma_wait3A_541, %dma_wait3A_542] : memref<6x128x64xf32, #tpu.memory_space<vmem>> -> memref<1x128x64xf32, #tpu.memory_space<vmem>>
      %dma_wait3A_544 = tpu.memref_squeeze %dma_wait3A_543 : memref<1x128x64xf32, #tpu.memory_space<vmem>> -> memref<128x64xf32, #tpu.memory_space<vmem>>
      tpu.wait_dma2 semaphore(%run_scoped3A_520 : memref<!tpu.dma_semaphore, #tpu.memory_space<semaphore_mem>>) src(%dma_wait3A_544 : memref<128x64xf32, #tpu.memory_space<vmem>>) dst(%dma_wait3A_540 : memref<128x64xf32, #tpu.memory_space<vmem_shared>>)
      tpu.yield
    }) : () -> ()
    %mul3A_12 = arith.constant 640 : i32
    %mul3A_13 = arith.muli %arg1, %mul3A_12 : i32
    %add3A_14 = arith.constant 256 : i32
    %add3A_15 = arith.addi %mul3A_13, %add3A_14 : i32
    %run_scoped3A_16 = arith.constant 0 : i32
    "tpu.region"() ({
      %run_scoped3A_520 = tpu.sem_alloc : memref<!tpu.dma_semaphore, #tpu.memory_space<semaphore_mem>>
      %dma_start3A_521 = arith.constant 0 : i32
      %dma_start3A_522 = arith.constant 0 : i32
      %dma_start3A_523 = tpu.memref_slice %arg8[%run_scoped3A_16, %dma_start3A_521, %dma_start3A_522] : memref<6x128x64xf32, #tpu.memory_space<vmem>> -> memref<1x128x64xf32, #tpu.memory_space<vmem>>
      %dma_start3A_524 = tpu.memref_squeeze %dma_start3A_523 : memref<1x128x64xf32, #tpu.memory_space<vmem>> -> memref<128x64xf32, #tpu.memory_space<vmem>>
      %dma_start3A_525 = arith.constant 0 : i32
      %dma_start3A_526 = tpu.memref_slice %arg9[%add3A_15, %dma_start3A_525] : memref<10240x64xf32, #tpu.memory_space<vmem_shared>> -> memref<128x64xf32, #tpu.memory_space<vmem_shared>>
      %dma_start3A_527 = arith.constant 0 : i32
      %dma_start3A_528 = tpu.memref_slice %arg9[%add3A_15, %dma_start3A_527] : memref<10240x64xf32, #tpu.memory_space<vmem_shared>> -> memref<128x64xf32, #tpu.memory_space<vmem_shared>>
      %dma_start3A_529 = arith.constant 0 : i32
      %dma_start3A_530 = arith.constant 0 : i32
      %dma_start3A_531 = tpu.memref_slice %arg8[%run_scoped3A_16, %dma_start3A_529, %dma_start3A_530] : memref<6x128x64xf32, #tpu.memory_space<vmem>> -> memref<1x128x64xf32, #tpu.memory_space<vmem>>
      %dma_start3A_532 = tpu.memref_squeeze %dma_start3A_531 : memref<1x128x64xf32, #tpu.memory_space<vmem>> -> memref<128x64xf32, #tpu.memory_space<vmem>>
      tpu.enqueue_dma source(%dma_start3A_532 : memref<128x64xf32, #tpu.memory_space<vmem>>) target(%dma_start3A_528 : memref<128x64xf32, #tpu.memory_space<vmem_shared>>) target_semaphore(%run_scoped3A_520 : memref<!tpu.dma_semaphore, #tpu.memory_space<semaphore_mem>>)
      %dma_wait3A_533 = arith.constant 0 : i32
      %dma_wait3A_534 = arith.constant 0 : i32
      %dma_wait3A_535 = tpu.memref_slice %arg8[%run_scoped3A_16, %dma_wait3A_533, %dma_wait3A_534] : memref<6x128x64xf32, #tpu.memory_space<vmem>> -> memref<1x128x64xf32, #tpu.memory_space<vmem>>
      %dma_wait3A_536 = tpu.memref_squeeze %dma_wait3A_535 : memref<1x128x64xf32, #tpu.memory_space<vmem>> -> memref<128x64xf32, #tpu.memory_space<vmem>>
      %dma_wait3A_537 = arith.constant 0 : i32
      %dma_wait3A_538 = tpu.memref_slice %arg9[%add3A_15, %dma_wait3A_537] : memref<10240x64xf32, #tpu.memory_space<vmem_shared>> -> memref<128x64xf32, #tpu.memory_space<vmem_shared>>
      %dma_wait3A_539 = arith.constant 0 : i32
      %dma_wait3A_540 = tpu.memref_slice %arg9[%add3A_15, %dma_wait3A_539] : memref<10240x64xf32, #tpu.memory_space<vmem_shared>> -> memref<128x64xf32, #tpu.memory_space<vmem_shared>>
      %dma_wait3A_541 = arith.constant 0 : i32
      %dma_wait3A_542 = arith.constant 0 : i32
      %dma_wait3A_543 = tpu.memref_slice %arg8[%run_scoped3A_16, %dma_wait3A_541, %dma_wait3A_542] : memref<6x128x64xf32, #tpu.memory_space<vmem>> -> memref<1x128x64xf32, #tpu.memory_space<vmem>>
      %dma_wait3A_544 = tpu.memref_squeeze %dma_wait3A_543 : memref<1x128x64xf32, #tpu.memory_space<vmem>> -> memref<128x64xf32, #tpu.memory_space<vmem>>
      tpu.wait_dma2 semaphore(%run_scoped3A_520 : memref<!tpu.dma_semaphore, #tpu.memory_space<semaphore_mem>>) src(%dma_wait3A_544 : memref<128x64xf32, #tpu.memory_space<vmem>>) dst(%dma_wait3A_540 : memref<128x64xf32, #tpu.memory_space<vmem_shared>>)
      tpu.yield
    }) : () -> ()
    %mul3A_17 = arith.constant 640 : i32
    %mul3A_18 = arith.muli %arg1, %mul3A_17 : i32
    %add3A_19 = arith.constant 384 : i32
    %add3A_20 = arith.addi %mul3A_18, %add3A_19 : i32
    %run_scoped3A_21 = arith.constant 0 : i32
    "tpu.region"() ({
      %run_scoped3A_520 = tpu.sem_alloc : memref<!tpu.dma_semaphore, #tpu.memory_space<semaphore_mem>>
      %dma_start3A_521 = arith.constant 0 : i32
      %dma_start3A_522 = arith.constant 0 : i32
      %dma_start3A_523 = tpu.memref_slice %arg8[%run_scoped3A_21, %dma_start3A_521, %dma_start3A_522] : memref<6x128x64xf32, #tpu.memory_space<vmem>> -> memref<1x128x64xf32, #tpu.memory_space<vmem>>
      %dma_start3A_524 = tpu.memref_squeeze %dma_start3A_523 : memref<1x128x64xf32, #tpu.memory_space<vmem>> -> memref<128x64xf32, #tpu.memory_space<vmem>>
      %dma_start3A_525 = arith.constant 0 : i32
      %dma_start3A_526 = tpu.memref_slice %arg9[%add3A_20, %dma_start3A_525] : memref<10240x64xf32, #tpu.memory_space<vmem_shared>> -> memref<128x64xf32, #tpu.memory_space<vmem_shared>>
      %dma_start3A_527 = arith.constant 0 : i32
      %dma_start3A_528 = tpu.memref_slice %arg9[%add3A_20, %dma_start3A_527] : memref<10240x64xf32, #tpu.memory_space<vmem_shared>> -> memref<128x64xf32, #tpu.memory_space<vmem_shared>>
      %dma_start3A_529 = arith.constant 0 : i32
      %dma_start3A_530 = arith.constant 0 : i32
      %dma_start3A_531 = tpu.memref_slice %arg8[%run_scoped3A_21, %dma_start3A_529, %dma_start3A_530] : memref<6x128x64xf32, #tpu.memory_space<vmem>> -> memref<1x128x64xf32, #tpu.memory_space<vmem>>
      %dma_start3A_532 = tpu.memref_squeeze %dma_start3A_531 : memref<1x128x64xf32, #tpu.memory_space<vmem>> -> memref<128x64xf32, #tpu.memory_space<vmem>>
      tpu.enqueue_dma source(%dma_start3A_532 : memref<128x64xf32, #tpu.memory_space<vmem>>) target(%dma_start3A_528 : memref<128x64xf32, #tpu.memory_space<vmem_shared>>) target_semaphore(%run_scoped3A_520 : memref<!tpu.dma_semaphore, #tpu.memory_space<semaphore_mem>>)
      %dma_wait3A_533 = arith.constant 0 : i32
      %dma_wait3A_534 = arith.constant 0 : i32
      %dma_wait3A_535 = tpu.memref_slice %arg8[%run_scoped3A_21, %dma_wait3A_533, %dma_wait3A_534] : memref<6x128x64xf32, #tpu.memory_space<vmem>> -> memref<1x128x64xf32, #tpu.memory_space<vmem>>
      %dma_wait3A_536 = tpu.memref_squeeze %dma_wait3A_535 : memref<1x128x64xf32, #tpu.memory_space<vmem>> -> memref<128x64xf32, #tpu.memory_space<vmem>>
      %dma_wait3A_537 = arith.constant 0 : i32
      %dma_wait3A_538 = tpu.memref_slice %arg9[%add3A_20, %dma_wait3A_537] : memref<10240x64xf32, #tpu.memory_space<vmem_shared>> -> memref<128x64xf32, #tpu.memory_space<vmem_shared>>
      %dma_wait3A_539 = arith.constant 0 : i32
      %dma_wait3A_540 = tpu.memref_slice %arg9[%add3A_20, %dma_wait3A_539] : memref<10240x64xf32, #tpu.memory_space<vmem_shared>> -> memref<128x64xf32, #tpu.memory_space<vmem_shared>>
      %dma_wait3A_541 = arith.constant 0 : i32
      %dma_wait3A_542 = arith.constant 0 : i32
      %dma_wait3A_543 = tpu.memref_slice %arg8[%run_scoped3A_21, %dma_wait3A_541, %dma_wait3A_542] : memref<6x128x64xf32, #tpu.memory_space<vmem>> -> memref<1x128x64xf32, #tpu.memory_space<vmem>>
      %dma_wait3A_544 = tpu.memref_squeeze %dma_wait3A_543 : memref<1x128x64xf32, #tpu.memory_space<vmem>> -> memref<128x64xf32, #tpu.memory_space<vmem>>
      tpu.wait_dma2 semaphore(%run_scoped3A_520 : memref<!tpu.dma_semaphore, #tpu.memory_space<semaphore_mem>>) src(%dma_wait3A_544 : memref<128x64xf32, #tpu.memory_space<vmem>>) dst(%dma_wait3A_540 : memref<128x64xf32, #tpu.memory_space<vmem_shared>>)
      tpu.yield
    }) : () -> ()
    %mul3A_22 = arith.constant 640 : i32
    %mul3A_23 = arith.muli %arg1, %mul3A_22 : i32
    %add3A_24 = arith.constant 512 : i32
    %add3A_25 = arith.addi %mul3A_23, %add3A_24 : i32
    %run_scoped3A_26 = arith.constant 0 : i32
    "tpu.region"() ({
      %run_scoped3A_520 = tpu.sem_alloc : memref<!tpu.dma_semaphore, #tpu.memory_space<semaphore_mem>>
      %dma_start3A_521 = arith.constant 0 : i32
      %dma_start3A_522 = arith.constant 0 : i32
      %dma_start3A_523 = tpu.memref_slice %arg8[%run_scoped3A_26, %dma_start3A_521, %dma_start3A_522] : memref<6x128x64xf32, #tpu.memory_space<vmem>> -> memref<1x128x64xf32, #tpu.memory_space<vmem>>
      %dma_start3A_524 = tpu.memref_squeeze %dma_start3A_523 : memref<1x128x64xf32, #tpu.memory_space<vmem>> -> memref<128x64xf32, #tpu.memory_space<vmem>>
      %dma_start3A_525 = arith.constant 0 : i32
      %dma_start3A_526 = tpu.memref_slice %arg9[%add3A_25, %dma_start3A_525] : memref<10240x64xf32, #tpu.memory_space<vmem_shared>> -> memref<128x64xf32, #tpu.memory_space<vmem_shared>>
      %dma_start3A_527 = arith.constant 0 : i32
      %dma_start3A_528 = tpu.memref_slice %arg9[%add3A_25, %dma_start3A_527] : memref<10240x64xf32, #tpu.memory_space<vmem_shared>> -> memref<128x64xf32, #tpu.memory_space<vmem_shared>>
      %dma_start3A_529 = arith.constant 0 : i32
      %dma_start3A_530 = arith.constant 0 : i32
      %dma_start3A_531 = tpu.memref_slice %arg8[%run_scoped3A_26, %dma_start3A_529, %dma_start3A_530] : memref<6x128x64xf32, #tpu.memory_space<vmem>> -> memref<1x128x64xf32, #tpu.memory_space<vmem>>
      %dma_start3A_532 = tpu.memref_squeeze %dma_start3A_531 : memref<1x128x64xf32, #tpu.memory_space<vmem>> -> memref<128x64xf32, #tpu.memory_space<vmem>>
      tpu.enqueue_dma source(%dma_start3A_532 : memref<128x64xf32, #tpu.memory_space<vmem>>) target(%dma_start3A_528 : memref<128x64xf32, #tpu.memory_space<vmem_shared>>) target_semaphore(%run_scoped3A_520 : memref<!tpu.dma_semaphore, #tpu.memory_space<semaphore_mem>>)
      %dma_wait3A_533 = arith.constant 0 : i32
      %dma_wait3A_534 = arith.constant 0 : i32
      %dma_wait3A_535 = tpu.memref_slice %arg8[%run_scoped3A_26, %dma_wait3A_533, %dma_wait3A_534] : memref<6x128x64xf32, #tpu.memory_space<vmem>> -> memref<1x128x64xf32, #tpu.memory_space<vmem>>
      %dma_wait3A_536 = tpu.memref_squeeze %dma_wait3A_535 : memref<1x128x64xf32, #tpu.memory_space<vmem>> -> memref<128x64xf32, #tpu.memory_space<vmem>>
      %dma_wait3A_537 = arith.constant 0 : i32
      %dma_wait3A_538 = tpu.memref_slice %arg9[%add3A_25, %dma_wait3A_537] : memref<10240x64xf32, #tpu.memory_space<vmem_shared>> -> memref<128x64xf32, #tpu.memory_space<vmem_shared>>
      %dma_wait3A_539 = arith.constant 0 : i32
      %dma_wait3A_540 = tpu.memref_slice %arg9[%add3A_25, %dma_wait3A_539] : memref<10240x64xf32, #tpu.memory_space<vmem_shared>> -> memref<128x64xf32, #tpu.memory_space<vmem_shared>>
      %dma_wait3A_541 = arith.constant 0 : i32
      %dma_wait3A_542 = arith.constant 0 : i32
      %dma_wait3A_543 = tpu.memref_slice %arg8[%run_scoped3A_26, %dma_wait3A_541, %dma_wait3A_542] : memref<6x128x64xf32, #tpu.memory_space<vmem>> -> memref<1x128x64xf32, #tpu.memory_space<vmem>>
      %dma_wait3A_544 = tpu.memref_squeeze %dma_wait3A_543 : memref<1x128x64xf32, #tpu.memory_space<vmem>> -> memref<128x64xf32, #tpu.memory_space<vmem>>
      tpu.wait_dma2 semaphore(%run_scoped3A_520 : memref<!tpu.dma_semaphore, #tpu.memory_space<semaphore_mem>>) src(%dma_wait3A_544 : memref<128x64xf32, #tpu.memory_space<vmem>>) dst(%dma_wait3A_540 : memref<128x64xf32, #tpu.memory_space<vmem_shared>>)
      tpu.yield
    }) : () -> ()
    %mul3A_27 = arith.constant 160 : i32
    %mul3A_28 = arith.muli %arg1, %mul3A_27 : i32
    "tpu.region"() ({
      %run_scoped3A_520 = tpu.sem_alloc : memref<!tpu.dma_semaphore, #tpu.memory_space<semaphore_mem>>
      %dma_start3A_521 = arith.constant 0 : i32
      %dma_start3A_522 = tpu.memref_slice %arg3[%arg0, %mul3A_28, %dma_start3A_521] : memref<2x2560x128xi32, #tpu.memory_space<hbm>> -> memref<1x160x128xi32, #tpu.memory_space<hbm>>
      %dma_start3A_523 = tpu.memref_squeeze %dma_start3A_522 : memref<1x160x128xi32, #tpu.memory_space<hbm>> -> memref<160x128xi32, #tpu.memory_space<hbm>>
      %dma_start3A_524 = arith.constant 0 : i32
      %dma_start3A_525 = tpu.memref_slice %arg3[%arg0, %mul3A_28, %dma_start3A_524] : memref<2x2560x128xi32, #tpu.memory_space<hbm>> -> memref<1x160x128xi32, #tpu.memory_space<hbm>>
      %dma_start3A_526 = tpu.memref_squeeze %dma_start3A_525 : memref<1x160x128xi32, #tpu.memory_space<hbm>> -> memref<160x128xi32, #tpu.memory_space<hbm>>
      tpu.enqueue_dma source(%dma_start3A_526 : memref<160x128xi32, #tpu.memory_space<hbm>>) target(%arg6 : memref<160x128xi32, #tpu.memory_space<vmem>>) target_semaphore(%run_scoped3A_520 : memref<!tpu.dma_semaphore, #tpu.memory_space<semaphore_mem>>)
      %dma_wait3A_527 = arith.constant 0 : i32
      %dma_wait3A_528 = tpu.memref_slice %arg3[%arg0, %mul3A_28, %dma_wait3A_527] : memref<2x2560x128xi32, #tpu.memory_space<hbm>> -> memref<1x160x128xi32, #tpu.memory_space<hbm>>
      %dma_wait3A_529 = tpu.memref_squeeze %dma_wait3A_528 : memref<1x160x128xi32, #tpu.memory_space<hbm>> -> memref<160x128xi32, #tpu.memory_space<hbm>>
      %dma_wait3A_530 = arith.constant 0 : i32
      %dma_wait3A_531 = tpu.memref_slice %arg3[%arg0, %mul3A_28, %dma_wait3A_530] : memref<2x2560x128xi32, #tpu.memory_space<hbm>> -> memref<1x160x128xi32, #tpu.memory_space<hbm>>
      %dma_wait3A_532 = tpu.memref_squeeze %dma_wait3A_531 : memref<1x160x128xi32, #tpu.memory_space<hbm>> -> memref<160x128xi32, #tpu.memory_space<hbm>>
      tpu.wait_dma2 semaphore(%run_scoped3A_520 : memref<!tpu.dma_semaphore, #tpu.memory_space<semaphore_mem>>) src(%dma_wait3A_532 : memref<160x128xi32, #tpu.memory_space<hbm>>) dst(%arg6 : memref<160x128xi32, #tpu.memory_space<vmem>>)
      tpu.yield
    }) : () -> ()
    %mul3A_29 = arith.constant 160 : i32
    %mul3A_30 = arith.muli %arg1, %mul3A_29 : i32
    "tpu.region"() ({
      %run_scoped3A_520 = tpu.sem_alloc : memref<!tpu.dma_semaphore, #tpu.memory_space<semaphore_mem>>
      %dma_start3A_521 = arith.constant 0 : i32
      %dma_start3A_522 = tpu.memref_slice %arg4[%mul3A_30, %dma_start3A_521] : memref<2560x128xi32, #tpu.memory_space<hbm>> -> memref<160x128xi32, #tpu.memory_space<hbm>>
      %dma_start3A_523 = arith.constant 0 : i32
      %dma_start3A_524 = tpu.memref_slice %arg4[%mul3A_30, %dma_start3A_523] : memref<2560x128xi32, #tpu.memory_space<hbm>> -> memref<160x128xi32, #tpu.memory_space<hbm>>
      tpu.enqueue_dma source(%dma_start3A_524 : memref<160x128xi32, #tpu.memory_space<hbm>>) target(%arg7 : memref<160x128xi32, #tpu.memory_space<vmem>>) target_semaphore(%run_scoped3A_520 : memref<!tpu.dma_semaphore, #tpu.memory_space<semaphore_mem>>)
      %dma_wait3A_525 = arith.constant 0 : i32
      %dma_wait3A_526 = tpu.memref_slice %arg4[%mul3A_30, %dma_wait3A_525] : memref<2560x128xi32, #tpu.memory_space<hbm>> -> memref<160x128xi32, #tpu.memory_space<hbm>>
      %dma_wait3A_527 = arith.constant 0 : i32
      %dma_wait3A_528 = tpu.memref_slice %arg4[%mul3A_30, %dma_wait3A_527] : memref<2560x128xi32, #tpu.memory_space<hbm>> -> memref<160x128xi32, #tpu.memory_space<hbm>>
      tpu.wait_dma2 semaphore(%run_scoped3A_520 : memref<!tpu.dma_semaphore, #tpu.memory_space<semaphore_mem>>) src(%dma_wait3A_528 : memref<160x128xi32, #tpu.memory_space<hbm>>) dst(%arg7 : memref<160x128xi32, #tpu.memory_space<vmem>>)
      tpu.yield
    }) : () -> ()
    %barrier3A = arith.constant 0 : index
    tpu.barrier barrier_id(%barrier3A)
    %dma_start3A = arith.constant 0 : i32
    %dma_start3A_31 = arith.constant 0 : i32
    %dma_start3A_32 = arith.constant 0 : i32
    %dma_start3A_33 = arith.constant 0 : i32
    %dma_start3A_34 = tpu.memref_slice %arg8[%dma_start3A_31, %dma_start3A_32, %dma_start3A_33] : memref<6x128x64xf32, #tpu.memory_space<vmem>> -> memref<1x128x64xf32, #tpu.memory_space<vmem>>
    %dma_start3A_35 = tpu.memref_squeeze %dma_start3A_34 : memref<1x128x64xf32, #tpu.memory_space<vmem>> -> memref<128x64xf32, #tpu.memory_space<vmem>>
    %dma_start3A_36 = arith.constant 0 : i32
    %dma_start3A_37 = tpu.memref_slice %arg6[%dma_start3A, %dma_start3A_36] : memref<160x128xi32, #tpu.memory_space<vmem>> -> memref<1x128xi32, #tpu.memory_space<vmem>>
    %dma_start3A_38 = tpu.memref_squeeze %dma_start3A_37 : memref<1x128xi32, #tpu.memory_space<vmem>> -> memref<128xi32, #tpu.memory_space<vmem>>
    %dma_start3A_39 = arith.constant 0 : i32
    %dma_start3A_40 = arith.constant 0 : i32
    %dma_start3A_41 = tpu.memref_slice %arg2[%dma_start3A_39, %dma_start3A_40] : memref<20480x64xf32, #tpu.memory_space<hbm>> -> memref<20480x64xf32, #tpu.memory_space<hbm>>
    tpu.enqueue_indirect_dma source(%dma_start3A_41 : memref<20480x64xf32, #tpu.memory_space<hbm>>) target(%dma_start3A_35 : memref<128x64xf32, #tpu.memory_space<vmem>>) offsets(%dma_start3A_38 : memref<128xi32, #tpu.memory_space<vmem>>) semaphore(%arg10 : memref<!tpu.dma_semaphore, #tpu.memory_space<semaphore_mem>>)
    %dma_start3A_42 = arith.constant 1 : i32
    %dma_start3A_43 = arith.constant 1 : i32
    %dma_start3A_44 = arith.constant 0 : i32
    %dma_start3A_45 = arith.constant 0 : i32
    %dma_start3A_46 = tpu.memref_slice %arg8[%dma_start3A_43, %dma_start3A_44, %dma_start3A_45] : memref<6x128x64xf32, #tpu.memory_space<vmem>> -> memref<1x128x64xf32, #tpu.memory_space<vmem>>
    %dma_start3A_47 = tpu.memref_squeeze %dma_start3A_46 : memref<1x128x64xf32, #tpu.memory_space<vmem>> -> memref<128x64xf32, #tpu.memory_space<vmem>>
    %dma_start3A_48 = arith.constant 0 : i32
    %dma_start3A_49 = tpu.memref_slice %arg6[%dma_start3A_42, %dma_start3A_48] : memref<160x128xi32, #tpu.memory_space<vmem>> -> memref<1x128xi32, #tpu.memory_space<vmem>>
    %dma_start3A_50 = tpu.memref_squeeze %dma_start3A_49 : memref<1x128xi32, #tpu.memory_space<vmem>> -> memref<128xi32, #tpu.memory_space<vmem>>
    %dma_start3A_51 = arith.constant 0 : i32
    %dma_start3A_52 = arith.constant 0 : i32
    %dma_start3A_53 = tpu.memref_slice %arg2[%dma_start3A_51, %dma_start3A_52] : memref<20480x64xf32, #tpu.memory_space<hbm>> -> memref<20480x64xf32, #tpu.memory_space<hbm>>
    tpu.enqueue_indirect_dma source(%dma_start3A_53 : memref<20480x64xf32, #tpu.memory_space<hbm>>) target(%dma_start3A_47 : memref<128x64xf32, #tpu.memory_space<vmem>>) offsets(%dma_start3A_50 : memref<128xi32, #tpu.memory_space<vmem>>) semaphore(%arg11 : memref<!tpu.dma_semaphore, #tpu.memory_space<semaphore_mem>>)
    %dma_start3A_54 = arith.constant 2 : i32
    %dma_start3A_55 = arith.constant 2 : i32
    %dma_start3A_56 = arith.constant 0 : i32
    %dma_start3A_57 = arith.constant 0 : i32
    %dma_start3A_58 = tpu.memref_slice %arg8[%dma_start3A_55, %dma_start3A_56, %dma_start3A_57] : memref<6x128x64xf32, #tpu.memory_space<vmem>> -> memref<1x128x64xf32, #tpu.memory_space<vmem>>
    %dma_start3A_59 = tpu.memref_squeeze %dma_start3A_58 : memref<1x128x64xf32, #tpu.memory_space<vmem>> -> memref<128x64xf32, #tpu.memory_space<vmem>>
    %dma_start3A_60 = arith.constant 0 : i32
    %dma_start3A_61 = tpu.memref_slice %arg6[%dma_start3A_54, %dma_start3A_60] : memref<160x128xi32, #tpu.memory_space<vmem>> -> memref<1x128xi32, #tpu.memory_space<vmem>>
    %dma_start3A_62 = tpu.memref_squeeze %dma_start3A_61 : memref<1x128xi32, #tpu.memory_space<vmem>> -> memref<128xi32, #tpu.memory_space<vmem>>
    %dma_start3A_63 = arith.constant 0 : i32
    %dma_start3A_64 = arith.constant 0 : i32
    %dma_start3A_65 = tpu.memref_slice %arg2[%dma_start3A_63, %dma_start3A_64] : memref<20480x64xf32, #tpu.memory_space<hbm>> -> memref<20480x64xf32, #tpu.memory_space<hbm>>
    tpu.enqueue_indirect_dma source(%dma_start3A_65 : memref<20480x64xf32, #tpu.memory_space<hbm>>) target(%dma_start3A_59 : memref<128x64xf32, #tpu.memory_space<vmem>>) offsets(%dma_start3A_62 : memref<128xi32, #tpu.memory_space<vmem>>) semaphore(%arg12 : memref<!tpu.dma_semaphore, #tpu.memory_space<semaphore_mem>>)
    %dma_start3A_66 = arith.constant 3 : i32
    %dma_start3A_67 = arith.constant 3 : i32
    %dma_start3A_68 = arith.constant 0 : i32
    %dma_start3A_69 = arith.constant 0 : i32
    %dma_start3A_70 = tpu.memref_slice %arg8[%dma_start3A_67, %dma_start3A_68, %dma_start3A_69] : memref<6x128x64xf32, #tpu.memory_space<vmem>> -> memref<1x128x64xf32, #tpu.memory_space<vmem>>
    %dma_start3A_71 = tpu.memref_squeeze %dma_start3A_70 : memref<1x128x64xf32, #tpu.memory_space<vmem>> -> memref<128x64xf32, #tpu.memory_space<vmem>>
    %dma_start3A_72 = arith.constant 0 : i32
    %dma_start3A_73 = tpu.memref_slice %arg6[%dma_start3A_66, %dma_start3A_72] : memref<160x128xi32, #tpu.memory_space<vmem>> -> memref<1x128xi32, #tpu.memory_space<vmem>>
    %dma_start3A_74 = tpu.memref_squeeze %dma_start3A_73 : memref<1x128xi32, #tpu.memory_space<vmem>> -> memref<128xi32, #tpu.memory_space<vmem>>
    %dma_start3A_75 = arith.constant 0 : i32
    %dma_start3A_76 = arith.constant 0 : i32
    %dma_start3A_77 = tpu.memref_slice %arg2[%dma_start3A_75, %dma_start3A_76] : memref<20480x64xf32, #tpu.memory_space<hbm>> -> memref<20480x64xf32, #tpu.memory_space<hbm>>
    tpu.enqueue_indirect_dma source(%dma_start3A_77 : memref<20480x64xf32, #tpu.memory_space<hbm>>) target(%dma_start3A_71 : memref<128x64xf32, #tpu.memory_space<vmem>>) offsets(%dma_start3A_74 : memref<128xi32, #tpu.memory_space<vmem>>) semaphore(%arg13 : memref<!tpu.dma_semaphore, #tpu.memory_space<semaphore_mem>>)
    %dma_wait3A = arith.constant 0 : i32
    %dma_wait3A_78 = arith.constant 0 : i32
    %dma_wait3A_79 = arith.constant 0 : i32
    %dma_wait3A_80 = arith.constant 0 : i32
    %dma_wait3A_81 = tpu.memref_slice %arg8[%dma_wait3A_78, %dma_wait3A_79, %dma_wait3A_80] : memref<6x128x64xf32, #tpu.memory_space<vmem>> -> memref<1x128x64xf32, #tpu.memory_space<vmem>>
    %dma_wait3A_82 = tpu.memref_squeeze %dma_wait3A_81 : memref<1x128x64xf32, #tpu.memory_space<vmem>> -> memref<128x64xf32, #tpu.memory_space<vmem>>
    %dma_wait3A_83 = arith.constant 0 : i32
    %dma_wait3A_84 = tpu.memref_slice %arg6[%dma_wait3A, %dma_wait3A_83] : memref<160x128xi32, #tpu.memory_space<vmem>> -> memref<1x128xi32, #tpu.memory_space<vmem>>
    %dma_wait3A_85 = tpu.memref_squeeze %dma_wait3A_84 : memref<1x128xi32, #tpu.memory_space<vmem>> -> memref<128xi32, #tpu.memory_space<vmem>>
    %dma_wait3A_86 = arith.constant 0 : i32
    %dma_wait3A_87 = arith.constant 0 : i32
    %dma_wait3A_88 = tpu.memref_slice %arg2[%dma_wait3A_86, %dma_wait3A_87] : memref<20480x64xf32, #tpu.memory_space<hbm>> -> memref<20480x64xf32, #tpu.memory_space<hbm>>
    tpu.wait_indirect_dma semaphore(%arg10 : memref<!tpu.dma_semaphore, #tpu.memory_space<semaphore_mem>>) src(%dma_wait3A_88 : memref<20480x64xf32, #tpu.memory_space<hbm>>) dst(%dma_wait3A_82 : memref<128x64xf32, #tpu.memory_space<vmem>>)
    %dma_start3A_89 = arith.constant 0 : i32
    %dma_start3A_90 = arith.constant 0 : i32
    %dma_start3A_91 = arith.constant 0 : i32
    %dma_start3A_92 = arith.constant 0 : i32
    %dma_start3A_93 = tpu.memref_slice %arg8[%dma_start3A_89, %dma_start3A_91, %dma_start3A_92] : memref<6x128x64xf32, #tpu.memory_space<vmem>> -> memref<1x128x64xf32, #tpu.memory_space<vmem>>
    %dma_start3A_94 = tpu.memref_squeeze %dma_start3A_93 : memref<1x128x64xf32, #tpu.memory_space<vmem>> -> memref<128x64xf32, #tpu.memory_space<vmem>>
    %dma_start3A_95 = arith.constant 0 : i32
    %dma_start3A_96 = tpu.memref_slice %arg7[%dma_start3A_90, %dma_start3A_95] : memref<160x128xi32, #tpu.memory_space<vmem>> -> memref<1x128xi32, #tpu.memory_space<vmem>>
    %dma_start3A_97 = tpu.memref_squeeze %dma_start3A_96 : memref<1x128xi32, #tpu.memory_space<vmem>> -> memref<128xi32, #tpu.memory_space<vmem>>
    %dma_start3A_98 = arith.constant 0 : i32
    %dma_start3A_99 = arith.constant 0 : i32
    %dma_start3A_100 = tpu.memref_slice %arg9[%dma_start3A_98, %dma_start3A_99] : memref<10240x64xf32, #tpu.memory_space<vmem_shared>> -> memref<10240x64xf32, #tpu.memory_space<vmem_shared>>
    tpu.enqueue_indirect_dma source(%dma_start3A_94 : memref<128x64xf32, #tpu.memory_space<vmem>>) target(%dma_start3A_100 : memref<10240x64xf32, #tpu.memory_space<vmem_shared>>) offsets(%dma_start3A_97 : memref<128xi32, #tpu.memory_space<vmem>>) semaphore(%arg10 : memref<!tpu.dma_semaphore, #tpu.memory_space<semaphore_mem>>) {add = true}
    %dma_start3A_101 = arith.constant 4 : i32
    %dma_start3A_102 = arith.constant 4 : i32
    %dma_start3A_103 = arith.constant 0 : i32
    %dma_start3A_104 = arith.constant 0 : i32
    %dma_start3A_105 = tpu.memref_slice %arg8[%dma_start3A_102, %dma_start3A_103, %dma_start3A_104] : memref<6x128x64xf32, #tpu.memory_space<vmem>> -> memref<1x128x64xf32, #tpu.memory_space<vmem>>
    %dma_start3A_106 = tpu.memref_squeeze %dma_start3A_105 : memref<1x128x64xf32, #tpu.memory_space<vmem>> -> memref<128x64xf32, #tpu.memory_space<vmem>>
    %dma_start3A_107 = arith.constant 0 : i32
    %dma_start3A_108 = tpu.memref_slice %arg6[%dma_start3A_101, %dma_start3A_107] : memref<160x128xi32, #tpu.memory_space<vmem>> -> memref<1x128xi32, #tpu.memory_space<vmem>>
    %dma_start3A_109 = tpu.memref_squeeze %dma_start3A_108 : memref<1x128xi32, #tpu.memory_space<vmem>> -> memref<128xi32, #tpu.memory_space<vmem>>
    %dma_start3A_110 = arith.constant 0 : i32
    %dma_start3A_111 = arith.constant 0 : i32
    %dma_start3A_112 = tpu.memref_slice %arg2[%dma_start3A_110, %dma_start3A_111] : memref<20480x64xf32, #tpu.memory_space<hbm>> -> memref<20480x64xf32, #tpu.memory_space<hbm>>
    tpu.enqueue_indirect_dma source(%dma_start3A_112 : memref<20480x64xf32, #tpu.memory_space<hbm>>) target(%dma_start3A_106 : memref<128x64xf32, #tpu.memory_space<vmem>>) offsets(%dma_start3A_109 : memref<128xi32, #tpu.memory_space<vmem>>) semaphore(%arg14 : memref<!tpu.dma_semaphore, #tpu.memory_space<semaphore_mem>>)
    %dma_wait3A_113 = arith.constant 1 : i32
    %dma_wait3A_114 = arith.constant 1 : i32
    %dma_wait3A_115 = arith.constant 0 : i32
    %dma_wait3A_116 = arith.constant 0 : i32
    %dma_wait3A_117 = tpu.memref_slice %arg8[%dma_wait3A_114, %dma_wait3A_115, %dma_wait3A_116] : memref<6x128x64xf32, #tpu.memory_space<vmem>> -> memref<1x128x64xf32, #tpu.memory_space<vmem>>
    %dma_wait3A_118 = tpu.memref_squeeze %dma_wait3A_117 : memref<1x128x64xf32, #tpu.memory_space<vmem>> -> memref<128x64xf32, #tpu.memory_space<vmem>>
    %dma_wait3A_119 = arith.constant 0 : i32
    %dma_wait3A_120 = tpu.memref_slice %arg6[%dma_wait3A_113, %dma_wait3A_119] : memref<160x128xi32, #tpu.memory_space<vmem>> -> memref<1x128xi32, #tpu.memory_space<vmem>>
    %dma_wait3A_121 = tpu.memref_squeeze %dma_wait3A_120 : memref<1x128xi32, #tpu.memory_space<vmem>> -> memref<128xi32, #tpu.memory_space<vmem>>
    %dma_wait3A_122 = arith.constant 0 : i32
    %dma_wait3A_123 = arith.constant 0 : i32
    %dma_wait3A_124 = tpu.memref_slice %arg2[%dma_wait3A_122, %dma_wait3A_123] : memref<20480x64xf32, #tpu.memory_space<hbm>> -> memref<20480x64xf32, #tpu.memory_space<hbm>>
    tpu.wait_indirect_dma semaphore(%arg11 : memref<!tpu.dma_semaphore, #tpu.memory_space<semaphore_mem>>) src(%dma_wait3A_124 : memref<20480x64xf32, #tpu.memory_space<hbm>>) dst(%dma_wait3A_118 : memref<128x64xf32, #tpu.memory_space<vmem>>)
    %dma_start3A_125 = arith.constant 1 : i32
    %dma_start3A_126 = arith.constant 1 : i32
    %dma_start3A_127 = arith.constant 0 : i32
    %dma_start3A_128 = arith.constant 0 : i32
    %dma_start3A_129 = tpu.memref_slice %arg8[%dma_start3A_125, %dma_start3A_127, %dma_start3A_128] : memref<6x128x64xf32, #tpu.memory_space<vmem>> -> memref<1x128x64xf32, #tpu.memory_space<vmem>>
    %dma_start3A_130 = tpu.memref_squeeze %dma_start3A_129 : memref<1x128x64xf32, #tpu.memory_space<vmem>> -> memref<128x64xf32, #tpu.memory_space<vmem>>
    %dma_start3A_131 = arith.constant 0 : i32
    %dma_start3A_132 = tpu.memref_slice %arg7[%dma_start3A_126, %dma_start3A_131] : memref<160x128xi32, #tpu.memory_space<vmem>> -> memref<1x128xi32, #tpu.memory_space<vmem>>
    %dma_start3A_133 = tpu.memref_squeeze %dma_start3A_132 : memref<1x128xi32, #tpu.memory_space<vmem>> -> memref<128xi32, #tpu.memory_space<vmem>>
    %dma_start3A_134 = arith.constant 0 : i32
    %dma_start3A_135 = arith.constant 0 : i32
    %dma_start3A_136 = tpu.memref_slice %arg9[%dma_start3A_134, %dma_start3A_135] : memref<10240x64xf32, #tpu.memory_space<vmem_shared>> -> memref<10240x64xf32, #tpu.memory_space<vmem_shared>>
    tpu.enqueue_indirect_dma source(%dma_start3A_130 : memref<128x64xf32, #tpu.memory_space<vmem>>) target(%dma_start3A_136 : memref<10240x64xf32, #tpu.memory_space<vmem_shared>>) offsets(%dma_start3A_133 : memref<128xi32, #tpu.memory_space<vmem>>) semaphore(%arg11 : memref<!tpu.dma_semaphore, #tpu.memory_space<semaphore_mem>>) {add = true}
    %dma_start3A_137 = arith.constant 5 : i32
    %dma_start3A_138 = arith.constant 5 : i32
    %dma_start3A_139 = arith.constant 0 : i32
    %dma_start3A_140 = arith.constant 0 : i32
    %dma_start3A_141 = tpu.memref_slice %arg8[%dma_start3A_138, %dma_start3A_139, %dma_start3A_140] : memref<6x128x64xf32, #tpu.memory_space<vmem>> -> memref<1x128x64xf32, #tpu.memory_space<vmem>>
    %dma_start3A_142 = tpu.memref_squeeze %dma_start3A_141 : memref<1x128x64xf32, #tpu.memory_space<vmem>> -> memref<128x64xf32, #tpu.memory_space<vmem>>
    %dma_start3A_143 = arith.constant 0 : i32
    %dma_start3A_144 = tpu.memref_slice %arg6[%dma_start3A_137, %dma_start3A_143] : memref<160x128xi32, #tpu.memory_space<vmem>> -> memref<1x128xi32, #tpu.memory_space<vmem>>
    %dma_start3A_145 = tpu.memref_squeeze %dma_start3A_144 : memref<1x128xi32, #tpu.memory_space<vmem>> -> memref<128xi32, #tpu.memory_space<vmem>>
    %dma_start3A_146 = arith.constant 0 : i32
    %dma_start3A_147 = arith.constant 0 : i32
    %dma_start3A_148 = tpu.memref_slice %arg2[%dma_start3A_146, %dma_start3A_147] : memref<20480x64xf32, #tpu.memory_space<hbm>> -> memref<20480x64xf32, #tpu.memory_space<hbm>>
    tpu.enqueue_indirect_dma source(%dma_start3A_148 : memref<20480x64xf32, #tpu.memory_space<hbm>>) target(%dma_start3A_142 : memref<128x64xf32, #tpu.memory_space<vmem>>) offsets(%dma_start3A_145 : memref<128xi32, #tpu.memory_space<vmem>>) semaphore(%arg15 : memref<!tpu.dma_semaphore, #tpu.memory_space<semaphore_mem>>)
    %dma_wait3A_149 = arith.constant 2 : i32
    %dma_wait3A_150 = arith.constant 2 : i32
    %dma_wait3A_151 = arith.constant 0 : i32
    %dma_wait3A_152 = arith.constant 0 : i32
    %dma_wait3A_153 = tpu.memref_slice %arg8[%dma_wait3A_150, %dma_wait3A_151, %dma_wait3A_152] : memref<6x128x64xf32, #tpu.memory_space<vmem>> -> memref<1x128x64xf32, #tpu.memory_space<vmem>>
    %dma_wait3A_154 = tpu.memref_squeeze %dma_wait3A_153 : memref<1x128x64xf32, #tpu.memory_space<vmem>> -> memref<128x64xf32, #tpu.memory_space<vmem>>
    %dma_wait3A_155 = arith.constant 0 : i32
    %dma_wait3A_156 = tpu.memref_slice %arg6[%dma_wait3A_149, %dma_wait3A_155] : memref<160x128xi32, #tpu.memory_space<vmem>> -> memref<1x128xi32, #tpu.memory_space<vmem>>
    %dma_wait3A_157 = tpu.memref_squeeze %dma_wait3A_156 : memref<1x128xi32, #tpu.memory_space<vmem>> -> memref<128xi32, #tpu.memory_space<vmem>>
    %dma_wait3A_158 = arith.constant 0 : i32
    %dma_wait3A_159 = arith.constant 0 : i32
    %dma_wait3A_160 = tpu.memref_slice %arg2[%dma_wait3A_158, %dma_wait3A_159] : memref<20480x64xf32, #tpu.memory_space<hbm>> -> memref<20480x64xf32, #tpu.memory_space<hbm>>
    tpu.wait_indirect_dma semaphore(%arg12 : memref<!tpu.dma_semaphore, #tpu.memory_space<semaphore_mem>>) src(%dma_wait3A_160 : memref<20480x64xf32, #tpu.memory_space<hbm>>) dst(%dma_wait3A_154 : memref<128x64xf32, #tpu.memory_space<vmem>>)
    %dma_start3A_161 = arith.constant 2 : i32
    %dma_start3A_162 = arith.constant 2 : i32
    %dma_start3A_163 = arith.constant 0 : i32
    %dma_start3A_164 = arith.constant 0 : i32
    %dma_start3A_165 = tpu.memref_slice %arg8[%dma_start3A_161, %dma_start3A_163, %dma_start3A_164] : memref<6x128x64xf32, #tpu.memory_space<vmem>> -> memref<1x128x64xf32, #tpu.memory_space<vmem>>
    %dma_start3A_166 = tpu.memref_squeeze %dma_start3A_165 : memref<1x128x64xf32, #tpu.memory_space<vmem>> -> memref<128x64xf32, #tpu.memory_space<vmem>>
    %dma_start3A_167 = arith.constant 0 : i32
    %dma_start3A_168 = tpu.memref_slice %arg7[%dma_start3A_162, %dma_start3A_167] : memref<160x128xi32, #tpu.memory_space<vmem>> -> memref<1x128xi32, #tpu.memory_space<vmem>>
    %dma_start3A_169 = tpu.memref_squeeze %dma_start3A_168 : memref<1x128xi32, #tpu.memory_space<vmem>> -> memref<128xi32, #tpu.memory_space<vmem>>
    %dma_start3A_170 = arith.constant 0 : i32
    %dma_start3A_171 = arith.constant 0 : i32
    %dma_start3A_172 = tpu.memref_slice %arg9[%dma_start3A_170, %dma_start3A_171] : memref<10240x64xf32, #tpu.memory_space<vmem_shared>> -> memref<10240x64xf32, #tpu.memory_space<vmem_shared>>
    tpu.enqueue_indirect_dma source(%dma_start3A_166 : memref<128x64xf32, #tpu.memory_space<vmem>>) target(%dma_start3A_172 : memref<10240x64xf32, #tpu.memory_space<vmem_shared>>) offsets(%dma_start3A_169 : memref<128xi32, #tpu.memory_space<vmem>>) semaphore(%arg12 : memref<!tpu.dma_semaphore, #tpu.memory_space<semaphore_mem>>) {add = true}
    %scan3A_173 = arith.constant 0 : i32
    %scan3A_174 = arith.constant 0 : i32
    %scan3A_175 = arith.constant 25 : i32
    %scan3A_176 = arith.addi %scan3A_174, %scan3A_175 : i32
    %scan3A_177 = arith.constant 1 : i32
    scf.for %scan3A_520 = %scan3A_174 to %scan3A_176 step %scan3A_177  : i32 {
      %mul3A_521 = arith.constant 6 : i32
      %mul3A_522 = arith.muli %scan3A_520, %mul3A_521 : i32
      %add3A_523 = arith.constant 3 : i32
      %add3A_524 = arith.addi %add3A_523, %mul3A_522 : i32
      %add3A_525 = arith.constant 0 : i32
      %add3A_526 = arith.addi %add3A_524, %add3A_525 : i32
      %sub3A = arith.constant 3 : i32
      %sub3A_527 = arith.subi %add3A_526, %sub3A : i32
      %dma_wait3A_528 = arith.constant 0 : i32
      %dma_wait3A_529 = arith.constant 0 : i32
      %dma_wait3A_530 = arith.constant 0 : i32
      %dma_wait3A_531 = tpu.memref_slice %arg8[%dma_wait3A_528, %dma_wait3A_529, %dma_wait3A_530] : memref<6x128x64xf32, #tpu.memory_space<vmem>> -> memref<1x128x64xf32, #tpu.memory_space<vmem>>
      %dma_wait3A_532 = tpu.memref_squeeze %dma_wait3A_531 : memref<1x128x64xf32, #tpu.memory_space<vmem>> -> memref<128x64xf32, #tpu.memory_space<vmem>>
      %dma_wait3A_533 = arith.constant 0 : i32
      %dma_wait3A_534 = tpu.memref_slice %arg7[%sub3A_527, %dma_wait3A_533] : memref<160x128xi32, #tpu.memory_space<vmem>> -> memref<1x128xi32, #tpu.memory_space<vmem>>
      %dma_wait3A_535 = tpu.memref_squeeze %dma_wait3A_534 : memref<1x128xi32, #tpu.memory_space<vmem>> -> memref<128xi32, #tpu.memory_space<vmem>>
      %dma_wait3A_536 = arith.constant 0 : i32
      %dma_wait3A_537 = arith.constant 0 : i32
      %dma_wait3A_538 = tpu.memref_slice %arg9[%dma_wait3A_536, %dma_wait3A_537] : memref<10240x64xf32, #tpu.memory_space<vmem_shared>> -> memref<10240x64xf32, #tpu.memory_space<vmem_shared>>
      tpu.wait_indirect_dma semaphore(%arg10 : memref<!tpu.dma_semaphore, #tpu.memory_space<semaphore_mem>>) src(%dma_wait3A_532 : memref<128x64xf32, #tpu.memory_space<vmem>>) dst(%dma_wait3A_538 : memref<10240x64xf32, #tpu.memory_space<vmem_shared>>)
      %add3A_539 = arith.constant 3 : i32
      %add3A_540 = arith.addi %add3A_526, %add3A_539 : i32
      %dma_start3A_541 = arith.constant 0 : i32
      %dma_start3A_542 = arith.constant 0 : i32
      %dma_start3A_543 = arith.constant 0 : i32
      %dma_start3A_544 = tpu.memref_slice %arg8[%dma_start3A_541, %dma_start3A_542, %dma_start3A_543] : memref<6x128x64xf32, #tpu.memory_space<vmem>> -> memref<1x128x64xf32, #tpu.memory_space<vmem>>
      %dma_start3A_545 = tpu.memref_squeeze %dma_start3A_544 : memref<1x128x64xf32, #tpu.memory_space<vmem>> -> memref<128x64xf32, #tpu.memory_space<vmem>>
      %dma_start3A_546 = arith.constant 0 : i32
      %dma_start3A_547 = tpu.memref_slice %arg6[%add3A_540, %dma_start3A_546] : memref<160x128xi32, #tpu.memory_space<vmem>> -> memref<1x128xi32, #tpu.memory_space<vmem>>
      %dma_start3A_548 = tpu.memref_squeeze %dma_start3A_547 : memref<1x128xi32, #tpu.memory_space<vmem>> -> memref<128xi32, #tpu.memory_space<vmem>>
      %dma_start3A_549 = arith.constant 0 : i32
      %dma_start3A_550 = arith.constant 0 : i32
      %dma_start3A_551 = tpu.memref_slice %arg2[%dma_start3A_549, %dma_start3A_550] : memref<20480x64xf32, #tpu.memory_space<hbm>> -> memref<20480x64xf32, #tpu.memory_space<hbm>>
      tpu.enqueue_indirect_dma source(%dma_start3A_551 : memref<20480x64xf32, #tpu.memory_space<hbm>>) target(%dma_start3A_545 : memref<128x64xf32, #tpu.memory_space<vmem>>) offsets(%dma_start3A_548 : memref<128xi32, #tpu.memory_space<vmem>>) semaphore(%arg10 : memref<!tpu.dma_semaphore, #tpu.memory_space<semaphore_mem>>)
      %dma_wait3A_552 = arith.constant 3 : i32
      %dma_wait3A_553 = arith.constant 0 : i32
      %dma_wait3A_554 = arith.constant 0 : i32
      %dma_wait3A_555 = tpu.memref_slice %arg8[%dma_wait3A_552, %dma_wait3A_553, %dma_wait3A_554] : memref<6x128x64xf32, #tpu.memory_space<vmem>> -> memref<1x128x64xf32, #tpu.memory_space<vmem>>
      %dma_wait3A_556 = tpu.memref_squeeze %dma_wait3A_555 : memref<1x128x64xf32, #tpu.memory_space<vmem>> -> memref<128x64xf32, #tpu.memory_space<vmem>>
      %dma_wait3A_557 = arith.constant 0 : i32
      %dma_wait3A_558 = tpu.memref_slice %arg6[%add3A_526, %dma_wait3A_557] : memref<160x128xi32, #tpu.memory_space<vmem>> -> memref<1x128xi32, #tpu.memory_space<vmem>>
      %dma_wait3A_559 = tpu.memref_squeeze %dma_wait3A_558 : memref<1x128xi32, #tpu.memory_space<vmem>> -> memref<128xi32, #tpu.memory_space<vmem>>
      %dma_wait3A_560 = arith.constant 0 : i32
      %dma_wait3A_561 = arith.constant 0 : i32
      %dma_wait3A_562 = tpu.memref_slice %arg2[%dma_wait3A_560, %dma_wait3A_561] : memref<20480x64xf32, #tpu.memory_space<hbm>> -> memref<20480x64xf32, #tpu.memory_space<hbm>>
      tpu.wait_indirect_dma semaphore(%arg13 : memref<!tpu.dma_semaphore, #tpu.memory_space<semaphore_mem>>) src(%dma_wait3A_562 : memref<20480x64xf32, #tpu.memory_space<hbm>>) dst(%dma_wait3A_556 : memref<128x64xf32, #tpu.memory_space<vmem>>)
      %dma_start3A_563 = arith.constant 3 : i32
      %dma_start3A_564 = arith.constant 0 : i32
      %dma_start3A_565 = arith.constant 0 : i32
      %dma_start3A_566 = tpu.memref_slice %arg8[%dma_start3A_563, %dma_start3A_564, %dma_start3A_565] : memref<6x128x64xf32, #tpu.memory_space<vmem>> -> memref<1x128x64xf32, #tpu.memory_space<vmem>>
      %dma_start3A_567 = tpu.memref_squeeze %dma_start3A_566 : memref<1x128x64xf32, #tpu.memory_space<vmem>> -> memref<128x64xf32, #tpu.memory_space<vmem>>
      %dma_start3A_568 = arith.constant 0 : i32
      %dma_start3A_569 = tpu.memref_slice %arg7[%add3A_526, %dma_start3A_568] : memref<160x128xi32, #tpu.memory_space<vmem>> -> memref<1x128xi32, #tpu.memory_space<vmem>>
      %dma_start3A_570 = tpu.memref_squeeze %dma_start3A_569 : memref<1x128xi32, #tpu.memory_space<vmem>> -> memref<128xi32, #tpu.memory_space<vmem>>
      %dma_start3A_571 = arith.constant 0 : i32
      %dma_start3A_572 = arith.constant 0 : i32
      %dma_start3A_573 = tpu.memref_slice %arg9[%dma_start3A_571, %dma_start3A_572] : memref<10240x64xf32, #tpu.memory_space<vmem_shared>> -> memref<10240x64xf32, #tpu.memory_space<vmem_shared>>
      tpu.enqueue_indirect_dma source(%dma_start3A_567 : memref<128x64xf32, #tpu.memory_space<vmem>>) target(%dma_start3A_573 : memref<10240x64xf32, #tpu.memory_space<vmem_shared>>) offsets(%dma_start3A_570 : memref<128xi32, #tpu.memory_space<vmem>>) semaphore(%arg13 : memref<!tpu.dma_semaphore, #tpu.memory_space<semaphore_mem>>) {add = true}
      %mul3A_574 = arith.constant 6 : i32
      %mul3A_575 = arith.muli %scan3A_520, %mul3A_574 : i32
      %add3A_576 = arith.constant 3 : i32
      %add3A_577 = arith.addi %add3A_576, %mul3A_575 : i32
      %add3A_578 = arith.constant 1 : i32
      %add3A_579 = arith.addi %add3A_577, %add3A_578 : i32
      %sub3A_580 = arith.constant 3 : i32
      %sub3A_581 = arith.subi %add3A_579, %sub3A_580 : i32
      %dma_wait3A_582 = arith.constant 1 : i32
      %dma_wait3A_583 = arith.constant 0 : i32
      %dma_wait3A_584 = arith.constant 0 : i32
      %dma_wait3A_585 = tpu.memref_slice %arg8[%dma_wait3A_582, %dma_wait3A_583, %dma_wait3A_584] : memref<6x128x64xf32, #tpu.memory_space<vmem>> -> memref<1x128x64xf32, #tpu.memory_space<vmem>>
      %dma_wait3A_586 = tpu.memref_squeeze %dma_wait3A_585 : memref<1x128x64xf32, #tpu.memory_space<vmem>> -> memref<128x64xf32, #tpu.memory_space<vmem>>
      %dma_wait3A_587 = arith.constant 0 : i32
      %dma_wait3A_588 = tpu.memref_slice %arg7[%sub3A_581, %dma_wait3A_587] : memref<160x128xi32, #tpu.memory_space<vmem>> -> memref<1x128xi32, #tpu.memory_space<vmem>>
      %dma_wait3A_589 = tpu.memref_squeeze %dma_wait3A_588 : memref<1x128xi32, #tpu.memory_space<vmem>> -> memref<128xi32, #tpu.memory_space<vmem>>
      %dma_wait3A_590 = arith.constant 0 : i32
      %dma_wait3A_591 = arith.constant 0 : i32
      %dma_wait3A_592 = tpu.memref_slice %arg9[%dma_wait3A_590, %dma_wait3A_591] : memref<10240x64xf32, #tpu.memory_space<vmem_shared>> -> memref<10240x64xf32, #tpu.memory_space<vmem_shared>>
      tpu.wait_indirect_dma semaphore(%arg11 : memref<!tpu.dma_semaphore, #tpu.memory_space<semaphore_mem>>) src(%dma_wait3A_586 : memref<128x64xf32, #tpu.memory_space<vmem>>) dst(%dma_wait3A_592 : memref<10240x64xf32, #tpu.memory_space<vmem_shared>>)
      %add3A_593 = arith.constant 3 : i32
      %add3A_594 = arith.addi %add3A_579, %add3A_593 : i32
      %dma_start3A_595 = arith.constant 1 : i32
      %dma_start3A_596 = arith.constant 0 : i32
      %dma_start3A_597 = arith.constant 0 : i32
      %dma_start3A_598 = tpu.memref_slice %arg8[%dma_start3A_595, %dma_start3A_596, %dma_start3A_597] : memref<6x128x64xf32, #tpu.memory_space<vmem>> -> memref<1x128x64xf32, #tpu.memory_space<vmem>>
      %dma_start3A_599 = tpu.memref_squeeze %dma_start3A_598 : memref<1x128x64xf32, #tpu.memory_space<vmem>> -> memref<128x64xf32, #tpu.memory_space<vmem>>
      %dma_start3A_600 = arith.constant 0 : i32
      %dma_start3A_601 = tpu.memref_slice %arg6[%add3A_594, %dma_start3A_600] : memref<160x128xi32, #tpu.memory_space<vmem>> -> memref<1x128xi32, #tpu.memory_space<vmem>>
      %dma_start3A_602 = tpu.memref_squeeze %dma_start3A_601 : memref<1x128xi32, #tpu.memory_space<vmem>> -> memref<128xi32, #tpu.memory_space<vmem>>
      %dma_start3A_603 = arith.constant 0 : i32
      %dma_start3A_604 = arith.constant 0 : i32
      %dma_start3A_605 = tpu.memref_slice %arg2[%dma_start3A_603, %dma_start3A_604] : memref<20480x64xf32, #tpu.memory_space<hbm>> -> memref<20480x64xf32, #tpu.memory_space<hbm>>
      tpu.enqueue_indirect_dma source(%dma_start3A_605 : memref<20480x64xf32, #tpu.memory_space<hbm>>) target(%dma_start3A_599 : memref<128x64xf32, #tpu.memory_space<vmem>>) offsets(%dma_start3A_602 : memref<128xi32, #tpu.memory_space<vmem>>) semaphore(%arg11 : memref<!tpu.dma_semaphore, #tpu.memory_space<semaphore_mem>>)
      %dma_wait3A_606 = arith.constant 4 : i32
      %dma_wait3A_607 = arith.constant 0 : i32
      %dma_wait3A_608 = arith.constant 0 : i32
      %dma_wait3A_609 = tpu.memref_slice %arg8[%dma_wait3A_606, %dma_wait3A_607, %dma_wait3A_608] : memref<6x128x64xf32, #tpu.memory_space<vmem>> -> memref<1x128x64xf32, #tpu.memory_space<vmem>>
      %dma_wait3A_610 = tpu.memref_squeeze %dma_wait3A_609 : memref<1x128x64xf32, #tpu.memory_space<vmem>> -> memref<128x64xf32, #tpu.memory_space<vmem>>
      %dma_wait3A_611 = arith.constant 0 : i32
      %dma_wait3A_612 = tpu.memref_slice %arg6[%add3A_579, %dma_wait3A_611] : memref<160x128xi32, #tpu.memory_space<vmem>> -> memref<1x128xi32, #tpu.memory_space<vmem>>
      %dma_wait3A_613 = tpu.memref_squeeze %dma_wait3A_612 : memref<1x128xi32, #tpu.memory_space<vmem>> -> memref<128xi32, #tpu.memory_space<vmem>>
      %dma_wait3A_614 = arith.constant 0 : i32
      %dma_wait3A_615 = arith.constant 0 : i32
      %dma_wait3A_616 = tpu.memref_slice %arg2[%dma_wait3A_614, %dma_wait3A_615] : memref<20480x64xf32, #tpu.memory_space<hbm>> -> memref<20480x64xf32, #tpu.memory_space<hbm>>
      tpu.wait_indirect_dma semaphore(%arg14 : memref<!tpu.dma_semaphore, #tpu.memory_space<semaphore_mem>>) src(%dma_wait3A_616 : memref<20480x64xf32, #tpu.memory_space<hbm>>) dst(%dma_wait3A_610 : memref<128x64xf32, #tpu.memory_space<vmem>>)
      %dma_start3A_617 = arith.constant 4 : i32
      %dma_start3A_618 = arith.constant 0 : i32
      %dma_start3A_619 = arith.constant 0 : i32
      %dma_start3A_620 = tpu.memref_slice %arg8[%dma_start3A_617, %dma_start3A_618, %dma_start3A_619] : memref<6x128x64xf32, #tpu.memory_space<vmem>> -> memref<1x128x64xf32, #tpu.memory_space<vmem>>
      %dma_start3A_621 = tpu.memref_squeeze %dma_start3A_620 : memref<1x128x64xf32, #tpu.memory_space<vmem>> -> memref<128x64xf32, #tpu.memory_space<vmem>>
      %dma_start3A_622 = arith.constant 0 : i32
      %dma_start3A_623 = tpu.memref_slice %arg7[%add3A_579, %dma_start3A_622] : memref<160x128xi32, #tpu.memory_space<vmem>> -> memref<1x128xi32, #tpu.memory_space<vmem>>
      %dma_start3A_624 = tpu.memref_squeeze %dma_start3A_623 : memref<1x128xi32, #tpu.memory_space<vmem>> -> memref<128xi32, #tpu.memory_space<vmem>>
      %dma_start3A_625 = arith.constant 0 : i32
      %dma_start3A_626 = arith.constant 0 : i32
      %dma_start3A_627 = tpu.memref_slice %arg9[%dma_start3A_625, %dma_start3A_626] : memref<10240x64xf32, #tpu.memory_space<vmem_shared>> -> memref<10240x64xf32, #tpu.memory_space<vmem_shared>>
      tpu.enqueue_indirect_dma source(%dma_start3A_621 : memref<128x64xf32, #tpu.memory_space<vmem>>) target(%dma_start3A_627 : memref<10240x64xf32, #tpu.memory_space<vmem_shared>>) offsets(%dma_start3A_624 : memref<128xi32, #tpu.memory_space<vmem>>) semaphore(%arg14 : memref<!tpu.dma_semaphore, #tpu.memory_space<semaphore_mem>>) {add = true}
      %mul3A_628 = arith.constant 6 : i32
      %mul3A_629 = arith.muli %scan3A_520, %mul3A_628 : i32
      %add3A_630 = arith.constant 3 : i32
      %add3A_631 = arith.addi %add3A_630, %mul3A_629 : i32
      %add3A_632 = arith.constant 2 : i32
      %add3A_633 = arith.addi %add3A_631, %add3A_632 : i32
      %sub3A_634 = arith.constant 3 : i32
      %sub3A_635 = arith.subi %add3A_633, %sub3A_634 : i32
      %dma_wait3A_636 = arith.constant 2 : i32
      %dma_wait3A_637 = arith.constant 0 : i32
      %dma_wait3A_638 = arith.constant 0 : i32
      %dma_wait3A_639 = tpu.memref_slice %arg8[%dma_wait3A_636, %dma_wait3A_637, %dma_wait3A_638] : memref<6x128x64xf32, #tpu.memory_space<vmem>> -> memref<1x128x64xf32, #tpu.memory_space<vmem>>
      %dma_wait3A_640 = tpu.memref_squeeze %dma_wait3A_639 : memref<1x128x64xf32, #tpu.memory_space<vmem>> -> memref<128x64xf32, #tpu.memory_space<vmem>>
      %dma_wait3A_641 = arith.constant 0 : i32
      %dma_wait3A_642 = tpu.memref_slice %arg7[%sub3A_635, %dma_wait3A_641] : memref<160x128xi32, #tpu.memory_space<vmem>> -> memref<1x128xi32, #tpu.memory_space<vmem>>
      %dma_wait3A_643 = tpu.memref_squeeze %dma_wait3A_642 : memref<1x128xi32, #tpu.memory_space<vmem>> -> memref<128xi32, #tpu.memory_space<vmem>>
      %dma_wait3A_644 = arith.constant 0 : i32
      %dma_wait3A_645 = arith.constant 0 : i32
      %dma_wait3A_646 = tpu.memref_slice %arg9[%dma_wait3A_644, %dma_wait3A_645] : memref<10240x64xf32, #tpu.memory_space<vmem_shared>> -> memref<10240x64xf32, #tpu.memory_space<vmem_shared>>
      tpu.wait_indirect_dma semaphore(%arg12 : memref<!tpu.dma_semaphore, #tpu.memory_space<semaphore_mem>>) src(%dma_wait3A_640 : memref<128x64xf32, #tpu.memory_space<vmem>>) dst(%dma_wait3A_646 : memref<10240x64xf32, #tpu.memory_space<vmem_shared>>)
      %add3A_647 = arith.constant 3 : i32
      %add3A_648 = arith.addi %add3A_633, %add3A_647 : i32
      %dma_start3A_649 = arith.constant 2 : i32
      %dma_start3A_650 = arith.constant 0 : i32
      %dma_start3A_651 = arith.constant 0 : i32
      %dma_start3A_652 = tpu.memref_slice %arg8[%dma_start3A_649, %dma_start3A_650, %dma_start3A_651] : memref<6x128x64xf32, #tpu.memory_space<vmem>> -> memref<1x128x64xf32, #tpu.memory_space<vmem>>
      %dma_start3A_653 = tpu.memref_squeeze %dma_start3A_652 : memref<1x128x64xf32, #tpu.memory_space<vmem>> -> memref<128x64xf32, #tpu.memory_space<vmem>>
      %dma_start3A_654 = arith.constant 0 : i32
      %dma_start3A_655 = tpu.memref_slice %arg6[%add3A_648, %dma_start3A_654] : memref<160x128xi32, #tpu.memory_space<vmem>> -> memref<1x128xi32, #tpu.memory_space<vmem>>
      %dma_start3A_656 = tpu.memref_squeeze %dma_start3A_655 : memref<1x128xi32, #tpu.memory_space<vmem>> -> memref<128xi32, #tpu.memory_space<vmem>>
      %dma_start3A_657 = arith.constant 0 : i32
      %dma_start3A_658 = arith.constant 0 : i32
      %dma_start3A_659 = tpu.memref_slice %arg2[%dma_start3A_657, %dma_start3A_658] : memref<20480x64xf32, #tpu.memory_space<hbm>> -> memref<20480x64xf32, #tpu.memory_space<hbm>>
      tpu.enqueue_indirect_dma source(%dma_start3A_659 : memref<20480x64xf32, #tpu.memory_space<hbm>>) target(%dma_start3A_653 : memref<128x64xf32, #tpu.memory_space<vmem>>) offsets(%dma_start3A_656 : memref<128xi32, #tpu.memory_space<vmem>>) semaphore(%arg12 : memref<!tpu.dma_semaphore, #tpu.memory_space<semaphore_mem>>)
      %dma_wait3A_660 = arith.constant 5 : i32
      %dma_wait3A_661 = arith.constant 0 : i32
      %dma_wait3A_662 = arith.constant 0 : i32
      %dma_wait3A_663 = tpu.memref_slice %arg8[%dma_wait3A_660, %dma_wait3A_661, %dma_wait3A_662] : memref<6x128x64xf32, #tpu.memory_space<vmem>> -> memref<1x128x64xf32, #tpu.memory_space<vmem>>
      %dma_wait3A_664 = tpu.memref_squeeze %dma_wait3A_663 : memref<1x128x64xf32, #tpu.memory_space<vmem>> -> memref<128x64xf32, #tpu.memory_space<vmem>>
      %dma_wait3A_665 = arith.constant 0 : i32
      %dma_wait3A_666 = tpu.memref_slice %arg6[%add3A_633, %dma_wait3A_665] : memref<160x128xi32, #tpu.memory_space<vmem>> -> memref<1x128xi32, #tpu.memory_space<vmem>>
      %dma_wait3A_667 = tpu.memref_squeeze %dma_wait3A_666 : memref<1x128xi32, #tpu.memory_space<vmem>> -> memref<128xi32, #tpu.memory_space<vmem>>
      %dma_wait3A_668 = arith.constant 0 : i32
      %dma_wait3A_669 = arith.constant 0 : i32
      %dma_wait3A_670 = tpu.memref_slice %arg2[%dma_wait3A_668, %dma_wait3A_669] : memref<20480x64xf32, #tpu.memory_space<hbm>> -> memref<20480x64xf32, #tpu.memory_space<hbm>>
      tpu.wait_indirect_dma semaphore(%arg15 : memref<!tpu.dma_semaphore, #tpu.memory_space<semaphore_mem>>) src(%dma_wait3A_670 : memref<20480x64xf32, #tpu.memory_space<hbm>>) dst(%dma_wait3A_664 : memref<128x64xf32, #tpu.memory_space<vmem>>)
      %dma_start3A_671 = arith.constant 5 : i32
      %dma_start3A_672 = arith.constant 0 : i32
      %dma_start3A_673 = arith.constant 0 : i32
      %dma_start3A_674 = tpu.memref_slice %arg8[%dma_start3A_671, %dma_start3A_672, %dma_start3A_673] : memref<6x128x64xf32, #tpu.memory_space<vmem>> -> memref<1x128x64xf32, #tpu.memory_space<vmem>>
      %dma_start3A_675 = tpu.memref_squeeze %dma_start3A_674 : memref<1x128x64xf32, #tpu.memory_space<vmem>> -> memref<128x64xf32, #tpu.memory_space<vmem>>
      %dma_start3A_676 = arith.constant 0 : i32
      %dma_start3A_677 = tpu.memref_slice %arg7[%add3A_633, %dma_start3A_676] : memref<160x128xi32, #tpu.memory_space<vmem>> -> memref<1x128xi32, #tpu.memory_space<vmem>>
      %dma_start3A_678 = tpu.memref_squeeze %dma_start3A_677 : memref<1x128xi32, #tpu.memory_space<vmem>> -> memref<128xi32, #tpu.memory_space<vmem>>
      %dma_start3A_679 = arith.constant 0 : i32
      %dma_start3A_680 = arith.constant 0 : i32
      %dma_start3A_681 = tpu.memref_slice %arg9[%dma_start3A_679, %dma_start3A_680] : memref<10240x64xf32, #tpu.memory_space<vmem_shared>> -> memref<10240x64xf32, #tpu.memory_space<vmem_shared>>
      tpu.enqueue_indirect_dma source(%dma_start3A_675 : memref<128x64xf32, #tpu.memory_space<vmem>>) target(%dma_start3A_681 : memref<10240x64xf32, #tpu.memory_space<vmem_shared>>) offsets(%dma_start3A_678 : memref<128xi32, #tpu.memory_space<vmem>>) semaphore(%arg15 : memref<!tpu.dma_semaphore, #tpu.memory_space<semaphore_mem>>) {add = true}
      %mul3A_682 = arith.constant 6 : i32
      %mul3A_683 = arith.muli %scan3A_520, %mul3A_682 : i32
      %add3A_684 = arith.constant 3 : i32
      %add3A_685 = arith.addi %add3A_684, %mul3A_683 : i32
      %add3A_686 = arith.constant 3 : i32
      %add3A_687 = arith.addi %add3A_685, %add3A_686 : i32
      %sub3A_688 = arith.constant 3 : i32
      %sub3A_689 = arith.subi %add3A_687, %sub3A_688 : i32
      %dma_wait3A_690 = arith.constant 3 : i32
      %dma_wait3A_691 = arith.constant 0 : i32
      %dma_wait3A_692 = arith.constant 0 : i32
      %dma_wait3A_693 = tpu.memref_slice %arg8[%dma_wait3A_690, %dma_wait3A_691, %dma_wait3A_692] : memref<6x128x64xf32, #tpu.memory_space<vmem>> -> memref<1x128x64xf32, #tpu.memory_space<vmem>>
      %dma_wait3A_694 = tpu.memref_squeeze %dma_wait3A_693 : memref<1x128x64xf32, #tpu.memory_space<vmem>> -> memref<128x64xf32, #tpu.memory_space<vmem>>
      %dma_wait3A_695 = arith.constant 0 : i32
      %dma_wait3A_696 = tpu.memref_slice %arg7[%sub3A_689, %dma_wait3A_695] : memref<160x128xi32, #tpu.memory_space<vmem>> -> memref<1x128xi32, #tpu.memory_space<vmem>>
      %dma_wait3A_697 = tpu.memref_squeeze %dma_wait3A_696 : memref<1x128xi32, #tpu.memory_space<vmem>> -> memref<128xi32, #tpu.memory_space<vmem>>
      %dma_wait3A_698 = arith.constant 0 : i32
      %dma_wait3A_699 = arith.constant 0 : i32
      %dma_wait3A_700 = tpu.memref_slice %arg9[%dma_wait3A_698, %dma_wait3A_699] : memref<10240x64xf32, #tpu.memory_space<vmem_shared>> -> memref<10240x64xf32, #tpu.memory_space<vmem_shared>>
      tpu.wait_indirect_dma semaphore(%arg13 : memref<!tpu.dma_semaphore, #tpu.memory_space<semaphore_mem>>) src(%dma_wait3A_694 : memref<128x64xf32, #tpu.memory_space<vmem>>) dst(%dma_wait3A_700 : memref<10240x64xf32, #tpu.memory_space<vmem_shared>>)
      %add3A_701 = arith.constant 3 : i32
      %add3A_702 = arith.addi %add3A_687, %add3A_701 : i32
      %dma_start3A_703 = arith.constant 3 : i32
      %dma_start3A_704 = arith.constant 0 : i32
      %dma_start3A_705 = arith.constant 0 : i32
      %dma_start3A_706 = tpu.memref_slice %arg8[%dma_start3A_703, %dma_start3A_704, %dma_start3A_705] : memref<6x128x64xf32, #tpu.memory_space<vmem>> -> memref<1x128x64xf32, #tpu.memory_space<vmem>>
      %dma_start3A_707 = tpu.memref_squeeze %dma_start3A_706 : memref<1x128x64xf32, #tpu.memory_space<vmem>> -> memref<128x64xf32, #tpu.memory_space<vmem>>
      %dma_start3A_708 = arith.constant 0 : i32
      %dma_start3A_709 = tpu.memref_slice %arg6[%add3A_702, %dma_start3A_708] : memref<160x128xi32, #tpu.memory_space<vmem>> -> memref<1x128xi32, #tpu.memory_space<vmem>>
      %dma_start3A_710 = tpu.memref_squeeze %dma_start3A_709 : memref<1x128xi32, #tpu.memory_space<vmem>> -> memref<128xi32, #tpu.memory_space<vmem>>
      %dma_start3A_711 = arith.constant 0 : i32
      %dma_start3A_712 = arith.constant 0 : i32
      %dma_start3A_713 = tpu.memref_slice %arg2[%dma_start3A_711, %dma_start3A_712] : memref<20480x64xf32, #tpu.memory_space<hbm>> -> memref<20480x64xf32, #tpu.memory_space<hbm>>
      tpu.enqueue_indirect_dma source(%dma_start3A_713 : memref<20480x64xf32, #tpu.memory_space<hbm>>) target(%dma_start3A_707 : memref<128x64xf32, #tpu.memory_space<vmem>>) offsets(%dma_start3A_710 : memref<128xi32, #tpu.memory_space<vmem>>) semaphore(%arg13 : memref<!tpu.dma_semaphore, #tpu.memory_space<semaphore_mem>>)
      %dma_wait3A_714 = arith.constant 0 : i32
      %dma_wait3A_715 = arith.constant 0 : i32
      %dma_wait3A_716 = arith.constant 0 : i32
      %dma_wait3A_717 = tpu.memref_slice %arg8[%dma_wait3A_714, %dma_wait3A_715, %dma_wait3A_716] : memref<6x128x64xf32, #tpu.memory_space<vmem>> -> memref<1x128x64xf32, #tpu.memory_space<vmem>>
      %dma_wait3A_718 = tpu.memref_squeeze %dma_wait3A_717 : memref<1x128x64xf32, #tpu.memory_space<vmem>> -> memref<128x64xf32, #tpu.memory_space<vmem>>
      %dma_wait3A_719 = arith.constant 0 : i32
      %dma_wait3A_720 = tpu.memref_slice %arg6[%add3A_687, %dma_wait3A_719] : memref<160x128xi32, #tpu.memory_space<vmem>> -> memref<1x128xi32, #tpu.memory_space<vmem>>
      %dma_wait3A_721 = tpu.memref_squeeze %dma_wait3A_720 : memref<1x128xi32, #tpu.memory_space<vmem>> -> memref<128xi32, #tpu.memory_space<vmem>>
      %dma_wait3A_722 = arith.constant 0 : i32
      %dma_wait3A_723 = arith.constant 0 : i32
      %dma_wait3A_724 = tpu.memref_slice %arg2[%dma_wait3A_722, %dma_wait3A_723] : memref<20480x64xf32, #tpu.memory_space<hbm>> -> memref<20480x64xf32, #tpu.memory_space<hbm>>
      tpu.wait_indirect_dma semaphore(%arg10 : memref<!tpu.dma_semaphore, #tpu.memory_space<semaphore_mem>>) src(%dma_wait3A_724 : memref<20480x64xf32, #tpu.memory_space<hbm>>) dst(%dma_wait3A_718 : memref<128x64xf32, #tpu.memory_space<vmem>>)
      %dma_start3A_725 = arith.constant 0 : i32
      %dma_start3A_726 = arith.constant 0 : i32
      %dma_start3A_727 = arith.constant 0 : i32
      %dma_start3A_728 = tpu.memref_slice %arg8[%dma_start3A_725, %dma_start3A_726, %dma_start3A_727] : memref<6x128x64xf32, #tpu.memory_space<vmem>> -> memref<1x128x64xf32, #tpu.memory_space<vmem>>
      %dma_start3A_729 = tpu.memref_squeeze %dma_start3A_728 : memref<1x128x64xf32, #tpu.memory_space<vmem>> -> memref<128x64xf32, #tpu.memory_space<vmem>>
      %dma_start3A_730 = arith.constant 0 : i32
      %dma_start3A_731 = tpu.memref_slice %arg7[%add3A_687, %dma_start3A_730] : memref<160x128xi32, #tpu.memory_space<vmem>> -> memref<1x128xi32, #tpu.memory_space<vmem>>
      %dma_start3A_732 = tpu.memref_squeeze %dma_start3A_731 : memref<1x128xi32, #tpu.memory_space<vmem>> -> memref<128xi32, #tpu.memory_space<vmem>>
      %dma_start3A_733 = arith.constant 0 : i32
      %dma_start3A_734 = arith.constant 0 : i32
      %dma_start3A_735 = tpu.memref_slice %arg9[%dma_start3A_733, %dma_start3A_734] : memref<10240x64xf32, #tpu.memory_space<vmem_shared>> -> memref<10240x64xf32, #tpu.memory_space<vmem_shared>>
      tpu.enqueue_indirect_dma source(%dma_start3A_729 : memref<128x64xf32, #tpu.memory_space<vmem>>) target(%dma_start3A_735 : memref<10240x64xf32, #tpu.memory_space<vmem_shared>>) offsets(%dma_start3A_732 : memref<128xi32, #tpu.memory_space<vmem>>) semaphore(%arg10 : memref<!tpu.dma_semaphore, #tpu.memory_space<semaphore_mem>>) {add = true}
      %mul3A_736 = arith.constant 6 : i32
      %mul3A_737 = arith.muli %scan3A_520, %mul3A_736 : i32
      %add3A_738 = arith.constant 3 : i32
      %add3A_739 = arith.addi %add3A_738, %mul3A_737 : i32
      %add3A_740 = arith.constant 4 : i32
      %add3A_741 = arith.addi %add3A_739, %add3A_740 : i32
      %sub3A_742 = arith.constant 3 : i32
      %sub3A_743 = arith.subi %add3A_741, %sub3A_742 : i32
      %dma_wait3A_744 = arith.constant 4 : i32
      %dma_wait3A_745 = arith.constant 0 : i32
      %dma_wait3A_746 = arith.constant 0 : i32
      %dma_wait3A_747 = tpu.memref_slice %arg8[%dma_wait3A_744, %dma_wait3A_745, %dma_wait3A_746] : memref<6x128x64xf32, #tpu.memory_space<vmem>> -> memref<1x128x64xf32, #tpu.memory_space<vmem>>
      %dma_wait3A_748 = tpu.memref_squeeze %dma_wait3A_747 : memref<1x128x64xf32, #tpu.memory_space<vmem>> -> memref<128x64xf32, #tpu.memory_space<vmem>>
      %dma_wait3A_749 = arith.constant 0 : i32
      %dma_wait3A_750 = tpu.memref_slice %arg7[%sub3A_743, %dma_wait3A_749] : memref<160x128xi32, #tpu.memory_space<vmem>> -> memref<1x128xi32, #tpu.memory_space<vmem>>
      %dma_wait3A_751 = tpu.memref_squeeze %dma_wait3A_750 : memref<1x128xi32, #tpu.memory_space<vmem>> -> memref<128xi32, #tpu.memory_space<vmem>>
      %dma_wait3A_752 = arith.constant 0 : i32
      %dma_wait3A_753 = arith.constant 0 : i32
      %dma_wait3A_754 = tpu.memref_slice %arg9[%dma_wait3A_752, %dma_wait3A_753] : memref<10240x64xf32, #tpu.memory_space<vmem_shared>> -> memref<10240x64xf32, #tpu.memory_space<vmem_shared>>
      tpu.wait_indirect_dma semaphore(%arg14 : memref<!tpu.dma_semaphore, #tpu.memory_space<semaphore_mem>>) src(%dma_wait3A_748 : memref<128x64xf32, #tpu.memory_space<vmem>>) dst(%dma_wait3A_754 : memref<10240x64xf32, #tpu.memory_space<vmem_shared>>)
      %add3A_755 = arith.constant 3 : i32
      %add3A_756 = arith.addi %add3A_741, %add3A_755 : i32
      %dma_start3A_757 = arith.constant 4 : i32
      %dma_start3A_758 = arith.constant 0 : i32
      %dma_start3A_759 = arith.constant 0 : i32
      %dma_start3A_760 = tpu.memref_slice %arg8[%dma_start3A_757, %dma_start3A_758, %dma_start3A_759] : memref<6x128x64xf32, #tpu.memory_space<vmem>> -> memref<1x128x64xf32, #tpu.memory_space<vmem>>
      %dma_start3A_761 = tpu.memref_squeeze %dma_start3A_760 : memref<1x128x64xf32, #tpu.memory_space<vmem>> -> memref<128x64xf32, #tpu.memory_space<vmem>>
      %dma_start3A_762 = arith.constant 0 : i32
      %dma_start3A_763 = tpu.memref_slice %arg6[%add3A_756, %dma_start3A_762] : memref<160x128xi32, #tpu.memory_space<vmem>> -> memref<1x128xi32, #tpu.memory_space<vmem>>
      %dma_start3A_764 = tpu.memref_squeeze %dma_start3A_763 : memref<1x128xi32, #tpu.memory_space<vmem>> -> memref<128xi32, #tpu.memory_space<vmem>>
      %dma_start3A_765 = arith.constant 0 : i32
      %dma_start3A_766 = arith.constant 0 : i32
      %dma_start3A_767 = tpu.memref_slice %arg2[%dma_start3A_765, %dma_start3A_766] : memref<20480x64xf32, #tpu.memory_space<hbm>> -> memref<20480x64xf32, #tpu.memory_space<hbm>>
      tpu.enqueue_indirect_dma source(%dma_start3A_767 : memref<20480x64xf32, #tpu.memory_space<hbm>>) target(%dma_start3A_761 : memref<128x64xf32, #tpu.memory_space<vmem>>) offsets(%dma_start3A_764 : memref<128xi32, #tpu.memory_space<vmem>>) semaphore(%arg14 : memref<!tpu.dma_semaphore, #tpu.memory_space<semaphore_mem>>)
      %dma_wait3A_768 = arith.constant 1 : i32
      %dma_wait3A_769 = arith.constant 0 : i32
      %dma_wait3A_770 = arith.constant 0 : i32
      %dma_wait3A_771 = tpu.memref_slice %arg8[%dma_wait3A_768, %dma_wait3A_769, %dma_wait3A_770] : memref<6x128x64xf32, #tpu.memory_space<vmem>> -> memref<1x128x64xf32, #tpu.memory_space<vmem>>
      %dma_wait3A_772 = tpu.memref_squeeze %dma_wait3A_771 : memref<1x128x64xf32, #tpu.memory_space<vmem>> -> memref<128x64xf32, #tpu.memory_space<vmem>>
      %dma_wait3A_773 = arith.constant 0 : i32
      %dma_wait3A_774 = tpu.memref_slice %arg6[%add3A_741, %dma_wait3A_773] : memref<160x128xi32, #tpu.memory_space<vmem>> -> memref<1x128xi32, #tpu.memory_space<vmem>>
      %dma_wait3A_775 = tpu.memref_squeeze %dma_wait3A_774 : memref<1x128xi32, #tpu.memory_space<vmem>> -> memref<128xi32, #tpu.memory_space<vmem>>
      %dma_wait3A_776 = arith.constant 0 : i32
      %dma_wait3A_777 = arith.constant 0 : i32
      %dma_wait3A_778 = tpu.memref_slice %arg2[%dma_wait3A_776, %dma_wait3A_777] : memref<20480x64xf32, #tpu.memory_space<hbm>> -> memref<20480x64xf32, #tpu.memory_space<hbm>>
      tpu.wait_indirect_dma semaphore(%arg11 : memref<!tpu.dma_semaphore, #tpu.memory_space<semaphore_mem>>) src(%dma_wait3A_778 : memref<20480x64xf32, #tpu.memory_space<hbm>>) dst(%dma_wait3A_772 : memref<128x64xf32, #tpu.memory_space<vmem>>)
      %dma_start3A_779 = arith.constant 1 : i32
      %dma_start3A_780 = arith.constant 0 : i32
      %dma_start3A_781 = arith.constant 0 : i32
      %dma_start3A_782 = tpu.memref_slice %arg8[%dma_start3A_779, %dma_start3A_780, %dma_start3A_781] : memref<6x128x64xf32, #tpu.memory_space<vmem>> -> memref<1x128x64xf32, #tpu.memory_space<vmem>>
      %dma_start3A_783 = tpu.memref_squeeze %dma_start3A_782 : memref<1x128x64xf32, #tpu.memory_space<vmem>> -> memref<128x64xf32, #tpu.memory_space<vmem>>
      %dma_start3A_784 = arith.constant 0 : i32
      %dma_start3A_785 = tpu.memref_slice %arg7[%add3A_741, %dma_start3A_784] : memref<160x128xi32, #tpu.memory_space<vmem>> -> memref<1x128xi32, #tpu.memory_space<vmem>>
      %dma_start3A_786 = tpu.memref_squeeze %dma_start3A_785 : memref<1x128xi32, #tpu.memory_space<vmem>> -> memref<128xi32, #tpu.memory_space<vmem>>
      %dma_start3A_787 = arith.constant 0 : i32
      %dma_start3A_788 = arith.constant 0 : i32
      %dma_start3A_789 = tpu.memref_slice %arg9[%dma_start3A_787, %dma_start3A_788] : memref<10240x64xf32, #tpu.memory_space<vmem_shared>> -> memref<10240x64xf32, #tpu.memory_space<vmem_shared>>
      tpu.enqueue_indirect_dma source(%dma_start3A_783 : memref<128x64xf32, #tpu.memory_space<vmem>>) target(%dma_start3A_789 : memref<10240x64xf32, #tpu.memory_space<vmem_shared>>) offsets(%dma_start3A_786 : memref<128xi32, #tpu.memory_space<vmem>>) semaphore(%arg11 : memref<!tpu.dma_semaphore, #tpu.memory_space<semaphore_mem>>) {add = true}
      %mul3A_790 = arith.constant 6 : i32
      %mul3A_791 = arith.muli %scan3A_520, %mul3A_790 : i32
      %add3A_792 = arith.constant 3 : i32
      %add3A_793 = arith.addi %add3A_792, %mul3A_791 : i32
      %add3A_794 = arith.constant 5 : i32
      %add3A_795 = arith.addi %add3A_793, %add3A_794 : i32
      %sub3A_796 = arith.constant 3 : i32
      %sub3A_797 = arith.subi %add3A_795, %sub3A_796 : i32
      %dma_wait3A_798 = arith.constant 5 : i32
      %dma_wait3A_799 = arith.constant 0 : i32
      %dma_wait3A_800 = arith.constant 0 : i32
      %dma_wait3A_801 = tpu.memref_slice %arg8[%dma_wait3A_798, %dma_wait3A_799, %dma_wait3A_800] : memref<6x128x64xf32, #tpu.memory_space<vmem>> -> memref<1x128x64xf32, #tpu.memory_space<vmem>>
      %dma_wait3A_802 = tpu.memref_squeeze %dma_wait3A_801 : memref<1x128x64xf32, #tpu.memory_space<vmem>> -> memref<128x64xf32, #tpu.memory_space<vmem>>
      %dma_wait3A_803 = arith.constant 0 : i32
      %dma_wait3A_804 = tpu.memref_slice %arg7[%sub3A_797, %dma_wait3A_803] : memref<160x128xi32, #tpu.memory_space<vmem>> -> memref<1x128xi32, #tpu.memory_space<vmem>>
      %dma_wait3A_805 = tpu.memref_squeeze %dma_wait3A_804 : memref<1x128xi32, #tpu.memory_space<vmem>> -> memref<128xi32, #tpu.memory_space<vmem>>
      %dma_wait3A_806 = arith.constant 0 : i32
      %dma_wait3A_807 = arith.constant 0 : i32
      %dma_wait3A_808 = tpu.memref_slice %arg9[%dma_wait3A_806, %dma_wait3A_807] : memref<10240x64xf32, #tpu.memory_space<vmem_shared>> -> memref<10240x64xf32, #tpu.memory_space<vmem_shared>>
      tpu.wait_indirect_dma semaphore(%arg15 : memref<!tpu.dma_semaphore, #tpu.memory_space<semaphore_mem>>) src(%dma_wait3A_802 : memref<128x64xf32, #tpu.memory_space<vmem>>) dst(%dma_wait3A_808 : memref<10240x64xf32, #tpu.memory_space<vmem_shared>>)
      %add3A_809 = arith.constant 3 : i32
      %add3A_810 = arith.addi %add3A_795, %add3A_809 : i32
      %dma_start3A_811 = arith.constant 5 : i32
      %dma_start3A_812 = arith.constant 0 : i32
      %dma_start3A_813 = arith.constant 0 : i32
      %dma_start3A_814 = tpu.memref_slice %arg8[%dma_start3A_811, %dma_start3A_812, %dma_start3A_813] : memref<6x128x64xf32, #tpu.memory_space<vmem>> -> memref<1x128x64xf32, #tpu.memory_space<vmem>>
      %dma_start3A_815 = tpu.memref_squeeze %dma_start3A_814 : memref<1x128x64xf32, #tpu.memory_space<vmem>> -> memref<128x64xf32, #tpu.memory_space<vmem>>
      %dma_start3A_816 = arith.constant 0 : i32
      %dma_start3A_817 = tpu.memref_slice %arg6[%add3A_810, %dma_start3A_816] : memref<160x128xi32, #tpu.memory_space<vmem>> -> memref<1x128xi32, #tpu.memory_space<vmem>>
      %dma_start3A_818 = tpu.memref_squeeze %dma_start3A_817 : memref<1x128xi32, #tpu.memory_space<vmem>> -> memref<128xi32, #tpu.memory_space<vmem>>
      %dma_start3A_819 = arith.constant 0 : i32
      %dma_start3A_820 = arith.constant 0 : i32
      %dma_start3A_821 = tpu.memref_slice %arg2[%dma_start3A_819, %dma_start3A_820] : memref<20480x64xf32, #tpu.memory_space<hbm>> -> memref<20480x64xf32, #tpu.memory_space<hbm>>
      tpu.enqueue_indirect_dma source(%dma_start3A_821 : memref<20480x64xf32, #tpu.memory_space<hbm>>) target(%dma_start3A_815 : memref<128x64xf32, #tpu.memory_space<vmem>>) offsets(%dma_start3A_818 : memref<128xi32, #tpu.memory_space<vmem>>) semaphore(%arg15 : memref<!tpu.dma_semaphore, #tpu.memory_space<semaphore_mem>>)
      %dma_wait3A_822 = arith.constant 2 : i32
      %dma_wait3A_823 = arith.constant 0 : i32
      %dma_wait3A_824 = arith.constant 0 : i32
      %dma_wait3A_825 = tpu.memref_slice %arg8[%dma_wait3A_822, %dma_wait3A_823, %dma_wait3A_824] : memref<6x128x64xf32, #tpu.memory_space<vmem>> -> memref<1x128x64xf32, #tpu.memory_space<vmem>>
      %dma_wait3A_826 = tpu.memref_squeeze %dma_wait3A_825 : memref<1x128x64xf32, #tpu.memory_space<vmem>> -> memref<128x64xf32, #tpu.memory_space<vmem>>
      %dma_wait3A_827 = arith.constant 0 : i32
      %dma_wait3A_828 = tpu.memref_slice %arg6[%add3A_795, %dma_wait3A_827] : memref<160x128xi32, #tpu.memory_space<vmem>> -> memref<1x128xi32, #tpu.memory_space<vmem>>
      %dma_wait3A_829 = tpu.memref_squeeze %dma_wait3A_828 : memref<1x128xi32, #tpu.memory_space<vmem>> -> memref<128xi32, #tpu.memory_space<vmem>>
      %dma_wait3A_830 = arith.constant 0 : i32
      %dma_wait3A_831 = arith.constant 0 : i32
      %dma_wait3A_832 = tpu.memref_slice %arg2[%dma_wait3A_830, %dma_wait3A_831] : memref<20480x64xf32, #tpu.memory_space<hbm>> -> memref<20480x64xf32, #tpu.memory_space<hbm>>
      tpu.wait_indirect_dma semaphore(%arg12 : memref<!tpu.dma_semaphore, #tpu.memory_space<semaphore_mem>>) src(%dma_wait3A_832 : memref<20480x64xf32, #tpu.memory_space<hbm>>) dst(%dma_wait3A_826 : memref<128x64xf32, #tpu.memory_space<vmem>>)
      %dma_start3A_833 = arith.constant 2 : i32
      %dma_start3A_834 = arith.constant 0 : i32
      %dma_start3A_835 = arith.constant 0 : i32
      %dma_start3A_836 = tpu.memref_slice %arg8[%dma_start3A_833, %dma_start3A_834, %dma_start3A_835] : memref<6x128x64xf32, #tpu.memory_space<vmem>> -> memref<1x128x64xf32, #tpu.memory_space<vmem>>
      %dma_start3A_837 = tpu.memref_squeeze %dma_start3A_836 : memref<1x128x64xf32, #tpu.memory_space<vmem>> -> memref<128x64xf32, #tpu.memory_space<vmem>>
      %dma_start3A_838 = arith.constant 0 : i32
      %dma_start3A_839 = tpu.memref_slice %arg7[%add3A_795, %dma_start3A_838] : memref<160x128xi32, #tpu.memory_space<vmem>> -> memref<1x128xi32, #tpu.memory_space<vmem>>
      %dma_start3A_840 = tpu.memref_squeeze %dma_start3A_839 : memref<1x128xi32, #tpu.memory_space<vmem>> -> memref<128xi32, #tpu.memory_space<vmem>>
      %dma_start3A_841 = arith.constant 0 : i32
      %dma_start3A_842 = arith.constant 0 : i32
      %dma_start3A_843 = tpu.memref_slice %arg9[%dma_start3A_841, %dma_start3A_842] : memref<10240x64xf32, #tpu.memory_space<vmem_shared>> -> memref<10240x64xf32, #tpu.memory_space<vmem_shared>>
      tpu.enqueue_indirect_dma source(%dma_start3A_837 : memref<128x64xf32, #tpu.memory_space<vmem>>) target(%dma_start3A_843 : memref<10240x64xf32, #tpu.memory_space<vmem_shared>>) offsets(%dma_start3A_840 : memref<128xi32, #tpu.memory_space<vmem>>) semaphore(%arg12 : memref<!tpu.dma_semaphore, #tpu.memory_space<semaphore_mem>>) {add = true}
    }
    %scan3A_178 = arith.constant 25 : i32
    %dma_wait3A_179 = arith.constant 0 : i32
    %dma_wait3A_180 = arith.constant 150 : i32
    %dma_wait3A_181 = arith.constant 0 : i32
    %dma_wait3A_182 = arith.constant 0 : i32
    %dma_wait3A_183 = tpu.memref_slice %arg8[%dma_wait3A_179, %dma_wait3A_181, %dma_wait3A_182] : memref<6x128x64xf32, #tpu.memory_space<vmem>> -> memref<1x128x64xf32, #tpu.memory_space<vmem>>
    %dma_wait3A_184 = tpu.memref_squeeze %dma_wait3A_183 : memref<1x128x64xf32, #tpu.memory_space<vmem>> -> memref<128x64xf32, #tpu.memory_space<vmem>>
    %dma_wait3A_185 = arith.constant 0 : i32
    %dma_wait3A_186 = tpu.memref_slice %arg7[%dma_wait3A_180, %dma_wait3A_185] : memref<160x128xi32, #tpu.memory_space<vmem>> -> memref<1x128xi32, #tpu.memory_space<vmem>>
    %dma_wait3A_187 = tpu.memref_squeeze %dma_wait3A_186 : memref<1x128xi32, #tpu.memory_space<vmem>> -> memref<128xi32, #tpu.memory_space<vmem>>
    %dma_wait3A_188 = arith.constant 0 : i32
    %dma_wait3A_189 = arith.constant 0 : i32
    %dma_wait3A_190 = tpu.memref_slice %arg9[%dma_wait3A_188, %dma_wait3A_189] : memref<10240x64xf32, #tpu.memory_space<vmem_shared>> -> memref<10240x64xf32, #tpu.memory_space<vmem_shared>>
    tpu.wait_indirect_dma semaphore(%arg10 : memref<!tpu.dma_semaphore, #tpu.memory_space<semaphore_mem>>) src(%dma_wait3A_184 : memref<128x64xf32, #tpu.memory_space<vmem>>) dst(%dma_wait3A_190 : memref<10240x64xf32, #tpu.memory_space<vmem_shared>>)
    %dma_start3A_191 = arith.constant 156 : i32
    %dma_start3A_192 = arith.constant 0 : i32
    %dma_start3A_193 = arith.constant 0 : i32
    %dma_start3A_194 = arith.constant 0 : i32
    %dma_start3A_195 = tpu.memref_slice %arg8[%dma_start3A_192, %dma_start3A_193, %dma_start3A_194] : memref<6x128x64xf32, #tpu.memory_space<vmem>> -> memref<1x128x64xf32, #tpu.memory_space<vmem>>
    %dma_start3A_196 = tpu.memref_squeeze %dma_start3A_195 : memref<1x128x64xf32, #tpu.memory_space<vmem>> -> memref<128x64xf32, #tpu.memory_space<vmem>>
    %dma_start3A_197 = arith.constant 0 : i32
    %dma_start3A_198 = tpu.memref_slice %arg6[%dma_start3A_191, %dma_start3A_197] : memref<160x128xi32, #tpu.memory_space<vmem>> -> memref<1x128xi32, #tpu.memory_space<vmem>>
    %dma_start3A_199 = tpu.memref_squeeze %dma_start3A_198 : memref<1x128xi32, #tpu.memory_space<vmem>> -> memref<128xi32, #tpu.memory_space<vmem>>
    %dma_start3A_200 = arith.constant 0 : i32
    %dma_start3A_201 = arith.constant 0 : i32
    %dma_start3A_202 = tpu.memref_slice %arg2[%dma_start3A_200, %dma_start3A_201] : memref<20480x64xf32, #tpu.memory_space<hbm>> -> memref<20480x64xf32, #tpu.memory_space<hbm>>
    tpu.enqueue_indirect_dma source(%dma_start3A_202 : memref<20480x64xf32, #tpu.memory_space<hbm>>) target(%dma_start3A_196 : memref<128x64xf32, #tpu.memory_space<vmem>>) offsets(%dma_start3A_199 : memref<128xi32, #tpu.memory_space<vmem>>) semaphore(%arg10 : memref<!tpu.dma_semaphore, #tpu.memory_space<semaphore_mem>>)
    %dma_wait3A_203 = arith.constant 153 : i32
    %dma_wait3A_204 = arith.constant 3 : i32
    %dma_wait3A_205 = arith.constant 0 : i32
    %dma_wait3A_206 = arith.constant 0 : i32
    %dma_wait3A_207 = tpu.memref_slice %arg8[%dma_wait3A_204, %dma_wait3A_205, %dma_wait3A_206] : memref<6x128x64xf32, #tpu.memory_space<vmem>> -> memref<1x128x64xf32, #tpu.memory_space<vmem>>
    %dma_wait3A_208 = tpu.memref_squeeze %dma_wait3A_207 : memref<1x128x64xf32, #tpu.memory_space<vmem>> -> memref<128x64xf32, #tpu.memory_space<vmem>>
    %dma_wait3A_209 = arith.constant 0 : i32
    %dma_wait3A_210 = tpu.memref_slice %arg6[%dma_wait3A_203, %dma_wait3A_209] : memref<160x128xi32, #tpu.memory_space<vmem>> -> memref<1x128xi32, #tpu.memory_space<vmem>>
    %dma_wait3A_211 = tpu.memref_squeeze %dma_wait3A_210 : memref<1x128xi32, #tpu.memory_space<vmem>> -> memref<128xi32, #tpu.memory_space<vmem>>
    %dma_wait3A_212 = arith.constant 0 : i32
    %dma_wait3A_213 = arith.constant 0 : i32
    %dma_wait3A_214 = tpu.memref_slice %arg2[%dma_wait3A_212, %dma_wait3A_213] : memref<20480x64xf32, #tpu.memory_space<hbm>> -> memref<20480x64xf32, #tpu.memory_space<hbm>>
    tpu.wait_indirect_dma semaphore(%arg13 : memref<!tpu.dma_semaphore, #tpu.memory_space<semaphore_mem>>) src(%dma_wait3A_214 : memref<20480x64xf32, #tpu.memory_space<hbm>>) dst(%dma_wait3A_208 : memref<128x64xf32, #tpu.memory_space<vmem>>)
    %dma_start3A_215 = arith.constant 3 : i32
    %dma_start3A_216 = arith.constant 153 : i32
    %dma_start3A_217 = arith.constant 0 : i32
    %dma_start3A_218 = arith.constant 0 : i32
    %dma_start3A_219 = tpu.memref_slice %arg8[%dma_start3A_215, %dma_start3A_217, %dma_start3A_218] : memref<6x128x64xf32, #tpu.memory_space<vmem>> -> memref<1x128x64xf32, #tpu.memory_space<vmem>>
    %dma_start3A_220 = tpu.memref_squeeze %dma_start3A_219 : memref<1x128x64xf32, #tpu.memory_space<vmem>> -> memref<128x64xf32, #tpu.memory_space<vmem>>
    %dma_start3A_221 = arith.constant 0 : i32
    %dma_start3A_222 = tpu.memref_slice %arg7[%dma_start3A_216, %dma_start3A_221] : memref<160x128xi32, #tpu.memory_space<vmem>> -> memref<1x128xi32, #tpu.memory_space<vmem>>
    %dma_start3A_223 = tpu.memref_squeeze %dma_start3A_222 : memref<1x128xi32, #tpu.memory_space<vmem>> -> memref<128xi32, #tpu.memory_space<vmem>>
    %dma_start3A_224 = arith.constant 0 : i32
    %dma_start3A_225 = arith.constant 0 : i32
    %dma_start3A_226 = tpu.memref_slice %arg9[%dma_start3A_224, %dma_start3A_225] : memref<10240x64xf32, #tpu.memory_space<vmem_shared>> -> memref<10240x64xf32, #tpu.memory_space<vmem_shared>>
    tpu.enqueue_indirect_dma source(%dma_start3A_220 : memref<128x64xf32, #tpu.memory_space<vmem>>) target(%dma_start3A_226 : memref<10240x64xf32, #tpu.memory_space<vmem_shared>>) offsets(%dma_start3A_223 : memref<128xi32, #tpu.memory_space<vmem>>) semaphore(%arg13 : memref<!tpu.dma_semaphore, #tpu.memory_space<semaphore_mem>>) {add = true}
    %dma_wait3A_227 = arith.constant 1 : i32
    %dma_wait3A_228 = arith.constant 151 : i32
    %dma_wait3A_229 = arith.constant 0 : i32
    %dma_wait3A_230 = arith.constant 0 : i32
    %dma_wait3A_231 = tpu.memref_slice %arg8[%dma_wait3A_227, %dma_wait3A_229, %dma_wait3A_230] : memref<6x128x64xf32, #tpu.memory_space<vmem>> -> memref<1x128x64xf32, #tpu.memory_space<vmem>>
    %dma_wait3A_232 = tpu.memref_squeeze %dma_wait3A_231 : memref<1x128x64xf32, #tpu.memory_space<vmem>> -> memref<128x64xf32, #tpu.memory_space<vmem>>
    %dma_wait3A_233 = arith.constant 0 : i32
    %dma_wait3A_234 = tpu.memref_slice %arg7[%dma_wait3A_228, %dma_wait3A_233] : memref<160x128xi32, #tpu.memory_space<vmem>> -> memref<1x128xi32, #tpu.memory_space<vmem>>
    %dma_wait3A_235 = tpu.memref_squeeze %dma_wait3A_234 : memref<1x128xi32, #tpu.memory_space<vmem>> -> memref<128xi32, #tpu.memory_space<vmem>>
    %dma_wait3A_236 = arith.constant 0 : i32
    %dma_wait3A_237 = arith.constant 0 : i32
    %dma_wait3A_238 = tpu.memref_slice %arg9[%dma_wait3A_236, %dma_wait3A_237] : memref<10240x64xf32, #tpu.memory_space<vmem_shared>> -> memref<10240x64xf32, #tpu.memory_space<vmem_shared>>
    tpu.wait_indirect_dma semaphore(%arg11 : memref<!tpu.dma_semaphore, #tpu.memory_space<semaphore_mem>>) src(%dma_wait3A_232 : memref<128x64xf32, #tpu.memory_space<vmem>>) dst(%dma_wait3A_238 : memref<10240x64xf32, #tpu.memory_space<vmem_shared>>)
    %dma_start3A_239 = arith.constant 157 : i32
    %dma_start3A_240 = arith.constant 1 : i32
    %dma_start3A_241 = arith.constant 0 : i32
    %dma_start3A_242 = arith.constant 0 : i32
    %dma_start3A_243 = tpu.memref_slice %arg8[%dma_start3A_240, %dma_start3A_241, %dma_start3A_242] : memref<6x128x64xf32, #tpu.memory_space<vmem>> -> memref<1x128x64xf32, #tpu.memory_space<vmem>>
    %dma_start3A_244 = tpu.memref_squeeze %dma_start3A_243 : memref<1x128x64xf32, #tpu.memory_space<vmem>> -> memref<128x64xf32, #tpu.memory_space<vmem>>
    %dma_start3A_245 = arith.constant 0 : i32
    %dma_start3A_246 = tpu.memref_slice %arg6[%dma_start3A_239, %dma_start3A_245] : memref<160x128xi32, #tpu.memory_space<vmem>> -> memref<1x128xi32, #tpu.memory_space<vmem>>
    %dma_start3A_247 = tpu.memref_squeeze %dma_start3A_246 : memref<1x128xi32, #tpu.memory_space<vmem>> -> memref<128xi32, #tpu.memory_space<vmem>>
    %dma_start3A_248 = arith.constant 0 : i32
    %dma_start3A_249 = arith.constant 0 : i32
    %dma_start3A_250 = tpu.memref_slice %arg2[%dma_start3A_248, %dma_start3A_249] : memref<20480x64xf32, #tpu.memory_space<hbm>> -> memref<20480x64xf32, #tpu.memory_space<hbm>>
    tpu.enqueue_indirect_dma source(%dma_start3A_250 : memref<20480x64xf32, #tpu.memory_space<hbm>>) target(%dma_start3A_244 : memref<128x64xf32, #tpu.memory_space<vmem>>) offsets(%dma_start3A_247 : memref<128xi32, #tpu.memory_space<vmem>>) semaphore(%arg11 : memref<!tpu.dma_semaphore, #tpu.memory_space<semaphore_mem>>)
    %dma_wait3A_251 = arith.constant 154 : i32
    %dma_wait3A_252 = arith.constant 4 : i32
    %dma_wait3A_253 = arith.constant 0 : i32
    %dma_wait3A_254 = arith.constant 0 : i32
    %dma_wait3A_255 = tpu.memref_slice %arg8[%dma_wait3A_252, %dma_wait3A_253, %dma_wait3A_254] : memref<6x128x64xf32, #tpu.memory_space<vmem>> -> memref<1x128x64xf32, #tpu.memory_space<vmem>>
    %dma_wait3A_256 = tpu.memref_squeeze %dma_wait3A_255 : memref<1x128x64xf32, #tpu.memory_space<vmem>> -> memref<128x64xf32, #tpu.memory_space<vmem>>
    %dma_wait3A_257 = arith.constant 0 : i32
    %dma_wait3A_258 = tpu.memref_slice %arg6[%dma_wait3A_251, %dma_wait3A_257] : memref<160x128xi32, #tpu.memory_space<vmem>> -> memref<1x128xi32, #tpu.memory_space<vmem>>
    %dma_wait3A_259 = tpu.memref_squeeze %dma_wait3A_258 : memref<1x128xi32, #tpu.memory_space<vmem>> -> memref<128xi32, #tpu.memory_space<vmem>>
    %dma_wait3A_260 = arith.constant 0 : i32
    %dma_wait3A_261 = arith.constant 0 : i32
    %dma_wait3A_262 = tpu.memref_slice %arg2[%dma_wait3A_260, %dma_wait3A_261] : memref<20480x64xf32, #tpu.memory_space<hbm>> -> memref<20480x64xf32, #tpu.memory_space<hbm>>
    tpu.wait_indirect_dma semaphore(%arg14 : memref<!tpu.dma_semaphore, #tpu.memory_space<semaphore_mem>>) src(%dma_wait3A_262 : memref<20480x64xf32, #tpu.memory_space<hbm>>) dst(%dma_wait3A_256 : memref<128x64xf32, #tpu.memory_space<vmem>>)
    %dma_start3A_263 = arith.constant 4 : i32
    %dma_start3A_264 = arith.constant 154 : i32
    %dma_start3A_265 = arith.constant 0 : i32
    %dma_start3A_266 = arith.constant 0 : i32
    %dma_start3A_267 = tpu.memref_slice %arg8[%dma_start3A_263, %dma_start3A_265, %dma_start3A_266] : memref<6x128x64xf32, #tpu.memory_space<vmem>> -> memref<1x128x64xf32, #tpu.memory_space<vmem>>
    %dma_start3A_268 = tpu.memref_squeeze %dma_start3A_267 : memref<1x128x64xf32, #tpu.memory_space<vmem>> -> memref<128x64xf32, #tpu.memory_space<vmem>>
    %dma_start3A_269 = arith.constant 0 : i32
    %dma_start3A_270 = tpu.memref_slice %arg7[%dma_start3A_264, %dma_start3A_269] : memref<160x128xi32, #tpu.memory_space<vmem>> -> memref<1x128xi32, #tpu.memory_space<vmem>>
    %dma_start3A_271 = tpu.memref_squeeze %dma_start3A_270 : memref<1x128xi32, #tpu.memory_space<vmem>> -> memref<128xi32, #tpu.memory_space<vmem>>
    %dma_start3A_272 = arith.constant 0 : i32
    %dma_start3A_273 = arith.constant 0 : i32
    %dma_start3A_274 = tpu.memref_slice %arg9[%dma_start3A_272, %dma_start3A_273] : memref<10240x64xf32, #tpu.memory_space<vmem_shared>> -> memref<10240x64xf32, #tpu.memory_space<vmem_shared>>
    tpu.enqueue_indirect_dma source(%dma_start3A_268 : memref<128x64xf32, #tpu.memory_space<vmem>>) target(%dma_start3A_274 : memref<10240x64xf32, #tpu.memory_space<vmem_shared>>) offsets(%dma_start3A_271 : memref<128xi32, #tpu.memory_space<vmem>>) semaphore(%arg14 : memref<!tpu.dma_semaphore, #tpu.memory_space<semaphore_mem>>) {add = true}
    %dma_wait3A_275 = arith.constant 2 : i32
    %dma_wait3A_276 = arith.constant 152 : i32
    %dma_wait3A_277 = arith.constant 0 : i32
    %dma_wait3A_278 = arith.constant 0 : i32
    %dma_wait3A_279 = tpu.memref_slice %arg8[%dma_wait3A_275, %dma_wait3A_277, %dma_wait3A_278] : memref<6x128x64xf32, #tpu.memory_space<vmem>> -> memref<1x128x64xf32, #tpu.memory_space<vmem>>
    %dma_wait3A_280 = tpu.memref_squeeze %dma_wait3A_279 : memref<1x128x64xf32, #tpu.memory_space<vmem>> -> memref<128x64xf32, #tpu.memory_space<vmem>>
    %dma_wait3A_281 = arith.constant 0 : i32
    %dma_wait3A_282 = tpu.memref_slice %arg7[%dma_wait3A_276, %dma_wait3A_281] : memref<160x128xi32, #tpu.memory_space<vmem>> -> memref<1x128xi32, #tpu.memory_space<vmem>>
    %dma_wait3A_283 = tpu.memref_squeeze %dma_wait3A_282 : memref<1x128xi32, #tpu.memory_space<vmem>> -> memref<128xi32, #tpu.memory_space<vmem>>
    %dma_wait3A_284 = arith.constant 0 : i32
    %dma_wait3A_285 = arith.constant 0 : i32
    %dma_wait3A_286 = tpu.memref_slice %arg9[%dma_wait3A_284, %dma_wait3A_285] : memref<10240x64xf32, #tpu.memory_space<vmem_shared>> -> memref<10240x64xf32, #tpu.memory_space<vmem_shared>>
    tpu.wait_indirect_dma semaphore(%arg12 : memref<!tpu.dma_semaphore, #tpu.memory_space<semaphore_mem>>) src(%dma_wait3A_280 : memref<128x64xf32, #tpu.memory_space<vmem>>) dst(%dma_wait3A_286 : memref<10240x64xf32, #tpu.memory_space<vmem_shared>>)
    %dma_start3A_287 = arith.constant 158 : i32
    %dma_start3A_288 = arith.constant 2 : i32
    %dma_start3A_289 = arith.constant 0 : i32
    %dma_start3A_290 = arith.constant 0 : i32
    %dma_start3A_291 = tpu.memref_slice %arg8[%dma_start3A_288, %dma_start3A_289, %dma_start3A_290] : memref<6x128x64xf32, #tpu.memory_space<vmem>> -> memref<1x128x64xf32, #tpu.memory_space<vmem>>
    %dma_start3A_292 = tpu.memref_squeeze %dma_start3A_291 : memref<1x128x64xf32, #tpu.memory_space<vmem>> -> memref<128x64xf32, #tpu.memory_space<vmem>>
    %dma_start3A_293 = arith.constant 0 : i32
    %dma_start3A_294 = tpu.memref_slice %arg6[%dma_start3A_287, %dma_start3A_293] : memref<160x128xi32, #tpu.memory_space<vmem>> -> memref<1x128xi32, #tpu.memory_space<vmem>>
    %dma_start3A_295 = tpu.memref_squeeze %dma_start3A_294 : memref<1x128xi32, #tpu.memory_space<vmem>> -> memref<128xi32, #tpu.memory_space<vmem>>
    %dma_start3A_296 = arith.constant 0 : i32
    %dma_start3A_297 = arith.constant 0 : i32
    %dma_start3A_298 = tpu.memref_slice %arg2[%dma_start3A_296, %dma_start3A_297] : memref<20480x64xf32, #tpu.memory_space<hbm>> -> memref<20480x64xf32, #tpu.memory_space<hbm>>
    tpu.enqueue_indirect_dma source(%dma_start3A_298 : memref<20480x64xf32, #tpu.memory_space<hbm>>) target(%dma_start3A_292 : memref<128x64xf32, #tpu.memory_space<vmem>>) offsets(%dma_start3A_295 : memref<128xi32, #tpu.memory_space<vmem>>) semaphore(%arg12 : memref<!tpu.dma_semaphore, #tpu.memory_space<semaphore_mem>>)
    %dma_wait3A_299 = arith.constant 155 : i32
    %dma_wait3A_300 = arith.constant 5 : i32
    %dma_wait3A_301 = arith.constant 0 : i32
    %dma_wait3A_302 = arith.constant 0 : i32
    %dma_wait3A_303 = tpu.memref_slice %arg8[%dma_wait3A_300, %dma_wait3A_301, %dma_wait3A_302] : memref<6x128x64xf32, #tpu.memory_space<vmem>> -> memref<1x128x64xf32, #tpu.memory_space<vmem>>
    %dma_wait3A_304 = tpu.memref_squeeze %dma_wait3A_303 : memref<1x128x64xf32, #tpu.memory_space<vmem>> -> memref<128x64xf32, #tpu.memory_space<vmem>>
    %dma_wait3A_305 = arith.constant 0 : i32
    %dma_wait3A_306 = tpu.memref_slice %arg6[%dma_wait3A_299, %dma_wait3A_305] : memref<160x128xi32, #tpu.memory_space<vmem>> -> memref<1x128xi32, #tpu.memory_space<vmem>>
    %dma_wait3A_307 = tpu.memref_squeeze %dma_wait3A_306 : memref<1x128xi32, #tpu.memory_space<vmem>> -> memref<128xi32, #tpu.memory_space<vmem>>
    %dma_wait3A_308 = arith.constant 0 : i32
    %dma_wait3A_309 = arith.constant 0 : i32
    %dma_wait3A_310 = tpu.memref_slice %arg2[%dma_wait3A_308, %dma_wait3A_309] : memref<20480x64xf32, #tpu.memory_space<hbm>> -> memref<20480x64xf32, #tpu.memory_space<hbm>>
    tpu.wait_indirect_dma semaphore(%arg15 : memref<!tpu.dma_semaphore, #tpu.memory_space<semaphore_mem>>) src(%dma_wait3A_310 : memref<20480x64xf32, #tpu.memory_space<hbm>>) dst(%dma_wait3A_304 : memref<128x64xf32, #tpu.memory_space<vmem>>)
    %dma_start3A_311 = arith.constant 5 : i32
    %dma_start3A_312 = arith.constant 155 : i32
    %dma_start3A_313 = arith.constant 0 : i32
    %dma_start3A_314 = arith.constant 0 : i32
    %dma_start3A_315 = tpu.memref_slice %arg8[%dma_start3A_311, %dma_start3A_313, %dma_start3A_314] : memref<6x128x64xf32, #tpu.memory_space<vmem>> -> memref<1x128x64xf32, #tpu.memory_space<vmem>>
    %dma_start3A_316 = tpu.memref_squeeze %dma_start3A_315 : memref<1x128x64xf32, #tpu.memory_space<vmem>> -> memref<128x64xf32, #tpu.memory_space<vmem>>
    %dma_start3A_317 = arith.constant 0 : i32
    %dma_start3A_318 = tpu.memref_slice %arg7[%dma_start3A_312, %dma_start3A_317] : memref<160x128xi32, #tpu.memory_space<vmem>> -> memref<1x128xi32, #tpu.memory_space<vmem>>
    %dma_start3A_319 = tpu.memref_squeeze %dma_start3A_318 : memref<1x128xi32, #tpu.memory_space<vmem>> -> memref<128xi32, #tpu.memory_space<vmem>>
    %dma_start3A_320 = arith.constant 0 : i32
    %dma_start3A_321 = arith.constant 0 : i32
    %dma_start3A_322 = tpu.memref_slice %arg9[%dma_start3A_320, %dma_start3A_321] : memref<10240x64xf32, #tpu.memory_space<vmem_shared>> -> memref<10240x64xf32, #tpu.memory_space<vmem_shared>>
    tpu.enqueue_indirect_dma source(%dma_start3A_316 : memref<128x64xf32, #tpu.memory_space<vmem>>) target(%dma_start3A_322 : memref<10240x64xf32, #tpu.memory_space<vmem_shared>>) offsets(%dma_start3A_319 : memref<128xi32, #tpu.memory_space<vmem>>) semaphore(%arg15 : memref<!tpu.dma_semaphore, #tpu.memory_space<semaphore_mem>>) {add = true}
    %dma_wait3A_323 = arith.constant 3 : i32
    %dma_wait3A_324 = arith.constant 153 : i32
    %dma_wait3A_325 = arith.constant 0 : i32
    %dma_wait3A_326 = arith.constant 0 : i32
    %dma_wait3A_327 = tpu.memref_slice %arg8[%dma_wait3A_323, %dma_wait3A_325, %dma_wait3A_326] : memref<6x128x64xf32, #tpu.memory_space<vmem>> -> memref<1x128x64xf32, #tpu.memory_space<vmem>>
    %dma_wait3A_328 = tpu.memref_squeeze %dma_wait3A_327 : memref<1x128x64xf32, #tpu.memory_space<vmem>> -> memref<128x64xf32, #tpu.memory_space<vmem>>
    %dma_wait3A_329 = arith.constant 0 : i32
    %dma_wait3A_330 = tpu.memref_slice %arg7[%dma_wait3A_324, %dma_wait3A_329] : memref<160x128xi32, #tpu.memory_space<vmem>> -> memref<1x128xi32, #tpu.memory_space<vmem>>
    %dma_wait3A_331 = tpu.memref_squeeze %dma_wait3A_330 : memref<1x128xi32, #tpu.memory_space<vmem>> -> memref<128xi32, #tpu.memory_space<vmem>>
    %dma_wait3A_332 = arith.constant 0 : i32
    %dma_wait3A_333 = arith.constant 0 : i32
    %dma_wait3A_334 = tpu.memref_slice %arg9[%dma_wait3A_332, %dma_wait3A_333] : memref<10240x64xf32, #tpu.memory_space<vmem_shared>> -> memref<10240x64xf32, #tpu.memory_space<vmem_shared>>
    tpu.wait_indirect_dma semaphore(%arg13 : memref<!tpu.dma_semaphore, #tpu.memory_space<semaphore_mem>>) src(%dma_wait3A_328 : memref<128x64xf32, #tpu.memory_space<vmem>>) dst(%dma_wait3A_334 : memref<10240x64xf32, #tpu.memory_space<vmem_shared>>)
    %dma_start3A_335 = arith.constant 159 : i32
    %dma_start3A_336 = arith.constant 3 : i32
    %dma_start3A_337 = arith.constant 0 : i32
    %dma_start3A_338 = arith.constant 0 : i32
    %dma_start3A_339 = tpu.memref_slice %arg8[%dma_start3A_336, %dma_start3A_337, %dma_start3A_338] : memref<6x128x64xf32, #tpu.memory_space<vmem>> -> memref<1x128x64xf32, #tpu.memory_space<vmem>>
    %dma_start3A_340 = tpu.memref_squeeze %dma_start3A_339 : memref<1x128x64xf32, #tpu.memory_space<vmem>> -> memref<128x64xf32, #tpu.memory_space<vmem>>
    %dma_start3A_341 = arith.constant 0 : i32
    %dma_start3A_342 = tpu.memref_slice %arg6[%dma_start3A_335, %dma_start3A_341] : memref<160x128xi32, #tpu.memory_space<vmem>> -> memref<1x128xi32, #tpu.memory_space<vmem>>
    %dma_start3A_343 = tpu.memref_squeeze %dma_start3A_342 : memref<1x128xi32, #tpu.memory_space<vmem>> -> memref<128xi32, #tpu.memory_space<vmem>>
    %dma_start3A_344 = arith.constant 0 : i32
    %dma_start3A_345 = arith.constant 0 : i32
    %dma_start3A_346 = tpu.memref_slice %arg2[%dma_start3A_344, %dma_start3A_345] : memref<20480x64xf32, #tpu.memory_space<hbm>> -> memref<20480x64xf32, #tpu.memory_space<hbm>>
    tpu.enqueue_indirect_dma source(%dma_start3A_346 : memref<20480x64xf32, #tpu.memory_space<hbm>>) target(%dma_start3A_340 : memref<128x64xf32, #tpu.memory_space<vmem>>) offsets(%dma_start3A_343 : memref<128xi32, #tpu.memory_space<vmem>>) semaphore(%arg13 : memref<!tpu.dma_semaphore, #tpu.memory_space<semaphore_mem>>)
    %dma_wait3A_347 = arith.constant 156 : i32
    %dma_wait3A_348 = arith.constant 0 : i32
    %dma_wait3A_349 = arith.constant 0 : i32
    %dma_wait3A_350 = arith.constant 0 : i32
    %dma_wait3A_351 = tpu.memref_slice %arg8[%dma_wait3A_348, %dma_wait3A_349, %dma_wait3A_350] : memref<6x128x64xf32, #tpu.memory_space<vmem>> -> memref<1x128x64xf32, #tpu.memory_space<vmem>>
    %dma_wait3A_352 = tpu.memref_squeeze %dma_wait3A_351 : memref<1x128x64xf32, #tpu.memory_space<vmem>> -> memref<128x64xf32, #tpu.memory_space<vmem>>
    %dma_wait3A_353 = arith.constant 0 : i32
    %dma_wait3A_354 = tpu.memref_slice %arg6[%dma_wait3A_347, %dma_wait3A_353] : memref<160x128xi32, #tpu.memory_space<vmem>> -> memref<1x128xi32, #tpu.memory_space<vmem>>
    %dma_wait3A_355 = tpu.memref_squeeze %dma_wait3A_354 : memref<1x128xi32, #tpu.memory_space<vmem>> -> memref<128xi32, #tpu.memory_space<vmem>>
    %dma_wait3A_356 = arith.constant 0 : i32
    %dma_wait3A_357 = arith.constant 0 : i32
    %dma_wait3A_358 = tpu.memref_slice %arg2[%dma_wait3A_356, %dma_wait3A_357] : memref<20480x64xf32, #tpu.memory_space<hbm>> -> memref<20480x64xf32, #tpu.memory_space<hbm>>
    tpu.wait_indirect_dma semaphore(%arg10 : memref<!tpu.dma_semaphore, #tpu.memory_space<semaphore_mem>>) src(%dma_wait3A_358 : memref<20480x64xf32, #tpu.memory_space<hbm>>) dst(%dma_wait3A_352 : memref<128x64xf32, #tpu.memory_space<vmem>>)
    %dma_start3A_359 = arith.constant 0 : i32
    %dma_start3A_360 = arith.constant 156 : i32
    %dma_start3A_361 = arith.constant 0 : i32
    %dma_start3A_362 = arith.constant 0 : i32
    %dma_start3A_363 = tpu.memref_slice %arg8[%dma_start3A_359, %dma_start3A_361, %dma_start3A_362] : memref<6x128x64xf32, #tpu.memory_space<vmem>> -> memref<1x128x64xf32, #tpu.memory_space<vmem>>
    %dma_start3A_364 = tpu.memref_squeeze %dma_start3A_363 : memref<1x128x64xf32, #tpu.memory_space<vmem>> -> memref<128x64xf32, #tpu.memory_space<vmem>>
    %dma_start3A_365 = arith.constant 0 : i32
    %dma_start3A_366 = tpu.memref_slice %arg7[%dma_start3A_360, %dma_start3A_365] : memref<160x128xi32, #tpu.memory_space<vmem>> -> memref<1x128xi32, #tpu.memory_space<vmem>>
    %dma_start3A_367 = tpu.memref_squeeze %dma_start3A_366 : memref<1x128xi32, #tpu.memory_space<vmem>> -> memref<128xi32, #tpu.memory_space<vmem>>
    %dma_start3A_368 = arith.constant 0 : i32
    %dma_start3A_369 = arith.constant 0 : i32
    %dma_start3A_370 = tpu.memref_slice %arg9[%dma_start3A_368, %dma_start3A_369] : memref<10240x64xf32, #tpu.memory_space<vmem_shared>> -> memref<10240x64xf32, #tpu.memory_space<vmem_shared>>
    tpu.enqueue_indirect_dma source(%dma_start3A_364 : memref<128x64xf32, #tpu.memory_space<vmem>>) target(%dma_start3A_370 : memref<10240x64xf32, #tpu.memory_space<vmem_shared>>) offsets(%dma_start3A_367 : memref<128xi32, #tpu.memory_space<vmem>>) semaphore(%arg10 : memref<!tpu.dma_semaphore, #tpu.memory_space<semaphore_mem>>) {add = true}
    %dma_wait3A_371 = arith.constant 4 : i32
    %dma_wait3A_372 = arith.constant 154 : i32
    %dma_wait3A_373 = arith.constant 0 : i32
    %dma_wait3A_374 = arith.constant 0 : i32
    %dma_wait3A_375 = tpu.memref_slice %arg8[%dma_wait3A_371, %dma_wait3A_373, %dma_wait3A_374] : memref<6x128x64xf32, #tpu.memory_space<vmem>> -> memref<1x128x64xf32, #tpu.memory_space<vmem>>
    %dma_wait3A_376 = tpu.memref_squeeze %dma_wait3A_375 : memref<1x128x64xf32, #tpu.memory_space<vmem>> -> memref<128x64xf32, #tpu.memory_space<vmem>>
    %dma_wait3A_377 = arith.constant 0 : i32
    %dma_wait3A_378 = tpu.memref_slice %arg7[%dma_wait3A_372, %dma_wait3A_377] : memref<160x128xi32, #tpu.memory_space<vmem>> -> memref<1x128xi32, #tpu.memory_space<vmem>>
    %dma_wait3A_379 = tpu.memref_squeeze %dma_wait3A_378 : memref<1x128xi32, #tpu.memory_space<vmem>> -> memref<128xi32, #tpu.memory_space<vmem>>
    %dma_wait3A_380 = arith.constant 0 : i32
    %dma_wait3A_381 = arith.constant 0 : i32
    %dma_wait3A_382 = tpu.memref_slice %arg9[%dma_wait3A_380, %dma_wait3A_381] : memref<10240x64xf32, #tpu.memory_space<vmem_shared>> -> memref<10240x64xf32, #tpu.memory_space<vmem_shared>>
    tpu.wait_indirect_dma semaphore(%arg14 : memref<!tpu.dma_semaphore, #tpu.memory_space<semaphore_mem>>) src(%dma_wait3A_376 : memref<128x64xf32, #tpu.memory_space<vmem>>) dst(%dma_wait3A_382 : memref<10240x64xf32, #tpu.memory_space<vmem_shared>>)
    %dma_wait3A_383 = arith.constant 157 : i32
    %dma_wait3A_384 = arith.constant 1 : i32
    %dma_wait3A_385 = arith.constant 0 : i32
    %dma_wait3A_386 = arith.constant 0 : i32
    %dma_wait3A_387 = tpu.memref_slice %arg8[%dma_wait3A_384, %dma_wait3A_385, %dma_wait3A_386] : memref<6x128x64xf32, #tpu.memory_space<vmem>> -> memref<1x128x64xf32, #tpu.memory_space<vmem>>
    %dma_wait3A_388 = tpu.memref_squeeze %dma_wait3A_387 : memref<1x128x64xf32, #tpu.memory_space<vmem>> -> memref<128x64xf32, #tpu.memory_space<vmem>>
    %dma_wait3A_389 = arith.constant 0 : i32
    %dma_wait3A_390 = tpu.memref_slice %arg6[%dma_wait3A_383, %dma_wait3A_389] : memref<160x128xi32, #tpu.memory_space<vmem>> -> memref<1x128xi32, #tpu.memory_space<vmem>>
    %dma_wait3A_391 = tpu.memref_squeeze %dma_wait3A_390 : memref<1x128xi32, #tpu.memory_space<vmem>> -> memref<128xi32, #tpu.memory_space<vmem>>
    %dma_wait3A_392 = arith.constant 0 : i32
    %dma_wait3A_393 = arith.constant 0 : i32
    %dma_wait3A_394 = tpu.memref_slice %arg2[%dma_wait3A_392, %dma_wait3A_393] : memref<20480x64xf32, #tpu.memory_space<hbm>> -> memref<20480x64xf32, #tpu.memory_space<hbm>>
    tpu.wait_indirect_dma semaphore(%arg11 : memref<!tpu.dma_semaphore, #tpu.memory_space<semaphore_mem>>) src(%dma_wait3A_394 : memref<20480x64xf32, #tpu.memory_space<hbm>>) dst(%dma_wait3A_388 : memref<128x64xf32, #tpu.memory_space<vmem>>)
    %dma_start3A_395 = arith.constant 1 : i32
    %dma_start3A_396 = arith.constant 157 : i32
    %dma_start3A_397 = arith.constant 0 : i32
    %dma_start3A_398 = arith.constant 0 : i32
    %dma_start3A_399 = tpu.memref_slice %arg8[%dma_start3A_395, %dma_start3A_397, %dma_start3A_398] : memref<6x128x64xf32, #tpu.memory_space<vmem>> -> memref<1x128x64xf32, #tpu.memory_space<vmem>>
    %dma_start3A_400 = tpu.memref_squeeze %dma_start3A_399 : memref<1x128x64xf32, #tpu.memory_space<vmem>> -> memref<128x64xf32, #tpu.memory_space<vmem>>
    %dma_start3A_401 = arith.constant 0 : i32
    %dma_start3A_402 = tpu.memref_slice %arg7[%dma_start3A_396, %dma_start3A_401] : memref<160x128xi32, #tpu.memory_space<vmem>> -> memref<1x128xi32, #tpu.memory_space<vmem>>
    %dma_start3A_403 = tpu.memref_squeeze %dma_start3A_402 : memref<1x128xi32, #tpu.memory_space<vmem>> -> memref<128xi32, #tpu.memory_space<vmem>>
    %dma_start3A_404 = arith.constant 0 : i32
    %dma_start3A_405 = arith.constant 0 : i32
    %dma_start3A_406 = tpu.memref_slice %arg9[%dma_start3A_404, %dma_start3A_405] : memref<10240x64xf32, #tpu.memory_space<vmem_shared>> -> memref<10240x64xf32, #tpu.memory_space<vmem_shared>>
    tpu.enqueue_indirect_dma source(%dma_start3A_400 : memref<128x64xf32, #tpu.memory_space<vmem>>) target(%dma_start3A_406 : memref<10240x64xf32, #tpu.memory_space<vmem_shared>>) offsets(%dma_start3A_403 : memref<128xi32, #tpu.memory_space<vmem>>) semaphore(%arg11 : memref<!tpu.dma_semaphore, #tpu.memory_space<semaphore_mem>>) {add = true}
    %dma_wait3A_407 = arith.constant 5 : i32
    %dma_wait3A_408 = arith.constant 155 : i32
    %dma_wait3A_409 = arith.constant 0 : i32
    %dma_wait3A_410 = arith.constant 0 : i32
    %dma_wait3A_411 = tpu.memref_slice %arg8[%dma_wait3A_407, %dma_wait3A_409, %dma_wait3A_410] : memref<6x128x64xf32, #tpu.memory_space<vmem>> -> memref<1x128x64xf32, #tpu.memory_space<vmem>>
    %dma_wait3A_412 = tpu.memref_squeeze %dma_wait3A_411 : memref<1x128x64xf32, #tpu.memory_space<vmem>> -> memref<128x64xf32, #tpu.memory_space<vmem>>
    %dma_wait3A_413 = arith.constant 0 : i32
    %dma_wait3A_414 = tpu.memref_slice %arg7[%dma_wait3A_408, %dma_wait3A_413] : memref<160x128xi32, #tpu.memory_space<vmem>> -> memref<1x128xi32, #tpu.memory_space<vmem>>
    %dma_wait3A_415 = tpu.memref_squeeze %dma_wait3A_414 : memref<1x128xi32, #tpu.memory_space<vmem>> -> memref<128xi32, #tpu.memory_space<vmem>>
    %dma_wait3A_416 = arith.constant 0 : i32
    %dma_wait3A_417 = arith.constant 0 : i32
    %dma_wait3A_418 = tpu.memref_slice %arg9[%dma_wait3A_416, %dma_wait3A_417] : memref<10240x64xf32, #tpu.memory_space<vmem_shared>> -> memref<10240x64xf32, #tpu.memory_space<vmem_shared>>
    tpu.wait_indirect_dma semaphore(%arg15 : memref<!tpu.dma_semaphore, #tpu.memory_space<semaphore_mem>>) src(%dma_wait3A_412 : memref<128x64xf32, #tpu.memory_space<vmem>>) dst(%dma_wait3A_418 : memref<10240x64xf32, #tpu.memory_space<vmem_shared>>)
    %dma_wait3A_419 = arith.constant 158 : i32
    %dma_wait3A_420 = arith.constant 2 : i32
    %dma_wait3A_421 = arith.constant 0 : i32
    %dma_wait3A_422 = arith.constant 0 : i32
    %dma_wait3A_423 = tpu.memref_slice %arg8[%dma_wait3A_420, %dma_wait3A_421, %dma_wait3A_422] : memref<6x128x64xf32, #tpu.memory_space<vmem>> -> memref<1x128x64xf32, #tpu.memory_space<vmem>>
    %dma_wait3A_424 = tpu.memref_squeeze %dma_wait3A_423 : memref<1x128x64xf32, #tpu.memory_space<vmem>> -> memref<128x64xf32, #tpu.memory_space<vmem>>
    %dma_wait3A_425 = arith.constant 0 : i32
    %dma_wait3A_426 = tpu.memref_slice %arg6[%dma_wait3A_419, %dma_wait3A_425] : memref<160x128xi32, #tpu.memory_space<vmem>> -> memref<1x128xi32, #tpu.memory_space<vmem>>
    %dma_wait3A_427 = tpu.memref_squeeze %dma_wait3A_426 : memref<1x128xi32, #tpu.memory_space<vmem>> -> memref<128xi32, #tpu.memory_space<vmem>>
    %dma_wait3A_428 = arith.constant 0 : i32
    %dma_wait3A_429 = arith.constant 0 : i32
    %dma_wait3A_430 = tpu.memref_slice %arg2[%dma_wait3A_428, %dma_wait3A_429] : memref<20480x64xf32, #tpu.memory_space<hbm>> -> memref<20480x64xf32, #tpu.memory_space<hbm>>
    tpu.wait_indirect_dma semaphore(%arg12 : memref<!tpu.dma_semaphore, #tpu.memory_space<semaphore_mem>>) src(%dma_wait3A_430 : memref<20480x64xf32, #tpu.memory_space<hbm>>) dst(%dma_wait3A_424 : memref<128x64xf32, #tpu.memory_space<vmem>>)
    %dma_start3A_431 = arith.constant 2 : i32
    %dma_start3A_432 = arith.constant 158 : i32
    %dma_start3A_433 = arith.constant 0 : i32
    %dma_start3A_434 = arith.constant 0 : i32
    %dma_start3A_435 = tpu.memref_slice %arg8[%dma_start3A_431, %dma_start3A_433, %dma_start3A_434] : memref<6x128x64xf32, #tpu.memory_space<vmem>> -> memref<1x128x64xf32, #tpu.memory_space<vmem>>
    %dma_start3A_436 = tpu.memref_squeeze %dma_start3A_435 : memref<1x128x64xf32, #tpu.memory_space<vmem>> -> memref<128x64xf32, #tpu.memory_space<vmem>>
    %dma_start3A_437 = arith.constant 0 : i32
    %dma_start3A_438 = tpu.memref_slice %arg7[%dma_start3A_432, %dma_start3A_437] : memref<160x128xi32, #tpu.memory_space<vmem>> -> memref<1x128xi32, #tpu.memory_space<vmem>>
    %dma_start3A_439 = tpu.memref_squeeze %dma_start3A_438 : memref<1x128xi32, #tpu.memory_space<vmem>> -> memref<128xi32, #tpu.memory_space<vmem>>
    %dma_start3A_440 = arith.constant 0 : i32
    %dma_start3A_441 = arith.constant 0 : i32
    %dma_start3A_442 = tpu.memref_slice %arg9[%dma_start3A_440, %dma_start3A_441] : memref<10240x64xf32, #tpu.memory_space<vmem_shared>> -> memref<10240x64xf32, #tpu.memory_space<vmem_shared>>
    tpu.enqueue_indirect_dma source(%dma_start3A_436 : memref<128x64xf32, #tpu.memory_space<vmem>>) target(%dma_start3A_442 : memref<10240x64xf32, #tpu.memory_space<vmem_shared>>) offsets(%dma_start3A_439 : memref<128xi32, #tpu.memory_space<vmem>>) semaphore(%arg12 : memref<!tpu.dma_semaphore, #tpu.memory_space<semaphore_mem>>) {add = true}
    %dma_wait3A_443 = arith.constant 0 : i32
    %dma_wait3A_444 = arith.constant 156 : i32
    %dma_wait3A_445 = arith.constant 0 : i32
    %dma_wait3A_446 = arith.constant 0 : i32
    %dma_wait3A_447 = tpu.memref_slice %arg8[%dma_wait3A_443, %dma_wait3A_445, %dma_wait3A_446] : memref<6x128x64xf32, #tpu.memory_space<vmem>> -> memref<1x128x64xf32, #tpu.memory_space<vmem>>
    %dma_wait3A_448 = tpu.memref_squeeze %dma_wait3A_447 : memref<1x128x64xf32, #tpu.memory_space<vmem>> -> memref<128x64xf32, #tpu.memory_space<vmem>>
    %dma_wait3A_449 = arith.constant 0 : i32
    %dma_wait3A_450 = tpu.memref_slice %arg7[%dma_wait3A_444, %dma_wait3A_449] : memref<160x128xi32, #tpu.memory_space<vmem>> -> memref<1x128xi32, #tpu.memory_space<vmem>>
    %dma_wait3A_451 = tpu.memref_squeeze %dma_wait3A_450 : memref<1x128xi32, #tpu.memory_space<vmem>> -> memref<128xi32, #tpu.memory_space<vmem>>
    %dma_wait3A_452 = arith.constant 0 : i32
    %dma_wait3A_453 = arith.constant 0 : i32
    %dma_wait3A_454 = tpu.memref_slice %arg9[%dma_wait3A_452, %dma_wait3A_453] : memref<10240x64xf32, #tpu.memory_space<vmem_shared>> -> memref<10240x64xf32, #tpu.memory_space<vmem_shared>>
    tpu.wait_indirect_dma semaphore(%arg10 : memref<!tpu.dma_semaphore, #tpu.memory_space<semaphore_mem>>) src(%dma_wait3A_448 : memref<128x64xf32, #tpu.memory_space<vmem>>) dst(%dma_wait3A_454 : memref<10240x64xf32, #tpu.memory_space<vmem_shared>>)
    %dma_wait3A_455 = arith.constant 159 : i32
    %dma_wait3A_456 = arith.constant 3 : i32
    %dma_wait3A_457 = arith.constant 0 : i32
    %dma_wait3A_458 = arith.constant 0 : i32
    %dma_wait3A_459 = tpu.memref_slice %arg8[%dma_wait3A_456, %dma_wait3A_457, %dma_wait3A_458] : memref<6x128x64xf32, #tpu.memory_space<vmem>> -> memref<1x128x64xf32, #tpu.memory_space<vmem>>
    %dma_wait3A_460 = tpu.memref_squeeze %dma_wait3A_459 : memref<1x128x64xf32, #tpu.memory_space<vmem>> -> memref<128x64xf32, #tpu.memory_space<vmem>>
    %dma_wait3A_461 = arith.constant 0 : i32
    %dma_wait3A_462 = tpu.memref_slice %arg6[%dma_wait3A_455, %dma_wait3A_461] : memref<160x128xi32, #tpu.memory_space<vmem>> -> memref<1x128xi32, #tpu.memory_space<vmem>>
    %dma_wait3A_463 = tpu.memref_squeeze %dma_wait3A_462 : memref<1x128xi32, #tpu.memory_space<vmem>> -> memref<128xi32, #tpu.memory_space<vmem>>
    %dma_wait3A_464 = arith.constant 0 : i32
    %dma_wait3A_465 = arith.constant 0 : i32
    %dma_wait3A_466 = tpu.memref_slice %arg2[%dma_wait3A_464, %dma_wait3A_465] : memref<20480x64xf32, #tpu.memory_space<hbm>> -> memref<20480x64xf32, #tpu.memory_space<hbm>>
    tpu.wait_indirect_dma semaphore(%arg13 : memref<!tpu.dma_semaphore, #tpu.memory_space<semaphore_mem>>) src(%dma_wait3A_466 : memref<20480x64xf32, #tpu.memory_space<hbm>>) dst(%dma_wait3A_460 : memref<128x64xf32, #tpu.memory_space<vmem>>)
    %dma_start3A_467 = arith.constant 3 : i32
    %dma_start3A_468 = arith.constant 159 : i32
    %dma_start3A_469 = arith.constant 0 : i32
    %dma_start3A_470 = arith.constant 0 : i32
    %dma_start3A_471 = tpu.memref_slice %arg8[%dma_start3A_467, %dma_start3A_469, %dma_start3A_470] : memref<6x128x64xf32, #tpu.memory_space<vmem>> -> memref<1x128x64xf32, #tpu.memory_space<vmem>>
    %dma_start3A_472 = tpu.memref_squeeze %dma_start3A_471 : memref<1x128x64xf32, #tpu.memory_space<vmem>> -> memref<128x64xf32, #tpu.memory_space<vmem>>
    %dma_start3A_473 = arith.constant 0 : i32
    %dma_start3A_474 = tpu.memref_slice %arg7[%dma_start3A_468, %dma_start3A_473] : memref<160x128xi32, #tpu.memory_space<vmem>> -> memref<1x128xi32, #tpu.memory_space<vmem>>
    %dma_start3A_475 = tpu.memref_squeeze %dma_start3A_474 : memref<1x128xi32, #tpu.memory_space<vmem>> -> memref<128xi32, #tpu.memory_space<vmem>>
    %dma_start3A_476 = arith.constant 0 : i32
    %dma_start3A_477 = arith.constant 0 : i32
    %dma_start3A_478 = tpu.memref_slice %arg9[%dma_start3A_476, %dma_start3A_477] : memref<10240x64xf32, #tpu.memory_space<vmem_shared>> -> memref<10240x64xf32, #tpu.memory_space<vmem_shared>>
    tpu.enqueue_indirect_dma source(%dma_start3A_472 : memref<128x64xf32, #tpu.memory_space<vmem>>) target(%dma_start3A_478 : memref<10240x64xf32, #tpu.memory_space<vmem_shared>>) offsets(%dma_start3A_475 : memref<128xi32, #tpu.memory_space<vmem>>) semaphore(%arg13 : memref<!tpu.dma_semaphore, #tpu.memory_space<semaphore_mem>>) {add = true}
    %dma_wait3A_479 = arith.constant 1 : i32
    %dma_wait3A_480 = arith.constant 157 : i32
    %dma_wait3A_481 = arith.constant 0 : i32
    %dma_wait3A_482 = arith.constant 0 : i32
    %dma_wait3A_483 = tpu.memref_slice %arg8[%dma_wait3A_479, %dma_wait3A_481, %dma_wait3A_482] : memref<6x128x64xf32, #tpu.memory_space<vmem>> -> memref<1x128x64xf32, #tpu.memory_space<vmem>>
    %dma_wait3A_484 = tpu.memref_squeeze %dma_wait3A_483 : memref<1x128x64xf32, #tpu.memory_space<vmem>> -> memref<128x64xf32, #tpu.memory_space<vmem>>
    %dma_wait3A_485 = arith.constant 0 : i32
    %dma_wait3A_486 = tpu.memref_slice %arg7[%dma_wait3A_480, %dma_wait3A_485] : memref<160x128xi32, #tpu.memory_space<vmem>> -> memref<1x128xi32, #tpu.memory_space<vmem>>
    %dma_wait3A_487 = tpu.memref_squeeze %dma_wait3A_486 : memref<1x128xi32, #tpu.memory_space<vmem>> -> memref<128xi32, #tpu.memory_space<vmem>>
    %dma_wait3A_488 = arith.constant 0 : i32
    %dma_wait3A_489 = arith.constant 0 : i32
    %dma_wait3A_490 = tpu.memref_slice %arg9[%dma_wait3A_488, %dma_wait3A_489] : memref<10240x64xf32, #tpu.memory_space<vmem_shared>> -> memref<10240x64xf32, #tpu.memory_space<vmem_shared>>
    tpu.wait_indirect_dma semaphore(%arg11 : memref<!tpu.dma_semaphore, #tpu.memory_space<semaphore_mem>>) src(%dma_wait3A_484 : memref<128x64xf32, #tpu.memory_space<vmem>>) dst(%dma_wait3A_490 : memref<10240x64xf32, #tpu.memory_space<vmem_shared>>)
    %dma_wait3A_491 = arith.constant 2 : i32
    %dma_wait3A_492 = arith.constant 158 : i32
    %dma_wait3A_493 = arith.constant 0 : i32
    %dma_wait3A_494 = arith.constant 0 : i32
    %dma_wait3A_495 = tpu.memref_slice %arg8[%dma_wait3A_491, %dma_wait3A_493, %dma_wait3A_494] : memref<6x128x64xf32, #tpu.memory_space<vmem>> -> memref<1x128x64xf32, #tpu.memory_space<vmem>>
    %dma_wait3A_496 = tpu.memref_squeeze %dma_wait3A_495 : memref<1x128x64xf32, #tpu.memory_space<vmem>> -> memref<128x64xf32, #tpu.memory_space<vmem>>
    %dma_wait3A_497 = arith.constant 0 : i32
    %dma_wait3A_498 = tpu.memref_slice %arg7[%dma_wait3A_492, %dma_wait3A_497] : memref<160x128xi32, #tpu.memory_space<vmem>> -> memref<1x128xi32, #tpu.memory_space<vmem>>
    %dma_wait3A_499 = tpu.memref_squeeze %dma_wait3A_498 : memref<1x128xi32, #tpu.memory_space<vmem>> -> memref<128xi32, #tpu.memory_space<vmem>>
    %dma_wait3A_500 = arith.constant 0 : i32
    %dma_wait3A_501 = arith.constant 0 : i32
    %dma_wait3A_502 = tpu.memref_slice %arg9[%dma_wait3A_500, %dma_wait3A_501] : memref<10240x64xf32, #tpu.memory_space<vmem_shared>> -> memref<10240x64xf32, #tpu.memory_space<vmem_shared>>
    tpu.wait_indirect_dma semaphore(%arg12 : memref<!tpu.dma_semaphore, #tpu.memory_space<semaphore_mem>>) src(%dma_wait3A_496 : memref<128x64xf32, #tpu.memory_space<vmem>>) dst(%dma_wait3A_502 : memref<10240x64xf32, #tpu.memory_space<vmem_shared>>)
    %dma_wait3A_503 = arith.constant 3 : i32
    %dma_wait3A_504 = arith.constant 159 : i32
    %dma_wait3A_505 = arith.constant 0 : i32
    %dma_wait3A_506 = arith.constant 0 : i32
    %dma_wait3A_507 = tpu.memref_slice %arg8[%dma_wait3A_503, %dma_wait3A_505, %dma_wait3A_506] : memref<6x128x64xf32, #tpu.memory_space<vmem>> -> memref<1x128x64xf32, #tpu.memory_space<vmem>>
    %dma_wait3A_508 = tpu.memref_squeeze %dma_wait3A_507 : memref<1x128x64xf32, #tpu.memory_space<vmem>> -> memref<128x64xf32, #tpu.memory_space<vmem>>
    %dma_wait3A_509 = arith.constant 0 : i32
    %dma_wait3A_510 = tpu.memref_slice %arg7[%dma_wait3A_504, %dma_wait3A_509] : memref<160x128xi32, #tpu.memory_space<vmem>> -> memref<1x128xi32, #tpu.memory_space<vmem>>
    %dma_wait3A_511 = tpu.memref_squeeze %dma_wait3A_510 : memref<1x128xi32, #tpu.memory_space<vmem>> -> memref<128xi32, #tpu.memory_space<vmem>>
    %dma_wait3A_512 = arith.constant 0 : i32
    %dma_wait3A_513 = arith.constant 0 : i32
    %dma_wait3A_514 = tpu.memref_slice %arg9[%dma_wait3A_512, %dma_wait3A_513] : memref<10240x64xf32, #tpu.memory_space<vmem_shared>> -> memref<10240x64xf32, #tpu.memory_space<vmem_shared>>
    tpu.wait_indirect_dma semaphore(%arg13 : memref<!tpu.dma_semaphore, #tpu.memory_space<semaphore_mem>>) src(%dma_wait3A_508 : memref<128x64xf32, #tpu.memory_space<vmem>>) dst(%dma_wait3A_514 : memref<10240x64xf32, #tpu.memory_space<vmem_shared>>)
    %barrier3A_515 = arith.constant 0 : index
    tpu.barrier barrier_id(%barrier3A_515)
    %mul3A_516 = arith.constant 640 : i32
    %mul3A_517 = arith.muli %arg1, %mul3A_516 : i32
    %mul3A_518 = arith.constant 640 : i32
    %mul3A_519 = arith.muli %arg1, %mul3A_518 : i32
    "tpu.region"() ({
      %run_scoped3A_520 = tpu.sem_alloc : memref<!tpu.dma_semaphore, #tpu.memory_space<semaphore_mem>>
      %dma_start3A_521 = arith.constant 0 : i32
      %dma_start3A_522 = tpu.memref_slice %arg5[%arg0, %mul3A_519, %dma_start3A_521] : memref<2x10240x64xf32, #tpu.memory_space<hbm>> -> memref<1x640x64xf32, #tpu.memory_space<hbm>>
      %dma_start3A_523 = tpu.memref_squeeze %dma_start3A_522 : memref<1x640x64xf32, #tpu.memory_space<hbm>> -> memref<640x64xf32, #tpu.memory_space<hbm>>
      %dma_start3A_524 = arith.constant 0 : i32
      %dma_start3A_525 = tpu.memref_slice %arg9[%mul3A_517, %dma_start3A_524] : memref<10240x64xf32, #tpu.memory_space<vmem_shared>> -> memref<640x64xf32, #tpu.memory_space<vmem_shared>>
      tpu.enqueue_dma source(%dma_start3A_525 : memref<640x64xf32, #tpu.memory_space<vmem_shared>>) target(%dma_start3A_523 : memref<640x64xf32, #tpu.memory_space<hbm>>) target_semaphore(%run_scoped3A_520 : memref<!tpu.dma_semaphore, #tpu.memory_space<semaphore_mem>>)
      %dma_wait3A_526 = arith.constant 0 : i32
      %dma_wait3A_527 = tpu.memref_slice %arg5[%arg0, %mul3A_519, %dma_wait3A_526] : memref<2x10240x64xf32, #tpu.memory_space<hbm>> -> memref<1x640x64xf32, #tpu.memory_space<hbm>>
      %dma_wait3A_528 = tpu.memref_squeeze %dma_wait3A_527 : memref<1x640x64xf32, #tpu.memory_space<hbm>> -> memref<640x64xf32, #tpu.memory_space<hbm>>
      %dma_wait3A_529 = arith.constant 0 : i32
      %dma_wait3A_530 = tpu.memref_slice %arg9[%mul3A_517, %dma_wait3A_529] : memref<10240x64xf32, #tpu.memory_space<vmem_shared>> -> memref<640x64xf32, #tpu.memory_space<vmem_shared>>
      tpu.wait_dma2 semaphore(%run_scoped3A_520 : memref<!tpu.dma_semaphore, #tpu.memory_space<semaphore_mem>>) src(%dma_wait3A_530 : memref<640x64xf32, #tpu.memory_space<vmem_shared>>) dst(%dma_wait3A_528 : memref<640x64xf32, #tpu.memory_space<hbm>>)
      tpu.yield
    }) : () -> ()
    return
  }
}

module attributes {stable_mosaic.version = 14 : i64} {
  func.func @body(%arg0: i32, %arg1: memref<2x2048x16xf32, #tpu.memory_space<vmem>>, %arg2: memref<2048x128xf32, #tpu.memory_space<vmem>>, %arg3: memref<128x128xf32, #tpu.memory_space<vmem>>, %arg4: memref<2x2048x64xf32, #tpu.memory_space<vmem>>, %arg5: memref<2048x1xf32, #tpu.memory_space<vmem>>) attributes {dimension_semantics = [#tpu.dimension_semantics<arbitrary>], iteration_bounds = array<i64: 5>, scalar_prefetch = 0 : i64, scratch_operands = 0 : i64, tpu.core_type = #tpu.core_type<tc>, window_params = [{transform_indices = @transform_0, window_bounds = array<i64: 2, 2048, 16>}, {transform_indices = @transform_1, window_bounds = array<i64: 2048, 128>}, {pipeline_mode = #tpu.pipeline_mode<synchronous>, transform_indices = @transform_2, window_bounds = array<i64: 128, 128>}, {transform_indices = @transform_3, window_bounds = array<i64: 2, 2048, 64>}, {transform_indices = @transform_4, window_bounds = array<i64: 2048, 1>}]} {
    %get3A = arith.constant 0 : index
    %get3A_0 = arith.constant 0 : index
    %get3A_1 = arith.constant 0 : index
    %get3A_2 = vector.load %arg1[%get3A, %get3A_0, %get3A_1] : memref<2x2048x16xf32, #tpu.memory_space<vmem>>, vector<1x2048x16xf32>
    %get3A_3 = vector.shape_cast %get3A_2 : vector<1x2048x16xf32> to vector<2048x16xf32>
    %get3A_4 = arith.constant 1 : index
    %get3A_5 = arith.constant 0 : index
    %get3A_6 = arith.constant 0 : index
    %get3A_7 = vector.load %arg1[%get3A_4, %get3A_5, %get3A_6] : memref<2x2048x16xf32, #tpu.memory_space<vmem>>, vector<1x2048x16xf32>
    %get3A_8 = vector.shape_cast %get3A_7 : vector<1x2048x16xf32> to vector<2048x16xf32>
    %add3A = arith.addf %get3A_3, %get3A_8 : vector<2048x16xf32>
    %reduce_sum3A = arith.constant dense<0.000000e+00> : vector<2048xf32>
    %reduce_sum3A_9 = vector.multi_reduction <add>, %add3A, %reduce_sum3A [1] : vector<2048x16xf32> to vector<2048xf32>
    %broadcast_in_dim3A = vector.shape_cast %reduce_sum3A_9 : vector<2048xf32> to vector<2048x1xf32>
    %mul3A = arith.constant 6.250000e-02 : f32
    %mul3A_10 = vector.broadcast %mul3A : f32 to vector<2048x1xf32>
    %mul3A_11 = arith.mulf %broadcast_in_dim3A, %mul3A_10 : vector<2048x1xf32>
    %add3A_12 = arith.constant 1.000000e+00 : f32
    %add3A_13 = vector.broadcast %add3A_12 : f32 to vector<2048x1xf32>
    %add3A_14 = arith.addf %mul3A_11, %add3A_13 : vector<2048x1xf32>
    %rsqrt3A = math.rsqrt %add3A_14 : vector<2048x1xf32>
    %get3A_15 = arith.constant 0 : index
    %get3A_16 = arith.constant 0 : index
    %get3A_17 = vector.load %arg2[%get3A_15, %get3A_16] : memref<2048x128xf32, #tpu.memory_space<vmem>>, vector<2048x128xf32>
    %get3A_18 = arith.constant 0 : index
    %get3A_19 = arith.constant 0 : index
    %get3A_20 = vector.load %arg3[%get3A_18, %get3A_19] : memref<128x128xf32, #tpu.memory_space<vmem>>, vector<128x128xf32>
    %dot_general3A = arith.constant dense<0.000000e+00> : vector<2048x128xf32>
    %dot_general3A_21 = tpu.matmul %get3A_17, %get3A_20, %dot_general3A {dimension_numbers = #tpu.dot_dimension_numbers<[1], [0], [0], [1], [0, 0, 1, 1], [], []>, transpose_lhs_hint = false} : vector<2048x128xf32>, vector<128x128xf32>, vector<2048x128xf32> -> vector<2048x128xf32>
    %mul3A_22 = vector.broadcast %rsqrt3A : vector<2048x1xf32> to vector<2048x128xf32>
    %mul3A_23 = arith.mulf %dot_general3A_21, %mul3A_22 : vector<2048x128xf32>
    %iota3A = tpu.iota {dimensions = array<i32: 0>} : vector<2048x1xi32>
    %mul3A_24 = arith.constant 2048 : i32
    %mul3A_25 = arith.muli %arg0, %mul3A_24 : i32
    %add3A_26 = vector.broadcast %mul3A_25 : i32 to vector<2048x1xi32>
    %add3A_27 = arith.addi %iota3A, %add3A_26 : vector<2048x1xi32>
    %lt3A = arith.constant 10000 : i32
    %lt3A_28 = vector.broadcast %lt3A : i32 to vector<2048x1xi32>
    %lt3A_29 = arith.cmpi slt, %add3A_27, %lt3A_28 : vector<2048x1xi32>
    %jit3A = arith.constant 0.000000e+00 : f32
    %broadcast_in_dim3A_30 = vector.shape_cast %lt3A_29 : vector<2048x1xi1> to vector<2048x1xi1>
    %broadcast_in_dim3A_31 = vector.broadcast %broadcast_in_dim3A_30 : vector<2048x1xi1> to vector<2048x128xi1>
    %broadcast_in_dim3A_32 = vector.broadcast %jit3A : f32 to vector<2048x128xf32>
    %select_n3A = arith.select %broadcast_in_dim3A_31, %mul3A_23, %broadcast_in_dim3A_32 : vector<2048x128xi1>, vector<2048x128xf32>
    %slice3A = vector.extract_strided_slice %select_n3A {offsets = [0, 0], sizes = [2048, 64], strides = [1, 1]} : vector<2048x128xf32> to vector<2048x64xf32>
    %swap3A = arith.constant 0 : index
    %swap3A_33 = arith.constant 0 : index
    %swap3A_34 = arith.constant 0 : index
    %swap3A_35 = vector.load %arg4[%swap3A, %swap3A_33, %swap3A_34] : memref<2x2048x64xf32, #tpu.memory_space<vmem>>, vector<1x2048x64xf32>
    %swap3A_36 = vector.shape_cast %swap3A_35 : vector<1x2048x64xf32> to vector<2048x64xf32>
    %swap3A_37 = vector.shape_cast %slice3A : vector<2048x64xf32> to vector<1x2048x64xf32>
    tpu.vector_store %arg4[%swap3A, %swap3A_33, %swap3A_34], %swap3A_37 {strides = array<i32>} : memref<2x2048x64xf32, #tpu.memory_space<vmem>>, vector<1x2048x64xf32>,
    %slice3A_38 = vector.extract_strided_slice %select_n3A {offsets = [0, 64], sizes = [2048, 64], strides = [1, 1]} : vector<2048x128xf32> to vector<2048x64xf32>
    %swap3A_39 = arith.constant 1 : index
    %swap3A_40 = arith.constant 0 : index
    %swap3A_41 = arith.constant 0 : index
    %swap3A_42 = vector.load %arg4[%swap3A_39, %swap3A_40, %swap3A_41] : memref<2x2048x64xf32, #tpu.memory_space<vmem>>, vector<1x2048x64xf32>
    %swap3A_43 = vector.shape_cast %swap3A_42 : vector<1x2048x64xf32> to vector<2048x64xf32>
    %swap3A_44 = vector.shape_cast %slice3A_38 : vector<2048x64xf32> to vector<1x2048x64xf32>
    tpu.vector_store %arg4[%swap3A_39, %swap3A_40, %swap3A_41], %swap3A_44 {strides = array<i32>} : memref<2x2048x64xf32, #tpu.memory_space<vmem>>, vector<1x2048x64xf32>,
    %swap3A_45 = arith.constant 0 : index
    %swap3A_46 = arith.constant 0 : index
    %swap3A_47 = vector.load %arg5[%swap3A_45, %swap3A_46] : memref<2048x1xf32, #tpu.memory_space<vmem>>, vector<2048x1xf32>
    tpu.vector_store %arg5[%swap3A_45, %swap3A_46], %rsqrt3A {strides = array<i32>} : memref<2048x1xf32, #tpu.memory_space<vmem>>, vector<2048x1xf32>,
    return
  }
  func.func @transform_0(%arg0: i32) -> (i32, i32, i32) {
    %c0_i32 = arith.constant 0 : i32
    %c0_i32_0 = arith.constant 0 : i32
    %c0_i32_1 = arith.constant 0 : i32
    return %c0_i32, %arg0, %c0_i32_0 : i32, i32, i32
  }
  func.func @transform_1(%arg0: i32) -> (i32, i32) {
    %c0_i32 = arith.constant 0 : i32
    %c0_i32_0 = arith.constant 0 : i32
    return %arg0, %c0_i32 : i32, i32
  }
  func.func @transform_2(%arg0: i32) -> (i32, i32) {
    %c0_i32 = arith.constant 0 : i32
    %c0_i32_0 = arith.constant 0 : i32
    %c0_i32_1 = arith.constant 0 : i32
    return %c0_i32, %c0_i32_0 : i32, i32
  }
  func.func @transform_3(%arg0: i32) -> (i32, i32, i32) {
    %c0_i32 = arith.constant 0 : i32
    %c0_i32_0 = arith.constant 0 : i32
    %c0_i32_1 = arith.constant 0 : i32
    return %c0_i32, %arg0, %c0_i32_0 : i32, i32, i32
  }
  func.func @transform_4(%arg0: i32) -> (i32, i32) {
    %c0_i32 = arith.constant 0 : i32
    %c0_i32_0 = arith.constant 0 : i32
    return %arg0, %c0_i32 : i32, i32
  }
}

module attributes {stable_mosaic.version = 14 : i64} {
  func.func @body(%arg0: i32, %arg1: memref<2x2048x64xf32, #tpu.memory_space<vmem>>, %arg2: memref<2x2048x64xf32, #tpu.memory_space<vmem>>, %arg3: memref<2048x1xf32, #tpu.memory_space<vmem>>, %arg4: memref<1x128xf32, #tpu.memory_space<vmem>>, %arg5: memref<128x128xf32, #tpu.memory_space<vmem>>, %arg6: memref<2x2048x64xf32, #tpu.memory_space<vmem>>) attributes {dimension_semantics = [#tpu.dimension_semantics<arbitrary>], iteration_bounds = array<i64: 5>, scalar_prefetch = 0 : i64, scratch_operands = 0 : i64, tpu.core_type = #tpu.core_type<tc>, window_params = [{transform_indices = @transform_0, window_bounds = array<i64: 2, 2048, 64>}, {transform_indices = @transform_1, window_bounds = array<i64: 2, 2048, 64>}, {transform_indices = @transform_2, window_bounds = array<i64: 2048, 1>}, {pipeline_mode = #tpu.pipeline_mode<synchronous>, transform_indices = @transform_3, window_bounds = array<i64: 1, 128>}, {pipeline_mode = #tpu.pipeline_mode<synchronous>, transform_indices = @transform_4, window_bounds = array<i64: 128, 128>}, {transform_indices = @transform_5, window_bounds = array<i64: 2, 2048, 64>}]} {
    %get3A = arith.constant 0 : index
    %get3A_0 = arith.constant 0 : index
    %get3A_1 = vector.load %arg3[%get3A, %get3A_0] : memref<2048x1xf32, #tpu.memory_space<vmem>>, vector<2048x1xf32>
    %iota3A = tpu.iota {dimensions = array<i32: 0>} : vector<2048x1xi32>
    %mul3A = arith.constant 2048 : i32
    %mul3A_2 = arith.muli %arg0, %mul3A : i32
    %add3A = vector.broadcast %mul3A_2 : i32 to vector<2048x1xi32>
    %add3A_3 = arith.addi %iota3A, %add3A : vector<2048x1xi32>
    %lt3A = arith.constant 10000 : i32
    %lt3A_4 = vector.broadcast %lt3A : i32 to vector<2048x1xi32>
    %lt3A_5 = arith.cmpi slt, %add3A_3, %lt3A_4 : vector<2048x1xi32>
    %get3A_6 = arith.constant 0 : index
    %get3A_7 = arith.constant 0 : index
    %get3A_8 = arith.constant 0 : index
    %get3A_9 = vector.load %arg1[%get3A_6, %get3A_7, %get3A_8] : memref<2x2048x64xf32, #tpu.memory_space<vmem>>, vector<1x2048x64xf32>
    %get3A_10 = vector.shape_cast %get3A_9 : vector<1x2048x64xf32> to vector<2048x64xf32>
    %get3A_11 = arith.constant 0 : index
    %get3A_12 = arith.constant 0 : index
    %get3A_13 = arith.constant 0 : index
    %get3A_14 = vector.load %arg2[%get3A_11, %get3A_12, %get3A_13] : memref<2x2048x64xf32, #tpu.memory_space<vmem>>, vector<1x2048x64xf32>
    %get3A_15 = vector.shape_cast %get3A_14 : vector<1x2048x64xf32> to vector<2048x64xf32>
    %add3A_16 = arith.addf %get3A_10, %get3A_15 : vector<2048x64xf32>
    %mul3A_17 = vector.broadcast %get3A_1 : vector<2048x1xf32> to vector<2048x64xf32>
    %mul3A_18 = arith.mulf %mul3A_17, %add3A_16 : vector<2048x64xf32>
    %get3A_19 = arith.constant 0 : index
    %get3A_20 = arith.constant 0 : index
    %get3A_21 = vector.load %arg4[%get3A_19, %get3A_20] : memref<1x128xf32, #tpu.memory_space<vmem>>, vector<1x64xf32>
    %add3A_22 = vector.broadcast %get3A_21 : vector<1x64xf32> to vector<2048x64xf32>
    %add3A_23 = arith.addf %mul3A_18, %add3A_22 : vector<2048x64xf32>
    %get3A_24 = arith.constant 1 : index
    %get3A_25 = arith.constant 0 : index
    %get3A_26 = arith.constant 0 : index
    %get3A_27 = vector.load %arg1[%get3A_24, %get3A_25, %get3A_26] : memref<2x2048x64xf32, #tpu.memory_space<vmem>>, vector<1x2048x64xf32>
    %get3A_28 = vector.shape_cast %get3A_27 : vector<1x2048x64xf32> to vector<2048x64xf32>
    %get3A_29 = arith.constant 1 : index
    %get3A_30 = arith.constant 0 : index
    %get3A_31 = arith.constant 0 : index
    %get3A_32 = vector.load %arg2[%get3A_29, %get3A_30, %get3A_31] : memref<2x2048x64xf32, #tpu.memory_space<vmem>>, vector<1x2048x64xf32>
    %get3A_33 = vector.shape_cast %get3A_32 : vector<1x2048x64xf32> to vector<2048x64xf32>
    %add3A_34 = arith.addf %get3A_28, %get3A_33 : vector<2048x64xf32>
    %mul3A_35 = vector.broadcast %get3A_1 : vector<2048x1xf32> to vector<2048x64xf32>
    %mul3A_36 = arith.mulf %mul3A_35, %add3A_34 : vector<2048x64xf32>
    %get3A_37 = arith.constant 0 : index
    %get3A_38 = arith.constant 64 : index
    %get3A_39 = vector.load %arg4[%get3A_37, %get3A_38] : memref<1x128xf32, #tpu.memory_space<vmem>>, vector<1x64xf32>
    %add3A_40 = vector.broadcast %get3A_39 : vector<1x64xf32> to vector<2048x64xf32>
    %add3A_41 = arith.addf %mul3A_36, %add3A_40 : vector<2048x64xf32>
    %max3A = arith.constant 0.000000e+00 : f32
    %max3A_42 = vector.broadcast %max3A : f32 to vector<2048x64xf32>
    %max3A_43 = arith.maximumf %add3A_23, %max3A_42 : vector<2048x64xf32>
    %jit3A = arith.constant 0.000000e+00 : f32
    %broadcast_in_dim3A = vector.shape_cast %lt3A_5 : vector<2048x1xi1> to vector<2048x1xi1>
    %broadcast_in_dim3A_44 = vector.broadcast %broadcast_in_dim3A : vector<2048x1xi1> to vector<2048x64xi1>
    %broadcast_in_dim3A_45 = vector.broadcast %jit3A : f32 to vector<2048x64xf32>
    %select_n3A = arith.select %broadcast_in_dim3A_44, %max3A_43, %broadcast_in_dim3A_45 : vector<2048x64xi1>, vector<2048x64xf32>
    %max3A_46 = arith.constant 0.000000e+00 : f32
    %max3A_47 = vector.broadcast %max3A_46 : f32 to vector<2048x64xf32>
    %max3A_48 = arith.maximumf %add3A_41, %max3A_47 : vector<2048x64xf32>
    %jit3A_49 = arith.constant 0.000000e+00 : f32
    %broadcast_in_dim3A_50 = vector.shape_cast %lt3A_5 : vector<2048x1xi1> to vector<2048x1xi1>
    %broadcast_in_dim3A_51 = vector.broadcast %broadcast_in_dim3A_50 : vector<2048x1xi1> to vector<2048x64xi1>
    %broadcast_in_dim3A_52 = vector.broadcast %jit3A_49 : f32 to vector<2048x64xf32>
    %select_n3A_53 = arith.select %broadcast_in_dim3A_51, %max3A_48, %broadcast_in_dim3A_52 : vector<2048x64xi1>, vector<2048x64xf32>
    %get3A_54 = arith.constant 0 : index
    %get3A_55 = arith.constant 0 : index
    %get3A_56 = vector.load %arg5[%get3A_54, %get3A_55] : memref<128x128xf32, #tpu.memory_space<vmem>>, vector<64x128xf32>
    %dot_general3A = arith.constant dense<0.000000e+00> : vector<2048x128xf32>
    %dot_general3A_57 = tpu.matmul %select_n3A, %get3A_56, %dot_general3A {dimension_numbers = #tpu.dot_dimension_numbers<[1], [0], [0], [1], [0, 0, 1, 1], [], []>, transpose_lhs_hint = false} : vector<2048x64xf32>, vector<64x128xf32>, vector<2048x128xf32> -> vector<2048x128xf32>
    %get3A_58 = arith.constant 64 : index
    %get3A_59 = arith.constant 0 : index
    %get3A_60 = vector.load %arg5[%get3A_58, %get3A_59] : memref<128x128xf32, #tpu.memory_space<vmem>>, vector<64x128xf32>
    %dot_general3A_61 = arith.constant dense<0.000000e+00> : vector<2048x128xf32>
    %dot_general3A_62 = tpu.matmul %select_n3A_53, %get3A_60, %dot_general3A_61 {dimension_numbers = #tpu.dot_dimension_numbers<[1], [0], [0], [1], [0, 0, 1, 1], [], []>, transpose_lhs_hint = false} : vector<2048x64xf32>, vector<64x128xf32>, vector<2048x128xf32> -> vector<2048x128xf32>
    %add3A_63 = arith.addf %dot_general3A_57, %dot_general3A_62 : vector<2048x128xf32>
    %mul3A_64 = vector.broadcast %get3A_1 : vector<2048x1xf32> to vector<2048x128xf32>
    %mul3A_65 = arith.mulf %add3A_63, %mul3A_64 : vector<2048x128xf32>
    %slice3A = vector.extract_strided_slice %mul3A_65 {offsets = [0, 0], sizes = [2048, 64], strides = [1, 1]} : vector<2048x128xf32> to vector<2048x64xf32>
    %swap3A = arith.constant 0 : index
    %swap3A_66 = arith.constant 0 : index
    %swap3A_67 = arith.constant 0 : index
    %swap3A_68 = vector.load %arg6[%swap3A, %swap3A_66, %swap3A_67] : memref<2x2048x64xf32, #tpu.memory_space<vmem>>, vector<1x2048x64xf32>
    %swap3A_69 = vector.shape_cast %swap3A_68 : vector<1x2048x64xf32> to vector<2048x64xf32>
    %swap3A_70 = vector.shape_cast %slice3A : vector<2048x64xf32> to vector<1x2048x64xf32>
    tpu.vector_store %arg6[%swap3A, %swap3A_66, %swap3A_67], %swap3A_70 {strides = array<i32>} : memref<2x2048x64xf32, #tpu.memory_space<vmem>>, vector<1x2048x64xf32>,
    %slice3A_71 = vector.extract_strided_slice %mul3A_65 {offsets = [0, 64], sizes = [2048, 64], strides = [1, 1]} : vector<2048x128xf32> to vector<2048x64xf32>
    %swap3A_72 = arith.constant 1 : index
    %swap3A_73 = arith.constant 0 : index
    %swap3A_74 = arith.constant 0 : index
    %swap3A_75 = vector.load %arg6[%swap3A_72, %swap3A_73, %swap3A_74] : memref<2x2048x64xf32, #tpu.memory_space<vmem>>, vector<1x2048x64xf32>
    %swap3A_76 = vector.shape_cast %swap3A_75 : vector<1x2048x64xf32> to vector<2048x64xf32>
    %swap3A_77 = vector.shape_cast %slice3A_71 : vector<2048x64xf32> to vector<1x2048x64xf32>
    tpu.vector_store %arg6[%swap3A_72, %swap3A_73, %swap3A_74], %swap3A_77 {strides = array<i32>} : memref<2x2048x64xf32, #tpu.memory_space<vmem>>, vector<1x2048x64xf32>,
    return
  }
  func.func @transform_0(%arg0: i32) -> (i32, i32, i32) {
    %c0_i32 = arith.constant 0 : i32
    %c0_i32_0 = arith.constant 0 : i32
    %c0_i32_1 = arith.constant 0 : i32
    return %c0_i32, %arg0, %c0_i32_0 : i32, i32, i32
  }
  func.func @transform_1(%arg0: i32) -> (i32, i32, i32) {
    %c0_i32 = arith.constant 0 : i32
    %c0_i32_0 = arith.constant 0 : i32
    %c0_i32_1 = arith.constant 0 : i32
    return %c0_i32, %arg0, %c0_i32_0 : i32, i32, i32
  }
  func.func @transform_2(%arg0: i32) -> (i32, i32) {
    %c0_i32 = arith.constant 0 : i32
    %c0_i32_0 = arith.constant 0 : i32
    return %arg0, %c0_i32 : i32, i32
  }
  func.func @transform_3(%arg0: i32) -> (i32, i32) {
    %c0_i32 = arith.constant 0 : i32
    %c0_i32_0 = arith.constant 0 : i32
    %c0_i32_1 = arith.constant 0 : i32
    return %c0_i32, %c0_i32_0 : i32, i32
  }
  func.func @transform_4(%arg0: i32) -> (i32, i32) {
    %c0_i32 = arith.constant 0 : i32
    %c0_i32_0 = arith.constant 0 : i32
    %c0_i32_1 = arith.constant 0 : i32
    return %c0_i32, %c0_i32_0 : i32, i32
  }
  func.func @transform_5(%arg0: i32) -> (i32, i32, i32) {
    %c0_i32 = arith.constant 0 : i32
    %c0_i32_0 = arith.constant 0 : i32
    %c0_i32_1 = arith.constant 0 : i32
    return %c0_i32, %arg0, %c0_i32_0 : i32, i32, i32
  }
}

module attributes {stable_mosaic.version = 14 : i64} {
  func.func @body(%arg0: i32, %arg1: memref<2x2048x64xf32, #tpu.memory_space<vmem>>, %arg2: memref<2x2048x64xf32, #tpu.memory_space<vmem>>, %arg3: memref<2048x1xf32, #tpu.memory_space<vmem>>, %arg4: memref<1x128xf32, #tpu.memory_space<vmem>>, %arg5: memref<2048x128xf32, #tpu.memory_space<vmem>>) attributes {dimension_semantics = [#tpu.dimension_semantics<arbitrary>], iteration_bounds = array<i64: 5>, scalar_prefetch = 0 : i64, scratch_operands = 0 : i64, tpu.core_type = #tpu.core_type<tc>, window_params = [{transform_indices = @transform_0, window_bounds = array<i64: 2, 2048, 64>}, {transform_indices = @transform_1, window_bounds = array<i64: 2, 2048, 64>}, {transform_indices = @transform_2, window_bounds = array<i64: 2048, 1>}, {pipeline_mode = #tpu.pipeline_mode<synchronous>, transform_indices = @transform_3, window_bounds = array<i64: 1, 128>}, {transform_indices = @transform_4, window_bounds = array<i64: 2048, 128>}]} {
    %get3A = arith.constant 0 : index
    %get3A_0 = arith.constant 0 : index
    %get3A_1 = vector.load %arg3[%get3A, %get3A_0] : memref<2048x1xf32, #tpu.memory_space<vmem>>, vector<2048x1xf32>
    %get3A_2 = arith.constant 0 : index
    %get3A_3 = arith.constant 0 : index
    %get3A_4 = arith.constant 0 : index
    %get3A_5 = vector.load %arg1[%get3A_2, %get3A_3, %get3A_4] : memref<2x2048x64xf32, #tpu.memory_space<vmem>>, vector<1x2048x64xf32>
    %get3A_6 = vector.shape_cast %get3A_5 : vector<1x2048x64xf32> to vector<2048x64xf32>
    %get3A_7 = arith.constant 0 : index
    %get3A_8 = arith.constant 0 : index
    %get3A_9 = arith.constant 0 : index
    %get3A_10 = vector.load %arg2[%get3A_7, %get3A_8, %get3A_9] : memref<2x2048x64xf32, #tpu.memory_space<vmem>>, vector<1x2048x64xf32>
    %get3A_11 = vector.shape_cast %get3A_10 : vector<1x2048x64xf32> to vector<2048x64xf32>
    %add3A = arith.addf %get3A_6, %get3A_11 : vector<2048x64xf32>
    %mul3A = vector.broadcast %get3A_1 : vector<2048x1xf32> to vector<2048x64xf32>
    %mul3A_12 = arith.mulf %mul3A, %add3A : vector<2048x64xf32>
    %get3A_13 = arith.constant 0 : index
    %get3A_14 = arith.constant 0 : index
    %get3A_15 = vector.load %arg4[%get3A_13, %get3A_14] : memref<1x128xf32, #tpu.memory_space<vmem>>, vector<1x64xf32>
    %add3A_16 = vector.broadcast %get3A_15 : vector<1x64xf32> to vector<2048x64xf32>
    %add3A_17 = arith.addf %mul3A_12, %add3A_16 : vector<2048x64xf32>
    %swap3A = arith.constant 0 : index
    %swap3A_18 = arith.constant 0 : index
    %swap3A_19 = vector.load %arg5[%swap3A, %swap3A_18] : memref<2048x128xf32, #tpu.memory_space<vmem>>, vector<2048x64xf32>
    tpu.vector_store %arg5[%swap3A, %swap3A_18], %add3A_17 {strides = array<i32>} : memref<2048x128xf32, #tpu.memory_space<vmem>>, vector<2048x64xf32>,
    %get3A_20 = arith.constant 1 : index
    %get3A_21 = arith.constant 0 : index
    %get3A_22 = arith.constant 0 : index
    %get3A_23 = vector.load %arg1[%get3A_20, %get3A_21, %get3A_22] : memref<2x2048x64xf32, #tpu.memory_space<vmem>>, vector<1x2048x64xf32>
    %get3A_24 = vector.shape_cast %get3A_23 : vector<1x2048x64xf32> to vector<2048x64xf32>
    %get3A_25 = arith.constant 1 : index
    %get3A_26 = arith.constant 0 : index
    %get3A_27 = arith.constant 0 : index
    %get3A_28 = vector.load %arg2[%get3A_25, %get3A_26, %get3A_27] : memref<2x2048x64xf32, #tpu.memory_space<vmem>>, vector<1x2048x64xf32>
    %get3A_29 = vector.shape_cast %get3A_28 : vector<1x2048x64xf32> to vector<2048x64xf32>
    %add3A_30 = arith.addf %get3A_24, %get3A_29 : vector<2048x64xf32>
    %mul3A_31 = vector.broadcast %get3A_1 : vector<2048x1xf32> to vector<2048x64xf32>
    %mul3A_32 = arith.mulf %mul3A_31, %add3A_30 : vector<2048x64xf32>
    %get3A_33 = arith.constant 0 : index
    %get3A_34 = arith.constant 64 : index
    %get3A_35 = vector.load %arg4[%get3A_33, %get3A_34] : memref<1x128xf32, #tpu.memory_space<vmem>>, vector<1x64xf32>
    %add3A_36 = vector.broadcast %get3A_35 : vector<1x64xf32> to vector<2048x64xf32>
    %add3A_37 = arith.addf %mul3A_32, %add3A_36 : vector<2048x64xf32>
    %swap3A_38 = arith.constant 0 : index
    %swap3A_39 = arith.constant 64 : index
    %swap3A_40 = vector.load %arg5[%swap3A_38, %swap3A_39] : memref<2048x128xf32, #tpu.memory_space<vmem>>, vector<2048x64xf32>
    tpu.vector_store %arg5[%swap3A_38, %swap3A_39], %add3A_37 {strides = array<i32>} : memref<2048x128xf32, #tpu.memory_space<vmem>>, vector<2048x64xf32>,
    return
  }
  func.func @transform_0(%arg0: i32) -> (i32, i32, i32) {
    %c0_i32 = arith.constant 0 : i32
    %c0_i32_0 = arith.constant 0 : i32
    %c0_i32_1 = arith.constant 0 : i32
    return %c0_i32, %arg0, %c0_i32_0 : i32, i32, i32
  }
  func.func @transform_1(%arg0: i32) -> (i32, i32, i32) {
    %c0_i32 = arith.constant 0 : i32
    %c0_i32_0 = arith.constant 0 : i32
    %c0_i32_1 = arith.constant 0 : i32
    return %c0_i32, %arg0, %c0_i32_0 : i32, i32, i32
  }
  func.func @transform_2(%arg0: i32) -> (i32, i32) {
    %c0_i32 = arith.constant 0 : i32
    %c0_i32_0 = arith.constant 0 : i32
    return %arg0, %c0_i32 : i32, i32
  }
  func.func @transform_3(%arg0: i32) -> (i32, i32) {
    %c0_i32 = arith.constant 0 : i32
    %c0_i32_0 = arith.constant 0 : i32
    %c0_i32_1 = arith.constant 0 : i32
    return %c0_i32, %c0_i32_0 : i32, i32
  }
  func.func @transform_4(%arg0: i32) -> (i32, i32) {
    %c0_i32 = arith.constant 0 : i32
    %c0_i32_0 = arith.constant 0 : i32
    return %arg0, %c0_i32 : i32, i32
  }
}

</mosaic_0001>

<sc_bundles>
// kernel: kernel.11.cloned.1.call-start
scs
__scs_entry_jumppad:
0x0: {  	(pc) =	sbr.rel $0x88, $3  }
0x1: {  	(tag) =	ssettag $0x0;
	lr =	simm.s32 $0x1  }
0x2: {  	[smem:$0x3F9B] =	sst lr;
	_ =	strace $0xD0000000  }
0x3: {  	_ = 	snop  }
0x4: {  	_ = 	snop  }
0x5: {  	_ = 	snop  }
0x6: {  	_ = 	snop  }
0x7: {  	_ = 	snop  }
__scs_overlays_trampoline_lowered:
0x8: {  	[smem:$0x3FAA] =	sst s0  }
0x9: {  	[smem:$0x3FAB] =	sst s1  }
0xa: {  	[smem:$0x3FAC] =	sst s2  }
0xb: {  	[smem:$0x3FAD] =	sst s3  }
0xc: {  	[smem:$0x3FAE] =	sst s4  }
0xd: {  	[smem:$0x3FAF] =	sst s5  }
0xe: {  	[smem:$0x3FB0] =	sst s6  }
0xf: {  	[smem:$0x3FB1] =	sst s7  }
0x10: {  	[smem:$0x3FB2] =	sst s8  }
0x11: {  	[smem:$0x3FB3] =	sst s9;
	s0 =	simm.s32 @!p0 $0x0  }
0x12: {  	s1 =	sld [smem:$0x3F99];
	s0 =	simm.s32 @p0 $0x1  }
0x13: {  	[smem:$0x3FB4] =	sst s0;
	s0 =	simm.s32 @!p1 $0x0  }
0x14: {  	s2 =	sld [smem:$0x3F98];
	s0 =	simm.s32 @p1 $0x1  }
0x15: {  	[smem:$0x3FB5] =	sst s0;
	s0 =	simm.s32 @!p2 $0x0  }
0x16: {  	s3 =	sld [smem:$0x3FDB];
	s0 =	simm.s32 @p2 $0x1  }
0x17: {  	s4 =	simm.s32 $0x1BF5;
	[smem:$0x3FB7] =	sst s0  }
0x18: {  	s0 =	sld [smem:$0x3F9A];
	_ =	swait.ge [sflag:s4], $0x0  }
0x19: {  	s7 =	sld [smem:$0x3F9B]  }
0x1a: {  	s8 =	sadd.s32 $0xFFFFE003, lr  }
0x1b: {  	s9 =	sadd.s32 $0xFFFFFEF7, lr;
	s5 =	simm.s32 $0xFFFFFFFF;
	p2 =	slt.u32 s8, $0xFFFFF086  }
0x1c: {  	p1 =	slt.u32 s9, $0xF7A;
	s5 =	simm.s32 @!p2 $0x0  }
0x1d: {  	s5 =	simm.s32 @p1 $0x1;
	p0 =	seq.s32 s7, s2  }
0x1e: {  	s7 =	smul.u32 @!p0 $0xF7A, s2;
	p2 =	seq.s32 @!p0 s5, $0x0  }
0x1f: {  	s9 =	smul.u32 $0xF7A, s1;
	s8 =	simm.s32 @!p0 $0x1BF5;
	p2 =	por !p2, p0  }
0x20: {  	[sflag:s8] =	ssyncset.s32 @!p0 $0xFFFFF086;
	s6 =	sadd.s32 @!p0 s3, s7;
	s7 =	simm.s32 @!p0 $0x108  }
0x21: {  	s3 =	sadd.s32 s3, s9;
	s6 =	sadd.s32 @!p0 $0x88, s6;
	s7 =	simm.s32 @p2 $0x1082  }
0x22: {  	[simem:s7], [sflag:s8] =	dma.local @!p0 [hbm:s6], $0xF7A  }
0x23: {  	s9 =	sor.u32 $0xD0000000, s2;
	s6 =	simm.s32 $0x108;
	_ =	swait.ge @!p0 [sflag:s8], $0x0  }
0x24: {  	s3 =	sadd.s32 $0x88, s3;
	s6 =	simm.s32 @!p1 $0x1082;
	[sflag:s4] =	ssyncset.s32 $0xFFFFF086  }
0x25: {  	[simem:s6], [sflag:s4] =	dma.local [hbm:s3], $0xF7A  }
0x26: {  	[smem:$0x3F9B] =	sst s1;
	(tag) =	ssettag s2;
	_ =	strace s9  }
0x27: {  	s1 =	sld [smem:$0x3FAB]  }
0x28: {  	s2 =	sld [smem:$0x3FAC]  }
0x29: {  	s4 =	sld [smem:$0x3FAE]  }
0x2a: {  	p0 =	seq.s32 s5, $0x0;
	s5 =	sld [smem:$0x3FAF]  }
0x2b: {  	s6 =	sld [smem:$0x3FB0]  }
0x2c: {  	s7 =	sld [smem:$0x3FB1]  }
0x2d: {  	s3 =	simm.s32 $0x108;
	s8 =	sld [smem:$0x3FB2]  }
0x2e: {  	s3 =	simm.s32 @!p0 $0x1082;
	s9 =	sld [smem:$0x3FB3]  }
0x2f: {  	lr =	sadd.s32 s0, s3;
	s0 =	sld [smem:$0x3FAA]  }
0x30: {  	s3 =	sld [smem:$0x3FAD]  }
0x31: {  	[smem:$0x3FB6] =	sst s10  }
0x32: {  	s10 =	sld [smem:$0x3FB4];
	_ =	sdelay $0x3  }
0x33: {  	p0 =	seq.s32 s10, $0x1;
	s10 =	sld [smem:$0x3FB6];
	_ =	sdelay $0x3  }
0x34: {  	[smem:$0x3FB6] =	sst s10  }
0x35: {  	s10 =	sld [smem:$0x3FB5];
	_ =	sdelay $0x3  }
0x36: {  	p1 =	seq.s32 s10, $0x1;
	s10 =	sld [smem:$0x3FB6];
	_ =	sdelay $0x3  }
0x37: {  	[smem:$0x3FB6] =	sst s10  }
0x38: {  	s10 =	sld [smem:$0x3FB7]  }
0x39: {  	_ = 	snop;
	(pc) =	sbr.ind lr, $3  }
0x3a: {  	_ = 	snop  }
0x3b: {  	_ = 	snop  }
0x3c: {  	p2 =	seq.s32 s10, $0x1;
	s10 =	sld [smem:$0x3FB6]  }
0x3d: {  	_ =	shalt  }
0x3e: {  	_ =	shalt  }
0x3f: {  	_ =	shalt  }
0x40: {  	_ =	shalt  }
0x41: {  	_ =	shalt  }
0x42: {  	_ =	shalt  }
0x43: {  	_ =	shalt  }
0x44: {  	_ =	shalt  }
0x45: {  	_ =	shalt  }
0x46: {  	_ =	shalt  }
0x47: {  	_ =	shalt  }
0x48: {  	_ =	shalt  }
0x49: {  	_ =	shalt  }
0x4a: {  	_ =	shalt  }
0x4b: {  	_ =	shalt  }
0x4c: {  	_ =	shalt  }
0x4d: {  	_ =	shalt  }
0x4e: {  	_ =	shalt  }
0x4f: {  	_ =	shalt  }
0x50: {  	_ =	shalt  }
0x51: {  	_ =	shalt  }
0x52: {  	_ =	shalt  }
0x53: {  	_ =	shalt  }
0x54: {  	_ =	shalt  }
0x55: {  	_ =	shalt  }
0x56: {  	_ =	shalt  }
0x57: {  	_ =	shalt  }
0x58: {  	_ =	shalt  }
0x59: {  	_ =	shalt  }
0x5a: {  	_ =	shalt  }
0x5b: {  	_ =	shalt  }
0x5c: {  	_ =	shalt  }
0x5d: {  	_ =	shalt  }
0x5e: {  	_ =	shalt  }
0x5f: {  	_ =	shalt  }
0x60: {  	_ =	shalt  }
0x61: {  	_ =	shalt  }
0x62: {  	_ =	shalt  }
0x63: {  	_ =	shalt  }
0x64: {  	_ =	shalt  }
0x65: {  	_ =	shalt  }
0x66: {  	_ =	shalt  }
0x67: {  	_ =	shalt  }
0x68: {  	_ =	shalt  }
0x69: {  	_ =	shalt  }
0x6a: {  	_ =	shalt  }
0x6b: {  	_ =	shalt  }
0x6c: {  	_ =	shalt  }
0x6d: {  	_ =	shalt  }
0x6e: {  	_ =	shalt  }
0x6f: {  	_ =	shalt  }
0x70: {  	_ =	shalt  }
0x71: {  	_ =	shalt  }
0x72: {  	_ =	shalt  }
0x73: {  	_ =	shalt  }
0x74: {  	_ =	shalt  }
0x75: {  	_ =	shalt  }
0x76: {  	_ =	shalt  }
0x77: {  	_ =	shalt  }
0x78: {  	_ =	shalt  }
0x79: {  	_ =	shalt  }
0x7a: {  	_ =	shalt  }
0x7b: {  	_ =	shalt  }
0x7c: {  	_ =	shalt  }
0x7d: {  	_ =	shalt  }
0x7e: {  	_ =	shalt  }
0x7f: {  	_ =	shalt  }
0x80: {  	_ =	shalt  }
0x81: {  	_ =	shalt  }
0x82: {  	_ =	shalt  }
0x83: {  	_ =	shalt  }
0x84: {  	_ =	shalt  }
0x85: {  	_ =	shalt  }
0x86: {  	_ =	shalt  }
0x87: {  	_ =	shalt  }
.Lfunc_end0:
.L_simem_size_0:
called_computation.1_lowered:
.L_overlay_start_0:
0x88: {  	s2 =	sld [smem:$0x3FD9]  }
0x89: {  	s3 =	sld [smem:$0x3FFE];
	_ =	sdelay $0x1  }
0x8a: {  	s1 =	srdreg.scid  }
0x8b: {  	s0 =	sand.u32 $0x1, s1  }
0x8c: {  	s17 =	sshll.u32 s0, $0xA;
	s2 =	sadd.s32 s3, s2  }
0x8d: {  	s2 =	sadd.s32 s2, s17  }
0x8e: {  	[smem:$0x3FC2] =	sst s2  }
0x8f: {  	_ = 	snop  }
0x90: {  	s2 =	sld [smem:$0x3FD0];
	(tm) =	ssettm $0x1  }
0x91: {  	s18 =	sld [smem:$0x3FFB];
	_ =	sdelay $0x3  }
0x92: {  	_ =	strace s18  }
0x93: {  	s3 =	sld [smem:$0x3FFC];
	_ =	sdelay $0x3  }
0x94: {  	_ =	strace s3  }
0x95: {  	s3 =	sld [smem:$0x3FFD];
	_ =	sdelay $0x3  }
0x96: {  	_ =	strace s3  }
0x97: {  	_ =	strace $0x8FFFFFFF  }
0x98: {  	s19 =	sld [smem:$0x3FDB];
	_ =	sdelay $0x1  }
0x99: {  	s4 =	simm.s32 $_scs_section_size  }
0x9a: {  	s5 =	simm.s32 $_size__tile_overlayer_lowered;
	s6 =	simm.s32 $_tile_overlayer_lowered  }
0x9b: {  	s22 =	simm.s32 $0x1BFF;
	s21 =	sshll.u32 s6, $0x1;
	s3 =	sadd.s32 s4, s19  }
0x9c: {  	s7 =	simm.s32 $0x0;
	s20 =	sshll.u32 s5, $0x1;
	s5 =	sadd.s32 s21, s3  }
0x9d: {  	[timem:s7], [sflag:s22] =	dma.local [hbm:s5], s20  }
0x9e: {  	_ =	swait.ge [sflag:s22], s20  }
0x9f: {  	s4 =	ssub.s32 $0x0, s20;
	[sflag:s22] =	ssyncset.done $0x0  }
0xa0: {  	[sflag:s22] =	ssyncadd.s32 s4;
	_ =	sdelay $0x1  }
0xa1: {  	s23 =	simm.s32 $0x1B8B  }
0xa2: {  	_ =	swait.ge [sflag:s23], $0x1  }
0xa3: {  	[sflag:s23] =	ssyncset.done $0x0  }
0xa4: {  	s25 =	simm.s32 $0x1B8E;
	s24 =	sld [smem:$0x3FFE];
	[sflag:s23] =	ssyncadd.s32 $0xFFFFFFFF  }
0xa5: {  	s26 =	simm.s32 $execute0_lowered;
	[smem:$0x3FD2] =	sst s25  }
0xa6: {  	s5 =	sshll.u32 s26, $0x1;
	_ =	strace $0x80000049;
	[dreg:$0x1] =	wrdreg $0xFFFFFFFF  }
0xa7: {  	s28 =	simm.s32 $_size_execute0_lowered;
	s3 =	sadd.s32 s3, s5;
	[dreg:$0x0] =	wrdreg $0x0  }
0xa8: {  	s5 =	sshll.u32 s28, $0x1;
	[dreg:$0x2] =	wrdreg s3  }
0xa9: {  	[dreg:$0x3] =	wrdreg s5  }
0xaa: {  	[dreg:$0x4] =	wrdreg $0xC0  }
0xab: {  	_ =	task [dreg:s7], $0x5FFFF  }
0xac: {  	[dreg:$0x1] =	wrdreg $0xFFFFFFFF  }
0xad: {  	[dreg:$0x0] =	wrdreg $0x60  }
0xae: {  	[dreg:$0x2] =	wrdreg s24  }
0xaf: {  	[dreg:$0x3] =	wrdreg s2  }
0xb0: {  	[dreg:$0x4] =	wrdreg $0x160000  }
0xb1: {  	[dreg:$0x5] =	wrdreg $0x9  }
0xb2: {  	_ =	task.clear_ibuf [dreg:s7], $0x6FFFF;
	_ =	strace $0x90000049  }
0xb3: {  	s29 =	simm.s32 $0x9;
	_ =	strace $0x8000004B  }
0xb4: {  	_ =	swait.ge [sflag:s29], $0x1  }
0xb5: {  	[sflag:s29] =	ssyncadd.s32 $0xFFFFFFFF  }
0xb6: {  	_ =	strace $0x9000004B  }
0xb7: {  	_ =	sfence  }
0xb8: {  	s30 =	sld [smem:$0x0];
	_ =	sdelay $0x2  }
0xb9: {  	s31 =	sshll.u32 s1, $0xD;
	s1 =	sshrl.u32 s1, $0x2  }
0xba: {  	s3 =	sand.u32 $0x4000, s31;
	s1 =	sadd.s32 s1, s30  }
0xbb: {  	s0 =	sor.u32 s3, s0;
	s1 =	sshll.u32 s1, $0x11  }
0xbc: {  	s0 =	sor.u32 s1, s0  }
0xbd: {  	s0 =	sadd.s32 $0x8F2B, s0  }
0xbe: {  	[sflag:s0] =	ssyncadd.remote.s32 $0x1  }
0xbf: {  	_ =	sfence.sel $0xFFFF  }
0xc0: {  	[dreg:$0x0] =	wrdreg $0xFFFFFFFF;
	(pc) =	sbr.abs _section_cstart, $3  }
0xc1: {  	[dreg:$0x1] =	wrdreg $0xFFFFFFFF  }
0xc2: {  	_ =	task.clear_ibuf [dreg:s7], $0x2FFFF;
	_ =	strace $0x9FFFFFFF  }
0xc3: {  	(tm) =	ssettm $0x7FFFFFFF  }
tec
execute0_lowered:
.L_overlay_start_1:
0x0: {  	(tag) =	ssettag $0x1  }
0x1: {  	s0 =	rddreg [dreg:$0x0]  }
0x2: {  	s1 =	rddreg [dreg:$0x1]  }
0x3: {  	s10 =	stileid.u32;
	s3 =	srdreg.scid  }
0x4: {  	s2 =	rddreg [dreg:$0x2];
	s14 =	simm.s32 $0xA000;
	s15 =	simm.s32 $0x7  }
0x5: {  	s16 =	simm.s32 $0x5000;
	s17 =	simm.s32 $0x80;
	s18 =	simm.s32 $0xC000  }
0x6: {  	s20 =	simm.s32 $0xE000;
	s22 =	simm.s32 $0x10000;
	s23 =	simm.s32 $0x1  }
0x7: {  	s30 =	simm.s32 $0x14000;
	s31 =	simm.s32 $0x3;
	s6 =	smul.u32 $0xA000, s10  }
0x8: {  	s19 =	simm.s32 $0x4;
	s21 =	simm.s32 $0x6;
	s8 =	smul.u32 $0x5000, s10  }
0x9: {  	s29 =	simm.s32 $0x9F80;
	s5 =	sand.u32 $0x1, s3;
	s10 =	smul.u32 $0x28000, s10  }
0xa: {  	s3 =	simm.s32 $0x0;
	s4 =	sadd.s32 $0x5BA00, s0;
	s7 =	smul.u32 $0xA0000, s5  }
0xb: {  	[smem:$0x7FF] =	sst s3;
	s24 =	ssub.s32 $0x2, s5;
	s12 =	smul.u32 $0x50000, s5  }
0xc: {  	_ =	strace $0x8000004A;
	s9 =	sshrl.u32 s8, $0x3;
	s25 =	sshrl.u32 s24, $0x1  }
0xd: {  	s10 =	sshrl.u32 s10, $0x2;
	s5 =	sadd.s32 s6, s2;
	s7 =	sadd.s32 s6, s7  }
0xe: {  	s11 =	sadd.s32 s9, s0;
	s13 =	ssub.s32 s24, s25;
	s26 =	sadd.s32 s10, s2  }
0xf: {  	s28 =	sadd.s32 s8, s12;
	s25 =	simm.s32 $0x12000;
	s7 =	sshrl.u32 s7, $0x3  }
0x10: {  	s6 =	sadd.s32 $0x2000, s26;
	s8 =	sadd.s32 $0x6000, s26;
	s9 =	sadd.s32 $0x8000, s26  }
0x11: {  	s10 =	sshrl.u32 s28, $0x3;
	s11 =	sadd.s32 $0x1A00, s11;
	s13 =	smax.u32 s13, $0x1  }
0x12: {  	s0 =	sadd.s32 s7, s0;
	s7 =	sadd.s32 $0x4000, s26;
	s10 =	sadd.s32 s1, s10  }
0x13: {  	v0 =	vimm.f32 $0.0e+00;
	s26 =	simm.s32 $0x2;
	s12 =	sadd.s32 $0x83A00, s0;
	s0 =	simm.s32 $0x5  }
.LBB2_1:
0x14: {  	s24 =	simm.s32 $0x100;
	s1 =	simm.s32 $0x0  }
.LBB2_2:
0x15: {  	p0 =	sne.s32 s24, $0x7F00;
	[tilespmem:s1+$0xA030] =	vst v0;
	s28 =	smov.u32 s24;
	s24 =	sadd.s32 $0x100, s24  }
.Ltmp0:
0x16: {  	[tilespmem:s1+$0xA020] =	vst v0;
	(pc) =	sbr.rel @p0 .LBB2_2-.Ltmp0, $3  }
0x17: {  	[tilespmem:s1+$0xA000] =	vst v0  }
0x18: {  	[tilespmem:s1+$0xA010] =	vst v0;
	_ =	sdelay $0x1  }
0x19: {  	s1 =	sshra.s32 s28, $0x2  }
0x1a: {  	[tilespmem:s1+$0xA030] =	vst v0  }
0x1b: {  	[tilespmem:s1+$0xA020] =	vst v0  }
0x1c: {  	[tilespmem:s1+$0xA000] =	vst v0  }
0x1d: {  	[tilespmem:s1+$0xA010] =	vst v0  }
0x1e: {  	[spmem:s5] =	stream.linear.scatter [tilespmem:s14], [sflag:$0x7], $0x2000, $0x38;
	v63 =	vld [tilespmem:$0x0]  }
0x1f: {  	_ =	swait.ge [sflag:s15], $0x2000  }
0x20: {  	[sflag:s15] =	ssyncset.done $0x0  }
0x21: {  	[sflag:s15] =	ssyncadd.s32 $0xFFFFE000  }
0x22: {  	[spmem:s6] =	stream.linear.scatter [tilespmem:s14], [sflag:$0x7], $0x2000, $0x38;
	v63 =	vld [tilespmem:$0x0]  }
0x23: {  	_ =	swait.ge [sflag:s15], $0x2000  }
0x24: {  	[sflag:s15] =	ssyncset.done $0x0  }
0x25: {  	[sflag:s15] =	ssyncadd.s32 $0xFFFFE000  }
0x26: {  	[spmem:s7] =	stream.linear.scatter [tilespmem:s14], [sflag:$0x7], $0x2000, $0x38;
	v63 =	vld [tilespmem:$0x0]  }
0x27: {  	_ =	swait.ge [sflag:s15], $0x2000  }
0x28: {  	[sflag:s15] =	ssyncset.done $0x0  }
0x29: {  	[sflag:s15] =	ssyncadd.s32 $0xFFFFE000  }
0x2a: {  	[spmem:s8] =	stream.linear.scatter [tilespmem:s14], [sflag:$0x7], $0x2000, $0x38;
	v63 =	vld [tilespmem:$0x0]  }
0x2b: {  	_ =	swait.ge [sflag:s15], $0x2000  }
0x2c: {  	[sflag:s15] =	ssyncset.done $0x0  }
0x2d: {  	[sflag:s15] =	ssyncadd.s32 $0xFFFFE000  }
0x2e: {  	[spmem:s9] =	stream.linear.scatter [tilespmem:s14], [sflag:$0x7], $0x2000, $0x38;
	v63 =	vld [tilespmem:$0x0]  }
0x2f: {  	_ =	swait.ge [sflag:s15], $0x2000  }
0x30: {  	[sflag:s15] =	ssyncset.done $0x0  }
0x31: {  	s24 =	simm.s32 $0x0;
	[sflag:s15] =	ssyncadd.s32 $0xFFFFE000  }
0x32: {  	[tilespmem:s24], [sflag:$0x7] =	stream.linear.gather [hbm4b:s10+s24], $0x5000, $0x38;
	v63 =	vld [tilespmem:$0x0]  }
0x33: {  	_ =	swait.ge [sflag:s15], $0x5000  }
0x34: {  	[sflag:s15] =	ssyncset.done $0x0  }
0x35: {  	[sflag:s15] =	ssyncadd.s32 $0xFFFFB000  }
0x36: {  	[tilespmem:s16], [sflag:$0x7] =	stream.linear.gather [hbm4b:s11+s24], $0x5000, $0x38;
	v63 =	vld [tilespmem:$0x0]  }
0x37: {  	_ =	swait.ge [sflag:s15], $0x5000  }
0x38: {  	[sflag:s15] =	ssyncset.done $0x0  }
0x39: {  	[sflag:s15] =	ssyncadd.s32 $0xFFFFB000  }
0x3a: {  	[bflag:$0x0] =	sbarrier.arrive $0xFFFF  }
0x3b: {  	[tilespmem:s14], [sflag:$0x1] =	stream.indirect.gather [hbm4b:s4+s17], $0x40, s24, s17, $0xb8;
	v63 =	vld [tilespmem:$0x0]  }
0x3c: {  	_ = 	snop  }
0x3d: {  	[tilespmem:s18], [sflag:$0x2] =	stream.indirect.gather [hbm4b:s4+s17], $0x40, s17, s17, $0xb8;
	v63 =	vld [tilespmem:$0x0]  }
0x3e: {  	s28 =	simm.s32 $0x100  }
0x3f: {  	[tilespmem:s20], [sflag:$0x3] =	stream.indirect.gather [hbm4b:s4+s17], $0x40, s28, s17, $0xb8;
	v63 =	vld [tilespmem:$0x0]  }
0x40: {  	s24 =	simm.s32 $0x180  }
0x41: {  	[tilespmem:s22], [sflag:$0x4] =	stream.indirect.gather [hbm4b:s4+s17], $0x40, s24, s17, $0xb8;
	v63 =	vld [tilespmem:$0x0]  }
0x42: {  	_ =	swait.ge [sflag:s23], $0x2000  }
0x43: {  	[sflag:s23] =	ssyncset.done $0x0  }
0x44: {  	[sflag:s23] =	ssyncadd.s32 $0xFFFFE000  }
0x45: {  	[spmem:s2] =	stream.indirect.scatter.add.f32 [tilespmem:s14], [sflag:$0x1], $0x40, s16, s17, $0xb8;
	v63 =	vld [tilespmem:$0x0]  }
0x46: {  	s28 =	simm.s32 $0x200  }
0x47: {  	[tilespmem:s25], [sflag:$0x5] =	stream.indirect.gather [hbm4b:s4+s17], $0x40, s28, s17, $0xb8;
	v63 =	vld [tilespmem:$0x0]  }
0x48: {  	_ =	swait.ge [sflag:s26], $0x2000  }
0x49: {  	[sflag:s26] =	ssyncset.done $0x0  }
0x4a: {  	s24 =	simm.s32 $0x5080;
	[sflag:s26] =	ssyncadd.s32 $0xFFFFE000  }
0x4b: {  	[spmem:s2] =	stream.indirect.scatter.add.f32 [tilespmem:s18], [sflag:$0x2], $0x40, s24, s17, $0xb8;
	v63 =	vld [tilespmem:$0x0]  }
0x4c: {  	s28 =	simm.s32 $0x280  }
0x4d: {  	[tilespmem:s30], [sflag:$0x6] =	stream.indirect.gather [hbm4b:s4+s17], $0x40, s28, s17, $0xb8;
	v63 =	vld [tilespmem:$0x0]  }
0x4e: {  	_ =	swait.ge [sflag:s31], $0x2000  }
0x4f: {  	[sflag:s31] =	ssyncset.done $0x0  }
0x50: {  	s24 =	simm.s32 $0x5100;
	[sflag:s31] =	ssyncadd.s32 $0xFFFFE000  }
0x51: {  	[spmem:s2] =	stream.indirect.scatter.add.f32 [tilespmem:s20], [sflag:$0x3], $0x40, s24, s17, $0xb8;
	v63 =	vld [tilespmem:$0x0]  }
0x52: {  	_ =	swait.ge [sflag:s23], $0x2000  }
0x53: {  	[sflag:s23] =	ssyncset.done $0x0  }
0x54: {  	s28 =	simm.s32 $0x300;
	[sflag:s23] =	ssyncadd.s32 $0xFFFFE000  }
0x55: {  	[tilespmem:s14], [sflag:$0x1] =	stream.indirect.gather [hbm4b:s4+s17], $0x40, s28, s17, $0xb8;
	v63 =	vld [tilespmem:$0x0]  }
0x56: {  	_ =	swait.ge [sflag:s19], $0x2000  }
0x57: {  	[sflag:s19] =	ssyncset.done $0x0  }
0x58: {  	s24 =	simm.s32 $0x5180;
	[sflag:s19] =	ssyncadd.s32 $0xFFFFE000  }
0x59: {  	[spmem:s2] =	stream.indirect.scatter.add.f32 [tilespmem:s22], [sflag:$0x4], $0x40, s24, s17, $0xb8;
	v63 =	vld [tilespmem:$0x0]  }
0x5a: {  	_ =	swait.ge [sflag:s26], $0x2000  }
0x5b: {  	[sflag:s26] =	ssyncset.done $0x0  }
0x5c: {  	s28 =	simm.s32 $0x380;
	[sflag:s26] =	ssyncadd.s32 $0xFFFFE000  }
0x5d: {  	[tilespmem:s18], [sflag:$0x2] =	stream.indirect.gather [hbm4b:s4+s17], $0x40, s28, s17, $0xb8;
	v63 =	vld [tilespmem:$0x0]  }
0x5e: {  	_ =	swait.ge [sflag:s0], $0x2000  }
0x5f: {  	[sflag:s0] =	ssyncset.done $0x0  }
0x60: {  	s24 =	simm.s32 $0x5200;
	[sflag:s0] =	ssyncadd.s32 $0xFFFFE000  }
0x61: {  	[spmem:s2] =	stream.indirect.scatter.add.f32 [tilespmem:s25], [sflag:$0x5], $0x40, s24, s17, $0xb8;
	v63 =	vld [tilespmem:$0x0]  }
0x62: {  	_ =	swait.ge [sflag:s31], $0x2000  }
0x63: {  	[sflag:s31] =	ssyncset.done $0x0  }
0x64: {  	s28 =	simm.s32 $0x400;
	[sflag:s31] =	ssyncadd.s32 $0xFFFFE000  }
0x65: {  	[tilespmem:s20], [sflag:$0x3] =	stream.indirect.gather [hbm4b:s4+s17], $0x40, s28, s17, $0xb8;
	v63 =	vld [tilespmem:$0x0]  }
0x66: {  	_ =	swait.ge [sflag:s21], $0x2000  }
0x67: {  	[sflag:s21] =	ssyncset.done $0x0  }
0x68: {  	s24 =	simm.s32 $0x5280;
	[sflag:s21] =	ssyncadd.s32 $0xFFFFE000  }
0x69: {  	[spmem:s2] =	stream.indirect.scatter.add.f32 [tilespmem:s30], [sflag:$0x6], $0x40, s24, s17, $0xb8;
	v63 =	vld [tilespmem:$0x0]  }
0x6a: {  	_ =	swait.ge [sflag:s19], $0x2000  }
0x6b: {  	[sflag:s19] =	ssyncset.done $0x0  }
0x6c: {  	s28 =	simm.s32 $0x480;
	[sflag:s19] =	ssyncadd.s32 $0xFFFFE000  }
0x6d: {  	[tilespmem:s22], [sflag:$0x4] =	stream.indirect.gather [hbm4b:s4+s17], $0x40, s28, s17, $0xb8;
	v63 =	vld [tilespmem:$0x0]  }
0x6e: {  	_ =	swait.ge [sflag:s23], $0x2000  }
0x6f: {  	[sflag:s23] =	ssyncset.done $0x0  }
0x70: {  	s24 =	simm.s32 $0x5300;
	[sflag:s23] =	ssyncadd.s32 $0xFFFFE000  }
0x71: {  	[spmem:s2] =	stream.indirect.scatter.add.f32 [tilespmem:s14], [sflag:$0x1], $0x40, s24, s17, $0xb8;
	v63 =	vld [tilespmem:$0x0]  }
0x72: {  	_ =	swait.ge [sflag:s0], $0x2000  }
0x73: {  	[sflag:s0] =	ssyncset.done $0x0  }
0x74: {  	s28 =	simm.s32 $0x500;
	[sflag:s0] =	ssyncadd.s32 $0xFFFFE000  }
0x75: {  	[tilespmem:s25], [sflag:$0x5] =	stream.indirect.gather [hbm4b:s4+s17], $0x40, s28, s17, $0xb8;
	v63 =	vld [tilespmem:$0x0]  }
0x76: {  	_ =	swait.ge [sflag:s26], $0x2000  }
0x77: {  	[sflag:s26] =	ssyncset.done $0x0  }
0x78: {  	s24 =	simm.s32 $0x5380;
	[sflag:s26] =	ssyncadd.s32 $0xFFFFE000  }
0x79: {  	[spmem:s2] =	stream.indirect.scatter.add.f32 [tilespmem:s18], [sflag:$0x2], $0x40, s24, s17, $0xb8;
	v63 =	vld [tilespmem:$0x0]  }
0x7a: {  	_ =	swait.ge [sflag:s21], $0x2000  }
0x7b: {  	[sflag:s21] =	ssyncset.done $0x0  }
0x7c: {  	s28 =	simm.s32 $0x580;
	[sflag:s21] =	ssyncadd.s32 $0xFFFFE000  }
0x7d: {  	[tilespmem:s30], [sflag:$0x6] =	stream.indirect.gather [hbm4b:s4+s17], $0x40, s28, s17, $0xb8;
	v63 =	vld [tilespmem:$0x0]  }
0x7e: {  	_ =	swait.ge [sflag:s31], $0x2000  }
0x7f: {  	[sflag:s31] =	ssyncset.done $0x0  }
0x80: {  	s1 =	simm.s32 $0xC00;
	s24 =	simm.s32 $0x5400;
	[sflag:s31] =	ssyncadd.s32 $0xFFFFE000  }
.LBB2_4:
0x81: {  	[spmem:s2] =	stream.indirect.scatter.add.f32 [tilespmem:s20], [sflag:$0x3], $0x40, s24, s17, $0xb8;
	v63 =	vld [tilespmem:$0x0]  }
0x82: {  	s24 =	smov.u32 s1  }
0x83: {  	p0 =	sne.s32 s1, $0x12000;
	s1 =	sadd.s32 $0xC00, s1;
	_ =	swait.ge [sflag:s23], $0x2000  }
0x84: {  	s24 =	sshra.s32 s24, $0x2;
	[sflag:s23] =	ssyncset.done $0x0  }
0x85: {  	s28 =	sadd.s32 $0x300, s24;
	[sflag:s23] =	ssyncadd.s32 $0xFFFFE000  }
0x86: {  	[tilespmem:s14], [sflag:$0x1] =	stream.indirect.gather [hbm4b:s4+s17], $0x40, s28, s17, $0xb8;
	v63 =	vld [tilespmem:$0x0]  }
0x87: {  	_ =	swait.ge [sflag:s19], $0x2000  }
0x88: {  	[sflag:s19] =	ssyncset.done $0x0  }
0x89: {  	s28 =	sadd.s32 $0x5180, s24;
	[sflag:s19] =	ssyncadd.s32 $0xFFFFE000  }
0x8a: {  	[spmem:s2] =	stream.indirect.scatter.add.f32 [tilespmem:s22], [sflag:$0x4], $0x40, s28, s17, $0xb8;
	v63 =	vld [tilespmem:$0x0]  }
0x8b: {  	_ =	swait.ge [sflag:s26], $0x2000  }
0x8c: {  	[sflag:s26] =	ssyncset.done $0x0  }
0x8d: {  	s28 =	sadd.s32 $0x380, s24;
	[sflag:s26] =	ssyncadd.s32 $0xFFFFE000  }
0x8e: {  	[tilespmem:s18], [sflag:$0x2] =	stream.indirect.gather [hbm4b:s4+s17], $0x40, s28, s17, $0xb8;
	v63 =	vld [tilespmem:$0x0]  }
0x8f: {  	_ =	swait.ge [sflag:s0], $0x2000  }
0x90: {  	[sflag:s0] =	ssyncset.done $0x0  }
0x91: {  	s28 =	sadd.s32 $0x5200, s24;
	[sflag:s0] =	ssyncadd.s32 $0xFFFFE000  }
0x92: {  	[spmem:s2] =	stream.indirect.scatter.add.f32 [tilespmem:s25], [sflag:$0x5], $0x40, s28, s17, $0xb8;
	v63 =	vld [tilespmem:$0x0]  }
0x93: {  	_ =	swait.ge [sflag:s31], $0x2000  }
0x94: {  	[sflag:s31] =	ssyncset.done $0x0  }
0x95: {  	s28 =	sadd.s32 $0x400, s24;
	[sflag:s31] =	ssyncadd.s32 $0xFFFFE000  }
0x96: {  	[tilespmem:s20], [sflag:$0x3] =	stream.indirect.gather [hbm4b:s4+s17], $0x40, s28, s17, $0xb8;
	v63 =	vld [tilespmem:$0x0]  }
0x97: {  	_ =	swait.ge [sflag:s21], $0x2000  }
0x98: {  	[sflag:s21] =	ssyncset.done $0x0  }
0x99: {  	s28 =	sadd.s32 $0x5280, s24;
	[sflag:s21] =	ssyncadd.s32 $0xFFFFE000  }
0x9a: {  	[spmem:s2] =	stream.indirect.scatter.add.f32 [tilespmem:s30], [sflag:$0x6], $0x40, s28, s17, $0xb8;
	v63 =	vld [tilespmem:$0x0]  }
0x9b: {  	_ =	swait.ge [sflag:s19], $0x2000  }
0x9c: {  	[sflag:s19] =	ssyncset.done $0x0  }
0x9d: {  	s28 =	sadd.s32 $0x480, s24;
	[sflag:s19] =	ssyncadd.s32 $0xFFFFE000  }
0x9e: {  	[tilespmem:s22], [sflag:$0x4] =	stream.indirect.gather [hbm4b:s4+s17], $0x40, s28, s17, $0xb8;
	v63 =	vld [tilespmem:$0x0]  }
0x9f: {  	_ =	swait.ge [sflag:s23], $0x2000  }
0xa0: {  	[sflag:s23] =	ssyncset.done $0x0  }
0xa1: {  	s28 =	sadd.s32 $0x5300, s24;
	[sflag:s23] =	ssyncadd.s32 $0xFFFFE000  }
0xa2: {  	[spmem:s2] =	stream.indirect.scatter.add.f32 [tilespmem:s14], [sflag:$0x1], $0x40, s28, s17, $0xb8;
	v63 =	vld [tilespmem:$0x0]  }
0xa3: {  	_ =	swait.ge [sflag:s0], $0x2000  }
0xa4: {  	[sflag:s0] =	ssyncset.done $0x0  }
0xa5: {  	s28 =	sadd.s32 $0x500, s24;
	[sflag:s0] =	ssyncadd.s32 $0xFFFFE000  }
0xa6: {  	[tilespmem:s25], [sflag:$0x5] =	stream.indirect.gather [hbm4b:s4+s17], $0x40, s28, s17, $0xb8;
	v63 =	vld [tilespmem:$0x0]  }
0xa7: {  	_ =	swait.ge [sflag:s26], $0x2000  }
0xa8: {  	[sflag:s26] =	ssyncset.done $0x0  }
0xa9: {  	s28 =	sadd.s32 $0x5380, s24;
	[sflag:s26] =	ssyncadd.s32 $0xFFFFE000  }
0xaa: {  	[spmem:s2] =	stream.indirect.scatter.add.f32 [tilespmem:s18], [sflag:$0x2], $0x40, s28, s17, $0xb8;
	v63 =	vld [tilespmem:$0x0]  }
0xab: {  	_ =	swait.ge [sflag:s21], $0x2000  }
0xac: {  	[sflag:s21] =	ssyncset.done $0x0  }
.Ltmp1:
0xad: {  	s28 =	sadd.s32 $0x580, s24;
	[sflag:s21] =	ssyncadd.s32 $0xFFFFE000;
	(pc) =	sbr.rel @p0 .LBB2_4-.Ltmp1, $4  }
0xae: {  	[tilespmem:s30], [sflag:$0x6] =	stream.indirect.gather [hbm4b:s4+s17], $0x40, s28, s17, $0xb8;
	v63 =	vld [tilespmem:$0x0]  }
0xaf: {  	_ =	swait.ge [sflag:s31], $0x2000  }
0xb0: {  	[sflag:s31] =	ssyncset.done $0x0  }
0xb1: {  	s24 =	sadd.s32 $0x5400, s24;
	[sflag:s31] =	ssyncadd.s32 $0xFFFFE000  }
0xb2: {  	[spmem:s2] =	stream.indirect.scatter.add.f32 [tilespmem:s20], [sflag:$0x3], $0x40, s24, s17, $0xb8;
	v63 =	vld [tilespmem:$0x0]  }
0xb3: {  	_ =	swait.ge [sflag:s23], $0x2000  }
0xb4: {  	[sflag:s23] =	ssyncset.done $0x0  }
0xb5: {  	s1 =	simm.s32 $0x4E00;
	[sflag:s23] =	ssyncadd.s32 $0xFFFFE000  }
0xb6: {  	[tilespmem:s14], [sflag:$0x1] =	stream.indirect.gather [hbm4b:s4+s17], $0x40, s1, s17, $0xb8;
	v63 =	vld [tilespmem:$0x0]  }
0xb7: {  	_ =	swait.ge [sflag:s19], $0x2000  }
0xb8: {  	[sflag:s19] =	ssyncset.done $0x0  }
0xb9: {  	s28 =	simm.s32 $0x9C80;
	[sflag:s19] =	ssyncadd.s32 $0xFFFFE000  }
0xba: {  	[spmem:s2] =	stream.indirect.scatter.add.f32 [tilespmem:s22], [sflag:$0x4], $0x40, s28, s17, $0xb8;
	v63 =	vld [tilespmem:$0x0]  }
0xbb: {  	_ =	swait.ge [sflag:s26], $0x2000  }
0xbc: {  	[sflag:s26] =	ssyncset.done $0x0  }
0xbd: {  	s24 =	simm.s32 $0x4E80;
	[sflag:s26] =	ssyncadd.s32 $0xFFFFE000  }
0xbe: {  	[tilespmem:s18], [sflag:$0x2] =	stream.indirect.gather [hbm4b:s4+s17], $0x40, s24, s17, $0xb8;
	v63 =	vld [tilespmem:$0x0]  }
0xbf: {  	_ =	swait.ge [sflag:s0], $0x2000  }
0xc0: {  	[sflag:s0] =	ssyncset.done $0x0  }
0xc1: {  	s28 =	simm.s32 $0x9D00;
	[sflag:s0] =	ssyncadd.s32 $0xFFFFE000  }
0xc2: {  	[spmem:s2] =	stream.indirect.scatter.add.f32 [tilespmem:s25], [sflag:$0x5], $0x40, s28, s17, $0xb8;
	v63 =	vld [tilespmem:$0x0]  }
0xc3: {  	_ =	swait.ge [sflag:s31], $0x2000  }
0xc4: {  	[sflag:s31] =	ssyncset.done $0x0  }
0xc5: {  	s24 =	simm.s32 $0x4F00;
	[sflag:s31] =	ssyncadd.s32 $0xFFFFE000  }
0xc6: {  	[tilespmem:s20], [sflag:$0x3] =	stream.indirect.gather [hbm4b:s4+s17], $0x40, s24, s17, $0xb8;
	v63 =	vld [tilespmem:$0x0]  }
0xc7: {  	_ =	swait.ge [sflag:s21], $0x2000  }
0xc8: {  	[sflag:s21] =	ssyncset.done $0x0  }
0xc9: {  	s28 =	simm.s32 $0x9D80;
	[sflag:s21] =	ssyncadd.s32 $0xFFFFE000  }
0xca: {  	[spmem:s2] =	stream.indirect.scatter.add.f32 [tilespmem:s30], [sflag:$0x6], $0x40, s28, s17, $0xb8;
	v63 =	vld [tilespmem:$0x0]  }
0xcb: {  	_ =	swait.ge [sflag:s19], $0x2000  }
0xcc: {  	[sflag:s19] =	ssyncset.done $0x0  }
0xcd: {  	s24 =	simm.s32 $0x4F80;
	[sflag:s19] =	ssyncadd.s32 $0xFFFFE000  }
0xce: {  	[tilespmem:s22], [sflag:$0x4] =	stream.indirect.gather [hbm4b:s4+s17], $0x40, s24, s17, $0xb8;
	v63 =	vld [tilespmem:$0x0]  }
0xcf: {  	_ =	swait.ge [sflag:s23], $0x2000  }
0xd0: {  	[sflag:s23] =	ssyncset.done $0x0  }
0xd1: {  	s28 =	simm.s32 $0x9E00;
	[sflag:s23] =	ssyncadd.s32 $0xFFFFE000  }
0xd2: {  	[spmem:s2] =	stream.indirect.scatter.add.f32 [tilespmem:s14], [sflag:$0x1], $0x40, s28, s17, $0xb8;
	v63 =	vld [tilespmem:$0x0]  }
0xd3: {  	_ =	swait.ge [sflag:s0], $0x2000  }
0xd4: {  	[sflag:s0] =	ssyncset.done $0x0  }
0xd5: {  	[sflag:s0] =	ssyncadd.s32 $0xFFFFE000  }
0xd6: {  	_ =	swait.ge [sflag:s26], $0x2000  }
0xd7: {  	[sflag:s26] =	ssyncset.done $0x0  }
0xd8: {  	s24 =	simm.s32 $0x9E80;
	[sflag:s26] =	ssyncadd.s32 $0xFFFFE000  }
0xd9: {  	[spmem:s2] =	stream.indirect.scatter.add.f32 [tilespmem:s18], [sflag:$0x2], $0x40, s24, s17, $0xb8;
	v63 =	vld [tilespmem:$0x0]  }
0xda: {  	_ =	swait.ge [sflag:s21], $0x2000  }
0xdb: {  	[sflag:s21] =	ssyncset.done $0x0  }
0xdc: {  	[sflag:s21] =	ssyncadd.s32 $0xFFFFE000  }
0xdd: {  	_ =	swait.ge [sflag:s31], $0x2000  }
0xde: {  	[sflag:s31] =	ssyncset.done $0x0  }
0xdf: {  	s28 =	simm.s32 $0x9F00;
	[sflag:s31] =	ssyncadd.s32 $0xFFFFE000  }
0xe0: {  	[spmem:s2] =	stream.indirect.scatter.add.f32 [tilespmem:s20], [sflag:$0x3], $0x40, s28, s17, $0xb8;
	v63 =	vld [tilespmem:$0x0]  }
0xe1: {  	_ =	swait.ge [sflag:s23], $0x2000  }
0xe2: {  	[sflag:s23] =	ssyncset.done $0x0  }
0xe3: {  	[sflag:s23] =	ssyncadd.s32 $0xFFFFE000  }
0xe4: {  	_ =	swait.ge [sflag:s19], $0x2000  }
0xe5: {  	[sflag:s19] =	ssyncset.done $0x0  }
0xe6: {  	[sflag:s19] =	ssyncadd.s32 $0xFFFFE000  }
0xe7: {  	[spmem:s2] =	stream.indirect.scatter.add.f32 [tilespmem:s22], [sflag:$0x4], $0x40, s29, s17, $0xb8;
	v63 =	vld [tilespmem:$0x0]  }
0xe8: {  	_ =	swait.ge [sflag:s26], $0x2000  }
0xe9: {  	[sflag:s26] =	ssyncset.done $0x0  }
0xea: {  	[sflag:s26] =	ssyncadd.s32 $0xFFFFE000  }
0xeb: {  	_ =	swait.ge [sflag:s31], $0x2000  }
0xec: {  	[sflag:s31] =	ssyncset.done $0x0  }
0xed: {  	[sflag:s31] =	ssyncadd.s32 $0xFFFFE000  }
0xee: {  	s24 =	stileid.u32;
	_ =	swait.ge [sflag:s19], $0x2000  }
0xef: {  	s3 =	sadd.s32 $0x1, s3;
	s1 =	sshll.u32 s24, $0x6;
	[sflag:s19] =	ssyncset.done $0x0  }
0xf0: {  	p0 =	sne.s32 s3, s13;
	s1 =	sor.u32 $0x1C07, s1;
	[sflag:s19] =	ssyncadd.s32 $0xFFFFE000  }
.Ltmp2:
0xf1: {  	s28 =	sshrl.u32 s5, $0x3;
	[bflag:$0x0] =	sbarrier.arrive $0xFFFF;
	(pc) =	sbr.rel @p0 .LBB2_1-.Ltmp2, $4  }
0xf2: {  	[hbm:s12], [sflag:s1] =	dma.local [spmem:s28], $0x1400  }
0xf3: {  	_ =	swait.ge [sflag:s15], $0x1400  }
0xf4: {  	[sflag:s15] =	ssyncset.done $0x0  }
0xf5: {  	[sflag:s15] =	ssyncadd.s32 $0xFFFFEC00  }
0xf6: {  	_ =	sfence.sel $0x180000  }
0xf7: {  	[bflag:$0x0] =	sbarrier.arrive $0xFFFF  }
0xf8: {  	_ =	strace $0x9000004A  }
0xf9: {  	s0 =	stileid.u32;
	[bflag:$0x2] =	sbarrier.arrive $0xFFFF  }
0xfa: {  	p0 =	sne.s32 s0, $0x0;
	s0 =	rddreg [dreg:$0x3]  }
0xfb: {  	s0 =	sadd.s32 @!p0 $0x100000, s0  }
0xfc: {  	[sflag:s0] =	ssyncadd.tile.s32 @!p0 $0x1;
	_ =	shalt  }
.Lfunc_end2:
_tile_overlayer_lowered:
.L_overlay_start_2:
0xfd: {  	(tag) =	ssettag $0x2  }
0xfe: {  	s0 =	rddreg [dreg:$0x0];
	s2 =	stileid.u32  }
0xff: {  	s1 =	rddreg [dreg:$0x1];
	p0 =	sne.s32 s2, $0x0  }
0x100: {  	s3 =	rddreg [dreg:$0x2];
	[bflag:$0x3] =	sbarrier.arrive $0xFFFF;
	s2 =	simm.s32 @!p0 $0x1C07  }
0x101: {  	[timem:s3], [sflag:s2] =	dma.local @!p0 [hbm:s0], s1  }
0x102: {  	s0 =	simm.s32 @!p0 $0x7  }
0x103: {  	_ =	swait.ge @!p0 [sflag:s0], s1  }
0x104: {  	s1 =	ssub.s32 @!p0 $0x0, s1;
	[sflag:s0] =	ssyncset.done @!p0 $0x0  }
0x105: {  	[sflag:s0] =	ssyncadd.s32 @!p0 s1  }
0x106: {  	[bflag:$0x3] =	sbarrier.arrive $0xFFFF  }
0x107: {  	_ =	shalt  }

// kernel: kernel.14.cloned.1.call-start
scs
__scs_entry_jumppad:
0x0: {  	(pc) =	sbr.rel $0x88, $3  }
0x1: {  	(tag) =	ssettag $0x0;
	lr =	simm.s32 $0x1  }
0x2: {  	[smem:$0x3F9B] =	sst lr;
	_ =	strace $0xD0000000  }
0x3: {  	_ = 	snop  }
0x4: {  	_ = 	snop  }
0x5: {  	_ = 	snop  }
0x6: {  	_ = 	snop  }
0x7: {  	_ = 	snop  }
__scs_overlays_trampoline_lowered:
0x8: {  	[smem:$0x3FAA] =	sst s0  }
0x9: {  	[smem:$0x3FAB] =	sst s1  }
0xa: {  	[smem:$0x3FAC] =	sst s2  }
0xb: {  	[smem:$0x3FAD] =	sst s3  }
0xc: {  	[smem:$0x3FAE] =	sst s4  }
0xd: {  	[smem:$0x3FAF] =	sst s5  }
0xe: {  	[smem:$0x3FB0] =	sst s6  }
0xf: {  	[smem:$0x3FB1] =	sst s7  }
0x10: {  	[smem:$0x3FB2] =	sst s8  }
0x11: {  	[smem:$0x3FB3] =	sst s9;
	s0 =	simm.s32 @!p0 $0x0  }
0x12: {  	s1 =	sld [smem:$0x3F99];
	s0 =	simm.s32 @p0 $0x1  }
0x13: {  	[smem:$0x3FB4] =	sst s0;
	s0 =	simm.s32 @!p1 $0x0  }
0x14: {  	s2 =	sld [smem:$0x3F98];
	s0 =	simm.s32 @p1 $0x1  }
0x15: {  	[smem:$0x3FB5] =	sst s0;
	s0 =	simm.s32 @!p2 $0x0  }
0x16: {  	s3 =	sld [smem:$0x3FDB];
	s0 =	simm.s32 @p2 $0x1  }
0x17: {  	s4 =	simm.s32 $0x1BF5;
	[smem:$0x3FB7] =	sst s0  }
0x18: {  	s0 =	sld [smem:$0x3F9A];
	_ =	swait.ge [sflag:s4], $0x0  }
0x19: {  	s7 =	sld [smem:$0x3F9B]  }
0x1a: {  	s8 =	sadd.s32 $0xFFFFE003, lr  }
0x1b: {  	s9 =	sadd.s32 $0xFFFFFEF7, lr;
	s5 =	simm.s32 $0xFFFFFFFF;
	p2 =	slt.u32 s8, $0xFFFFF086  }
0x1c: {  	p1 =	slt.u32 s9, $0xF7A;
	s5 =	simm.s32 @!p2 $0x0  }
0x1d: {  	s5 =	simm.s32 @p1 $0x1;
	p0 =	seq.s32 s7, s2  }
0x1e: {  	s7 =	smul.u32 @!p0 $0xF7A, s2;
	p2 =	seq.s32 @!p0 s5, $0x0  }
0x1f: {  	s9 =	smul.u32 $0xF7A, s1;
	s8 =	simm.s32 @!p0 $0x1BF5;
	p2 =	por !p2, p0  }
0x20: {  	[sflag:s8] =	ssyncset.s32 @!p0 $0xFFFFF086;
	s6 =	sadd.s32 @!p0 s3, s7;
	s7 =	simm.s32 @!p0 $0x108  }
0x21: {  	s3 =	sadd.s32 s3, s9;
	s6 =	sadd.s32 @!p0 $0x88, s6;
	s7 =	simm.s32 @p2 $0x1082  }
0x22: {  	[simem:s7], [sflag:s8] =	dma.local @!p0 [hbm:s6], $0xF7A  }
0x23: {  	s9 =	sor.u32 $0xD0000000, s2;
	s6 =	simm.s32 $0x108;
	_ =	swait.ge @!p0 [sflag:s8], $0x0  }
0x24: {  	s3 =	sadd.s32 $0x88, s3;
	s6 =	simm.s32 @!p1 $0x1082;
	[sflag:s4] =	ssyncset.s32 $0xFFFFF086  }
0x25: {  	[simem:s6], [sflag:s4] =	dma.local [hbm:s3], $0xF7A  }
0x26: {  	[smem:$0x3F9B] =	sst s1;
	(tag) =	ssettag s2;
	_ =	strace s9  }
0x27: {  	s1 =	sld [smem:$0x3FAB]  }
0x28: {  	s2 =	sld [smem:$0x3FAC]  }
0x29: {  	s4 =	sld [smem:$0x3FAE]  }
0x2a: {  	p0 =	seq.s32 s5, $0x0;
	s5 =	sld [smem:$0x3FAF]  }
0x2b: {  	s6 =	sld [smem:$0x3FB0]  }
0x2c: {  	s7 =	sld [smem:$0x3FB1]  }
0x2d: {  	s3 =	simm.s32 $0x108;
	s8 =	sld [smem:$0x3FB2]  }
0x2e: {  	s3 =	simm.s32 @!p0 $0x1082;
	s9 =	sld [smem:$0x3FB3]  }
0x2f: {  	lr =	sadd.s32 s0, s3;
	s0 =	sld [smem:$0x3FAA]  }
0x30: {  	s3 =	sld [smem:$0x3FAD]  }
0x31: {  	[smem:$0x3FB6] =	sst s10  }
0x32: {  	s10 =	sld [smem:$0x3FB4];
	_ =	sdelay $0x3  }
0x33: {  	p0 =	seq.s32 s10, $0x1;
	s10 =	sld [smem:$0x3FB6];
	_ =	sdelay $0x3  }
0x34: {  	[smem:$0x3FB6] =	sst s10  }
0x35: {  	s10 =	sld [smem:$0x3FB5];
	_ =	sdelay $0x3  }
0x36: {  	p1 =	seq.s32 s10, $0x1;
	s10 =	sld [smem:$0x3FB6];
	_ =	sdelay $0x3  }
0x37: {  	[smem:$0x3FB6] =	sst s10  }
0x38: {  	s10 =	sld [smem:$0x3FB7]  }
0x39: {  	_ = 	snop;
	(pc) =	sbr.ind lr, $3  }
0x3a: {  	_ = 	snop  }
0x3b: {  	_ = 	snop  }
0x3c: {  	p2 =	seq.s32 s10, $0x1;
	s10 =	sld [smem:$0x3FB6]  }
0x3d: {  	_ =	shalt  }
0x3e: {  	_ =	shalt  }
0x3f: {  	_ =	shalt  }
0x40: {  	_ =	shalt  }
0x41: {  	_ =	shalt  }
0x42: {  	_ =	shalt  }
0x43: {  	_ =	shalt  }
0x44: {  	_ =	shalt  }
0x45: {  	_ =	shalt  }
0x46: {  	_ =	shalt  }
0x47: {  	_ =	shalt  }
0x48: {  	_ =	shalt  }
0x49: {  	_ =	shalt  }
0x4a: {  	_ =	shalt  }
0x4b: {  	_ =	shalt  }
0x4c: {  	_ =	shalt  }
0x4d: {  	_ =	shalt  }
0x4e: {  	_ =	shalt  }
0x4f: {  	_ =	shalt  }
0x50: {  	_ =	shalt  }
0x51: {  	_ =	shalt  }
0x52: {  	_ =	shalt  }
0x53: {  	_ =	shalt  }
0x54: {  	_ =	shalt  }
0x55: {  	_ =	shalt  }
0x56: {  	_ =	shalt  }
0x57: {  	_ =	shalt  }
0x58: {  	_ =	shalt  }
0x59: {  	_ =	shalt  }
0x5a: {  	_ =	shalt  }
0x5b: {  	_ =	shalt  }
0x5c: {  	_ =	shalt  }
0x5d: {  	_ =	shalt  }
0x5e: {  	_ =	shalt  }
0x5f: {  	_ =	shalt  }
0x60: {  	_ =	shalt  }
0x61: {  	_ =	shalt  }
0x62: {  	_ =	shalt  }
0x63: {  	_ =	shalt  }
0x64: {  	_ =	shalt  }
0x65: {  	_ =	shalt  }
0x66: {  	_ =	shalt  }
0x67: {  	_ =	shalt  }
0x68: {  	_ =	shalt  }
0x69: {  	_ =	shalt  }
0x6a: {  	_ =	shalt  }
0x6b: {  	_ =	shalt  }
0x6c: {  	_ =	shalt  }
0x6d: {  	_ =	shalt  }
0x6e: {  	_ =	shalt  }
0x6f: {  	_ =	shalt  }
0x70: {  	_ =	shalt  }
0x71: {  	_ =	shalt  }
0x72: {  	_ =	shalt  }
0x73: {  	_ =	shalt  }
0x74: {  	_ =	shalt  }
0x75: {  	_ =	shalt  }
0x76: {  	_ =	shalt  }
0x77: {  	_ =	shalt  }
0x78: {  	_ =	shalt  }
0x79: {  	_ =	shalt  }
0x7a: {  	_ =	shalt  }
0x7b: {  	_ =	shalt  }
0x7c: {  	_ =	shalt  }
0x7d: {  	_ =	shalt  }
0x7e: {  	_ =	shalt  }
0x7f: {  	_ =	shalt  }
0x80: {  	_ =	shalt  }
0x81: {  	_ =	shalt  }
0x82: {  	_ =	shalt  }
0x83: {  	_ =	shalt  }
0x84: {  	_ =	shalt  }
0x85: {  	_ =	shalt  }
0x86: {  	_ =	shalt  }
0x87: {  	_ =	shalt  }
.Lfunc_end0:
.L_simem_size_0:
called_computation.2_lowered:
.L_overlay_start_0:
0x88: {  	s2 =	sld [smem:$0x3FD9]  }
0x89: {  	s3 =	sld [smem:$0x3FFE];
	_ =	sdelay $0x1  }
0x8a: {  	s1 =	srdreg.scid  }
0x8b: {  	s0 =	sand.u32 $0x1, s1  }
0x8c: {  	s17 =	sshll.u32 s0, $0xA;
	s2 =	sadd.s32 s3, s2  }
0x8d: {  	s2 =	sadd.s32 s2, s17  }
0x8e: {  	[smem:$0x3FC2] =	sst s2  }
0x8f: {  	_ = 	snop  }
0x90: {  	s2 =	sld [smem:$0x3FD0];
	(tm) =	ssettm $0x1  }
0x91: {  	s18 =	sld [smem:$0x3FFB];
	_ =	sdelay $0x3  }
0x92: {  	_ =	strace s18  }
0x93: {  	s3 =	sld [smem:$0x3FFC];
	_ =	sdelay $0x3  }
0x94: {  	_ =	strace s3  }
0x95: {  	s3 =	sld [smem:$0x3FFD];
	_ =	sdelay $0x3  }
0x96: {  	_ =	strace s3  }
0x97: {  	_ =	strace $0x8FFFFFFF  }
0x98: {  	s19 =	sld [smem:$0x3FDB];
	_ =	sdelay $0x1  }
0x99: {  	s4 =	simm.s32 $_scs_section_size  }
0x9a: {  	s5 =	simm.s32 $_size__tile_overlayer_lowered;
	s6 =	simm.s32 $_tile_overlayer_lowered  }
0x9b: {  	s22 =	simm.s32 $0x1BFF;
	s21 =	sshll.u32 s6, $0x1;
	s3 =	sadd.s32 s4, s19  }
0x9c: {  	s7 =	simm.s32 $0x0;
	s20 =	sshll.u32 s5, $0x1;
	s5 =	sadd.s32 s21, s3  }
0x9d: {  	[timem:s7], [sflag:s22] =	dma.local [hbm:s5], s20  }
0x9e: {  	_ =	swait.ge [sflag:s22], s20  }
0x9f: {  	s4 =	ssub.s32 $0x0, s20;
	[sflag:s22] =	ssyncset.done $0x0  }
0xa0: {  	[sflag:s22] =	ssyncadd.s32 s4;
	_ =	sdelay $0x1  }
0xa1: {  	s23 =	simm.s32 $0x1B8B  }
0xa2: {  	_ =	swait.ge [sflag:s23], $0x1  }
0xa3: {  	[sflag:s23] =	ssyncset.done $0x0  }
0xa4: {  	s25 =	simm.s32 $0x1B8E;
	s24 =	sld [smem:$0x3FFE];
	[sflag:s23] =	ssyncadd.s32 $0xFFFFFFFF  }
0xa5: {  	s26 =	simm.s32 $execute0_lowered;
	[smem:$0x3FD2] =	sst s25  }
0xa6: {  	s5 =	sshll.u32 s26, $0x1;
	_ =	strace $0x8000004C;
	[dreg:$0x1] =	wrdreg $0xFFFFFFFF  }
0xa7: {  	s28 =	simm.s32 $_size_execute0_lowered;
	s3 =	sadd.s32 s3, s5;
	[dreg:$0x0] =	wrdreg $0x0  }
0xa8: {  	s5 =	sshll.u32 s28, $0x1;
	[dreg:$0x2] =	wrdreg s3  }
0xa9: {  	[dreg:$0x3] =	wrdreg s5  }
0xaa: {  	[dreg:$0x4] =	wrdreg $0xC0  }
0xab: {  	_ =	task [dreg:s7], $0x5FFFF  }
0xac: {  	[dreg:$0x1] =	wrdreg $0xFFFFFFFF  }
0xad: {  	[dreg:$0x0] =	wrdreg $0x60  }
0xae: {  	[dreg:$0x2] =	wrdreg s24  }
0xaf: {  	[dreg:$0x3] =	wrdreg s2  }
0xb0: {  	[dreg:$0x4] =	wrdreg $0x160000  }
0xb1: {  	[dreg:$0x5] =	wrdreg $0x9  }
0xb2: {  	_ =	task.clear_ibuf [dreg:s7], $0x6FFFF;
	_ =	strace $0x9000004C  }
0xb3: {  	s29 =	simm.s32 $0x9;
	_ =	strace $0x8000004E  }
0xb4: {  	_ =	swait.ge [sflag:s29], $0x1  }
0xb5: {  	[sflag:s29] =	ssyncadd.s32 $0xFFFFFFFF  }
0xb6: {  	_ =	strace $0x9000004E  }
0xb7: {  	_ =	sfence  }
0xb8: {  	s30 =	sld [smem:$0x0];
	_ =	sdelay $0x2  }
0xb9: {  	s31 =	sshll.u32 s1, $0xD;
	s1 =	sshrl.u32 s1, $0x2  }
0xba: {  	s3 =	sand.u32 $0x4000, s31;
	s1 =	sadd.s32 s1, s30  }
0xbb: {  	s0 =	sor.u32 s3, s0;
	s1 =	sshll.u32 s1, $0x11  }
0xbc: {  	s0 =	sor.u32 s1, s0  }
0xbd: {  	s0 =	sadd.s32 $0x8F2B, s0  }
0xbe: {  	[sflag:s0] =	ssyncadd.remote.s32 $0x1  }
0xbf: {  	_ =	sfence.sel $0xFFFF  }
0xc0: {  	[dreg:$0x0] =	wrdreg $0xFFFFFFFF;
	(pc) =	sbr.abs _section_cstart, $3  }
0xc1: {  	[dreg:$0x1] =	wrdreg $0xFFFFFFFF  }
0xc2: {  	_ =	task.clear_ibuf [dreg:s7], $0x2FFFF;
	_ =	strace $0x9FFFFFFF  }
0xc3: {  	(tm) =	ssettm $0x7FFFFFFF  }
tec
execute0_lowered:
.L_overlay_start_1:
0x0: {  	(tag) =	ssettag $0x1  }
0x1: {  	s0 =	rddreg [dreg:$0x0]  }
0x2: {  	s1 =	rddreg [dreg:$0x1]  }
0x3: {  	s10 =	stileid.u32;
	s3 =	srdreg.scid  }
0x4: {  	s2 =	rddreg [dreg:$0x2];
	s14 =	simm.s32 $0xA000;
	s15 =	simm.s32 $0x7  }
0x5: {  	s16 =	simm.s32 $0x5000;
	s17 =	simm.s32 $0x80;
	s18 =	simm.s32 $0xC000  }
0x6: {  	s20 =	simm.s32 $0xE000;
	s22 =	simm.s32 $0x10000;
	s23 =	simm.s32 $0x1  }
0x7: {  	s30 =	simm.s32 $0x14000;
	s31 =	simm.s32 $0x3;
	s6 =	smul.u32 $0xA000, s10  }
0x8: {  	s19 =	simm.s32 $0x4;
	s21 =	simm.s32 $0x6;
	s8 =	smul.u32 $0x5000, s10  }
0x9: {  	s29 =	simm.s32 $0x9F80;
	s5 =	sand.u32 $0x1, s3;
	s10 =	smul.u32 $0x28000, s10  }
0xa: {  	s3 =	simm.s32 $0x0;
	s4 =	sadd.s32 $0x5BA00, s0;
	s7 =	smul.u32 $0xA0000, s5  }
0xb: {  	[smem:$0x7FF] =	sst s3;
	s24 =	ssub.s32 $0x2, s5;
	s12 =	smul.u32 $0x50000, s5  }
0xc: {  	_ =	strace $0x8000004D;
	s9 =	sshrl.u32 s8, $0x3;
	s25 =	sshrl.u32 s24, $0x1  }
0xd: {  	s10 =	sshrl.u32 s10, $0x2;
	s5 =	sadd.s32 s6, s2;
	s7 =	sadd.s32 s6, s7  }
0xe: {  	s11 =	sadd.s32 s9, s0;
	s13 =	ssub.s32 s24, s25;
	s26 =	sadd.s32 s10, s2  }
0xf: {  	s28 =	sadd.s32 s8, s12;
	s25 =	simm.s32 $0x12000;
	s7 =	sshrl.u32 s7, $0x3  }
0x10: {  	s6 =	sadd.s32 $0x2000, s26;
	s8 =	sadd.s32 $0x6000, s26;
	s9 =	sadd.s32 $0x8000, s26  }
0x11: {  	s10 =	sshrl.u32 s28, $0x3;
	s11 =	sadd.s32 $0x1A00, s11;
	s13 =	smax.u32 s13, $0x1  }
0x12: {  	s0 =	sadd.s32 s7, s0;
	s7 =	sadd.s32 $0x4000, s26;
	s10 =	sadd.s32 s1, s10  }
0x13: {  	v0 =	vimm.f32 $0.0e+00;
	s26 =	simm.s32 $0x2;
	s12 =	sadd.s32 $0x83A00, s0;
	s0 =	simm.s32 $0x5  }
.LBB2_1:
0x14: {  	s24 =	simm.s32 $0x100;
	s1 =	simm.s32 $0x0  }
.LBB2_2:
0x15: {  	p0 =	sne.s32 s24, $0x7F00;
	[tilespmem:s1+$0xA030] =	vst v0;
	s28 =	smov.u32 s24;
	s24 =	sadd.s32 $0x100, s24  }
.Ltmp0:
0x16: {  	[tilespmem:s1+$0xA020] =	vst v0;
	(pc) =	sbr.rel @p0 .LBB2_2-.Ltmp0, $3  }
0x17: {  	[tilespmem:s1+$0xA000] =	vst v0  }
0x18: {  	[tilespmem:s1+$0xA010] =	vst v0;
	_ =	sdelay $0x1  }
0x19: {  	s1 =	sshra.s32 s28, $0x2  }
0x1a: {  	[tilespmem:s1+$0xA030] =	vst v0  }
0x1b: {  	[tilespmem:s1+$0xA020] =	vst v0  }
0x1c: {  	[tilespmem:s1+$0xA000] =	vst v0  }
0x1d: {  	[tilespmem:s1+$0xA010] =	vst v0  }
0x1e: {  	[spmem:s5] =	stream.linear.scatter [tilespmem:s14], [sflag:$0x7], $0x2000, $0x38;
	v63 =	vld [tilespmem:$0x0]  }
0x1f: {  	_ =	swait.ge [sflag:s15], $0x2000  }
0x20: {  	[sflag:s15] =	ssyncset.done $0x0  }
0x21: {  	[sflag:s15] =	ssyncadd.s32 $0xFFFFE000  }
0x22: {  	[spmem:s6] =	stream.linear.scatter [tilespmem:s14], [sflag:$0x7], $0x2000, $0x38;
	v63 =	vld [tilespmem:$0x0]  }
0x23: {  	_ =	swait.ge [sflag:s15], $0x2000  }
0x24: {  	[sflag:s15] =	ssyncset.done $0x0  }
0x25: {  	[sflag:s15] =	ssyncadd.s32 $0xFFFFE000  }
0x26: {  	[spmem:s7] =	stream.linear.scatter [tilespmem:s14], [sflag:$0x7], $0x2000, $0x38;
	v63 =	vld [tilespmem:$0x0]  }
0x27: {  	_ =	swait.ge [sflag:s15], $0x2000  }
0x28: {  	[sflag:s15] =	ssyncset.done $0x0  }
0x29: {  	[sflag:s15] =	ssyncadd.s32 $0xFFFFE000  }
0x2a: {  	[spmem:s8] =	stream.linear.scatter [tilespmem:s14], [sflag:$0x7], $0x2000, $0x38;
	v63 =	vld [tilespmem:$0x0]  }
0x2b: {  	_ =	swait.ge [sflag:s15], $0x2000  }
0x2c: {  	[sflag:s15] =	ssyncset.done $0x0  }
0x2d: {  	[sflag:s15] =	ssyncadd.s32 $0xFFFFE000  }
0x2e: {  	[spmem:s9] =	stream.linear.scatter [tilespmem:s14], [sflag:$0x7], $0x2000, $0x38;
	v63 =	vld [tilespmem:$0x0]  }
0x2f: {  	_ =	swait.ge [sflag:s15], $0x2000  }
0x30: {  	[sflag:s15] =	ssyncset.done $0x0  }
0x31: {  	s24 =	simm.s32 $0x0;
	[sflag:s15] =	ssyncadd.s32 $0xFFFFE000  }
0x32: {  	[tilespmem:s24], [sflag:$0x7] =	stream.linear.gather [hbm4b:s10+s24], $0x5000, $0x38;
	v63 =	vld [tilespmem:$0x0]  }
0x33: {  	_ =	swait.ge [sflag:s15], $0x5000  }
0x34: {  	[sflag:s15] =	ssyncset.done $0x0  }
0x35: {  	[sflag:s15] =	ssyncadd.s32 $0xFFFFB000  }
0x36: {  	[tilespmem:s16], [sflag:$0x7] =	stream.linear.gather [hbm4b:s11+s24], $0x5000, $0x38;
	v63 =	vld [tilespmem:$0x0]  }
0x37: {  	_ =	swait.ge [sflag:s15], $0x5000  }
0x38: {  	[sflag:s15] =	ssyncset.done $0x0  }
0x39: {  	[sflag:s15] =	ssyncadd.s32 $0xFFFFB000  }
0x3a: {  	[bflag:$0x0] =	sbarrier.arrive $0xFFFF  }
0x3b: {  	[tilespmem:s14], [sflag:$0x1] =	stream.indirect.gather [hbm4b:s4+s17], $0x40, s24, s17, $0xb8;
	v63 =	vld [tilespmem:$0x0]  }
0x3c: {  	_ = 	snop  }
0x3d: {  	[tilespmem:s18], [sflag:$0x2] =	stream.indirect.gather [hbm4b:s4+s17], $0x40, s17, s17, $0xb8;
	v63 =	vld [tilespmem:$0x0]  }
0x3e: {  	s28 =	simm.s32 $0x100  }
0x3f: {  	[tilespmem:s20], [sflag:$0x3] =	stream.indirect.gather [hbm4b:s4+s17], $0x40, s28, s17, $0xb8;
	v63 =	vld [tilespmem:$0x0]  }
0x40: {  	s24 =	simm.s32 $0x180  }
0x41: {  	[tilespmem:s22], [sflag:$0x4] =	stream.indirect.gather [hbm4b:s4+s17], $0x40, s24, s17, $0xb8;
	v63 =	vld [tilespmem:$0x0]  }
0x42: {  	_ =	swait.ge [sflag:s23], $0x2000  }
0x43: {  	[sflag:s23] =	ssyncset.done $0x0  }
0x44: {  	[sflag:s23] =	ssyncadd.s32 $0xFFFFE000  }
0x45: {  	[spmem:s2] =	stream.indirect.scatter.add.f32 [tilespmem:s14], [sflag:$0x1], $0x40, s16, s17, $0xb8;
	v63 =	vld [tilespmem:$0x0]  }
0x46: {  	s28 =	simm.s32 $0x200  }
0x47: {  	[tilespmem:s25], [sflag:$0x5] =	stream.indirect.gather [hbm4b:s4+s17], $0x40, s28, s17, $0xb8;
	v63 =	vld [tilespmem:$0x0]  }
0x48: {  	_ =	swait.ge [sflag:s26], $0x2000  }
0x49: {  	[sflag:s26] =	ssyncset.done $0x0  }
0x4a: {  	s24 =	simm.s32 $0x5080;
	[sflag:s26] =	ssyncadd.s32 $0xFFFFE000  }
0x4b: {  	[spmem:s2] =	stream.indirect.scatter.add.f32 [tilespmem:s18], [sflag:$0x2], $0x40, s24, s17, $0xb8;
	v63 =	vld [tilespmem:$0x0]  }
0x4c: {  	s28 =	simm.s32 $0x280  }
0x4d: {  	[tilespmem:s30], [sflag:$0x6] =	stream.indirect.gather [hbm4b:s4+s17], $0x40, s28, s17, $0xb8;
	v63 =	vld [tilespmem:$0x0]  }
0x4e: {  	_ =	swait.ge [sflag:s31], $0x2000  }
0x4f: {  	[sflag:s31] =	ssyncset.done $0x0  }
0x50: {  	s24 =	simm.s32 $0x5100;
	[sflag:s31] =	ssyncadd.s32 $0xFFFFE000  }
0x51: {  	[spmem:s2] =	stream.indirect.scatter.add.f32 [tilespmem:s20], [sflag:$0x3], $0x40, s24, s17, $0xb8;
	v63 =	vld [tilespmem:$0x0]  }
0x52: {  	_ =	swait.ge [sflag:s23], $0x2000  }
0x53: {  	[sflag:s23] =	ssyncset.done $0x0  }
0x54: {  	s28 =	simm.s32 $0x300;
	[sflag:s23] =	ssyncadd.s32 $0xFFFFE000  }
0x55: {  	[tilespmem:s14], [sflag:$0x1] =	stream.indirect.gather [hbm4b:s4+s17], $0x40, s28, s17, $0xb8;
	v63 =	vld [tilespmem:$0x0]  }
0x56: {  	_ =	swait.ge [sflag:s19], $0x2000  }
0x57: {  	[sflag:s19] =	ssyncset.done $0x0  }
0x58: {  	s24 =	simm.s32 $0x5180;
	[sflag:s19] =	ssyncadd.s32 $0xFFFFE000  }
0x59: {  	[spmem:s2] =	stream.indirect.scatter.add.f32 [tilespmem:s22], [sflag:$0x4], $0x40, s24, s17, $0xb8;
	v63 =	vld [tilespmem:$0x0]  }
0x5a: {  	_ =	swait.ge [sflag:s26], $0x2000  }
0x5b: {  	[sflag:s26] =	ssyncset.done $0x0  }
0x5c: {  	s28 =	simm.s32 $0x380;
	[sflag:s26] =	ssyncadd.s32 $0xFFFFE000  }
0x5d: {  	[tilespmem:s18], [sflag:$0x2] =	stream.indirect.gather [hbm4b:s4+s17], $0x40, s28, s17, $0xb8;
	v63 =	vld [tilespmem:$0x0]  }
0x5e: {  	_ =	swait.ge [sflag:s0], $0x2000  }
0x5f: {  	[sflag:s0] =	ssyncset.done $0x0  }
0x60: {  	s24 =	simm.s32 $0x5200;
	[sflag:s0] =	ssyncadd.s32 $0xFFFFE000  }
0x61: {  	[spmem:s2] =	stream.indirect.scatter.add.f32 [tilespmem:s25], [sflag:$0x5], $0x40, s24, s17, $0xb8;
	v63 =	vld [tilespmem:$0x0]  }
0x62: {  	_ =	swait.ge [sflag:s31], $0x2000  }
0x63: {  	[sflag:s31] =	ssyncset.done $0x0  }
0x64: {  	s28 =	simm.s32 $0x400;
	[sflag:s31] =	ssyncadd.s32 $0xFFFFE000  }
0x65: {  	[tilespmem:s20], [sflag:$0x3] =	stream.indirect.gather [hbm4b:s4+s17], $0x40, s28, s17, $0xb8;
	v63 =	vld [tilespmem:$0x0]  }
0x66: {  	_ =	swait.ge [sflag:s21], $0x2000  }
0x67: {  	[sflag:s21] =	ssyncset.done $0x0  }
0x68: {  	s24 =	simm.s32 $0x5280;
	[sflag:s21] =	ssyncadd.s32 $0xFFFFE000  }
0x69: {  	[spmem:s2] =	stream.indirect.scatter.add.f32 [tilespmem:s30], [sflag:$0x6], $0x40, s24, s17, $0xb8;
	v63 =	vld [tilespmem:$0x0]  }
0x6a: {  	_ =	swait.ge [sflag:s19], $0x2000  }
0x6b: {  	[sflag:s19] =	ssyncset.done $0x0  }
0x6c: {  	s28 =	simm.s32 $0x480;
	[sflag:s19] =	ssyncadd.s32 $0xFFFFE000  }
0x6d: {  	[tilespmem:s22], [sflag:$0x4] =	stream.indirect.gather [hbm4b:s4+s17], $0x40, s28, s17, $0xb8;
	v63 =	vld [tilespmem:$0x0]  }
0x6e: {  	_ =	swait.ge [sflag:s23], $0x2000  }
0x6f: {  	[sflag:s23] =	ssyncset.done $0x0  }
0x70: {  	s24 =	simm.s32 $0x5300;
	[sflag:s23] =	ssyncadd.s32 $0xFFFFE000  }
0x71: {  	[spmem:s2] =	stream.indirect.scatter.add.f32 [tilespmem:s14], [sflag:$0x1], $0x40, s24, s17, $0xb8;
	v63 =	vld [tilespmem:$0x0]  }
0x72: {  	_ =	swait.ge [sflag:s0], $0x2000  }
0x73: {  	[sflag:s0] =	ssyncset.done $0x0  }
0x74: {  	s28 =	simm.s32 $0x500;
	[sflag:s0] =	ssyncadd.s32 $0xFFFFE000  }
0x75: {  	[tilespmem:s25], [sflag:$0x5] =	stream.indirect.gather [hbm4b:s4+s17], $0x40, s28, s17, $0xb8;
	v63 =	vld [tilespmem:$0x0]  }
0x76: {  	_ =	swait.ge [sflag:s26], $0x2000  }
0x77: {  	[sflag:s26] =	ssyncset.done $0x0  }
0x78: {  	s24 =	simm.s32 $0x5380;
	[sflag:s26] =	ssyncadd.s32 $0xFFFFE000  }
0x79: {  	[spmem:s2] =	stream.indirect.scatter.add.f32 [tilespmem:s18], [sflag:$0x2], $0x40, s24, s17, $0xb8;
	v63 =	vld [tilespmem:$0x0]  }
0x7a: {  	_ =	swait.ge [sflag:s21], $0x2000  }
0x7b: {  	[sflag:s21] =	ssyncset.done $0x0  }
0x7c: {  	s28 =	simm.s32 $0x580;
	[sflag:s21] =	ssyncadd.s32 $0xFFFFE000  }
0x7d: {  	[tilespmem:s30], [sflag:$0x6] =	stream.indirect.gather [hbm4b:s4+s17], $0x40, s28, s17, $0xb8;
	v63 =	vld [tilespmem:$0x0]  }
0x7e: {  	_ =	swait.ge [sflag:s31], $0x2000  }
0x7f: {  	[sflag:s31] =	ssyncset.done $0x0  }
0x80: {  	s1 =	simm.s32 $0xC00;
	s24 =	simm.s32 $0x5400;
	[sflag:s31] =	ssyncadd.s32 $0xFFFFE000  }
.LBB2_4:
0x81: {  	[spmem:s2] =	stream.indirect.scatter.add.f32 [tilespmem:s20], [sflag:$0x3], $0x40, s24, s17, $0xb8;
	v63 =	vld [tilespmem:$0x0]  }
0x82: {  	s24 =	smov.u32 s1  }
0x83: {  	p0 =	sne.s32 s1, $0x12000;
	s1 =	sadd.s32 $0xC00, s1;
	_ =	swait.ge [sflag:s23], $0x2000  }
0x84: {  	s24 =	sshra.s32 s24, $0x2;
	[sflag:s23] =	ssyncset.done $0x0  }
0x85: {  	s28 =	sadd.s32 $0x300, s24;
	[sflag:s23] =	ssyncadd.s32 $0xFFFFE000  }
0x86: {  	[tilespmem:s14], [sflag:$0x1] =	stream.indirect.gather [hbm4b:s4+s17], $0x40, s28, s17, $0xb8;
	v63 =	vld [tilespmem:$0x0]  }
0x87: {  	_ =	swait.ge [sflag:s19], $0x2000  }
0x88: {  	[sflag:s19] =	ssyncset.done $0x0  }
0x89: {  	s28 =	sadd.s32 $0x5180, s24;
	[sflag:s19] =	ssyncadd.s32 $0xFFFFE000  }
0x8a: {  	[spmem:s2] =	stream.indirect.scatter.add.f32 [tilespmem:s22], [sflag:$0x4], $0x40, s28, s17, $0xb8;
	v63 =	vld [tilespmem:$0x0]  }
0x8b: {  	_ =	swait.ge [sflag:s26], $0x2000  }
0x8c: {  	[sflag:s26] =	ssyncset.done $0x0  }
0x8d: {  	s28 =	sadd.s32 $0x380, s24;
	[sflag:s26] =	ssyncadd.s32 $0xFFFFE000  }
0x8e: {  	[tilespmem:s18], [sflag:$0x2] =	stream.indirect.gather [hbm4b:s4+s17], $0x40, s28, s17, $0xb8;
	v63 =	vld [tilespmem:$0x0]  }
0x8f: {  	_ =	swait.ge [sflag:s0], $0x2000  }
0x90: {  	[sflag:s0] =	ssyncset.done $0x0  }
0x91: {  	s28 =	sadd.s32 $0x5200, s24;
	[sflag:s0] =	ssyncadd.s32 $0xFFFFE000  }
0x92: {  	[spmem:s2] =	stream.indirect.scatter.add.f32 [tilespmem:s25], [sflag:$0x5], $0x40, s28, s17, $0xb8;
	v63 =	vld [tilespmem:$0x0]  }
0x93: {  	_ =	swait.ge [sflag:s31], $0x2000  }
0x94: {  	[sflag:s31] =	ssyncset.done $0x0  }
0x95: {  	s28 =	sadd.s32 $0x400, s24;
	[sflag:s31] =	ssyncadd.s32 $0xFFFFE000  }
0x96: {  	[tilespmem:s20], [sflag:$0x3] =	stream.indirect.gather [hbm4b:s4+s17], $0x40, s28, s17, $0xb8;
	v63 =	vld [tilespmem:$0x0]  }
0x97: {  	_ =	swait.ge [sflag:s21], $0x2000  }
0x98: {  	[sflag:s21] =	ssyncset.done $0x0  }
0x99: {  	s28 =	sadd.s32 $0x5280, s24;
	[sflag:s21] =	ssyncadd.s32 $0xFFFFE000  }
0x9a: {  	[spmem:s2] =	stream.indirect.scatter.add.f32 [tilespmem:s30], [sflag:$0x6], $0x40, s28, s17, $0xb8;
	v63 =	vld [tilespmem:$0x0]  }
0x9b: {  	_ =	swait.ge [sflag:s19], $0x2000  }
0x9c: {  	[sflag:s19] =	ssyncset.done $0x0  }
0x9d: {  	s28 =	sadd.s32 $0x480, s24;
	[sflag:s19] =	ssyncadd.s32 $0xFFFFE000  }
0x9e: {  	[tilespmem:s22], [sflag:$0x4] =	stream.indirect.gather [hbm4b:s4+s17], $0x40, s28, s17, $0xb8;
	v63 =	vld [tilespmem:$0x0]  }
0x9f: {  	_ =	swait.ge [sflag:s23], $0x2000  }
0xa0: {  	[sflag:s23] =	ssyncset.done $0x0  }
0xa1: {  	s28 =	sadd.s32 $0x5300, s24;
	[sflag:s23] =	ssyncadd.s32 $0xFFFFE000  }
0xa2: {  	[spmem:s2] =	stream.indirect.scatter.add.f32 [tilespmem:s14], [sflag:$0x1], $0x40, s28, s17, $0xb8;
	v63 =	vld [tilespmem:$0x0]  }
0xa3: {  	_ =	swait.ge [sflag:s0], $0x2000  }
0xa4: {  	[sflag:s0] =	ssyncset.done $0x0  }
0xa5: {  	s28 =	sadd.s32 $0x500, s24;
	[sflag:s0] =	ssyncadd.s32 $0xFFFFE000  }
0xa6: {  	[tilespmem:s25], [sflag:$0x5] =	stream.indirect.gather [hbm4b:s4+s17], $0x40, s28, s17, $0xb8;
	v63 =	vld [tilespmem:$0x0]  }
0xa7: {  	_ =	swait.ge [sflag:s26], $0x2000  }
0xa8: {  	[sflag:s26] =	ssyncset.done $0x0  }
0xa9: {  	s28 =	sadd.s32 $0x5380, s24;
	[sflag:s26] =	ssyncadd.s32 $0xFFFFE000  }
0xaa: {  	[spmem:s2] =	stream.indirect.scatter.add.f32 [tilespmem:s18], [sflag:$0x2], $0x40, s28, s17, $0xb8;
	v63 =	vld [tilespmem:$0x0]  }
0xab: {  	_ =	swait.ge [sflag:s21], $0x2000  }
0xac: {  	[sflag:s21] =	ssyncset.done $0x0  }
.Ltmp1:
0xad: {  	s28 =	sadd.s32 $0x580, s24;
	[sflag:s21] =	ssyncadd.s32 $0xFFFFE000;
	(pc) =	sbr.rel @p0 .LBB2_4-.Ltmp1, $4  }
0xae: {  	[tilespmem:s30], [sflag:$0x6] =	stream.indirect.gather [hbm4b:s4+s17], $0x40, s28, s17, $0xb8;
	v63 =	vld [tilespmem:$0x0]  }
0xaf: {  	_ =	swait.ge [sflag:s31], $0x2000  }
0xb0: {  	[sflag:s31] =	ssyncset.done $0x0  }
0xb1: {  	s24 =	sadd.s32 $0x5400, s24;
	[sflag:s31] =	ssyncadd.s32 $0xFFFFE000  }
0xb2: {  	[spmem:s2] =	stream.indirect.scatter.add.f32 [tilespmem:s20], [sflag:$0x3], $0x40, s24, s17, $0xb8;
	v63 =	vld [tilespmem:$0x0]  }
0xb3: {  	_ =	swait.ge [sflag:s23], $0x2000  }
0xb4: {  	[sflag:s23] =	ssyncset.done $0x0  }
0xb5: {  	s1 =	simm.s32 $0x4E00;
	[sflag:s23] =	ssyncadd.s32 $0xFFFFE000  }
0xb6: {  	[tilespmem:s14], [sflag:$0x1] =	stream.indirect.gather [hbm4b:s4+s17], $0x40, s1, s17, $0xb8;
	v63 =	vld [tilespmem:$0x0]  }
0xb7: {  	_ =	swait.ge [sflag:s19], $0x2000  }
0xb8: {  	[sflag:s19] =	ssyncset.done $0x0  }
0xb9: {  	s28 =	simm.s32 $0x9C80;
	[sflag:s19] =	ssyncadd.s32 $0xFFFFE000  }
0xba: {  	[spmem:s2] =	stream.indirect.scatter.add.f32 [tilespmem:s22], [sflag:$0x4], $0x40, s28, s17, $0xb8;
	v63 =	vld [tilespmem:$0x0]  }
0xbb: {  	_ =	swait.ge [sflag:s26], $0x2000  }
0xbc: {  	[sflag:s26] =	ssyncset.done $0x0  }
0xbd: {  	s24 =	simm.s32 $0x4E80;
	[sflag:s26] =	ssyncadd.s32 $0xFFFFE000  }
0xbe: {  	[tilespmem:s18], [sflag:$0x2] =	stream.indirect.gather [hbm4b:s4+s17], $0x40, s24, s17, $0xb8;
	v63 =	vld [tilespmem:$0x0]  }
0xbf: {  	_ =	swait.ge [sflag:s0], $0x2000  }
0xc0: {  	[sflag:s0] =	ssyncset.done $0x0  }
0xc1: {  	s28 =	simm.s32 $0x9D00;
	[sflag:s0] =	ssyncadd.s32 $0xFFFFE000  }
0xc2: {  	[spmem:s2] =	stream.indirect.scatter.add.f32 [tilespmem:s25], [sflag:$0x5], $0x40, s28, s17, $0xb8;
	v63 =	vld [tilespmem:$0x0]  }
0xc3: {  	_ =	swait.ge [sflag:s31], $0x2000  }
0xc4: {  	[sflag:s31] =	ssyncset.done $0x0  }
0xc5: {  	s24 =	simm.s32 $0x4F00;
	[sflag:s31] =	ssyncadd.s32 $0xFFFFE000  }
0xc6: {  	[tilespmem:s20], [sflag:$0x3] =	stream.indirect.gather [hbm4b:s4+s17], $0x40, s24, s17, $0xb8;
	v63 =	vld [tilespmem:$0x0]  }
0xc7: {  	_ =	swait.ge [sflag:s21], $0x2000  }
0xc8: {  	[sflag:s21] =	ssyncset.done $0x0  }
0xc9: {  	s28 =	simm.s32 $0x9D80;
	[sflag:s21] =	ssyncadd.s32 $0xFFFFE000  }
0xca: {  	[spmem:s2] =	stream.indirect.scatter.add.f32 [tilespmem:s30], [sflag:$0x6], $0x40, s28, s17, $0xb8;
	v63 =	vld [tilespmem:$0x0]  }
0xcb: {  	_ =	swait.ge [sflag:s19], $0x2000  }
0xcc: {  	[sflag:s19] =	ssyncset.done $0x0  }
0xcd: {  	s24 =	simm.s32 $0x4F80;
	[sflag:s19] =	ssyncadd.s32 $0xFFFFE000  }
0xce: {  	[tilespmem:s22], [sflag:$0x4] =	stream.indirect.gather [hbm4b:s4+s17], $0x40, s24, s17, $0xb8;
	v63 =	vld [tilespmem:$0x0]  }
0xcf: {  	_ =	swait.ge [sflag:s23], $0x2000  }
0xd0: {  	[sflag:s23] =	ssyncset.done $0x0  }
0xd1: {  	s28 =	simm.s32 $0x9E00;
	[sflag:s23] =	ssyncadd.s32 $0xFFFFE000  }
0xd2: {  	[spmem:s2] =	stream.indirect.scatter.add.f32 [tilespmem:s14], [sflag:$0x1], $0x40, s28, s17, $0xb8;
	v63 =	vld [tilespmem:$0x0]  }
0xd3: {  	_ =	swait.ge [sflag:s0], $0x2000  }
0xd4: {  	[sflag:s0] =	ssyncset.done $0x0  }
0xd5: {  	[sflag:s0] =	ssyncadd.s32 $0xFFFFE000  }
0xd6: {  	_ =	swait.ge [sflag:s26], $0x2000  }
0xd7: {  	[sflag:s26] =	ssyncset.done $0x0  }
0xd8: {  	s24 =	simm.s32 $0x9E80;
	[sflag:s26] =	ssyncadd.s32 $0xFFFFE000  }
0xd9: {  	[spmem:s2] =	stream.indirect.scatter.add.f32 [tilespmem:s18], [sflag:$0x2], $0x40, s24, s17, $0xb8;
	v63 =	vld [tilespmem:$0x0]  }
0xda: {  	_ =	swait.ge [sflag:s21], $0x2000  }
0xdb: {  	[sflag:s21] =	ssyncset.done $0x0  }
0xdc: {  	[sflag:s21] =	ssyncadd.s32 $0xFFFFE000  }
0xdd: {  	_ =	swait.ge [sflag:s31], $0x2000  }
0xde: {  	[sflag:s31] =	ssyncset.done $0x0  }
0xdf: {  	s28 =	simm.s32 $0x9F00;
	[sflag:s31] =	ssyncadd.s32 $0xFFFFE000  }
0xe0: {  	[spmem:s2] =	stream.indirect.scatter.add.f32 [tilespmem:s20], [sflag:$0x3], $0x40, s28, s17, $0xb8;
	v63 =	vld [tilespmem:$0x0]  }
0xe1: {  	_ =	swait.ge [sflag:s23], $0x2000  }
0xe2: {  	[sflag:s23] =	ssyncset.done $0x0  }
0xe3: {  	[sflag:s23] =	ssyncadd.s32 $0xFFFFE000  }
0xe4: {  	_ =	swait.ge [sflag:s19], $0x2000  }
0xe5: {  	[sflag:s19] =	ssyncset.done $0x0  }
0xe6: {  	[sflag:s19] =	ssyncadd.s32 $0xFFFFE000  }
0xe7: {  	[spmem:s2] =	stream.indirect.scatter.add.f32 [tilespmem:s22], [sflag:$0x4], $0x40, s29, s17, $0xb8;
	v63 =	vld [tilespmem:$0x0]  }
0xe8: {  	_ =	swait.ge [sflag:s26], $0x2000  }
0xe9: {  	[sflag:s26] =	ssyncset.done $0x0  }
0xea: {  	[sflag:s26] =	ssyncadd.s32 $0xFFFFE000  }
0xeb: {  	_ =	swait.ge [sflag:s31], $0x2000  }
0xec: {  	[sflag:s31] =	ssyncset.done $0x0  }
0xed: {  	[sflag:s31] =	ssyncadd.s32 $0xFFFFE000  }
0xee: {  	s24 =	stileid.u32;
	_ =	swait.ge [sflag:s19], $0x2000  }
0xef: {  	s3 =	sadd.s32 $0x1, s3;
	s1 =	sshll.u32 s24, $0x6;
	[sflag:s19] =	ssyncset.done $0x0  }
0xf0: {  	p0 =	sne.s32 s3, s13;
	s1 =	sor.u32 $0x1C07, s1;
	[sflag:s19] =	ssyncadd.s32 $0xFFFFE000  }
.Ltmp2:
0xf1: {  	s28 =	sshrl.u32 s5, $0x3;
	[bflag:$0x0] =	sbarrier.arrive $0xFFFF;
	(pc) =	sbr.rel @p0 .LBB2_1-.Ltmp2, $4  }
0xf2: {  	[hbm:s12], [sflag:s1] =	dma.local [spmem:s28], $0x1400  }
0xf3: {  	_ =	swait.ge [sflag:s15], $0x1400  }
0xf4: {  	[sflag:s15] =	ssyncset.done $0x0  }
0xf5: {  	[sflag:s15] =	ssyncadd.s32 $0xFFFFEC00  }
0xf6: {  	_ =	sfence.sel $0x180000  }
0xf7: {  	[bflag:$0x0] =	sbarrier.arrive $0xFFFF  }
0xf8: {  	_ =	strace $0x9000004D  }
0xf9: {  	s0 =	stileid.u32;
	[bflag:$0x2] =	sbarrier.arrive $0xFFFF  }
0xfa: {  	p0 =	sne.s32 s0, $0x0;
	s0 =	rddreg [dreg:$0x3]  }
0xfb: {  	s0 =	sadd.s32 @!p0 $0x100000, s0  }
0xfc: {  	[sflag:s0] =	ssyncadd.tile.s32 @!p0 $0x1;
	_ =	shalt  }
.Lfunc_end2:
_tile_overlayer_lowered:
.L_overlay_start_2:
0xfd: {  	(tag) =	ssettag $0x2  }
0xfe: {  	s0 =	rddreg [dreg:$0x0];
	s2 =	stileid.u32  }
0xff: {  	s1 =	rddreg [dreg:$0x1];
	p0 =	sne.s32 s2, $0x0  }
0x100: {  	s3 =	rddreg [dreg:$0x2];
	[bflag:$0x3] =	sbarrier.arrive $0xFFFF;
	s2 =	simm.s32 @!p0 $0x1C07  }
0x101: {  	[timem:s3], [sflag:s2] =	dma.local @!p0 [hbm:s0], s1  }
0x102: {  	s0 =	simm.s32 @!p0 $0x7  }
0x103: {  	_ =	swait.ge @!p0 [sflag:s0], s1  }
0x104: {  	s1 =	ssub.s32 @!p0 $0x0, s1;
	[sflag:s0] =	ssyncset.done @!p0 $0x0  }
0x105: {  	[sflag:s0] =	ssyncadd.s32 @!p0 s1  }
0x106: {  	[bflag:$0x3] =	sbarrier.arrive $0xFFFF  }
0x107: {  	_ =	shalt  }

// kernel: kernel.8.cloned.1.call-start
scs
__scs_entry_jumppad:
0x0: {  	(pc) =	sbr.rel $0x88, $3  }
0x1: {  	(tag) =	ssettag $0x0;
	lr =	simm.s32 $0x1  }
0x2: {  	[smem:$0x3F9B] =	sst lr;
	_ =	strace $0xD0000000  }
0x3: {  	_ = 	snop  }
0x4: {  	_ = 	snop  }
0x5: {  	_ = 	snop  }
0x6: {  	_ = 	snop  }
0x7: {  	_ = 	snop  }
__scs_overlays_trampoline_lowered:
0x8: {  	[smem:$0x3FAA] =	sst s0  }
0x9: {  	[smem:$0x3FAB] =	sst s1  }
0xa: {  	[smem:$0x3FAC] =	sst s2  }
0xb: {  	[smem:$0x3FAD] =	sst s3  }
0xc: {  	[smem:$0x3FAE] =	sst s4  }
0xd: {  	[smem:$0x3FAF] =	sst s5  }
0xe: {  	[smem:$0x3FB0] =	sst s6  }
0xf: {  	[smem:$0x3FB1] =	sst s7  }
0x10: {  	[smem:$0x3FB2] =	sst s8  }
0x11: {  	[smem:$0x3FB3] =	sst s9;
	s0 =	simm.s32 @!p0 $0x0  }
0x12: {  	s1 =	sld [smem:$0x3F99];
	s0 =	simm.s32 @p0 $0x1  }
0x13: {  	[smem:$0x3FB4] =	sst s0;
	s0 =	simm.s32 @!p1 $0x0  }
0x14: {  	s2 =	sld [smem:$0x3F98];
	s0 =	simm.s32 @p1 $0x1  }
0x15: {  	[smem:$0x3FB5] =	sst s0;
	s0 =	simm.s32 @!p2 $0x0  }
0x16: {  	s3 =	sld [smem:$0x3FDB];
	s0 =	simm.s32 @p2 $0x1  }
0x17: {  	s4 =	simm.s32 $0x1BF5;
	[smem:$0x3FB7] =	sst s0  }
0x18: {  	s0 =	sld [smem:$0x3F9A];
	_ =	swait.ge [sflag:s4], $0x0  }
0x19: {  	s7 =	sld [smem:$0x3F9B]  }
0x1a: {  	s8 =	sadd.s32 $0xFFFFE003, lr  }
0x1b: {  	s9 =	sadd.s32 $0xFFFFFEF7, lr;
	s5 =	simm.s32 $0xFFFFFFFF;
	p2 =	slt.u32 s8, $0xFFFFF086  }
0x1c: {  	p1 =	slt.u32 s9, $0xF7A;
	s5 =	simm.s32 @!p2 $0x0  }
0x1d: {  	s5 =	simm.s32 @p1 $0x1;
	p0 =	seq.s32 s7, s2  }
0x1e: {  	s7 =	smul.u32 @!p0 $0xF7A, s2;
	p2 =	seq.s32 @!p0 s5, $0x0  }
0x1f: {  	s9 =	smul.u32 $0xF7A, s1;
	s8 =	simm.s32 @!p0 $0x1BF5;
	p2 =	por !p2, p0  }
0x20: {  	[sflag:s8] =	ssyncset.s32 @!p0 $0xFFFFF086;
	s6 =	sadd.s32 @!p0 s3, s7;
	s7 =	simm.s32 @!p0 $0x108  }
0x21: {  	s3 =	sadd.s32 s3, s9;
	s6 =	sadd.s32 @!p0 $0x88, s6;
	s7 =	simm.s32 @p2 $0x1082  }
0x22: {  	[simem:s7], [sflag:s8] =	dma.local @!p0 [hbm:s6], $0xF7A  }
0x23: {  	s9 =	sor.u32 $0xD0000000, s2;
	s6 =	simm.s32 $0x108;
	_ =	swait.ge @!p0 [sflag:s8], $0x0  }
0x24: {  	s3 =	sadd.s32 $0x88, s3;
	s6 =	simm.s32 @!p1 $0x1082;
	[sflag:s4] =	ssyncset.s32 $0xFFFFF086  }
0x25: {  	[simem:s6], [sflag:s4] =	dma.local [hbm:s3], $0xF7A  }
0x26: {  	[smem:$0x3F9B] =	sst s1;
	(tag) =	ssettag s2;
	_ =	strace s9  }
0x27: {  	s1 =	sld [smem:$0x3FAB]  }
0x28: {  	s2 =	sld [smem:$0x3FAC]  }
0x29: {  	s4 =	sld [smem:$0x3FAE]  }
0x2a: {  	p0 =	seq.s32 s5, $0x0;
	s5 =	sld [smem:$0x3FAF]  }
0x2b: {  	s6 =	sld [smem:$0x3FB0]  }
0x2c: {  	s7 =	sld [smem:$0x3FB1]  }
0x2d: {  	s3 =	simm.s32 $0x108;
	s8 =	sld [smem:$0x3FB2]  }
0x2e: {  	s3 =	simm.s32 @!p0 $0x1082;
	s9 =	sld [smem:$0x3FB3]  }
0x2f: {  	lr =	sadd.s32 s0, s3;
	s0 =	sld [smem:$0x3FAA]  }
0x30: {  	s3 =	sld [smem:$0x3FAD]  }
0x31: {  	[smem:$0x3FB6] =	sst s10  }
0x32: {  	s10 =	sld [smem:$0x3FB4];
	_ =	sdelay $0x3  }
0x33: {  	p0 =	seq.s32 s10, $0x1;
	s10 =	sld [smem:$0x3FB6];
	_ =	sdelay $0x3  }
0x34: {  	[smem:$0x3FB6] =	sst s10  }
0x35: {  	s10 =	sld [smem:$0x3FB5];
	_ =	sdelay $0x3  }
0x36: {  	p1 =	seq.s32 s10, $0x1;
	s10 =	sld [smem:$0x3FB6];
	_ =	sdelay $0x3  }
0x37: {  	[smem:$0x3FB6] =	sst s10  }
0x38: {  	s10 =	sld [smem:$0x3FB7]  }
0x39: {  	_ = 	snop;
	(pc) =	sbr.ind lr, $3  }
0x3a: {  	_ = 	snop  }
0x3b: {  	_ = 	snop  }
0x3c: {  	p2 =	seq.s32 s10, $0x1;
	s10 =	sld [smem:$0x3FB6]  }
0x3d: {  	_ =	shalt  }
0x3e: {  	_ =	shalt  }
0x3f: {  	_ =	shalt  }
0x40: {  	_ =	shalt  }
0x41: {  	_ =	shalt  }
0x42: {  	_ =	shalt  }
0x43: {  	_ =	shalt  }
0x44: {  	_ =	shalt  }
0x45: {  	_ =	shalt  }
0x46: {  	_ =	shalt  }
0x47: {  	_ =	shalt  }
0x48: {  	_ =	shalt  }
0x49: {  	_ =	shalt  }
0x4a: {  	_ =	shalt  }
0x4b: {  	_ =	shalt  }
0x4c: {  	_ =	shalt  }
0x4d: {  	_ =	shalt  }
0x4e: {  	_ =	shalt  }
0x4f: {  	_ =	shalt  }
0x50: {  	_ =	shalt  }
0x51: {  	_ =	shalt  }
0x52: {  	_ =	shalt  }
0x53: {  	_ =	shalt  }
0x54: {  	_ =	shalt  }
0x55: {  	_ =	shalt  }
0x56: {  	_ =	shalt  }
0x57: {  	_ =	shalt  }
0x58: {  	_ =	shalt  }
0x59: {  	_ =	shalt  }
0x5a: {  	_ =	shalt  }
0x5b: {  	_ =	shalt  }
0x5c: {  	_ =	shalt  }
0x5d: {  	_ =	shalt  }
0x5e: {  	_ =	shalt  }
0x5f: {  	_ =	shalt  }
0x60: {  	_ =	shalt  }
0x61: {  	_ =	shalt  }
0x62: {  	_ =	shalt  }
0x63: {  	_ =	shalt  }
0x64: {  	_ =	shalt  }
0x65: {  	_ =	shalt  }
0x66: {  	_ =	shalt  }
0x67: {  	_ =	shalt  }
0x68: {  	_ =	shalt  }
0x69: {  	_ =	shalt  }
0x6a: {  	_ =	shalt  }
0x6b: {  	_ =	shalt  }
0x6c: {  	_ =	shalt  }
0x6d: {  	_ =	shalt  }
0x6e: {  	_ =	shalt  }
0x6f: {  	_ =	shalt  }
0x70: {  	_ =	shalt  }
0x71: {  	_ =	shalt  }
0x72: {  	_ =	shalt  }
0x73: {  	_ =	shalt  }
0x74: {  	_ =	shalt  }
0x75: {  	_ =	shalt  }
0x76: {  	_ =	shalt  }
0x77: {  	_ =	shalt  }
0x78: {  	_ =	shalt  }
0x79: {  	_ =	shalt  }
0x7a: {  	_ =	shalt  }
0x7b: {  	_ =	shalt  }
0x7c: {  	_ =	shalt  }
0x7d: {  	_ =	shalt  }
0x7e: {  	_ =	shalt  }
0x7f: {  	_ =	shalt  }
0x80: {  	_ =	shalt  }
0x81: {  	_ =	shalt  }
0x82: {  	_ =	shalt  }
0x83: {  	_ =	shalt  }
0x84: {  	_ =	shalt  }
0x85: {  	_ =	shalt  }
0x86: {  	_ =	shalt  }
0x87: {  	_ =	shalt  }
.Lfunc_end0:
.L_simem_size_0:
called_computation_lowered:
.L_overlay_start_0:
0x88: {  	s2 =	sld [smem:$0x3FD9]  }
0x89: {  	s3 =	sld [smem:$0x3FFE];
	_ =	sdelay $0x1  }
0x8a: {  	s1 =	srdreg.scid  }
0x8b: {  	s0 =	sand.u32 $0x1, s1  }
0x8c: {  	s16 =	sshll.u32 s0, $0xA;
	s2 =	sadd.s32 s3, s2  }
0x8d: {  	s2 =	sadd.s32 s2, s16  }
0x8e: {  	[smem:$0x3FC2] =	sst s2  }
0x8f: {  	_ = 	snop  }
0x90: {  	(tm) =	ssettm $0x1  }
0x91: {  	s17 =	sld [smem:$0x3FFB];
	_ =	sdelay $0x3  }
0x92: {  	_ =	strace s17  }
0x93: {  	s2 =	sld [smem:$0x3FFC];
	_ =	sdelay $0x3  }
0x94: {  	_ =	strace s2  }
0x95: {  	s2 =	sld [smem:$0x3FFD];
	_ =	sdelay $0x3  }
0x96: {  	_ =	strace s2  }
0x97: {  	_ =	strace $0x8FFFFFFF  }
0x98: {  	s18 =	sld [smem:$0x3FDB];
	_ =	sdelay $0x1  }
0x99: {  	s19 =	simm.s32 $_scs_section_size  }
0x9a: {  	s4 =	simm.s32 $_size__tile_overlayer_lowered;
	s5 =	simm.s32 $_tile_overlayer_lowered  }
0x9b: {  	s22 =	simm.s32 $0x1BFF;
	s21 =	sshll.u32 s5, $0x1;
	s2 =	sadd.s32 s19, s18  }
0x9c: {  	s6 =	simm.s32 $0x0;
	s20 =	sshll.u32 s4, $0x1;
	s4 =	sadd.s32 s21, s2  }
0x9d: {  	[timem:s6], [sflag:s22] =	dma.local [hbm:s4], s20  }
0x9e: {  	_ =	swait.ge [sflag:s22], s20  }
0x9f: {  	s3 =	ssub.s32 $0x0, s20;
	[sflag:s22] =	ssyncset.done $0x0  }
0xa0: {  	[sflag:s22] =	ssyncadd.s32 s3;
	_ =	sdelay $0x1  }
0xa1: {  	s23 =	simm.s32 $0x1B8B  }
0xa2: {  	_ =	swait.ge [sflag:s23], $0x1  }
0xa3: {  	[sflag:s23] =	ssyncset.done $0x0  }
0xa4: {  	s25 =	simm.s32 $0x1B8E;
	s24 =	sld [smem:$0x3FFE];
	[sflag:s23] =	ssyncadd.s32 $0xFFFFFFFF  }
0xa5: {  	s26 =	simm.s32 $execute0_lowered;
	[smem:$0x3FD2] =	sst s25  }
0xa6: {  	s4 =	sshll.u32 s26, $0x1;
	_ =	strace $0x80000046;
	[dreg:$0x1] =	wrdreg $0xFFFFFFFF  }
0xa7: {  	s28 =	simm.s32 $_size_execute0_lowered;
	s2 =	sadd.s32 s2, s4;
	[dreg:$0x0] =	wrdreg $0x0  }
0xa8: {  	s4 =	sshll.u32 s28, $0x1;
	[dreg:$0x2] =	wrdreg s2  }
0xa9: {  	[dreg:$0x3] =	wrdreg s4  }
0xaa: {  	[dreg:$0x4] =	wrdreg $0xC0  }
0xab: {  	_ =	task [dreg:s6], $0x5FFFF  }
0xac: {  	[dreg:$0x1] =	wrdreg $0xFFFFFFFF  }
0xad: {  	[dreg:$0x0] =	wrdreg $0x60  }
0xae: {  	[dreg:$0x2] =	wrdreg s24  }
0xaf: {  	[dreg:$0x3] =	wrdreg $0x38000  }
0xb0: {  	[dreg:$0x4] =	wrdreg $0x9  }
0xb1: {  	_ =	task.clear_ibuf [dreg:s6], $0x5FFFF;
	_ =	strace $0x90000046  }
0xb2: {  	s29 =	simm.s32 $0x9;
	_ =	strace $0x80000048  }
0xb3: {  	_ =	swait.ge [sflag:s29], $0x1  }
0xb4: {  	[sflag:s29] =	ssyncadd.s32 $0xFFFFFFFF  }
0xb5: {  	_ =	strace $0x90000048  }
0xb6: {  	_ =	sfence  }
0xb7: {  	s30 =	sld [smem:$0x0];
	_ =	sdelay $0x2  }
0xb8: {  	s31 =	sshll.u32 s1, $0xD;
	s1 =	sshrl.u32 s1, $0x2  }
0xb9: {  	s3 =	sand.u32 $0x4000, s31;
	s1 =	sadd.s32 s1, s30  }
0xba: {  	s0 =	sor.u32 s3, s0;
	s1 =	sshll.u32 s1, $0x11  }
0xbb: {  	s0 =	sor.u32 s1, s0  }
0xbc: {  	s0 =	sadd.s32 $0x8F2B, s0  }
0xbd: {  	[sflag:s0] =	ssyncadd.remote.s32 $0x1  }
0xbe: {  	_ =	sfence.sel $0xFFFF  }
0xbf: {  	[dreg:$0x0] =	wrdreg $0xFFFFFFFF;
	(pc) =	sbr.abs _section_cstart, $3  }
0xc0: {  	[dreg:$0x1] =	wrdreg $0xFFFFFFFF  }
0xc1: {  	_ =	task.clear_ibuf [dreg:s6], $0x2FFFF;
	_ =	strace $0x9FFFFFFF  }
0xc2: {  	(tm) =	ssettm $0x7FFFFFFF  }
0xc3: {  	_ =	shalt  }
tec
execute0_lowered:
.L_overlay_start_1:
0x0: {  	(tag) =	ssettag $0x1  }
0x1: {  	s4 =	rddreg [dreg:$0x0];
	s0 =	srdreg.scid  }
0x2: {  	s2 =	rddreg [dreg:$0x1];
	s1 =	stileid.u32  }
0x3: {  	s3 =	simm.s32 $0x0;
	s13 =	simm.s32 $0x2;
	s14 =	simm.s32 $0x80  }
0x4: {  	s15 =	simm.s32 $0x2800;
	s5 =	sand.u32 $0x1, s0;
	s0 =	rddreg [dreg:$0x2]  }
0x5: {  	s16 =	simm.s32 $0x1;
	s7 =	smul.u32 $0x2800, s1;
	[smem:$0x7FF] =	sst s3  }
0x6: {  	s9 =	smul.u32 $0xA000, s1;
	s17 =	sshll.u32 s1, $0x6;
	s6 =	sshll.u32 s5, $0x4  }
0x7: {  	s8 =	smul.u32 $0x28000, s5;
	_ =	strace $0x80000047;
	s5 =	ssub.s32 $0x2, s5  }
0x8: {  	s17 =	sor.u32 $0x1C02, s17;
	s6 =	sor.u32 s1, s6;
	s29 =	sshrl.u32 s5, $0x1  }
0x9: {  	s30 =	sshrl.u32 s9, $0x2;
	s6 =	smul.u32 $0x500, s6;
	s8 =	sadd.s32 s7, s8  }
0xa: {  	s12 =	ssub.s32 s5, s29;
	s31 =	sadd.s32 s30, s2;
	s28 =	sshrl.u32 s8, $0x3  }
0xb: {  	s5 =	sadd.s32 $0x800, s31;
	s8 =	sadd.s32 $0x2000, s31;
	s10 =	sadd.s32 s6, s4  }
0xc: {  	s11 =	sadd.s32 s28, s4;
	s4 =	sadd.s32 s7, s2;
	s6 =	sadd.s32 $0x1000, s31  }
0xd: {  	s7 =	sadd.s32 $0x1800, s31;
	s9 =	sadd.s32 $0x1A00, s10;
	s10 =	sadd.s32 $0xBA00, s11  }
0xe: {  	v0 =	vimm.f32 $1.000000000e+00;
	v1 =	vimm.f32 $0.0e+00;
	s11 =	smax.u32 s12, $0x1;
	s12 =	simm.s32 $0x3000;
	s18 =	sshrl.u32 s4, $0x3  }
.LBB2_1:
0xf: {  	s19 =	simm.s32 $0x40;
	s20 =	simm.s32 $0x0  }
.LBB2_2:
0x10: {  	p0 =	sne.s32 s19, $0x1FC0;
	[tilespmem:s20+$0x2800] =	vst v0;
	s21 =	smov.u32 s19;
	s19 =	sadd.s32 $0x40, s19  }
.Ltmp0:
0x11: {  	[tilespmem:s20+$0x3000] =	vst v1;
	(pc) =	sbr.rel @p0 .LBB2_2-.Ltmp0, $2  }
0x12: {  	_ =	sdelay $0x2  }
0x13: {  	s20 =	sshra.s32 s21, $0x2  }
0x14: {  	[tilespmem:s20+$0x2800] =	vst v0  }
0x15: {  	[tilespmem:s20+$0x3000] =	vst v1  }
0x16: {  	[spmem:s4] =	stream.linear.scatter [tilespmem:s12], [sflag:$0x2], $0x800, $0x38;
	[tilespmem:$0x6000] =	vst v63  }
0x17: {  	_ =	swait.ge [sflag:s13], $0x800  }
0x18: {  	[sflag:s13] =	ssyncset.done $0x0  }
0x19: {  	[sflag:s13] =	ssyncadd.s32 $0xFFFFF800  }
0x1a: {  	[spmem:s5] =	stream.linear.scatter [tilespmem:s12], [sflag:$0x2], $0x800, $0x38;
	[tilespmem:$0x6000] =	vst v63  }
0x1b: {  	_ =	swait.ge [sflag:s13], $0x800  }
0x1c: {  	[sflag:s13] =	ssyncset.done $0x0  }
0x1d: {  	[sflag:s13] =	ssyncadd.s32 $0xFFFFF800  }
0x1e: {  	[spmem:s6] =	stream.linear.scatter [tilespmem:s12], [sflag:$0x2], $0x800, $0x38;
	[tilespmem:$0x6000] =	vst v63  }
0x1f: {  	_ =	swait.ge [sflag:s13], $0x800  }
0x20: {  	[sflag:s13] =	ssyncset.done $0x0  }
0x21: {  	[sflag:s13] =	ssyncadd.s32 $0xFFFFF800  }
0x22: {  	[spmem:s7] =	stream.linear.scatter [tilespmem:s12], [sflag:$0x2], $0x800, $0x38;
	[tilespmem:$0x6000] =	vst v63  }
0x23: {  	_ =	swait.ge [sflag:s13], $0x800  }
0x24: {  	[sflag:s13] =	ssyncset.done $0x0  }
0x25: {  	[sflag:s13] =	ssyncadd.s32 $0xFFFFF800  }
0x26: {  	[spmem:s8] =	stream.linear.scatter [tilespmem:s12], [sflag:$0x2], $0x800, $0x38;
	[tilespmem:$0x6000] =	vst v63  }
0x27: {  	_ =	swait.ge [sflag:s13], $0x800  }
0x28: {  	[sflag:s13] =	ssyncset.done $0x0  }
0x29: {  	s19 =	simm.s32 $0x0;
	[sflag:s13] =	ssyncadd.s32 $0xFFFFF800  }
0x2a: {  	[tilespmem:s19], [sflag:$0x2] =	stream.linear.gather [hbm4b:s9+s19], $0x2800, $0x38;
	[tilespmem:$0x6000] =	vst v63  }
0x2b: {  	_ =	swait.ge [sflag:s13], $0x2800  }
0x2c: {  	[sflag:s13] =	ssyncset.done $0x0  }
0x2d: {  	[sflag:s13] =	ssyncadd.s32 $0xFFFFD800  }
0x2e: {  	[bflag:$0x0] =	sbarrier.arrive $0xFFFF  }
.LBB2_4:
0x2f: {  	p0 =	sne.s32 s19, $0x9E00  }
.Ltmp1:
0x30: {  	_ = 	snop;
	(pc) =	sbr.rel @p0 .LBB2_4-.Ltmp1, $3  }
0x31: {  	_ =	sdelay $0x1  }
0x32: {  	s20 =	sshra.s32 s19, $0x2;
	s19 =	sadd.s32 $0x200, s19  }
0x33: {  	[spmem:s2] =	stream.indirect.scatter.add.f32 [tilespmem:s15], [sflag:$0x1], $0x10, s20, s14, $0xb8;
	[tilespmem:$0x6000] =	vst v63  }
0x34: {  	_ =	swait.ge [sflag:s16], $0x800  }
0x35: {  	s19 =	simm.s32 $0x4F;
	[sflag:s16] =	ssyncset.done $0x0  }
.LBB2_6:
0x36: {  	p0 =	sne.s32 s19, $0x1;
	s19 =	sadd.s32 $0xFFFFFFFF, s19;
	[sflag:s16] =	ssyncadd.s32 $0xFFFFF800  }
.Ltmp2:
0x37: {  	(pc) =	sbr.rel @p0 .LBB2_6-.Ltmp2, $3  }
0x38: {  	_ =	sdelay $0x1  }
0x39: {  	_ =	swait.ge [sflag:s16], $0x800  }
0x3a: {  	[sflag:s16] =	ssyncset.done $0x0  }
0x3b: {  	s3 =	sadd.s32 $0x1, s3  }
0x3c: {  	[sflag:s16] =	ssyncadd.s32 $0xFFFFF800;
	p0 =	sne.s32 s3, s11  }
.Ltmp3:
0x3d: {  	[bflag:$0x0] =	sbarrier.arrive $0xFFFF;
	(pc) =	sbr.rel @p0 .LBB2_1-.Ltmp3, $4  }
0x3e: {  	[hbm:s10], [sflag:s17] =	dma.local [spmem:s18], $0x500  }
0x3f: {  	_ =	swait.ge [sflag:s13], $0x500  }
0x40: {  	[sflag:s13] =	ssyncset.done $0x0  }
0x41: {  	[sflag:s13] =	ssyncadd.s32 $0xFFFFFB00  }
0x42: {  	_ =	sfence.sel $0x180000  }
0x43: {  	[bflag:$0x0] =	sbarrier.arrive $0xFFFF  }
0x44: {  	p0 =	sne.s32 s1, $0x0;
	_ =	strace $0x90000047  }
0x45: {  	s0 =	sadd.s32 @!p0 $0x100000, s0;
	[bflag:$0x2] =	sbarrier.arrive $0xFFFF  }
0x46: {  	[sflag:s0] =	ssyncadd.tile.s32 @!p0 $0x1;
	_ =	shalt  }
.Lfunc_end2:
_tile_overlayer_lowered:
.L_overlay_start_2:
0x47: {  	(tag) =	ssettag $0x2  }
0x48: {  	s0 =	rddreg [dreg:$0x0];
	s2 =	stileid.u32  }
0x49: {  	s1 =	rddreg [dreg:$0x1];
	p0 =	sne.s32 s2, $0x0  }
0x4a: {  	s3 =	rddreg [dreg:$0x2];
	[bflag:$0x3] =	sbarrier.arrive $0xFFFF;
	s2 =	simm.s32 @!p0 $0x1C02  }
0x4b: {  	[timem:s3], [sflag:s2] =	dma.local @!p0 [hbm:s0], s1  }
0x4c: {  	s0 =	simm.s32 @!p0 $0x2  }
0x4d: {  	_ =	swait.ge @!p0 [sflag:s0], s1  }
0x4e: {  	s1 =	ssub.s32 @!p0 $0x0, s1;
	[sflag:s0] =	ssyncset.done @!p0 $0x0  }
0x4f: {  	[sflag:s0] =	ssyncadd.s32 @!p0 s1  }
0x50: {  	[bflag:$0x3] =	sbarrier.arrive $0xFFFF  }
0x51: {  	_ =	shalt  }

</sc_bundles>
